<compile_context>
chip_gen: v7x
topology: tpu7x:2x2x1
jax: 0.10.2.dev20260603
libtpu: 0.0.44.dev20260713+nightly
codegen_flags: <defaults>
</compile_context>

<pallas_src>
import functools

import jax
import jax.numpy as jnp
from jax import lax
from jax.experimental import pallas as pl
import jax.experimental.pallas.tpu as pltpu
from jax.experimental.pallas import tpu_sc as plsc

_B, _H, _W = 4, 8, 128
_C = 16
_K = 1024
_D = 128
_TK = 15
_PAD = 7
_EPS = 1e-5
_V = _B * _C * _H
_KB = 256
_STEPS = _K // _KB


def _dist_kernel(ze_ref, eblk_ref, lat_ref, dists_ref, best_ref, bidx_ref):
    step = pl.program_id(0)

    @pl.when(step == 0)
    def _init():
        best_ref[...] = jnp.full((_V, 1), jnp.inf, jnp.float32)
        bidx_ref[...] = jnp.zeros((_V, 1), jnp.int32)

    v = ze_ref[...].reshape(_V, _D)
    for j in range(_KB):
        diff = v - eblk_ref[j:j + 1, :]
        dcol = jnp.sum(diff * diff, axis=1, keepdims=True)
        dists_ref[:, j:j + 1] = dcol

    acc = dists_ref[...]
    lane_b = jax.lax.broadcasted_iota(jnp.int32, (_V, _KB), 1)
    m = jnp.min(acc, axis=1, keepdims=True)
    jblk = jnp.min(jnp.where(acc == m, lane_b, _KB), axis=1, keepdims=True)
    upd = m < best_ref[...]
    best_ref[...] = jnp.where(upd, m, best_ref[...])
    bidx_ref[...] = jnp.where(upd, step * _KB + jblk, bidx_ref[...])

    @pl.when(step == _STEPS - 1)
    def _fin():
        lat_ref[...] = bidx_ref[...]


def _dec_kernel(zq_ref, wcol_ref, xt_ref, pad_ref):
    zq = zq_ref[...]
    pad_ref[...] = jnp.zeros((_V, 2 * _W), jnp.float32)
    pad_ref[:, 0:_W] = zq
    wide = pad_ref[...]
    dec = jnp.zeros((_V, _W), jnp.float32)
    for t in range(_TK):
        shifted = pltpu.roll(wide, (_PAD - t) % (2 * _W), axis=1)[:, 0:_W]
        dec = dec + shifted * wcol_ref[t]
    for b in range(_B):
        blk = jnp.zeros((_H, _W), jnp.float32)
        for c in range(_C):
            blk = blk + dec[b * _C * _H + c * _H:b * _C * _H + c * _H + _H, :]
        xt_ref[b * _H:(b + 1) * _H, :] = jnp.tanh(blk)


_SC_INFO = plsc.get_sparse_core_info()
_NW = _SC_INFO.num_cores * _SC_INFO.num_subcores
_BPW = _V // _NW


def _make_sc_gather():
    mesh = plsc.VectorSubcoreMesh(core_axis_name="c", subcore_axis_name="s")

    @functools.partial(
        pl.kernel, mesh=mesh,
        out_type=jax.ShapeDtypeStruct((_V, _D), jnp.float32),
        scratch_types=[
            pltpu.VMEM((_BPW,), jnp.int32),
            pltpu.VMEM((_BPW, _D), jnp.float32),
            pltpu.SemaphoreType.DMA,
        ],
    )
    def k(table_hbm, idx_hbm, out_hbm, idx_v, rows_v, sem):
        wid = lax.axis_index("s") * _SC_INFO.num_cores + lax.axis_index("c")
        base = wid * _BPW
        pltpu.sync_copy(idx_hbm.at[pl.ds(base, _BPW)], idx_v)
        pltpu.async_copy(table_hbm.at[idx_v], rows_v, sem).wait()
        pltpu.sync_copy(rows_v, out_hbm.at[pl.ds(base, _BPW)])

    return k


_sc_gather = _make_sc_gather()


def kernel(x, w_enc, bn_gamma, bn_beta, emb, w_dec):
    z = jax.lax.conv_general_dilated(
        x, w_enc, window_strides=(1, 1), padding=((0, 0), (_PAD, _PAD)),
        dimension_numbers=("NCHW", "OIHW", "NCHW"))
    mean = jnp.mean(z, axis=(0, 2, 3), keepdims=True)
    var = jnp.var(z, axis=(0, 2, 3), keepdims=True)
    z_e_x = (z - mean) / jnp.sqrt(var + _EPS)
    z_e_x = z_e_x * bn_gamma.reshape(1, -1, 1, 1) + bn_beta.reshape(1, -1, 1, 1)

    lat = pl.pallas_call(
        _dist_kernel,
        grid=(_STEPS,),
        in_specs=[
            pl.BlockSpec((_B, _C, _H, _W), lambda s: (0, 0, 0, 0)),
            pl.BlockSpec((_KB, _D), lambda s: (s, 0)),
        ],
        out_specs=pl.BlockSpec((_V, 1), lambda s: (0, 0)),
        out_shape=jax.ShapeDtypeStruct((_V, 1), jnp.int32),
        scratch_shapes=[
            pltpu.VMEM((_V, _KB), jnp.float32),
            pltpu.VMEM((_V, 1), jnp.float32),
            pltpu.VMEM((_V, 1), jnp.int32),
        ],
    )(z_e_x, emb)

    zq = _sc_gather(emb, lat.reshape(_V))

    wt = w_dec[:, 0, 0, ::-1]
    c_idx = (jnp.arange(_V) // _H) % _C
    wcols = wt[c_idx].T[:, :, None]

    xt = pl.pallas_call(
        _dec_kernel,
        in_specs=[
            pl.BlockSpec((_V, _D), lambda: (0, 0)),
            pl.BlockSpec((_TK, _V, 1), lambda: (0, 0, 0)),
        ],
        out_specs=pl.BlockSpec((_B * _H, _W), lambda: (0, 0)),
        out_shape=jax.ShapeDtypeStruct((_B * _H, _W), jnp.float32),
        scratch_shapes=[pltpu.VMEM((_V, 2 * _W), jnp.float32)],
    )(zq, wcols)

    x_tilde = xt.reshape(_B, 1, _H, _W)
    z_q_x = zq.reshape(_B, _C, _H, _D)
    return (x_tilde, z_e_x, z_q_x)

# --- scband reference (transcript-rebuilt; emitter-appended) ---
"""Pipeline reference for scband-signal-vector-quantized-vae-11287174053932 (READ-ONLY COPY).

The authoritative reference and input builder live on the scoring server;
editing this copy changes nothing except your own understanding.
"""

import jax, jax.numpy as jnp
import numpy as np

B, H, W = 4, 8, 128
C = 16
K = 1024
D = 128
TK = 15
PAD = 7
EPS = 1e-5


def setup_inputs(seed: int = 0) -> dict:
    key = jax.random.key(seed)
    k1, k2, k3, k4 = jax.random.split(key, 4)
    x = jax.random.normal(k1, (B, 1, H, W), dtype=jnp.float32)
    # xavier uniform for Conv2d(1, C, (1, TK)): fan_in = 1*1*TK, fan_out = C*1*TK
    bound = float(np.sqrt(6.0 / (1 * TK + C * TK)))
    w_enc = jax.random.uniform(k2, (C, 1, 1, TK), dtype=jnp.float32, minval=-bound, maxval=bound)
    bn_gamma = jnp.ones((C,), dtype=jnp.float32)
    bn_beta = jnp.zeros((C,), dtype=jnp.float32)
    emb = jax.random.uniform(k3, (K, D), dtype=jnp.float32, minval=-1.0 / K, maxval=1.0 / K)
    # ConvTranspose2d(C, 1, (1, TK)) weight shape (in=C, out=1, 1, TK); xavier uniform
    w_dec = jax.random.uniform(k4, (C, 1, 1, TK), dtype=jnp.float32, minval=-bound, maxval=bound)
    return {"x": x, "w_enc": w_enc, "bn_gamma": bn_gamma, "bn_beta": bn_beta, "emb": emb, "w_dec": w_dec}


def _conv(x, w, pad_w):
    return jax.lax.conv_general_dilated(
        x, w, window_strides=(1, 1), padding=((0, 0), (pad_w, pad_w)),
        dimension_numbers=("NCHW", "OIHW", "NCHW"))


def reference(x, w_enc, bn_gamma, bn_beta, emb, w_dec):
    # encoder: Conv2d(1, C, (1, TK), padding=(0, PAD), bias=False) + BatchNorm2d (train mode)
    z = _conv(x, w_enc, PAD)
    mean = jnp.mean(z, axis=(0, 2, 3), keepdims=True)
    var = jnp.var(z, axis=(0, 2, 3), keepdims=True)
    z_e_x = (z - mean) / jnp.sqrt(var + EPS)
    z_e_x = z_e_x * bn_gamma.reshape(1, -1, 1, 1) + bn_beta.reshape(1, -1, 1, 1)
    # codebook: latents via broadcasted squared distance over the W (=patch_size) axis
    zp = jnp.transpose(z_e_x, (0, 3, 1, 2))  # [B, W, C, H]
    diff = zp[:, None, :, :, :] - emb[None, :, :, None, None]  # [B, K, D, C, H]
    dists = jnp.sum(diff ** 2, axis=2)  # [B, K, C, H]
    latents = jnp.argmin(dists, axis=1)  # [B, C, H]
    # decode: embedding lookup + ConvTranspose2d(C, 1, (1, TK), padding=(0, PAD), bias=False) + Tanh
    z_q_x = jnp.take(emb, latents, axis=0)  # [B, C, H, D]
    w_dec_t = jnp.flip(jnp.transpose(w_dec, (1, 0, 2, 3)), axis=(2, 3))  # [1, C, 1, TK]
    x_tilde = jnp.tanh(_conv(z_q_x, w_dec_t, TK - 1 - PAD))
    return (x_tilde, z_e_x, z_q_x)

if __name__ == "__main__":
    import jax
    _d = setup_inputs()
    print(jax.jit(kernel)(*tuple(_d.values())))

</pallas_src>

<mosaic_0001>
#map = affine_map<(d0, d1) -> (0, 0)>
#map1 = affine_map<(d0, d1) -> (0)>
module attributes {stable_mosaic.version = 14 : i64} {
  func.func @k(%arg0: i32, %arg1: i32, %arg2: memref<1024x128xf32, #tpu.memory_space<hbm>>, %arg3: memref<512xi32, #tpu.memory_space<hbm>>, %arg4: memref<512x128xf32, #tpu.memory_space<hbm>>, %arg5: memref<16xi32, #tpu.memory_space<vmem>>, %arg6: memref<16x128xf32, #tpu.memory_space<vmem>>, %arg7: memref<!tpu.dma_semaphore, #tpu.memory_space<semaphore_mem>>) attributes {dimension_semantics = [#tpu.dimension_semantics<core_parallel>, #tpu.dimension_semantics<subcore_parallel>], iteration_bounds = array<i64: 2, 16>, scalar_prefetch = 0 : i64, scratch_operands = 3 : i64, tpu.core_type = #tpu.core_type<sc_vector_subcore>, window_params = [{transform_indices = #map}, {transform_indices = #map1}, {transform_indices = #map}]} {
    %mul3A = arith.constant 2 : i32
    %mul3A_0 = arith.muli %arg1, %mul3A : i32
    %add3A = arith.addi %mul3A_0, %arg0 : i32
    %mul3A_1 = arith.constant 16 : i32
    %mul3A_2 = arith.muli %add3A, %mul3A_1 : i32
    "tpu.region"() ({
      %run_scoped3A = tpu.sem_alloc : memref<!tpu.dma_semaphore, #tpu.memory_space<semaphore_mem>>
      %dma_start3A_7 = tpu.memref_slice %arg3[%mul3A_2] : memref<512xi32, #tpu.memory_space<hbm>> -> memref<16xi32, #tpu.memory_space<hbm>>
      %dma_start3A_8 = tpu.memref_slice %arg3[%mul3A_2] : memref<512xi32, #tpu.memory_space<hbm>> -> memref<16xi32, #tpu.memory_space<hbm>>
      tpu.enqueue_dma source(%dma_start3A_8 : memref<16xi32, #tpu.memory_space<hbm>>) target(%arg5 : memref<16xi32, #tpu.memory_space<vmem>>) target_semaphore(%run_scoped3A : memref<!tpu.dma_semaphore, #tpu.memory_space<semaphore_mem>>)
      %dma_wait3A_9 = tpu.memref_slice %arg3[%mul3A_2] : memref<512xi32, #tpu.memory_space<hbm>> -> memref<16xi32, #tpu.memory_space<hbm>>
      %dma_wait3A_10 = tpu.memref_slice %arg3[%mul3A_2] : memref<512xi32, #tpu.memory_space<hbm>> -> memref<16xi32, #tpu.memory_space<hbm>>
      tpu.wait_dma2 semaphore(%run_scoped3A : memref<!tpu.dma_semaphore, #tpu.memory_space<semaphore_mem>>) src(%dma_wait3A_10 : memref<16xi32, #tpu.memory_space<hbm>>) dst(%arg5 : memref<16xi32, #tpu.memory_space<vmem>>)
      tpu.yield
    }) : () -> ()
    %dma_start3A = arith.constant 0 : i32
    %dma_start3A_3 = arith.constant 0 : i32
    %dma_start3A_4 = tpu.memref_slice %arg2[%dma_start3A, %dma_start3A_3] : memref<1024x128xf32, #tpu.memory_space<hbm>> -> memref<1024x128xf32, #tpu.memory_space<hbm>>
    tpu.enqueue_indirect_dma source(%dma_start3A_4 : memref<1024x128xf32, #tpu.memory_space<hbm>>) target(%arg6 : memref<16x128xf32, #tpu.memory_space<vmem>>) offsets(%arg5 : memref<16xi32, #tpu.memory_space<vmem>>) semaphore(%arg7 : memref<!tpu.dma_semaphore, #tpu.memory_space<semaphore_mem>>)
    %dma_wait3A = arith.constant 0 : i32
    %dma_wait3A_5 = arith.constant 0 : i32
    %dma_wait3A_6 = tpu.memref_slice %arg2[%dma_wait3A, %dma_wait3A_5] : memref<1024x128xf32, #tpu.memory_space<hbm>> -> memref<1024x128xf32, #tpu.memory_space<hbm>>
    tpu.wait_indirect_dma semaphore(%arg7 : memref<!tpu.dma_semaphore, #tpu.memory_space<semaphore_mem>>) src(%dma_wait3A_6 : memref<1024x128xf32, #tpu.memory_space<hbm>>) dst(%arg6 : memref<16x128xf32, #tpu.memory_space<vmem>>)
    "tpu.region"() ({
      %run_scoped3A = tpu.sem_alloc : memref<!tpu.dma_semaphore, #tpu.memory_space<semaphore_mem>>
      %dma_start3A_7 = arith.constant 0 : i32
      %dma_start3A_8 = tpu.memref_slice %arg4[%mul3A_2, %dma_start3A_7] : memref<512x128xf32, #tpu.memory_space<hbm>> -> memref<16x128xf32, #tpu.memory_space<hbm>>
      %dma_start3A_9 = arith.constant 0 : i32
      %dma_start3A_10 = tpu.memref_slice %arg4[%mul3A_2, %dma_start3A_9] : memref<512x128xf32, #tpu.memory_space<hbm>> -> memref<16x128xf32, #tpu.memory_space<hbm>>
      tpu.enqueue_dma source(%arg6 : memref<16x128xf32, #tpu.memory_space<vmem>>) target(%dma_start3A_10 : memref<16x128xf32, #tpu.memory_space<hbm>>) target_semaphore(%run_scoped3A : memref<!tpu.dma_semaphore, #tpu.memory_space<semaphore_mem>>)
      %dma_wait3A_11 = arith.constant 0 : i32
      %dma_wait3A_12 = tpu.memref_slice %arg4[%mul3A_2, %dma_wait3A_11] : memref<512x128xf32, #tpu.memory_space<hbm>> -> memref<16x128xf32, #tpu.memory_space<hbm>>
      %dma_wait3A_13 = arith.constant 0 : i32
      %dma_wait3A_14 = tpu.memref_slice %arg4[%mul3A_2, %dma_wait3A_13] : memref<512x128xf32, #tpu.memory_space<hbm>> -> memref<16x128xf32, #tpu.memory_space<hbm>>
      tpu.wait_dma2 semaphore(%run_scoped3A : memref<!tpu.dma_semaphore, #tpu.memory_space<semaphore_mem>>) src(%arg6 : memref<16x128xf32, #tpu.memory_space<vmem>>) dst(%dma_wait3A_14 : memref<16x128xf32, #tpu.memory_space<hbm>>)
      tpu.yield
    }) : () -> ()
    return
  }
}

module attributes {stable_mosaic.version = 14 : i64} {
  func.func @_dist_kernel(%arg0: i32, %arg1: memref<4x16x8x128xf32, #tpu.memory_space<vmem>>, %arg2: memref<256x128xf32, #tpu.memory_space<vmem>>, %arg3: memref<512x1xi32, #tpu.memory_space<vmem>>, %arg4: memref<512x256xf32, #tpu.memory_space<vmem>>, %arg5: memref<512x1xf32, #tpu.memory_space<vmem>>, %arg6: memref<512x1xi32, #tpu.memory_space<vmem>>) attributes {dimension_semantics = [#tpu.dimension_semantics<arbitrary>], iteration_bounds = array<i64: 4>, scalar_prefetch = 0 : i64, scratch_operands = 3 : i64, tpu.core_type = #tpu.core_type<tc>, window_params = [{pipeline_mode = #tpu.pipeline_mode<synchronous>, transform_indices = @transform_0, window_bounds = array<i64: 4, 16, 8, 128>}, {transform_indices = @transform_1, window_bounds = array<i64: 256, 128>}, {pipeline_mode = #tpu.pipeline_mode<synchronous>, transform_indices = @transform_2, window_bounds = array<i64: 512, 1>}]} {
    %eq3A = arith.constant 0 : i32
    %eq3A_0 = arith.cmpi eq, %arg0, %eq3A : i32
    %convert_element_type3A = arith.extui %eq3A_0 : i1 to i32
    %cond3A = arith.constant 0 : i32
    %cond3A_1 = arith.cmpi ne, %convert_element_type3A, %cond3A : i32
    scf.if %cond3A_1 {
      %broadcast_in_dim3A_3109 = arith.constant 0x7F800000 : f32
      %broadcast_in_dim3A_3110 = vector.broadcast %broadcast_in_dim3A_3109 : f32 to vector<512x1xf32>
      %swap3A_3111 = arith.constant 0 : index
      %swap3A_3112 = arith.constant 0 : index
      %swap3A_3113 = vector.load %arg5[%swap3A_3111, %swap3A_3112] : memref<512x1xf32, #tpu.memory_space<vmem>>, vector<512x1xf32>
      tpu.vector_store %arg5[%swap3A_3111, %swap3A_3112], %broadcast_in_dim3A_3110 {strides = array<i32>} : memref<512x1xf32, #tpu.memory_space<vmem>>, vector<512x1xf32>,
      %broadcast_in_dim3A_3114 = arith.constant 0 : i32
      %broadcast_in_dim3A_3115 = vector.broadcast %broadcast_in_dim3A_3114 : i32 to vector<512x1xi32>
      %swap3A_3116 = arith.constant 0 : index
      %swap3A_3117 = arith.constant 0 : index
      %swap3A_3118 = vector.load %arg6[%swap3A_3116, %swap3A_3117] : memref<512x1xi32, #tpu.memory_space<vmem>>, vector<512x1xi32>
      tpu.vector_store %arg6[%swap3A_3116, %swap3A_3117], %broadcast_in_dim3A_3115 {strides = array<i32>} : memref<512x1xi32, #tpu.memory_space<vmem>>, vector<512x1xi32>,
    } else {
    }
    %get3A = arith.constant 0 : index
    %get3A_2 = arith.constant 0 : index
    %get3A_3 = arith.constant 0 : index
    %get3A_4 = arith.constant 0 : index
    %get3A_5 = vector.load %arg1[%get3A, %get3A_2, %get3A_3, %get3A_4] : memref<4x16x8x128xf32, #tpu.memory_space<vmem>>, vector<4x16x8x128xf32>
    %reshape3A = vector.shape_cast %get3A_5 : vector<4x16x8x128xf32> to vector<512x128xf32>
    %get3A_6 = arith.constant 0 : index
    %get3A_7 = arith.constant 0 : index
    %get3A_8 = vector.load %arg2[%get3A_6, %get3A_7] : memref<256x128xf32, #tpu.memory_space<vmem>>, vector<1x128xf32>
    %sub3A = vector.broadcast %get3A_8 : vector<1x128xf32> to vector<512x128xf32>
    %sub3A_9 = arith.subf %reshape3A, %sub3A : vector<512x128xf32>
    %mul3A = arith.mulf %sub3A_9, %sub3A_9 : vector<512x128xf32>
    %reduce_sum3A = arith.constant dense<0.000000e+00> : vector<512xf32>
    %reduce_sum3A_10 = vector.multi_reduction <add>, %mul3A, %reduce_sum3A [1] : vector<512x128xf32> to vector<512xf32>
    %broadcast_in_dim3A = vector.shape_cast %reduce_sum3A_10 : vector<512xf32> to vector<512x1xf32>
    %swap3A = arith.constant 0 : index
    %swap3A_11 = arith.constant 0 : index
    %swap3A_12 = vector.load %arg4[%swap3A, %swap3A_11] : memref<512x256xf32, #tpu.memory_space<vmem>>, vector<512x1xf32>
    tpu.vector_store %arg4[%swap3A, %swap3A_11], %broadcast_in_dim3A {strides = array<i32>} : memref<512x256xf32, #tpu.memory_space<vmem>>, vector<512x1xf32>,
    %get3A_13 = arith.constant 1 : index
    %get3A_14 = arith.constant 0 : index
    %get3A_15 = vector.load %arg2[%get3A_13, %get3A_14] : memref<256x128xf32, #tpu.memory_space<vmem>>, vector<1x128xf32>
    %sub3A_16 = vector.broadcast %get3A_15 : vector<1x128xf32> to vector<512x128xf32>
    %sub3A_17 = arith.subf %reshape3A, %sub3A_16 : vector<512x128xf32>
    %mul3A_18 = arith.mulf %sub3A_17, %sub3A_17 : vector<512x128xf32>
    %reduce_sum3A_19 = arith.constant dense<0.000000e+00> : vector<512xf32>
    %reduce_sum3A_20 = vector.multi_reduction <add>, %mul3A_18, %reduce_sum3A_19 [1] : vector<512x128xf32> to vector<512xf32>
    %broadcast_in_dim3A_21 = vector.shape_cast %reduce_sum3A_20 : vector<512xf32> to vector<512x1xf32>
    %swap3A_22 = arith.constant 0 : index
    %swap3A_23 = arith.constant 1 : index
    %swap3A_24 = vector.load %arg4[%swap3A_22, %swap3A_23] : memref<512x256xf32, #tpu.memory_space<vmem>>, vector<512x1xf32>
    tpu.vector_store %arg4[%swap3A_22, %swap3A_23], %broadcast_in_dim3A_21 {strides = array<i32>} : memref<512x256xf32, #tpu.memory_space<vmem>>, vector<512x1xf32>,
    %get3A_25 = arith.constant 2 : index
    %get3A_26 = arith.constant 0 : index
    %get3A_27 = vector.load %arg2[%get3A_25, %get3A_26] : memref<256x128xf32, #tpu.memory_space<vmem>>, vector<1x128xf32>
    %sub3A_28 = vector.broadcast %get3A_27 : vector<1x128xf32> to vector<512x128xf32>
    %sub3A_29 = arith.subf %reshape3A, %sub3A_28 : vector<512x128xf32>
    %mul3A_30 = arith.mulf %sub3A_29, %sub3A_29 : vector<512x128xf32>
    %reduce_sum3A_31 = arith.constant dense<0.000000e+00> : vector<512xf32>
    %reduce_sum3A_32 = vector.multi_reduction <add>, %mul3A_30, %reduce_sum3A_31 [1] : vector<512x128xf32> to vector<512xf32>
    %broadcast_in_dim3A_33 = vector.shape_cast %reduce_sum3A_32 : vector<512xf32> to vector<512x1xf32>
    %swap3A_34 = arith.constant 0 : index
    %swap3A_35 = arith.constant 2 : index
    %swap3A_36 = vector.load %arg4[%swap3A_34, %swap3A_35] : memref<512x256xf32, #tpu.memory_space<vmem>>, vector<512x1xf32>
    tpu.vector_store %arg4[%swap3A_34, %swap3A_35], %broadcast_in_dim3A_33 {strides = array<i32>} : memref<512x256xf32, #tpu.memory_space<vmem>>, vector<512x1xf32>,
    %get3A_37 = arith.constant 3 : index
    %get3A_38 = arith.constant 0 : index
    %get3A_39 = vector.load %arg2[%get3A_37, %get3A_38] : memref<256x128xf32, #tpu.memory_space<vmem>>, vector<1x128xf32>
    %sub3A_40 = vector.broadcast %get3A_39 : vector<1x128xf32> to vector<512x128xf32>
    %sub3A_41 = arith.subf %reshape3A, %sub3A_40 : vector<512x128xf32>
    %mul3A_42 = arith.mulf %sub3A_41, %sub3A_41 : vector<512x128xf32>
    %reduce_sum3A_43 = arith.constant dense<0.000000e+00> : vector<512xf32>
    %reduce_sum3A_44 = vector.multi_reduction <add>, %mul3A_42, %reduce_sum3A_43 [1] : vector<512x128xf32> to vector<512xf32>
    %broadcast_in_dim3A_45 = vector.shape_cast %reduce_sum3A_44 : vector<512xf32> to vector<512x1xf32>
    %swap3A_46 = arith.constant 0 : index
    %swap3A_47 = arith.constant 3 : index
    %swap3A_48 = vector.load %arg4[%swap3A_46, %swap3A_47] : memref<512x256xf32, #tpu.memory_space<vmem>>, vector<512x1xf32>
    tpu.vector_store %arg4[%swap3A_46, %swap3A_47], %broadcast_in_dim3A_45 {strides = array<i32>} : memref<512x256xf32, #tpu.memory_space<vmem>>, vector<512x1xf32>,
    %get3A_49 = arith.constant 4 : index
    %get3A_50 = arith.constant 0 : index
    %get3A_51 = vector.load %arg2[%get3A_49, %get3A_50] : memref<256x128xf32, #tpu.memory_space<vmem>>, vector<1x128xf32>
    %sub3A_52 = vector.broadcast %get3A_51 : vector<1x128xf32> to vector<512x128xf32>
    %sub3A_53 = arith.subf %reshape3A, %sub3A_52 : vector<512x128xf32>
    %mul3A_54 = arith.mulf %sub3A_53, %sub3A_53 : vector<512x128xf32>
    %reduce_sum3A_55 = arith.constant dense<0.000000e+00> : vector<512xf32>
    %reduce_sum3A_56 = vector.multi_reduction <add>, %mul3A_54, %reduce_sum3A_55 [1] : vector<512x128xf32> to vector<512xf32>
    %broadcast_in_dim3A_57 = vector.shape_cast %reduce_sum3A_56 : vector<512xf32> to vector<512x1xf32>
    %swap3A_58 = arith.constant 0 : index
    %swap3A_59 = arith.constant 4 : index
    %swap3A_60 = vector.load %arg4[%swap3A_58, %swap3A_59] : memref<512x256xf32, #tpu.memory_space<vmem>>, vector<512x1xf32>
    tpu.vector_store %arg4[%swap3A_58, %swap3A_59], %broadcast_in_dim3A_57 {strides = array<i32>} : memref<512x256xf32, #tpu.memory_space<vmem>>, vector<512x1xf32>,
    %get3A_61 = arith.constant 5 : index
    %get3A_62 = arith.constant 0 : index
    %get3A_63 = vector.load %arg2[%get3A_61, %get3A_62] : memref<256x128xf32, #tpu.memory_space<vmem>>, vector<1x128xf32>
    %sub3A_64 = vector.broadcast %get3A_63 : vector<1x128xf32> to vector<512x128xf32>
    %sub3A_65 = arith.subf %reshape3A, %sub3A_64 : vector<512x128xf32>
    %mul3A_66 = arith.mulf %sub3A_65, %sub3A_65 : vector<512x128xf32>
    %reduce_sum3A_67 = arith.constant dense<0.000000e+00> : vector<512xf32>
    %reduce_sum3A_68 = vector.multi_reduction <add>, %mul3A_66, %reduce_sum3A_67 [1] : vector<512x128xf32> to vector<512xf32>
    %broadcast_in_dim3A_69 = vector.shape_cast %reduce_sum3A_68 : vector<512xf32> to vector<512x1xf32>
    %swap3A_70 = arith.constant 0 : index
    %swap3A_71 = arith.constant 5 : index
    %swap3A_72 = vector.load %arg4[%swap3A_70, %swap3A_71] : memref<512x256xf32, #tpu.memory_space<vmem>>, vector<512x1xf32>
    tpu.vector_store %arg4[%swap3A_70, %swap3A_71], %broadcast_in_dim3A_69 {strides = array<i32>} : memref<512x256xf32, #tpu.memory_space<vmem>>, vector<512x1xf32>,
    %get3A_73 = arith.constant 6 : index
    %get3A_74 = arith.constant 0 : index
    %get3A_75 = vector.load %arg2[%get3A_73, %get3A_74] : memref<256x128xf32, #tpu.memory_space<vmem>>, vector<1x128xf32>
    %sub3A_76 = vector.broadcast %get3A_75 : vector<1x128xf32> to vector<512x128xf32>
    %sub3A_77 = arith.subf %reshape3A, %sub3A_76 : vector<512x128xf32>
    %mul3A_78 = arith.mulf %sub3A_77, %sub3A_77 : vector<512x128xf32>
    %reduce_sum3A_79 = arith.constant dense<0.000000e+00> : vector<512xf32>
    %reduce_sum3A_80 = vector.multi_reduction <add>, %mul3A_78, %reduce_sum3A_79 [1] : vector<512x128xf32> to vector<512xf32>
    %broadcast_in_dim3A_81 = vector.shape_cast %reduce_sum3A_80 : vector<512xf32> to vector<512x1xf32>
    %swap3A_82 = arith.constant 0 : index
    %swap3A_83 = arith.constant 6 : index
    %swap3A_84 = vector.load %arg4[%swap3A_82, %swap3A_83] : memref<512x256xf32, #tpu.memory_space<vmem>>, vector<512x1xf32>
    tpu.vector_store %arg4[%swap3A_82, %swap3A_83], %broadcast_in_dim3A_81 {strides = array<i32>} : memref<512x256xf32, #tpu.memory_space<vmem>>, vector<512x1xf32>,
    %get3A_85 = arith.constant 7 : index
    %get3A_86 = arith.constant 0 : index
    %get3A_87 = vector.load %arg2[%get3A_85, %get3A_86] : memref<256x128xf32, #tpu.memory_space<vmem>>, vector<1x128xf32>
    %sub3A_88 = vector.broadcast %get3A_87 : vector<1x128xf32> to vector<512x128xf32>
    %sub3A_89 = arith.subf %reshape3A, %sub3A_88 : vector<512x128xf32>
    %mul3A_90 = arith.mulf %sub3A_89, %sub3A_89 : vector<512x128xf32>
    %reduce_sum3A_91 = arith.constant dense<0.000000e+00> : vector<512xf32>
    %reduce_sum3A_92 = vector.multi_reduction <add>, %mul3A_90, %reduce_sum3A_91 [1] : vector<512x128xf32> to vector<512xf32>
    %broadcast_in_dim3A_93 = vector.shape_cast %reduce_sum3A_92 : vector<512xf32> to vector<512x1xf32>
    %swap3A_94 = arith.constant 0 : index
    %swap3A_95 = arith.constant 7 : index
    %swap3A_96 = vector.load %arg4[%swap3A_94, %swap3A_95] : memref<512x256xf32, #tpu.memory_space<vmem>>, vector<512x1xf32>
    tpu.vector_store %arg4[%swap3A_94, %swap3A_95], %broadcast_in_dim3A_93 {strides = array<i32>} : memref<512x256xf32, #tpu.memory_space<vmem>>, vector<512x1xf32>,
    %get3A_97 = arith.constant 8 : index
    %get3A_98 = arith.constant 0 : index
    %get3A_99 = vector.load %arg2[%get3A_97, %get3A_98] : memref<256x128xf32, #tpu.memory_space<vmem>>, vector<1x128xf32>
    %sub3A_100 = vector.broadcast %get3A_99 : vector<1x128xf32> to vector<512x128xf32>
    %sub3A_101 = arith.subf %reshape3A, %sub3A_100 : vector<512x128xf32>
    %mul3A_102 = arith.mulf %sub3A_101, %sub3A_101 : vector<512x128xf32>
    %reduce_sum3A_103 = arith.constant dense<0.000000e+00> : vector<512xf32>
    %reduce_sum3A_104 = vector.multi_reduction <add>, %mul3A_102, %reduce_sum3A_103 [1] : vector<512x128xf32> to vector<512xf32>
    %broadcast_in_dim3A_105 = vector.shape_cast %reduce_sum3A_104 : vector<512xf32> to vector<512x1xf32>
    %swap3A_106 = arith.constant 0 : index
    %swap3A_107 = arith.constant 8 : index
    %swap3A_108 = vector.load %arg4[%swap3A_106, %swap3A_107] : memref<512x256xf32, #tpu.memory_space<vmem>>, vector<512x1xf32>
    tpu.vector_store %arg4[%swap3A_106, %swap3A_107], %broadcast_in_dim3A_105 {strides = array<i32>} : memref<512x256xf32, #tpu.memory_space<vmem>>, vector<512x1xf32>,
    %get3A_109 = arith.constant 9 : index
    %get3A_110 = arith.constant 0 : index
    %get3A_111 = vector.load %arg2[%get3A_109, %get3A_110] : memref<256x128xf32, #tpu.memory_space<vmem>>, vector<1x128xf32>
    %sub3A_112 = vector.broadcast %get3A_111 : vector<1x128xf32> to vector<512x128xf32>
    %sub3A_113 = arith.subf %reshape3A, %sub3A_112 : vector<512x128xf32>
    %mul3A_114 = arith.mulf %sub3A_113, %sub3A_113 : vector<512x128xf32>
    %reduce_sum3A_115 = arith.constant dense<0.000000e+00> : vector<512xf32>
    %reduce_sum3A_116 = vector.multi_reduction <add>, %mul3A_114, %reduce_sum3A_115 [1] : vector<512x128xf32> to vector<512xf32>
    %broadcast_in_dim3A_117 = vector.shape_cast %reduce_sum3A_116 : vector<512xf32> to vector<512x1xf32>
    %swap3A_118 = arith.constant 0 : index
    %swap3A_119 = arith.constant 9 : index
    %swap3A_120 = vector.load %arg4[%swap3A_118, %swap3A_119] : memref<512x256xf32, #tpu.memory_space<vmem>>, vector<512x1xf32>
    tpu.vector_store %arg4[%swap3A_118, %swap3A_119], %broadcast_in_dim3A_117 {strides = array<i32>} : memref<512x256xf32, #tpu.memory_space<vmem>>, vector<512x1xf32>,
    %get3A_121 = arith.constant 10 : index
    %get3A_122 = arith.constant 0 : index
    %get3A_123 = vector.load %arg2[%get3A_121, %get3A_122] : memref<256x128xf32, #tpu.memory_space<vmem>>, vector<1x128xf32>
    %sub3A_124 = vector.broadcast %get3A_123 : vector<1x128xf32> to vector<512x128xf32>
    %sub3A_125 = arith.subf %reshape3A, %sub3A_124 : vector<512x128xf32>
    %mul3A_126 = arith.mulf %sub3A_125, %sub3A_125 : vector<512x128xf32>
    %reduce_sum3A_127 = arith.constant dense<0.000000e+00> : vector<512xf32>
    %reduce_sum3A_128 = vector.multi_reduction <add>, %mul3A_126, %reduce_sum3A_127 [1] : vector<512x128xf32> to vector<512xf32>
    %broadcast_in_dim3A_129 = vector.shape_cast %reduce_sum3A_128 : vector<512xf32> to vector<512x1xf32>
    %swap3A_130 = arith.constant 0 : index
    %swap3A_131 = arith.constant 10 : index
    %swap3A_132 = vector.load %arg4[%swap3A_130, %swap3A_131] : memref<512x256xf32, #tpu.memory_space<vmem>>, vector<512x1xf32>
    tpu.vector_store %arg4[%swap3A_130, %swap3A_131], %broadcast_in_dim3A_129 {strides = array<i32>} : memref<512x256xf32, #tpu.memory_space<vmem>>, vector<512x1xf32>,
    %get3A_133 = arith.constant 11 : index
    %get3A_134 = arith.constant 0 : index
    %get3A_135 = vector.load %arg2[%get3A_133, %get3A_134] : memref<256x128xf32, #tpu.memory_space<vmem>>, vector<1x128xf32>
    %sub3A_136 = vector.broadcast %get3A_135 : vector<1x128xf32> to vector<512x128xf32>
    %sub3A_137 = arith.subf %reshape3A, %sub3A_136 : vector<512x128xf32>
    %mul3A_138 = arith.mulf %sub3A_137, %sub3A_137 : vector<512x128xf32>
    %reduce_sum3A_139 = arith.constant dense<0.000000e+00> : vector<512xf32>
    %reduce_sum3A_140 = vector.multi_reduction <add>, %mul3A_138, %reduce_sum3A_139 [1] : vector<512x128xf32> to vector<512xf32>
    %broadcast_in_dim3A_141 = vector.shape_cast %reduce_sum3A_140 : vector<512xf32> to vector<512x1xf32>
    %swap3A_142 = arith.constant 0 : index
    %swap3A_143 = arith.constant 11 : index
    %swap3A_144 = vector.load %arg4[%swap3A_142, %swap3A_143] : memref<512x256xf32, #tpu.memory_space<vmem>>, vector<512x1xf32>
    tpu.vector_store %arg4[%swap3A_142, %swap3A_143], %broadcast_in_dim3A_141 {strides = array<i32>} : memref<512x256xf32, #tpu.memory_space<vmem>>, vector<512x1xf32>,
    %get3A_145 = arith.constant 12 : index
    %get3A_146 = arith.constant 0 : index
    %get3A_147 = vector.load %arg2[%get3A_145, %get3A_146] : memref<256x128xf32, #tpu.memory_space<vmem>>, vector<1x128xf32>
    %sub3A_148 = vector.broadcast %get3A_147 : vector<1x128xf32> to vector<512x128xf32>
    %sub3A_149 = arith.subf %reshape3A, %sub3A_148 : vector<512x128xf32>
    %mul3A_150 = arith.mulf %sub3A_149, %sub3A_149 : vector<512x128xf32>
    %reduce_sum3A_151 = arith.constant dense<0.000000e+00> : vector<512xf32>
    %reduce_sum3A_152 = vector.multi_reduction <add>, %mul3A_150, %reduce_sum3A_151 [1] : vector<512x128xf32> to vector<512xf32>
    %broadcast_in_dim3A_153 = vector.shape_cast %reduce_sum3A_152 : vector<512xf32> to vector<512x1xf32>
    %swap3A_154 = arith.constant 0 : index
    %swap3A_155 = arith.constant 12 : index
    %swap3A_156 = vector.load %arg4[%swap3A_154, %swap3A_155] : memref<512x256xf32, #tpu.memory_space<vmem>>, vector<512x1xf32>
    tpu.vector_store %arg4[%swap3A_154, %swap3A_155], %broadcast_in_dim3A_153 {strides = array<i32>} : memref<512x256xf32, #tpu.memory_space<vmem>>, vector<512x1xf32>,
    %get3A_157 = arith.constant 13 : index
    %get3A_158 = arith.constant 0 : index
    %get3A_159 = vector.load %arg2[%get3A_157, %get3A_158] : memref<256x128xf32, #tpu.memory_space<vmem>>, vector<1x128xf32>
    %sub3A_160 = vector.broadcast %get3A_159 : vector<1x128xf32> to vector<512x128xf32>
    %sub3A_161 = arith.subf %reshape3A, %sub3A_160 : vector<512x128xf32>
    %mul3A_162 = arith.mulf %sub3A_161, %sub3A_161 : vector<512x128xf32>
    %reduce_sum3A_163 = arith.constant dense<0.000000e+00> : vector<512xf32>
    %reduce_sum3A_164 = vector.multi_reduction <add>, %mul3A_162, %reduce_sum3A_163 [1] : vector<512x128xf32> to vector<512xf32>
    %broadcast_in_dim3A_165 = vector.shape_cast %reduce_sum3A_164 : vector<512xf32> to vector<512x1xf32>
    %swap3A_166 = arith.constant 0 : index
    %swap3A_167 = arith.constant 13 : index
    %swap3A_168 = vector.load %arg4[%swap3A_166, %swap3A_167] : memref<512x256xf32, #tpu.memory_space<vmem>>, vector<512x1xf32>
    tpu.vector_store %arg4[%swap3A_166, %swap3A_167], %broadcast_in_dim3A_165 {strides = array<i32>} : memref<512x256xf32, #tpu.memory_space<vmem>>, vector<512x1xf32>,
    %get3A_169 = arith.constant 14 : index
    %get3A_170 = arith.constant 0 : index
    %get3A_171 = vector.load %arg2[%get3A_169, %get3A_170] : memref<256x128xf32, #tpu.memory_space<vmem>>, vector<1x128xf32>
    %sub3A_172 = vector.broadcast %get3A_171 : vector<1x128xf32> to vector<512x128xf32>
    %sub3A_173 = arith.subf %reshape3A, %sub3A_172 : vector<512x128xf32>
    %mul3A_174 = arith.mulf %sub3A_173, %sub3A_173 : vector<512x128xf32>
    %reduce_sum3A_175 = arith.constant dense<0.000000e+00> : vector<512xf32>
    %reduce_sum3A_176 = vector.multi_reduction <add>, %mul3A_174, %reduce_sum3A_175 [1] : vector<512x128xf32> to vector<512xf32>
    %broadcast_in_dim3A_177 = vector.shape_cast %reduce_sum3A_176 : vector<512xf32> to vector<512x1xf32>
    %swap3A_178 = arith.constant 0 : index
    %swap3A_179 = arith.constant 14 : index
    %swap3A_180 = vector.load %arg4[%swap3A_178, %swap3A_179] : memref<512x256xf32, #tpu.memory_space<vmem>>, vector<512x1xf32>
    tpu.vector_store %arg4[%swap3A_178, %swap3A_179], %broadcast_in_dim3A_177 {strides = array<i32>} : memref<512x256xf32, #tpu.memory_space<vmem>>, vector<512x1xf32>,
    %get3A_181 = arith.constant 15 : index
    %get3A_182 = arith.constant 0 : index
    %get3A_183 = vector.load %arg2[%get3A_181, %get3A_182] : memref<256x128xf32, #tpu.memory_space<vmem>>, vector<1x128xf32>
    %sub3A_184 = vector.broadcast %get3A_183 : vector<1x128xf32> to vector<512x128xf32>
    %sub3A_185 = arith.subf %reshape3A, %sub3A_184 : vector<512x128xf32>
    %mul3A_186 = arith.mulf %sub3A_185, %sub3A_185 : vector<512x128xf32>
    %reduce_sum3A_187 = arith.constant dense<0.000000e+00> : vector<512xf32>
    %reduce_sum3A_188 = vector.multi_reduction <add>, %mul3A_186, %reduce_sum3A_187 [1] : vector<512x128xf32> to vector<512xf32>
    %broadcast_in_dim3A_189 = vector.shape_cast %reduce_sum3A_188 : vector<512xf32> to vector<512x1xf32>
    %swap3A_190 = arith.constant 0 : index
    %swap3A_191 = arith.constant 15 : index
    %swap3A_192 = vector.load %arg4[%swap3A_190, %swap3A_191] : memref<512x256xf32, #tpu.memory_space<vmem>>, vector<512x1xf32>
    tpu.vector_store %arg4[%swap3A_190, %swap3A_191], %broadcast_in_dim3A_189 {strides = array<i32>} : memref<512x256xf32, #tpu.memory_space<vmem>>, vector<512x1xf32>,
    %get3A_193 = arith.constant 16 : index
    %get3A_194 = arith.constant 0 : index
    %get3A_195 = vector.load %arg2[%get3A_193, %get3A_194] : memref<256x128xf32, #tpu.memory_space<vmem>>, vector<1x128xf32>
    %sub3A_196 = vector.broadcast %get3A_195 : vector<1x128xf32> to vector<512x128xf32>
    %sub3A_197 = arith.subf %reshape3A, %sub3A_196 : vector<512x128xf32>
    %mul3A_198 = arith.mulf %sub3A_197, %sub3A_197 : vector<512x128xf32>
    %reduce_sum3A_199 = arith.constant dense<0.000000e+00> : vector<512xf32>
    %reduce_sum3A_200 = vector.multi_reduction <add>, %mul3A_198, %reduce_sum3A_199 [1] : vector<512x128xf32> to vector<512xf32>
    %broadcast_in_dim3A_201 = vector.shape_cast %reduce_sum3A_200 : vector<512xf32> to vector<512x1xf32>
    %swap3A_202 = arith.constant 0 : index
    %swap3A_203 = arith.constant 16 : index
    %swap3A_204 = vector.load %arg4[%swap3A_202, %swap3A_203] : memref<512x256xf32, #tpu.memory_space<vmem>>, vector<512x1xf32>
    tpu.vector_store %arg4[%swap3A_202, %swap3A_203], %broadcast_in_dim3A_201 {strides = array<i32>} : memref<512x256xf32, #tpu.memory_space<vmem>>, vector<512x1xf32>,
    %get3A_205 = arith.constant 17 : index
    %get3A_206 = arith.constant 0 : index
    %get3A_207 = vector.load %arg2[%get3A_205, %get3A_206] : memref<256x128xf32, #tpu.memory_space<vmem>>, vector<1x128xf32>
    %sub3A_208 = vector.broadcast %get3A_207 : vector<1x128xf32> to vector<512x128xf32>
    %sub3A_209 = arith.subf %reshape3A, %sub3A_208 : vector<512x128xf32>
    %mul3A_210 = arith.mulf %sub3A_209, %sub3A_209 : vector<512x128xf32>
    %reduce_sum3A_211 = arith.constant dense<0.000000e+00> : vector<512xf32>
    %reduce_sum3A_212 = vector.multi_reduction <add>, %mul3A_210, %reduce_sum3A_211 [1] : vector<512x128xf32> to vector<512xf32>
    %broadcast_in_dim3A_213 = vector.shape_cast %reduce_sum3A_212 : vector<512xf32> to vector<512x1xf32>
    %swap3A_214 = arith.constant 0 : index
    %swap3A_215 = arith.constant 17 : index
    %swap3A_216 = vector.load %arg4[%swap3A_214, %swap3A_215] : memref<512x256xf32, #tpu.memory_space<vmem>>, vector<512x1xf32>
    tpu.vector_store %arg4[%swap3A_214, %swap3A_215], %broadcast_in_dim3A_213 {strides = array<i32>} : memref<512x256xf32, #tpu.memory_space<vmem>>, vector<512x1xf32>,
    %get3A_217 = arith.constant 18 : index
    %get3A_218 = arith.constant 0 : index
    %get3A_219 = vector.load %arg2[%get3A_217, %get3A_218] : memref<256x128xf32, #tpu.memory_space<vmem>>, vector<1x128xf32>
    %sub3A_220 = vector.broadcast %get3A_219 : vector<1x128xf32> to vector<512x128xf32>
    %sub3A_221 = arith.subf %reshape3A, %sub3A_220 : vector<512x128xf32>
    %mul3A_222 = arith.mulf %sub3A_221, %sub3A_221 : vector<512x128xf32>
    %reduce_sum3A_223 = arith.constant dense<0.000000e+00> : vector<512xf32>
    %reduce_sum3A_224 = vector.multi_reduction <add>, %mul3A_222, %reduce_sum3A_223 [1] : vector<512x128xf32> to vector<512xf32>
    %broadcast_in_dim3A_225 = vector.shape_cast %reduce_sum3A_224 : vector<512xf32> to vector<512x1xf32>
    %swap3A_226 = arith.constant 0 : index
    %swap3A_227 = arith.constant 18 : index
    %swap3A_228 = vector.load %arg4[%swap3A_226, %swap3A_227] : memref<512x256xf32, #tpu.memory_space<vmem>>, vector<512x1xf32>
    tpu.vector_store %arg4[%swap3A_226, %swap3A_227], %broadcast_in_dim3A_225 {strides = array<i32>} : memref<512x256xf32, #tpu.memory_space<vmem>>, vector<512x1xf32>,
    %get3A_229 = arith.constant 19 : index
    %get3A_230 = arith.constant 0 : index
    %get3A_231 = vector.load %arg2[%get3A_229, %get3A_230] : memref<256x128xf32, #tpu.memory_space<vmem>>, vector<1x128xf32>
    %sub3A_232 = vector.broadcast %get3A_231 : vector<1x128xf32> to vector<512x128xf32>
    %sub3A_233 = arith.subf %reshape3A, %sub3A_232 : vector<512x128xf32>
    %mul3A_234 = arith.mulf %sub3A_233, %sub3A_233 : vector<512x128xf32>
    %reduce_sum3A_235 = arith.constant dense<0.000000e+00> : vector<512xf32>
    %reduce_sum3A_236 = vector.multi_reduction <add>, %mul3A_234, %reduce_sum3A_235 [1] : vector<512x128xf32> to vector<512xf32>
    %broadcast_in_dim3A_237 = vector.shape_cast %reduce_sum3A_236 : vector<512xf32> to vector<512x1xf32>
    %swap3A_238 = arith.constant 0 : index
    %swap3A_239 = arith.constant 19 : index
    %swap3A_240 = vector.load %arg4[%swap3A_238, %swap3A_239] : memref<512x256xf32, #tpu.memory_space<vmem>>, vector<512x1xf32>
    tpu.vector_store %arg4[%swap3A_238, %swap3A_239], %broadcast_in_dim3A_237 {strides = array<i32>} : memref<512x256xf32, #tpu.memory_space<vmem>>, vector<512x1xf32>,
    %get3A_241 = arith.constant 20 : index
    %get3A_242 = arith.constant 0 : index
    %get3A_243 = vector.load %arg2[%get3A_241, %get3A_242] : memref<256x128xf32, #tpu.memory_space<vmem>>, vector<1x128xf32>
    %sub3A_244 = vector.broadcast %get3A_243 : vector<1x128xf32> to vector<512x128xf32>
    %sub3A_245 = arith.subf %reshape3A, %sub3A_244 : vector<512x128xf32>
    %mul3A_246 = arith.mulf %sub3A_245, %sub3A_245 : vector<512x128xf32>
    %reduce_sum3A_247 = arith.constant dense<0.000000e+00> : vector<512xf32>
    %reduce_sum3A_248 = vector.multi_reduction <add>, %mul3A_246, %reduce_sum3A_247 [1] : vector<512x128xf32> to vector<512xf32>
    %broadcast_in_dim3A_249 = vector.shape_cast %reduce_sum3A_248 : vector<512xf32> to vector<512x1xf32>
    %swap3A_250 = arith.constant 0 : index
    %swap3A_251 = arith.constant 20 : index
    %swap3A_252 = vector.load %arg4[%swap3A_250, %swap3A_251] : memref<512x256xf32, #tpu.memory_space<vmem>>, vector<512x1xf32>
    tpu.vector_store %arg4[%swap3A_250, %swap3A_251], %broadcast_in_dim3A_249 {strides = array<i32>} : memref<512x256xf32, #tpu.memory_space<vmem>>, vector<512x1xf32>,
    %get3A_253 = arith.constant 21 : index
    %get3A_254 = arith.constant 0 : index
    %get3A_255 = vector.load %arg2[%get3A_253, %get3A_254] : memref<256x128xf32, #tpu.memory_space<vmem>>, vector<1x128xf32>
    %sub3A_256 = vector.broadcast %get3A_255 : vector<1x128xf32> to vector<512x128xf32>
    %sub3A_257 = arith.subf %reshape3A, %sub3A_256 : vector<512x128xf32>
    %mul3A_258 = arith.mulf %sub3A_257, %sub3A_257 : vector<512x128xf32>
    %reduce_sum3A_259 = arith.constant dense<0.000000e+00> : vector<512xf32>
    %reduce_sum3A_260 = vector.multi_reduction <add>, %mul3A_258, %reduce_sum3A_259 [1] : vector<512x128xf32> to vector<512xf32>
    %broadcast_in_dim3A_261 = vector.shape_cast %reduce_sum3A_260 : vector<512xf32> to vector<512x1xf32>
    %swap3A_262 = arith.constant 0 : index
    %swap3A_263 = arith.constant 21 : index
    %swap3A_264 = vector.load %arg4[%swap3A_262, %swap3A_263] : memref<512x256xf32, #tpu.memory_space<vmem>>, vector<512x1xf32>
    tpu.vector_store %arg4[%swap3A_262, %swap3A_263], %broadcast_in_dim3A_261 {strides = array<i32>} : memref<512x256xf32, #tpu.memory_space<vmem>>, vector<512x1xf32>,
    %get3A_265 = arith.constant 22 : index
    %get3A_266 = arith.constant 0 : index
    %get3A_267 = vector.load %arg2[%get3A_265, %get3A_266] : memref<256x128xf32, #tpu.memory_space<vmem>>, vector<1x128xf32>
    %sub3A_268 = vector.broadcast %get3A_267 : vector<1x128xf32> to vector<512x128xf32>
    %sub3A_269 = arith.subf %reshape3A, %sub3A_268 : vector<512x128xf32>
    %mul3A_270 = arith.mulf %sub3A_269, %sub3A_269 : vector<512x128xf32>
    %reduce_sum3A_271 = arith.constant dense<0.000000e+00> : vector<512xf32>
    %reduce_sum3A_272 = vector.multi_reduction <add>, %mul3A_270, %reduce_sum3A_271 [1] : vector<512x128xf32> to vector<512xf32>
    %broadcast_in_dim3A_273 = vector.shape_cast %reduce_sum3A_272 : vector<512xf32> to vector<512x1xf32>
    %swap3A_274 = arith.constant 0 : index
    %swap3A_275 = arith.constant 22 : index
    %swap3A_276 = vector.load %arg4[%swap3A_274, %swap3A_275] : memref<512x256xf32, #tpu.memory_space<vmem>>, vector<512x1xf32>
    tpu.vector_store %arg4[%swap3A_274, %swap3A_275], %broadcast_in_dim3A_273 {strides = array<i32>} : memref<512x256xf32, #tpu.memory_space<vmem>>, vector<512x1xf32>,
    %get3A_277 = arith.constant 23 : index
    %get3A_278 = arith.constant 0 : index
    %get3A_279 = vector.load %arg2[%get3A_277, %get3A_278] : memref<256x128xf32, #tpu.memory_space<vmem>>, vector<1x128xf32>
    %sub3A_280 = vector.broadcast %get3A_279 : vector<1x128xf32> to vector<512x128xf32>
    %sub3A_281 = arith.subf %reshape3A, %sub3A_280 : vector<512x128xf32>
    %mul3A_282 = arith.mulf %sub3A_281, %sub3A_281 : vector<512x128xf32>
    %reduce_sum3A_283 = arith.constant dense<0.000000e+00> : vector<512xf32>
    %reduce_sum3A_284 = vector.multi_reduction <add>, %mul3A_282, %reduce_sum3A_283 [1] : vector<512x128xf32> to vector<512xf32>
    %broadcast_in_dim3A_285 = vector.shape_cast %reduce_sum3A_284 : vector<512xf32> to vector<512x1xf32>
    %swap3A_286 = arith.constant 0 : index
    %swap3A_287 = arith.constant 23 : index
    %swap3A_288 = vector.load %arg4[%swap3A_286, %swap3A_287] : memref<512x256xf32, #tpu.memory_space<vmem>>, vector<512x1xf32>
    tpu.vector_store %arg4[%swap3A_286, %swap3A_287], %broadcast_in_dim3A_285 {strides = array<i32>} : memref<512x256xf32, #tpu.memory_space<vmem>>, vector<512x1xf32>,
    %get3A_289 = arith.constant 24 : index
    %get3A_290 = arith.constant 0 : index
    %get3A_291 = vector.load %arg2[%get3A_289, %get3A_290] : memref<256x128xf32, #tpu.memory_space<vmem>>, vector<1x128xf32>
    %sub3A_292 = vector.broadcast %get3A_291 : vector<1x128xf32> to vector<512x128xf32>
    %sub3A_293 = arith.subf %reshape3A, %sub3A_292 : vector<512x128xf32>
    %mul3A_294 = arith.mulf %sub3A_293, %sub3A_293 : vector<512x128xf32>
    %reduce_sum3A_295 = arith.constant dense<0.000000e+00> : vector<512xf32>
    %reduce_sum3A_296 = vector.multi_reduction <add>, %mul3A_294, %reduce_sum3A_295 [1] : vector<512x128xf32> to vector<512xf32>
    %broadcast_in_dim3A_297 = vector.shape_cast %reduce_sum3A_296 : vector<512xf32> to vector<512x1xf32>
    %swap3A_298 = arith.constant 0 : index
    %swap3A_299 = arith.constant 24 : index
    %swap3A_300 = vector.load %arg4[%swap3A_298, %swap3A_299] : memref<512x256xf32, #tpu.memory_space<vmem>>, vector<512x1xf32>
    tpu.vector_store %arg4[%swap3A_298, %swap3A_299], %broadcast_in_dim3A_297 {strides = array<i32>} : memref<512x256xf32, #tpu.memory_space<vmem>>, vector<512x1xf32>,
    %get3A_301 = arith.constant 25 : index
    %get3A_302 = arith.constant 0 : index
    %get3A_303 = vector.load %arg2[%get3A_301, %get3A_302] : memref<256x128xf32, #tpu.memory_space<vmem>>, vector<1x128xf32>
    %sub3A_304 = vector.broadcast %get3A_303 : vector<1x128xf32> to vector<512x128xf32>
    %sub3A_305 = arith.subf %reshape3A, %sub3A_304 : vector<512x128xf32>
    %mul3A_306 = arith.mulf %sub3A_305, %sub3A_305 : vector<512x128xf32>
    %reduce_sum3A_307 = arith.constant dense<0.000000e+00> : vector<512xf32>
    %reduce_sum3A_308 = vector.multi_reduction <add>, %mul3A_306, %reduce_sum3A_307 [1] : vector<512x128xf32> to vector<512xf32>
    %broadcast_in_dim3A_309 = vector.shape_cast %reduce_sum3A_308 : vector<512xf32> to vector<512x1xf32>
    %swap3A_310 = arith.constant 0 : index
    %swap3A_311 = arith.constant 25 : index
    %swap3A_312 = vector.load %arg4[%swap3A_310, %swap3A_311] : memref<512x256xf32, #tpu.memory_space<vmem>>, vector<512x1xf32>
    tpu.vector_store %arg4[%swap3A_310, %swap3A_311], %broadcast_in_dim3A_309 {strides = array<i32>} : memref<512x256xf32, #tpu.memory_space<vmem>>, vector<512x1xf32>,
    %get3A_313 = arith.constant 26 : index
    %get3A_314 = arith.constant 0 : index
    %get3A_315 = vector.load %arg2[%get3A_313, %get3A_314] : memref<256x128xf32, #tpu.memory_space<vmem>>, vector<1x128xf32>
    %sub3A_316 = vector.broadcast %get3A_315 : vector<1x128xf32> to vector<512x128xf32>
    %sub3A_317 = arith.subf %reshape3A, %sub3A_316 : vector<512x128xf32>
    %mul3A_318 = arith.mulf %sub3A_317, %sub3A_317 : vector<512x128xf32>
    %reduce_sum3A_319 = arith.constant dense<0.000000e+00> : vector<512xf32>
    %reduce_sum3A_320 = vector.multi_reduction <add>, %mul3A_318, %reduce_sum3A_319 [1] : vector<512x128xf32> to vector<512xf32>
    %broadcast_in_dim3A_321 = vector.shape_cast %reduce_sum3A_320 : vector<512xf32> to vector<512x1xf32>
    %swap3A_322 = arith.constant 0 : index
    %swap3A_323 = arith.constant 26 : index
    %swap3A_324 = vector.load %arg4[%swap3A_322, %swap3A_323] : memref<512x256xf32, #tpu.memory_space<vmem>>, vector<512x1xf32>
    tpu.vector_store %arg4[%swap3A_322, %swap3A_323], %broadcast_in_dim3A_321 {strides = array<i32>} : memref<512x256xf32, #tpu.memory_space<vmem>>, vector<512x1xf32>,
    %get3A_325 = arith.constant 27 : index
    %get3A_326 = arith.constant 0 : index
    %get3A_327 = vector.load %arg2[%get3A_325, %get3A_326] : memref<256x128xf32, #tpu.memory_space<vmem>>, vector<1x128xf32>
    %sub3A_328 = vector.broadcast %get3A_327 : vector<1x128xf32> to vector<512x128xf32>
    %sub3A_329 = arith.subf %reshape3A, %sub3A_328 : vector<512x128xf32>
    %mul3A_330 = arith.mulf %sub3A_329, %sub3A_329 : vector<512x128xf32>
    %reduce_sum3A_331 = arith.constant dense<0.000000e+00> : vector<512xf32>
    %reduce_sum3A_332 = vector.multi_reduction <add>, %mul3A_330, %reduce_sum3A_331 [1] : vector<512x128xf32> to vector<512xf32>
    %broadcast_in_dim3A_333 = vector.shape_cast %reduce_sum3A_332 : vector<512xf32> to vector<512x1xf32>
    %swap3A_334 = arith.constant 0 : index
    %swap3A_335 = arith.constant 27 : index
    %swap3A_336 = vector.load %arg4[%swap3A_334, %swap3A_335] : memref<512x256xf32, #tpu.memory_space<vmem>>, vector<512x1xf32>
    tpu.vector_store %arg4[%swap3A_334, %swap3A_335], %broadcast_in_dim3A_333 {strides = array<i32>} : memref<512x256xf32, #tpu.memory_space<vmem>>, vector<512x1xf32>,
    %get3A_337 = arith.constant 28 : index
    %get3A_338 = arith.constant 0 : index
    %get3A_339 = vector.load %arg2[%get3A_337, %get3A_338] : memref<256x128xf32, #tpu.memory_space<vmem>>, vector<1x128xf32>
    %sub3A_340 = vector.broadcast %get3A_339 : vector<1x128xf32> to vector<512x128xf32>
    %sub3A_341 = arith.subf %reshape3A, %sub3A_340 : vector<512x128xf32>
    %mul3A_342 = arith.mulf %sub3A_341, %sub3A_341 : vector<512x128xf32>
    %reduce_sum3A_343 = arith.constant dense<0.000000e+00> : vector<512xf32>
    %reduce_sum3A_344 = vector.multi_reduction <add>, %mul3A_342, %reduce_sum3A_343 [1] : vector<512x128xf32> to vector<512xf32>
    %broadcast_in_dim3A_345 = vector.shape_cast %reduce_sum3A_344 : vector<512xf32> to vector<512x1xf32>
    %swap3A_346 = arith.constant 0 : index
    %swap3A_347 = arith.constant 28 : index
    %swap3A_348 = vector.load %arg4[%swap3A_346, %swap3A_347] : memref<512x256xf32, #tpu.memory_space<vmem>>, vector<512x1xf32>
    tpu.vector_store %arg4[%swap3A_346, %swap3A_347], %broadcast_in_dim3A_345 {strides = array<i32>} : memref<512x256xf32, #tpu.memory_space<vmem>>, vector<512x1xf32>,
    %get3A_349 = arith.constant 29 : index
    %get3A_350 = arith.constant 0 : index
    %get3A_351 = vector.load %arg2[%get3A_349, %get3A_350] : memref<256x128xf32, #tpu.memory_space<vmem>>, vector<1x128xf32>
    %sub3A_352 = vector.broadcast %get3A_351 : vector<1x128xf32> to vector<512x128xf32>
    %sub3A_353 = arith.subf %reshape3A, %sub3A_352 : vector<512x128xf32>
    %mul3A_354 = arith.mulf %sub3A_353, %sub3A_353 : vector<512x128xf32>
    %reduce_sum3A_355 = arith.constant dense<0.000000e+00> : vector<512xf32>
    %reduce_sum3A_356 = vector.multi_reduction <add>, %mul3A_354, %reduce_sum3A_355 [1] : vector<512x128xf32> to vector<512xf32>
    %broadcast_in_dim3A_357 = vector.shape_cast %reduce_sum3A_356 : vector<512xf32> to vector<512x1xf32>
    %swap3A_358 = arith.constant 0 : index
    %swap3A_359 = arith.constant 29 : index
    %swap3A_360 = vector.load %arg4[%swap3A_358, %swap3A_359] : memref<512x256xf32, #tpu.memory_space<vmem>>, vector<512x1xf32>
    tpu.vector_store %arg4[%swap3A_358, %swap3A_359], %broadcast_in_dim3A_357 {strides = array<i32>} : memref<512x256xf32, #tpu.memory_space<vmem>>, vector<512x1xf32>,
    %get3A_361 = arith.constant 30 : index
    %get3A_362 = arith.constant 0 : index
    %get3A_363 = vector.load %arg2[%get3A_361, %get3A_362] : memref<256x128xf32, #tpu.memory_space<vmem>>, vector<1x128xf32>
    %sub3A_364 = vector.broadcast %get3A_363 : vector<1x128xf32> to vector<512x128xf32>
    %sub3A_365 = arith.subf %reshape3A, %sub3A_364 : vector<512x128xf32>
    %mul3A_366 = arith.mulf %sub3A_365, %sub3A_365 : vector<512x128xf32>
    %reduce_sum3A_367 = arith.constant dense<0.000000e+00> : vector<512xf32>
    %reduce_sum3A_368 = vector.multi_reduction <add>, %mul3A_366, %reduce_sum3A_367 [1] : vector<512x128xf32> to vector<512xf32>
    %broadcast_in_dim3A_369 = vector.shape_cast %reduce_sum3A_368 : vector<512xf32> to vector<512x1xf32>
    %swap3A_370 = arith.constant 0 : index
    %swap3A_371 = arith.constant 30 : index
    %swap3A_372 = vector.load %arg4[%swap3A_370, %swap3A_371] : memref<512x256xf32, #tpu.memory_space<vmem>>, vector<512x1xf32>
    tpu.vector_store %arg4[%swap3A_370, %swap3A_371], %broadcast_in_dim3A_369 {strides = array<i32>} : memref<512x256xf32, #tpu.memory_space<vmem>>, vector<512x1xf32>,
    %get3A_373 = arith.constant 31 : index
    %get3A_374 = arith.constant 0 : index
    %get3A_375 = vector.load %arg2[%get3A_373, %get3A_374] : memref<256x128xf32, #tpu.memory_space<vmem>>, vector<1x128xf32>
    %sub3A_376 = vector.broadcast %get3A_375 : vector<1x128xf32> to vector<512x128xf32>
    %sub3A_377 = arith.subf %reshape3A, %sub3A_376 : vector<512x128xf32>
    %mul3A_378 = arith.mulf %sub3A_377, %sub3A_377 : vector<512x128xf32>
    %reduce_sum3A_379 = arith.constant dense<0.000000e+00> : vector<512xf32>
    %reduce_sum3A_380 = vector.multi_reduction <add>, %mul3A_378, %reduce_sum3A_379 [1] : vector<512x128xf32> to vector<512xf32>
    %broadcast_in_dim3A_381 = vector.shape_cast %reduce_sum3A_380 : vector<512xf32> to vector<512x1xf32>
    %swap3A_382 = arith.constant 0 : index
    %swap3A_383 = arith.constant 31 : index
    %swap3A_384 = vector.load %arg4[%swap3A_382, %swap3A_383] : memref<512x256xf32, #tpu.memory_space<vmem>>, vector<512x1xf32>
    tpu.vector_store %arg4[%swap3A_382, %swap3A_383], %broadcast_in_dim3A_381 {strides = array<i32>} : memref<512x256xf32, #tpu.memory_space<vmem>>, vector<512x1xf32>,
    %get3A_385 = arith.constant 32 : index
    %get3A_386 = arith.constant 0 : index
    %get3A_387 = vector.load %arg2[%get3A_385, %get3A_386] : memref<256x128xf32, #tpu.memory_space<vmem>>, vector<1x128xf32>
    %sub3A_388 = vector.broadcast %get3A_387 : vector<1x128xf32> to vector<512x128xf32>
    %sub3A_389 = arith.subf %reshape3A, %sub3A_388 : vector<512x128xf32>
    %mul3A_390 = arith.mulf %sub3A_389, %sub3A_389 : vector<512x128xf32>
    %reduce_sum3A_391 = arith.constant dense<0.000000e+00> : vector<512xf32>
    %reduce_sum3A_392 = vector.multi_reduction <add>, %mul3A_390, %reduce_sum3A_391 [1] : vector<512x128xf32> to vector<512xf32>
    %broadcast_in_dim3A_393 = vector.shape_cast %reduce_sum3A_392 : vector<512xf32> to vector<512x1xf32>
    %swap3A_394 = arith.constant 0 : index
    %swap3A_395 = arith.constant 32 : index
    %swap3A_396 = vector.load %arg4[%swap3A_394, %swap3A_395] : memref<512x256xf32, #tpu.memory_space<vmem>>, vector<512x1xf32>
    tpu.vector_store %arg4[%swap3A_394, %swap3A_395], %broadcast_in_dim3A_393 {strides = array<i32>} : memref<512x256xf32, #tpu.memory_space<vmem>>, vector<512x1xf32>,
    %get3A_397 = arith.constant 33 : index
    %get3A_398 = arith.constant 0 : index
    %get3A_399 = vector.load %arg2[%get3A_397, %get3A_398] : memref<256x128xf32, #tpu.memory_space<vmem>>, vector<1x128xf32>
    %sub3A_400 = vector.broadcast %get3A_399 : vector<1x128xf32> to vector<512x128xf32>
    %sub3A_401 = arith.subf %reshape3A, %sub3A_400 : vector<512x128xf32>
    %mul3A_402 = arith.mulf %sub3A_401, %sub3A_401 : vector<512x128xf32>
    %reduce_sum3A_403 = arith.constant dense<0.000000e+00> : vector<512xf32>
    %reduce_sum3A_404 = vector.multi_reduction <add>, %mul3A_402, %reduce_sum3A_403 [1] : vector<512x128xf32> to vector<512xf32>
    %broadcast_in_dim3A_405 = vector.shape_cast %reduce_sum3A_404 : vector<512xf32> to vector<512x1xf32>
    %swap3A_406 = arith.constant 0 : index
    %swap3A_407 = arith.constant 33 : index
    %swap3A_408 = vector.load %arg4[%swap3A_406, %swap3A_407] : memref<512x256xf32, #tpu.memory_space<vmem>>, vector<512x1xf32>
    tpu.vector_store %arg4[%swap3A_406, %swap3A_407], %broadcast_in_dim3A_405 {strides = array<i32>} : memref<512x256xf32, #tpu.memory_space<vmem>>, vector<512x1xf32>,
    %get3A_409 = arith.constant 34 : index
    %get3A_410 = arith.constant 0 : index
    %get3A_411 = vector.load %arg2[%get3A_409, %get3A_410] : memref<256x128xf32, #tpu.memory_space<vmem>>, vector<1x128xf32>
    %sub3A_412 = vector.broadcast %get3A_411 : vector<1x128xf32> to vector<512x128xf32>
    %sub3A_413 = arith.subf %reshape3A, %sub3A_412 : vector<512x128xf32>
    %mul3A_414 = arith.mulf %sub3A_413, %sub3A_413 : vector<512x128xf32>
    %reduce_sum3A_415 = arith.constant dense<0.000000e+00> : vector<512xf32>
    %reduce_sum3A_416 = vector.multi_reduction <add>, %mul3A_414, %reduce_sum3A_415 [1] : vector<512x128xf32> to vector<512xf32>
    %broadcast_in_dim3A_417 = vector.shape_cast %reduce_sum3A_416 : vector<512xf32> to vector<512x1xf32>
    %swap3A_418 = arith.constant 0 : index
    %swap3A_419 = arith.constant 34 : index
    %swap3A_420 = vector.load %arg4[%swap3A_418, %swap3A_419] : memref<512x256xf32, #tpu.memory_space<vmem>>, vector<512x1xf32>
    tpu.vector_store %arg4[%swap3A_418, %swap3A_419], %broadcast_in_dim3A_417 {strides = array<i32>} : memref<512x256xf32, #tpu.memory_space<vmem>>, vector<512x1xf32>,
    %get3A_421 = arith.constant 35 : index
    %get3A_422 = arith.constant 0 : index
    %get3A_423 = vector.load %arg2[%get3A_421, %get3A_422] : memref<256x128xf32, #tpu.memory_space<vmem>>, vector<1x128xf32>
    %sub3A_424 = vector.broadcast %get3A_423 : vector<1x128xf32> to vector<512x128xf32>
    %sub3A_425 = arith.subf %reshape3A, %sub3A_424 : vector<512x128xf32>
    %mul3A_426 = arith.mulf %sub3A_425, %sub3A_425 : vector<512x128xf32>
    %reduce_sum3A_427 = arith.constant dense<0.000000e+00> : vector<512xf32>
    %reduce_sum3A_428 = vector.multi_reduction <add>, %mul3A_426, %reduce_sum3A_427 [1] : vector<512x128xf32> to vector<512xf32>
    %broadcast_in_dim3A_429 = vector.shape_cast %reduce_sum3A_428 : vector<512xf32> to vector<512x1xf32>
    %swap3A_430 = arith.constant 0 : index
    %swap3A_431 = arith.constant 35 : index
    %swap3A_432 = vector.load %arg4[%swap3A_430, %swap3A_431] : memref<512x256xf32, #tpu.memory_space<vmem>>, vector<512x1xf32>
    tpu.vector_store %arg4[%swap3A_430, %swap3A_431], %broadcast_in_dim3A_429 {strides = array<i32>} : memref<512x256xf32, #tpu.memory_space<vmem>>, vector<512x1xf32>,
    %get3A_433 = arith.constant 36 : index
    %get3A_434 = arith.constant 0 : index
    %get3A_435 = vector.load %arg2[%get3A_433, %get3A_434] : memref<256x128xf32, #tpu.memory_space<vmem>>, vector<1x128xf32>
    %sub3A_436 = vector.broadcast %get3A_435 : vector<1x128xf32> to vector<512x128xf32>
    %sub3A_437 = arith.subf %reshape3A, %sub3A_436 : vector<512x128xf32>
    %mul3A_438 = arith.mulf %sub3A_437, %sub3A_437 : vector<512x128xf32>
    %reduce_sum3A_439 = arith.constant dense<0.000000e+00> : vector<512xf32>
    %reduce_sum3A_440 = vector.multi_reduction <add>, %mul3A_438, %reduce_sum3A_439 [1] : vector<512x128xf32> to vector<512xf32>
    %broadcast_in_dim3A_441 = vector.shape_cast %reduce_sum3A_440 : vector<512xf32> to vector<512x1xf32>
    %swap3A_442 = arith.constant 0 : index
    %swap3A_443 = arith.constant 36 : index
    %swap3A_444 = vector.load %arg4[%swap3A_442, %swap3A_443] : memref<512x256xf32, #tpu.memory_space<vmem>>, vector<512x1xf32>
    tpu.vector_store %arg4[%swap3A_442, %swap3A_443], %broadcast_in_dim3A_441 {strides = array<i32>} : memref<512x256xf32, #tpu.memory_space<vmem>>, vector<512x1xf32>,
    %get3A_445 = arith.constant 37 : index
    %get3A_446 = arith.constant 0 : index
    %get3A_447 = vector.load %arg2[%get3A_445, %get3A_446] : memref<256x128xf32, #tpu.memory_space<vmem>>, vector<1x128xf32>
    %sub3A_448 = vector.broadcast %get3A_447 : vector<1x128xf32> to vector<512x128xf32>
    %sub3A_449 = arith.subf %reshape3A, %sub3A_448 : vector<512x128xf32>
    %mul3A_450 = arith.mulf %sub3A_449, %sub3A_449 : vector<512x128xf32>
    %reduce_sum3A_451 = arith.constant dense<0.000000e+00> : vector<512xf32>
    %reduce_sum3A_452 = vector.multi_reduction <add>, %mul3A_450, %reduce_sum3A_451 [1] : vector<512x128xf32> to vector<512xf32>
    %broadcast_in_dim3A_453 = vector.shape_cast %reduce_sum3A_452 : vector<512xf32> to vector<512x1xf32>
    %swap3A_454 = arith.constant 0 : index
    %swap3A_455 = arith.constant 37 : index
    %swap3A_456 = vector.load %arg4[%swap3A_454, %swap3A_455] : memref<512x256xf32, #tpu.memory_space<vmem>>, vector<512x1xf32>
    tpu.vector_store %arg4[%swap3A_454, %swap3A_455], %broadcast_in_dim3A_453 {strides = array<i32>} : memref<512x256xf32, #tpu.memory_space<vmem>>, vector<512x1xf32>,
    %get3A_457 = arith.constant 38 : index
    %get3A_458 = arith.constant 0 : index
    %get3A_459 = vector.load %arg2[%get3A_457, %get3A_458] : memref<256x128xf32, #tpu.memory_space<vmem>>, vector<1x128xf32>
    %sub3A_460 = vector.broadcast %get3A_459 : vector<1x128xf32> to vector<512x128xf32>
    %sub3A_461 = arith.subf %reshape3A, %sub3A_460 : vector<512x128xf32>
    %mul3A_462 = arith.mulf %sub3A_461, %sub3A_461 : vector<512x128xf32>
    %reduce_sum3A_463 = arith.constant dense<0.000000e+00> : vector<512xf32>
    %reduce_sum3A_464 = vector.multi_reduction <add>, %mul3A_462, %reduce_sum3A_463 [1] : vector<512x128xf32> to vector<512xf32>
    %broadcast_in_dim3A_465 = vector.shape_cast %reduce_sum3A_464 : vector<512xf32> to vector<512x1xf32>
    %swap3A_466 = arith.constant 0 : index
    %swap3A_467 = arith.constant 38 : index
    %swap3A_468 = vector.load %arg4[%swap3A_466, %swap3A_467] : memref<512x256xf32, #tpu.memory_space<vmem>>, vector<512x1xf32>
    tpu.vector_store %arg4[%swap3A_466, %swap3A_467], %broadcast_in_dim3A_465 {strides = array<i32>} : memref<512x256xf32, #tpu.memory_space<vmem>>, vector<512x1xf32>,
    %get3A_469 = arith.constant 39 : index
    %get3A_470 = arith.constant 0 : index
    %get3A_471 = vector.load %arg2[%get3A_469, %get3A_470] : memref<256x128xf32, #tpu.memory_space<vmem>>, vector<1x128xf32>
    %sub3A_472 = vector.broadcast %get3A_471 : vector<1x128xf32> to vector<512x128xf32>
    %sub3A_473 = arith.subf %reshape3A, %sub3A_472 : vector<512x128xf32>
    %mul3A_474 = arith.mulf %sub3A_473, %sub3A_473 : vector<512x128xf32>
    %reduce_sum3A_475 = arith.constant dense<0.000000e+00> : vector<512xf32>
    %reduce_sum3A_476 = vector.multi_reduction <add>, %mul3A_474, %reduce_sum3A_475 [1] : vector<512x128xf32> to vector<512xf32>
    %broadcast_in_dim3A_477 = vector.shape_cast %reduce_sum3A_476 : vector<512xf32> to vector<512x1xf32>
    %swap3A_478 = arith.constant 0 : index
    %swap3A_479 = arith.constant 39 : index
    %swap3A_480 = vector.load %arg4[%swap3A_478, %swap3A_479] : memref<512x256xf32, #tpu.memory_space<vmem>>, vector<512x1xf32>
    tpu.vector_store %arg4[%swap3A_478, %swap3A_479], %broadcast_in_dim3A_477 {strides = array<i32>} : memref<512x256xf32, #tpu.memory_space<vmem>>, vector<512x1xf32>,
    %get3A_481 = arith.constant 40 : index
    %get3A_482 = arith.constant 0 : index
    %get3A_483 = vector.load %arg2[%get3A_481, %get3A_482] : memref<256x128xf32, #tpu.memory_space<vmem>>, vector<1x128xf32>
    %sub3A_484 = vector.broadcast %get3A_483 : vector<1x128xf32> to vector<512x128xf32>
    %sub3A_485 = arith.subf %reshape3A, %sub3A_484 : vector<512x128xf32>
    %mul3A_486 = arith.mulf %sub3A_485, %sub3A_485 : vector<512x128xf32>
    %reduce_sum3A_487 = arith.constant dense<0.000000e+00> : vector<512xf32>
    %reduce_sum3A_488 = vector.multi_reduction <add>, %mul3A_486, %reduce_sum3A_487 [1] : vector<512x128xf32> to vector<512xf32>
    %broadcast_in_dim3A_489 = vector.shape_cast %reduce_sum3A_488 : vector<512xf32> to vector<512x1xf32>
    %swap3A_490 = arith.constant 0 : index
    %swap3A_491 = arith.constant 40 : index
    %swap3A_492 = vector.load %arg4[%swap3A_490, %swap3A_491] : memref<512x256xf32, #tpu.memory_space<vmem>>, vector<512x1xf32>
    tpu.vector_store %arg4[%swap3A_490, %swap3A_491], %broadcast_in_dim3A_489 {strides = array<i32>} : memref<512x256xf32, #tpu.memory_space<vmem>>, vector<512x1xf32>,
    %get3A_493 = arith.constant 41 : index
    %get3A_494 = arith.constant 0 : index
    %get3A_495 = vector.load %arg2[%get3A_493, %get3A_494] : memref<256x128xf32, #tpu.memory_space<vmem>>, vector<1x128xf32>
    %sub3A_496 = vector.broadcast %get3A_495 : vector<1x128xf32> to vector<512x128xf32>
    %sub3A_497 = arith.subf %reshape3A, %sub3A_496 : vector<512x128xf32>
    %mul3A_498 = arith.mulf %sub3A_497, %sub3A_497 : vector<512x128xf32>
    %reduce_sum3A_499 = arith.constant dense<0.000000e+00> : vector<512xf32>
    %reduce_sum3A_500 = vector.multi_reduction <add>, %mul3A_498, %reduce_sum3A_499 [1] : vector<512x128xf32> to vector<512xf32>
    %broadcast_in_dim3A_501 = vector.shape_cast %reduce_sum3A_500 : vector<512xf32> to vector<512x1xf32>
    %swap3A_502 = arith.constant 0 : index
    %swap3A_503 = arith.constant 41 : index
    %swap3A_504 = vector.load %arg4[%swap3A_502, %swap3A_503] : memref<512x256xf32, #tpu.memory_space<vmem>>, vector<512x1xf32>
    tpu.vector_store %arg4[%swap3A_502, %swap3A_503], %broadcast_in_dim3A_501 {strides = array<i32>} : memref<512x256xf32, #tpu.memory_space<vmem>>, vector<512x1xf32>,
    %get3A_505 = arith.constant 42 : index
    %get3A_506 = arith.constant 0 : index
    %get3A_507 = vector.load %arg2[%get3A_505, %get3A_506] : memref<256x128xf32, #tpu.memory_space<vmem>>, vector<1x128xf32>
    %sub3A_508 = vector.broadcast %get3A_507 : vector<1x128xf32> to vector<512x128xf32>
    %sub3A_509 = arith.subf %reshape3A, %sub3A_508 : vector<512x128xf32>
    %mul3A_510 = arith.mulf %sub3A_509, %sub3A_509 : vector<512x128xf32>
    %reduce_sum3A_511 = arith.constant dense<0.000000e+00> : vector<512xf32>
    %reduce_sum3A_512 = vector.multi_reduction <add>, %mul3A_510, %reduce_sum3A_511 [1] : vector<512x128xf32> to vector<512xf32>
    %broadcast_in_dim3A_513 = vector.shape_cast %reduce_sum3A_512 : vector<512xf32> to vector<512x1xf32>
    %swap3A_514 = arith.constant 0 : index
    %swap3A_515 = arith.constant 42 : index
    %swap3A_516 = vector.load %arg4[%swap3A_514, %swap3A_515] : memref<512x256xf32, #tpu.memory_space<vmem>>, vector<512x1xf32>
    tpu.vector_store %arg4[%swap3A_514, %swap3A_515], %broadcast_in_dim3A_513 {strides = array<i32>} : memref<512x256xf32, #tpu.memory_space<vmem>>, vector<512x1xf32>,
    %get3A_517 = arith.constant 43 : index
    %get3A_518 = arith.constant 0 : index
    %get3A_519 = vector.load %arg2[%get3A_517, %get3A_518] : memref<256x128xf32, #tpu.memory_space<vmem>>, vector<1x128xf32>
    %sub3A_520 = vector.broadcast %get3A_519 : vector<1x128xf32> to vector<512x128xf32>
    %sub3A_521 = arith.subf %reshape3A, %sub3A_520 : vector<512x128xf32>
    %mul3A_522 = arith.mulf %sub3A_521, %sub3A_521 : vector<512x128xf32>
    %reduce_sum3A_523 = arith.constant dense<0.000000e+00> : vector<512xf32>
    %reduce_sum3A_524 = vector.multi_reduction <add>, %mul3A_522, %reduce_sum3A_523 [1] : vector<512x128xf32> to vector<512xf32>
    %broadcast_in_dim3A_525 = vector.shape_cast %reduce_sum3A_524 : vector<512xf32> to vector<512x1xf32>
    %swap3A_526 = arith.constant 0 : index
    %swap3A_527 = arith.constant 43 : index
    %swap3A_528 = vector.load %arg4[%swap3A_526, %swap3A_527] : memref<512x256xf32, #tpu.memory_space<vmem>>, vector<512x1xf32>
    tpu.vector_store %arg4[%swap3A_526, %swap3A_527], %broadcast_in_dim3A_525 {strides = array<i32>} : memref<512x256xf32, #tpu.memory_space<vmem>>, vector<512x1xf32>,
    %get3A_529 = arith.constant 44 : index
    %get3A_530 = arith.constant 0 : index
    %get3A_531 = vector.load %arg2[%get3A_529, %get3A_530] : memref<256x128xf32, #tpu.memory_space<vmem>>, vector<1x128xf32>
    %sub3A_532 = vector.broadcast %get3A_531 : vector<1x128xf32> to vector<512x128xf32>
    %sub3A_533 = arith.subf %reshape3A, %sub3A_532 : vector<512x128xf32>
    %mul3A_534 = arith.mulf %sub3A_533, %sub3A_533 : vector<512x128xf32>
    %reduce_sum3A_535 = arith.constant dense<0.000000e+00> : vector<512xf32>
    %reduce_sum3A_536 = vector.multi_reduction <add>, %mul3A_534, %reduce_sum3A_535 [1] : vector<512x128xf32> to vector<512xf32>
    %broadcast_in_dim3A_537 = vector.shape_cast %reduce_sum3A_536 : vector<512xf32> to vector<512x1xf32>
    %swap3A_538 = arith.constant 0 : index
    %swap3A_539 = arith.constant 44 : index
    %swap3A_540 = vector.load %arg4[%swap3A_538, %swap3A_539] : memref<512x256xf32, #tpu.memory_space<vmem>>, vector<512x1xf32>
    tpu.vector_store %arg4[%swap3A_538, %swap3A_539], %broadcast_in_dim3A_537 {strides = array<i32>} : memref<512x256xf32, #tpu.memory_space<vmem>>, vector<512x1xf32>,
    %get3A_541 = arith.constant 45 : index
    %get3A_542 = arith.constant 0 : index
    %get3A_543 = vector.load %arg2[%get3A_541, %get3A_542] : memref<256x128xf32, #tpu.memory_space<vmem>>, vector<1x128xf32>
    %sub3A_544 = vector.broadcast %get3A_543 : vector<1x128xf32> to vector<512x128xf32>
    %sub3A_545 = arith.subf %reshape3A, %sub3A_544 : vector<512x128xf32>
    %mul3A_546 = arith.mulf %sub3A_545, %sub3A_545 : vector<512x128xf32>
    %reduce_sum3A_547 = arith.constant dense<0.000000e+00> : vector<512xf32>
    %reduce_sum3A_548 = vector.multi_reduction <add>, %mul3A_546, %reduce_sum3A_547 [1] : vector<512x128xf32> to vector<512xf32>
    %broadcast_in_dim3A_549 = vector.shape_cast %reduce_sum3A_548 : vector<512xf32> to vector<512x1xf32>
    %swap3A_550 = arith.constant 0 : index
    %swap3A_551 = arith.constant 45 : index
    %swap3A_552 = vector.load %arg4[%swap3A_550, %swap3A_551] : memref<512x256xf32, #tpu.memory_space<vmem>>, vector<512x1xf32>
    tpu.vector_store %arg4[%swap3A_550, %swap3A_551], %broadcast_in_dim3A_549 {strides = array<i32>} : memref<512x256xf32, #tpu.memory_space<vmem>>, vector<512x1xf32>,
    %get3A_553 = arith.constant 46 : index
    %get3A_554 = arith.constant 0 : index
    %get3A_555 = vector.load %arg2[%get3A_553, %get3A_554] : memref<256x128xf32, #tpu.memory_space<vmem>>, vector<1x128xf32>
    %sub3A_556 = vector.broadcast %get3A_555 : vector<1x128xf32> to vector<512x128xf32>
    %sub3A_557 = arith.subf %reshape3A, %sub3A_556 : vector<512x128xf32>
    %mul3A_558 = arith.mulf %sub3A_557, %sub3A_557 : vector<512x128xf32>
    %reduce_sum3A_559 = arith.constant dense<0.000000e+00> : vector<512xf32>
    %reduce_sum3A_560 = vector.multi_reduction <add>, %mul3A_558, %reduce_sum3A_559 [1] : vector<512x128xf32> to vector<512xf32>
    %broadcast_in_dim3A_561 = vector.shape_cast %reduce_sum3A_560 : vector<512xf32> to vector<512x1xf32>
    %swap3A_562 = arith.constant 0 : index
    %swap3A_563 = arith.constant 46 : index
    %swap3A_564 = vector.load %arg4[%swap3A_562, %swap3A_563] : memref<512x256xf32, #tpu.memory_space<vmem>>, vector<512x1xf32>
    tpu.vector_store %arg4[%swap3A_562, %swap3A_563], %broadcast_in_dim3A_561 {strides = array<i32>} : memref<512x256xf32, #tpu.memory_space<vmem>>, vector<512x1xf32>,
    %get3A_565 = arith.constant 47 : index
    %get3A_566 = arith.constant 0 : index
    %get3A_567 = vector.load %arg2[%get3A_565, %get3A_566] : memref<256x128xf32, #tpu.memory_space<vmem>>, vector<1x128xf32>
    %sub3A_568 = vector.broadcast %get3A_567 : vector<1x128xf32> to vector<512x128xf32>
    %sub3A_569 = arith.subf %reshape3A, %sub3A_568 : vector<512x128xf32>
    %mul3A_570 = arith.mulf %sub3A_569, %sub3A_569 : vector<512x128xf32>
    %reduce_sum3A_571 = arith.constant dense<0.000000e+00> : vector<512xf32>
    %reduce_sum3A_572 = vector.multi_reduction <add>, %mul3A_570, %reduce_sum3A_571 [1] : vector<512x128xf32> to vector<512xf32>
    %broadcast_in_dim3A_573 = vector.shape_cast %reduce_sum3A_572 : vector<512xf32> to vector<512x1xf32>
    %swap3A_574 = arith.constant 0 : index
    %swap3A_575 = arith.constant 47 : index
    %swap3A_576 = vector.load %arg4[%swap3A_574, %swap3A_575] : memref<512x256xf32, #tpu.memory_space<vmem>>, vector<512x1xf32>
    tpu.vector_store %arg4[%swap3A_574, %swap3A_575], %broadcast_in_dim3A_573 {strides = array<i32>} : memref<512x256xf32, #tpu.memory_space<vmem>>, vector<512x1xf32>,
    %get3A_577 = arith.constant 48 : index
    %get3A_578 = arith.constant 0 : index
    %get3A_579 = vector.load %arg2[%get3A_577, %get3A_578] : memref<256x128xf32, #tpu.memory_space<vmem>>, vector<1x128xf32>
    %sub3A_580 = vector.broadcast %get3A_579 : vector<1x128xf32> to vector<512x128xf32>
    %sub3A_581 = arith.subf %reshape3A, %sub3A_580 : vector<512x128xf32>
    %mul3A_582 = arith.mulf %sub3A_581, %sub3A_581 : vector<512x128xf32>
    %reduce_sum3A_583 = arith.constant dense<0.000000e+00> : vector<512xf32>
    %reduce_sum3A_584 = vector.multi_reduction <add>, %mul3A_582, %reduce_sum3A_583 [1] : vector<512x128xf32> to vector<512xf32>
    %broadcast_in_dim3A_585 = vector.shape_cast %reduce_sum3A_584 : vector<512xf32> to vector<512x1xf32>
    %swap3A_586 = arith.constant 0 : index
    %swap3A_587 = arith.constant 48 : index
    %swap3A_588 = vector.load %arg4[%swap3A_586, %swap3A_587] : memref<512x256xf32, #tpu.memory_space<vmem>>, vector<512x1xf32>
    tpu.vector_store %arg4[%swap3A_586, %swap3A_587], %broadcast_in_dim3A_585 {strides = array<i32>} : memref<512x256xf32, #tpu.memory_space<vmem>>, vector<512x1xf32>,
    %get3A_589 = arith.constant 49 : index
    %get3A_590 = arith.constant 0 : index
    %get3A_591 = vector.load %arg2[%get3A_589, %get3A_590] : memref<256x128xf32, #tpu.memory_space<vmem>>, vector<1x128xf32>
    %sub3A_592 = vector.broadcast %get3A_591 : vector<1x128xf32> to vector<512x128xf32>
    %sub3A_593 = arith.subf %reshape3A, %sub3A_592 : vector<512x128xf32>
    %mul3A_594 = arith.mulf %sub3A_593, %sub3A_593 : vector<512x128xf32>
    %reduce_sum3A_595 = arith.constant dense<0.000000e+00> : vector<512xf32>
    %reduce_sum3A_596 = vector.multi_reduction <add>, %mul3A_594, %reduce_sum3A_595 [1] : vector<512x128xf32> to vector<512xf32>
    %broadcast_in_dim3A_597 = vector.shape_cast %reduce_sum3A_596 : vector<512xf32> to vector<512x1xf32>
    %swap3A_598 = arith.constant 0 : index
    %swap3A_599 = arith.constant 49 : index
    %swap3A_600 = vector.load %arg4[%swap3A_598, %swap3A_599] : memref<512x256xf32, #tpu.memory_space<vmem>>, vector<512x1xf32>
    tpu.vector_store %arg4[%swap3A_598, %swap3A_599], %broadcast_in_dim3A_597 {strides = array<i32>} : memref<512x256xf32, #tpu.memory_space<vmem>>, vector<512x1xf32>,
    %get3A_601 = arith.constant 50 : index
    %get3A_602 = arith.constant 0 : index
    %get3A_603 = vector.load %arg2[%get3A_601, %get3A_602] : memref<256x128xf32, #tpu.memory_space<vmem>>, vector<1x128xf32>
    %sub3A_604 = vector.broadcast %get3A_603 : vector<1x128xf32> to vector<512x128xf32>
    %sub3A_605 = arith.subf %reshape3A, %sub3A_604 : vector<512x128xf32>
    %mul3A_606 = arith.mulf %sub3A_605, %sub3A_605 : vector<512x128xf32>
    %reduce_sum3A_607 = arith.constant dense<0.000000e+00> : vector<512xf32>
    %reduce_sum3A_608 = vector.multi_reduction <add>, %mul3A_606, %reduce_sum3A_607 [1] : vector<512x128xf32> to vector<512xf32>
    %broadcast_in_dim3A_609 = vector.shape_cast %reduce_sum3A_608 : vector<512xf32> to vector<512x1xf32>
    %swap3A_610 = arith.constant 0 : index
    %swap3A_611 = arith.constant 50 : index
    %swap3A_612 = vector.load %arg4[%swap3A_610, %swap3A_611] : memref<512x256xf32, #tpu.memory_space<vmem>>, vector<512x1xf32>
    tpu.vector_store %arg4[%swap3A_610, %swap3A_611], %broadcast_in_dim3A_609 {strides = array<i32>} : memref<512x256xf32, #tpu.memory_space<vmem>>, vector<512x1xf32>,
    %get3A_613 = arith.constant 51 : index
    %get3A_614 = arith.constant 0 : index
    %get3A_615 = vector.load %arg2[%get3A_613, %get3A_614] : memref<256x128xf32, #tpu.memory_space<vmem>>, vector<1x128xf32>
    %sub3A_616 = vector.broadcast %get3A_615 : vector<1x128xf32> to vector<512x128xf32>
    %sub3A_617 = arith.subf %reshape3A, %sub3A_616 : vector<512x128xf32>
    %mul3A_618 = arith.mulf %sub3A_617, %sub3A_617 : vector<512x128xf32>
    %reduce_sum3A_619 = arith.constant dense<0.000000e+00> : vector<512xf32>
    %reduce_sum3A_620 = vector.multi_reduction <add>, %mul3A_618, %reduce_sum3A_619 [1] : vector<512x128xf32> to vector<512xf32>
    %broadcast_in_dim3A_621 = vector.shape_cast %reduce_sum3A_620 : vector<512xf32> to vector<512x1xf32>
    %swap3A_622 = arith.constant 0 : index
    %swap3A_623 = arith.constant 51 : index
    %swap3A_624 = vector.load %arg4[%swap3A_622, %swap3A_623] : memref<512x256xf32, #tpu.memory_space<vmem>>, vector<512x1xf32>
    tpu.vector_store %arg4[%swap3A_622, %swap3A_623], %broadcast_in_dim3A_621 {strides = array<i32>} : memref<512x256xf32, #tpu.memory_space<vmem>>, vector<512x1xf32>,
    %get3A_625 = arith.constant 52 : index
    %get3A_626 = arith.constant 0 : index
    %get3A_627 = vector.load %arg2[%get3A_625, %get3A_626] : memref<256x128xf32, #tpu.memory_space<vmem>>, vector<1x128xf32>
    %sub3A_628 = vector.broadcast %get3A_627 : vector<1x128xf32> to vector<512x128xf32>
    %sub3A_629 = arith.subf %reshape3A, %sub3A_628 : vector<512x128xf32>
    %mul3A_630 = arith.mulf %sub3A_629, %sub3A_629 : vector<512x128xf32>
    %reduce_sum3A_631 = arith.constant dense<0.000000e+00> : vector<512xf32>
    %reduce_sum3A_632 = vector.multi_reduction <add>, %mul3A_630, %reduce_sum3A_631 [1] : vector<512x128xf32> to vector<512xf32>
    %broadcast_in_dim3A_633 = vector.shape_cast %reduce_sum3A_632 : vector<512xf32> to vector<512x1xf32>
    %swap3A_634 = arith.constant 0 : index
    %swap3A_635 = arith.constant 52 : index
    %swap3A_636 = vector.load %arg4[%swap3A_634, %swap3A_635] : memref<512x256xf32, #tpu.memory_space<vmem>>, vector<512x1xf32>
    tpu.vector_store %arg4[%swap3A_634, %swap3A_635], %broadcast_in_dim3A_633 {strides = array<i32>} : memref<512x256xf32, #tpu.memory_space<vmem>>, vector<512x1xf32>,
    %get3A_637 = arith.constant 53 : index
    %get3A_638 = arith.constant 0 : index
    %get3A_639 = vector.load %arg2[%get3A_637, %get3A_638] : memref<256x128xf32, #tpu.memory_space<vmem>>, vector<1x128xf32>
    %sub3A_640 = vector.broadcast %get3A_639 : vector<1x128xf32> to vector<512x128xf32>
    %sub3A_641 = arith.subf %reshape3A, %sub3A_640 : vector<512x128xf32>
    %mul3A_642 = arith.mulf %sub3A_641, %sub3A_641 : vector<512x128xf32>
    %reduce_sum3A_643 = arith.constant dense<0.000000e+00> : vector<512xf32>
    %reduce_sum3A_644 = vector.multi_reduction <add>, %mul3A_642, %reduce_sum3A_643 [1] : vector<512x128xf32> to vector<512xf32>
    %broadcast_in_dim3A_645 = vector.shape_cast %reduce_sum3A_644 : vector<512xf32> to vector<512x1xf32>
    %swap3A_646 = arith.constant 0 : index
    %swap3A_647 = arith.constant 53 : index
    %swap3A_648 = vector.load %arg4[%swap3A_646, %swap3A_647] : memref<512x256xf32, #tpu.memory_space<vmem>>, vector<512x1xf32>
    tpu.vector_store %arg4[%swap3A_646, %swap3A_647], %broadcast_in_dim3A_645 {strides = array<i32>} : memref<512x256xf32, #tpu.memory_space<vmem>>, vector<512x1xf32>,
    %get3A_649 = arith.constant 54 : index
    %get3A_650 = arith.constant 0 : index
    %get3A_651 = vector.load %arg2[%get3A_649, %get3A_650] : memref<256x128xf32, #tpu.memory_space<vmem>>, vector<1x128xf32>
    %sub3A_652 = vector.broadcast %get3A_651 : vector<1x128xf32> to vector<512x128xf32>
    %sub3A_653 = arith.subf %reshape3A, %sub3A_652 : vector<512x128xf32>
    %mul3A_654 = arith.mulf %sub3A_653, %sub3A_653 : vector<512x128xf32>
    %reduce_sum3A_655 = arith.constant dense<0.000000e+00> : vector<512xf32>
    %reduce_sum3A_656 = vector.multi_reduction <add>, %mul3A_654, %reduce_sum3A_655 [1] : vector<512x128xf32> to vector<512xf32>
    %broadcast_in_dim3A_657 = vector.shape_cast %reduce_sum3A_656 : vector<512xf32> to vector<512x1xf32>
    %swap3A_658 = arith.constant 0 : index
    %swap3A_659 = arith.constant 54 : index
    %swap3A_660 = vector.load %arg4[%swap3A_658, %swap3A_659] : memref<512x256xf32, #tpu.memory_space<vmem>>, vector<512x1xf32>
    tpu.vector_store %arg4[%swap3A_658, %swap3A_659], %broadcast_in_dim3A_657 {strides = array<i32>} : memref<512x256xf32, #tpu.memory_space<vmem>>, vector<512x1xf32>,
    %get3A_661 = arith.constant 55 : index
    %get3A_662 = arith.constant 0 : index
    %get3A_663 = vector.load %arg2[%get3A_661, %get3A_662] : memref<256x128xf32, #tpu.memory_space<vmem>>, vector<1x128xf32>
    %sub3A_664 = vector.broadcast %get3A_663 : vector<1x128xf32> to vector<512x128xf32>
    %sub3A_665 = arith.subf %reshape3A, %sub3A_664 : vector<512x128xf32>
    %mul3A_666 = arith.mulf %sub3A_665, %sub3A_665 : vector<512x128xf32>
    %reduce_sum3A_667 = arith.constant dense<0.000000e+00> : vector<512xf32>
    %reduce_sum3A_668 = vector.multi_reduction <add>, %mul3A_666, %reduce_sum3A_667 [1] : vector<512x128xf32> to vector<512xf32>
    %broadcast_in_dim3A_669 = vector.shape_cast %reduce_sum3A_668 : vector<512xf32> to vector<512x1xf32>
    %swap3A_670 = arith.constant 0 : index
    %swap3A_671 = arith.constant 55 : index
    %swap3A_672 = vector.load %arg4[%swap3A_670, %swap3A_671] : memref<512x256xf32, #tpu.memory_space<vmem>>, vector<512x1xf32>
    tpu.vector_store %arg4[%swap3A_670, %swap3A_671], %broadcast_in_dim3A_669 {strides = array<i32>} : memref<512x256xf32, #tpu.memory_space<vmem>>, vector<512x1xf32>,
    %get3A_673 = arith.constant 56 : index
    %get3A_674 = arith.constant 0 : index
    %get3A_675 = vector.load %arg2[%get3A_673, %get3A_674] : memref<256x128xf32, #tpu.memory_space<vmem>>, vector<1x128xf32>
    %sub3A_676 = vector.broadcast %get3A_675 : vector<1x128xf32> to vector<512x128xf32>
    %sub3A_677 = arith.subf %reshape3A, %sub3A_676 : vector<512x128xf32>
    %mul3A_678 = arith.mulf %sub3A_677, %sub3A_677 : vector<512x128xf32>
    %reduce_sum3A_679 = arith.constant dense<0.000000e+00> : vector<512xf32>
    %reduce_sum3A_680 = vector.multi_reduction <add>, %mul3A_678, %reduce_sum3A_679 [1] : vector<512x128xf32> to vector<512xf32>
    %broadcast_in_dim3A_681 = vector.shape_cast %reduce_sum3A_680 : vector<512xf32> to vector<512x1xf32>
    %swap3A_682 = arith.constant 0 : index
    %swap3A_683 = arith.constant 56 : index
    %swap3A_684 = vector.load %arg4[%swap3A_682, %swap3A_683] : memref<512x256xf32, #tpu.memory_space<vmem>>, vector<512x1xf32>
    tpu.vector_store %arg4[%swap3A_682, %swap3A_683], %broadcast_in_dim3A_681 {strides = array<i32>} : memref<512x256xf32, #tpu.memory_space<vmem>>, vector<512x1xf32>,
    %get3A_685 = arith.constant 57 : index
    %get3A_686 = arith.constant 0 : index
    %get3A_687 = vector.load %arg2[%get3A_685, %get3A_686] : memref<256x128xf32, #tpu.memory_space<vmem>>, vector<1x128xf32>
    %sub3A_688 = vector.broadcast %get3A_687 : vector<1x128xf32> to vector<512x128xf32>
    %sub3A_689 = arith.subf %reshape3A, %sub3A_688 : vector<512x128xf32>
    %mul3A_690 = arith.mulf %sub3A_689, %sub3A_689 : vector<512x128xf32>
    %reduce_sum3A_691 = arith.constant dense<0.000000e+00> : vector<512xf32>
    %reduce_sum3A_692 = vector.multi_reduction <add>, %mul3A_690, %reduce_sum3A_691 [1] : vector<512x128xf32> to vector<512xf32>
    %broadcast_in_dim3A_693 = vector.shape_cast %reduce_sum3A_692 : vector<512xf32> to vector<512x1xf32>
    %swap3A_694 = arith.constant 0 : index
    %swap3A_695 = arith.constant 57 : index
    %swap3A_696 = vector.load %arg4[%swap3A_694, %swap3A_695] : memref<512x256xf32, #tpu.memory_space<vmem>>, vector<512x1xf32>
    tpu.vector_store %arg4[%swap3A_694, %swap3A_695], %broadcast_in_dim3A_693 {strides = array<i32>} : memref<512x256xf32, #tpu.memory_space<vmem>>, vector<512x1xf32>,
    %get3A_697 = arith.constant 58 : index
    %get3A_698 = arith.constant 0 : index
    %get3A_699 = vector.load %arg2[%get3A_697, %get3A_698] : memref<256x128xf32, #tpu.memory_space<vmem>>, vector<1x128xf32>
    %sub3A_700 = vector.broadcast %get3A_699 : vector<1x128xf32> to vector<512x128xf32>
    %sub3A_701 = arith.subf %reshape3A, %sub3A_700 : vector<512x128xf32>
    %mul3A_702 = arith.mulf %sub3A_701, %sub3A_701 : vector<512x128xf32>
    %reduce_sum3A_703 = arith.constant dense<0.000000e+00> : vector<512xf32>
    %reduce_sum3A_704 = vector.multi_reduction <add>, %mul3A_702, %reduce_sum3A_703 [1] : vector<512x128xf32> to vector<512xf32>
    %broadcast_in_dim3A_705 = vector.shape_cast %reduce_sum3A_704 : vector<512xf32> to vector<512x1xf32>
    %swap3A_706 = arith.constant 0 : index
    %swap3A_707 = arith.constant 58 : index
    %swap3A_708 = vector.load %arg4[%swap3A_706, %swap3A_707] : memref<512x256xf32, #tpu.memory_space<vmem>>, vector<512x1xf32>
    tpu.vector_store %arg4[%swap3A_706, %swap3A_707], %broadcast_in_dim3A_705 {strides = array<i32>} : memref<512x256xf32, #tpu.memory_space<vmem>>, vector<512x1xf32>,
    %get3A_709 = arith.constant 59 : index
    %get3A_710 = arith.constant 0 : index
    %get3A_711 = vector.load %arg2[%get3A_709, %get3A_710] : memref<256x128xf32, #tpu.memory_space<vmem>>, vector<1x128xf32>
    %sub3A_712 = vector.broadcast %get3A_711 : vector<1x128xf32> to vector<512x128xf32>
    %sub3A_713 = arith.subf %reshape3A, %sub3A_712 : vector<512x128xf32>
    %mul3A_714 = arith.mulf %sub3A_713, %sub3A_713 : vector<512x128xf32>
    %reduce_sum3A_715 = arith.constant dense<0.000000e+00> : vector<512xf32>
    %reduce_sum3A_716 = vector.multi_reduction <add>, %mul3A_714, %reduce_sum3A_715 [1] : vector<512x128xf32> to vector<512xf32>
    %broadcast_in_dim3A_717 = vector.shape_cast %reduce_sum3A_716 : vector<512xf32> to vector<512x1xf32>
    %swap3A_718 = arith.constant 0 : index
    %swap3A_719 = arith.constant 59 : index
    %swap3A_720 = vector.load %arg4[%swap3A_718, %swap3A_719] : memref<512x256xf32, #tpu.memory_space<vmem>>, vector<512x1xf32>
    tpu.vector_store %arg4[%swap3A_718, %swap3A_719], %broadcast_in_dim3A_717 {strides = array<i32>} : memref<512x256xf32, #tpu.memory_space<vmem>>, vector<512x1xf32>,
    %get3A_721 = arith.constant 60 : index
    %get3A_722 = arith.constant 0 : index
    %get3A_723 = vector.load %arg2[%get3A_721, %get3A_722] : memref<256x128xf32, #tpu.memory_space<vmem>>, vector<1x128xf32>
    %sub3A_724 = vector.broadcast %get3A_723 : vector<1x128xf32> to vector<512x128xf32>
    %sub3A_725 = arith.subf %reshape3A, %sub3A_724 : vector<512x128xf32>
    %mul3A_726 = arith.mulf %sub3A_725, %sub3A_725 : vector<512x128xf32>
    %reduce_sum3A_727 = arith.constant dense<0.000000e+00> : vector<512xf32>
    %reduce_sum3A_728 = vector.multi_reduction <add>, %mul3A_726, %reduce_sum3A_727 [1] : vector<512x128xf32> to vector<512xf32>
    %broadcast_in_dim3A_729 = vector.shape_cast %reduce_sum3A_728 : vector<512xf32> to vector<512x1xf32>
    %swap3A_730 = arith.constant 0 : index
    %swap3A_731 = arith.constant 60 : index
    %swap3A_732 = vector.load %arg4[%swap3A_730, %swap3A_731] : memref<512x256xf32, #tpu.memory_space<vmem>>, vector<512x1xf32>
    tpu.vector_store %arg4[%swap3A_730, %swap3A_731], %broadcast_in_dim3A_729 {strides = array<i32>} : memref<512x256xf32, #tpu.memory_space<vmem>>, vector<512x1xf32>,
    %get3A_733 = arith.constant 61 : index
    %get3A_734 = arith.constant 0 : index
    %get3A_735 = vector.load %arg2[%get3A_733, %get3A_734] : memref<256x128xf32, #tpu.memory_space<vmem>>, vector<1x128xf32>
    %sub3A_736 = vector.broadcast %get3A_735 : vector<1x128xf32> to vector<512x128xf32>
    %sub3A_737 = arith.subf %reshape3A, %sub3A_736 : vector<512x128xf32>
    %mul3A_738 = arith.mulf %sub3A_737, %sub3A_737 : vector<512x128xf32>
    %reduce_sum3A_739 = arith.constant dense<0.000000e+00> : vector<512xf32>
    %reduce_sum3A_740 = vector.multi_reduction <add>, %mul3A_738, %reduce_sum3A_739 [1] : vector<512x128xf32> to vector<512xf32>
    %broadcast_in_dim3A_741 = vector.shape_cast %reduce_sum3A_740 : vector<512xf32> to vector<512x1xf32>
    %swap3A_742 = arith.constant 0 : index
    %swap3A_743 = arith.constant 61 : index
    %swap3A_744 = vector.load %arg4[%swap3A_742, %swap3A_743] : memref<512x256xf32, #tpu.memory_space<vmem>>, vector<512x1xf32>
    tpu.vector_store %arg4[%swap3A_742, %swap3A_743], %broadcast_in_dim3A_741 {strides = array<i32>} : memref<512x256xf32, #tpu.memory_space<vmem>>, vector<512x1xf32>,
    %get3A_745 = arith.constant 62 : index
    %get3A_746 = arith.constant 0 : index
    %get3A_747 = vector.load %arg2[%get3A_745, %get3A_746] : memref<256x128xf32, #tpu.memory_space<vmem>>, vector<1x128xf32>
    %sub3A_748 = vector.broadcast %get3A_747 : vector<1x128xf32> to vector<512x128xf32>
    %sub3A_749 = arith.subf %reshape3A, %sub3A_748 : vector<512x128xf32>
    %mul3A_750 = arith.mulf %sub3A_749, %sub3A_749 : vector<512x128xf32>
    %reduce_sum3A_751 = arith.constant dense<0.000000e+00> : vector<512xf32>
    %reduce_sum3A_752 = vector.multi_reduction <add>, %mul3A_750, %reduce_sum3A_751 [1] : vector<512x128xf32> to vector<512xf32>
    %broadcast_in_dim3A_753 = vector.shape_cast %reduce_sum3A_752 : vector<512xf32> to vector<512x1xf32>
    %swap3A_754 = arith.constant 0 : index
    %swap3A_755 = arith.constant 62 : index
    %swap3A_756 = vector.load %arg4[%swap3A_754, %swap3A_755] : memref<512x256xf32, #tpu.memory_space<vmem>>, vector<512x1xf32>
    tpu.vector_store %arg4[%swap3A_754, %swap3A_755], %broadcast_in_dim3A_753 {strides = array<i32>} : memref<512x256xf32, #tpu.memory_space<vmem>>, vector<512x1xf32>,
    %get3A_757 = arith.constant 63 : index
    %get3A_758 = arith.constant 0 : index
    %get3A_759 = vector.load %arg2[%get3A_757, %get3A_758] : memref<256x128xf32, #tpu.memory_space<vmem>>, vector<1x128xf32>
    %sub3A_760 = vector.broadcast %get3A_759 : vector<1x128xf32> to vector<512x128xf32>
    %sub3A_761 = arith.subf %reshape3A, %sub3A_760 : vector<512x128xf32>
    %mul3A_762 = arith.mulf %sub3A_761, %sub3A_761 : vector<512x128xf32>
    %reduce_sum3A_763 = arith.constant dense<0.000000e+00> : vector<512xf32>
    %reduce_sum3A_764 = vector.multi_reduction <add>, %mul3A_762, %reduce_sum3A_763 [1] : vector<512x128xf32> to vector<512xf32>
    %broadcast_in_dim3A_765 = vector.shape_cast %reduce_sum3A_764 : vector<512xf32> to vector<512x1xf32>
    %swap3A_766 = arith.constant 0 : index
    %swap3A_767 = arith.constant 63 : index
    %swap3A_768 = vector.load %arg4[%swap3A_766, %swap3A_767] : memref<512x256xf32, #tpu.memory_space<vmem>>, vector<512x1xf32>
    tpu.vector_store %arg4[%swap3A_766, %swap3A_767], %broadcast_in_dim3A_765 {strides = array<i32>} : memref<512x256xf32, #tpu.memory_space<vmem>>, vector<512x1xf32>,
    %get3A_769 = arith.constant 64 : index
    %get3A_770 = arith.constant 0 : index
    %get3A_771 = vector.load %arg2[%get3A_769, %get3A_770] : memref<256x128xf32, #tpu.memory_space<vmem>>, vector<1x128xf32>
    %sub3A_772 = vector.broadcast %get3A_771 : vector<1x128xf32> to vector<512x128xf32>
    %sub3A_773 = arith.subf %reshape3A, %sub3A_772 : vector<512x128xf32>
    %mul3A_774 = arith.mulf %sub3A_773, %sub3A_773 : vector<512x128xf32>
    %reduce_sum3A_775 = arith.constant dense<0.000000e+00> : vector<512xf32>
    %reduce_sum3A_776 = vector.multi_reduction <add>, %mul3A_774, %reduce_sum3A_775 [1] : vector<512x128xf32> to vector<512xf32>
    %broadcast_in_dim3A_777 = vector.shape_cast %reduce_sum3A_776 : vector<512xf32> to vector<512x1xf32>
    %swap3A_778 = arith.constant 0 : index
    %swap3A_779 = arith.constant 64 : index
    %swap3A_780 = vector.load %arg4[%swap3A_778, %swap3A_779] : memref<512x256xf32, #tpu.memory_space<vmem>>, vector<512x1xf32>
    tpu.vector_store %arg4[%swap3A_778, %swap3A_779], %broadcast_in_dim3A_777 {strides = array<i32>} : memref<512x256xf32, #tpu.memory_space<vmem>>, vector<512x1xf32>,
    %get3A_781 = arith.constant 65 : index
    %get3A_782 = arith.constant 0 : index
    %get3A_783 = vector.load %arg2[%get3A_781, %get3A_782] : memref<256x128xf32, #tpu.memory_space<vmem>>, vector<1x128xf32>
    %sub3A_784 = vector.broadcast %get3A_783 : vector<1x128xf32> to vector<512x128xf32>
    %sub3A_785 = arith.subf %reshape3A, %sub3A_784 : vector<512x128xf32>
    %mul3A_786 = arith.mulf %sub3A_785, %sub3A_785 : vector<512x128xf32>
    %reduce_sum3A_787 = arith.constant dense<0.000000e+00> : vector<512xf32>
    %reduce_sum3A_788 = vector.multi_reduction <add>, %mul3A_786, %reduce_sum3A_787 [1] : vector<512x128xf32> to vector<512xf32>
    %broadcast_in_dim3A_789 = vector.shape_cast %reduce_sum3A_788 : vector<512xf32> to vector<512x1xf32>
    %swap3A_790 = arith.constant 0 : index
    %swap3A_791 = arith.constant 65 : index
    %swap3A_792 = vector.load %arg4[%swap3A_790, %swap3A_791] : memref<512x256xf32, #tpu.memory_space<vmem>>, vector<512x1xf32>
    tpu.vector_store %arg4[%swap3A_790, %swap3A_791], %broadcast_in_dim3A_789 {strides = array<i32>} : memref<512x256xf32, #tpu.memory_space<vmem>>, vector<512x1xf32>,
    %get3A_793 = arith.constant 66 : index
    %get3A_794 = arith.constant 0 : index
    %get3A_795 = vector.load %arg2[%get3A_793, %get3A_794] : memref<256x128xf32, #tpu.memory_space<vmem>>, vector<1x128xf32>
    %sub3A_796 = vector.broadcast %get3A_795 : vector<1x128xf32> to vector<512x128xf32>
    %sub3A_797 = arith.subf %reshape3A, %sub3A_796 : vector<512x128xf32>
    %mul3A_798 = arith.mulf %sub3A_797, %sub3A_797 : vector<512x128xf32>
    %reduce_sum3A_799 = arith.constant dense<0.000000e+00> : vector<512xf32>
    %reduce_sum3A_800 = vector.multi_reduction <add>, %mul3A_798, %reduce_sum3A_799 [1] : vector<512x128xf32> to vector<512xf32>
    %broadcast_in_dim3A_801 = vector.shape_cast %reduce_sum3A_800 : vector<512xf32> to vector<512x1xf32>
    %swap3A_802 = arith.constant 0 : index
    %swap3A_803 = arith.constant 66 : index
    %swap3A_804 = vector.load %arg4[%swap3A_802, %swap3A_803] : memref<512x256xf32, #tpu.memory_space<vmem>>, vector<512x1xf32>
    tpu.vector_store %arg4[%swap3A_802, %swap3A_803], %broadcast_in_dim3A_801 {strides = array<i32>} : memref<512x256xf32, #tpu.memory_space<vmem>>, vector<512x1xf32>,
    %get3A_805 = arith.constant 67 : index
    %get3A_806 = arith.constant 0 : index
    %get3A_807 = vector.load %arg2[%get3A_805, %get3A_806] : memref<256x128xf32, #tpu.memory_space<vmem>>, vector<1x128xf32>
    %sub3A_808 = vector.broadcast %get3A_807 : vector<1x128xf32> to vector<512x128xf32>
    %sub3A_809 = arith.subf %reshape3A, %sub3A_808 : vector<512x128xf32>
    %mul3A_810 = arith.mulf %sub3A_809, %sub3A_809 : vector<512x128xf32>
    %reduce_sum3A_811 = arith.constant dense<0.000000e+00> : vector<512xf32>
    %reduce_sum3A_812 = vector.multi_reduction <add>, %mul3A_810, %reduce_sum3A_811 [1] : vector<512x128xf32> to vector<512xf32>
    %broadcast_in_dim3A_813 = vector.shape_cast %reduce_sum3A_812 : vector<512xf32> to vector<512x1xf32>
    %swap3A_814 = arith.constant 0 : index
    %swap3A_815 = arith.constant 67 : index
    %swap3A_816 = vector.load %arg4[%swap3A_814, %swap3A_815] : memref<512x256xf32, #tpu.memory_space<vmem>>, vector<512x1xf32>
    tpu.vector_store %arg4[%swap3A_814, %swap3A_815], %broadcast_in_dim3A_813 {strides = array<i32>} : memref<512x256xf32, #tpu.memory_space<vmem>>, vector<512x1xf32>,
    %get3A_817 = arith.constant 68 : index
    %get3A_818 = arith.constant 0 : index
    %get3A_819 = vector.load %arg2[%get3A_817, %get3A_818] : memref<256x128xf32, #tpu.memory_space<vmem>>, vector<1x128xf32>
    %sub3A_820 = vector.broadcast %get3A_819 : vector<1x128xf32> to vector<512x128xf32>
    %sub3A_821 = arith.subf %reshape3A, %sub3A_820 : vector<512x128xf32>
    %mul3A_822 = arith.mulf %sub3A_821, %sub3A_821 : vector<512x128xf32>
    %reduce_sum3A_823 = arith.constant dense<0.000000e+00> : vector<512xf32>
    %reduce_sum3A_824 = vector.multi_reduction <add>, %mul3A_822, %reduce_sum3A_823 [1] : vector<512x128xf32> to vector<512xf32>
    %broadcast_in_dim3A_825 = vector.shape_cast %reduce_sum3A_824 : vector<512xf32> to vector<512x1xf32>
    %swap3A_826 = arith.constant 0 : index
    %swap3A_827 = arith.constant 68 : index
    %swap3A_828 = vector.load %arg4[%swap3A_826, %swap3A_827] : memref<512x256xf32, #tpu.memory_space<vmem>>, vector<512x1xf32>
    tpu.vector_store %arg4[%swap3A_826, %swap3A_827], %broadcast_in_dim3A_825 {strides = array<i32>} : memref<512x256xf32, #tpu.memory_space<vmem>>, vector<512x1xf32>,
    %get3A_829 = arith.constant 69 : index
    %get3A_830 = arith.constant 0 : index
    %get3A_831 = vector.load %arg2[%get3A_829, %get3A_830] : memref<256x128xf32, #tpu.memory_space<vmem>>, vector<1x128xf32>
    %sub3A_832 = vector.broadcast %get3A_831 : vector<1x128xf32> to vector<512x128xf32>
    %sub3A_833 = arith.subf %reshape3A, %sub3A_832 : vector<512x128xf32>
    %mul3A_834 = arith.mulf %sub3A_833, %sub3A_833 : vector<512x128xf32>
    %reduce_sum3A_835 = arith.constant dense<0.000000e+00> : vector<512xf32>
    %reduce_sum3A_836 = vector.multi_reduction <add>, %mul3A_834, %reduce_sum3A_835 [1] : vector<512x128xf32> to vector<512xf32>
    %broadcast_in_dim3A_837 = vector.shape_cast %reduce_sum3A_836 : vector<512xf32> to vector<512x1xf32>
    %swap3A_838 = arith.constant 0 : index
    %swap3A_839 = arith.constant 69 : index
    %swap3A_840 = vector.load %arg4[%swap3A_838, %swap3A_839] : memref<512x256xf32, #tpu.memory_space<vmem>>, vector<512x1xf32>
    tpu.vector_store %arg4[%swap3A_838, %swap3A_839], %broadcast_in_dim3A_837 {strides = array<i32>} : memref<512x256xf32, #tpu.memory_space<vmem>>, vector<512x1xf32>,
    %get3A_841 = arith.constant 70 : index
    %get3A_842 = arith.constant 0 : index
    %get3A_843 = vector.load %arg2[%get3A_841, %get3A_842] : memref<256x128xf32, #tpu.memory_space<vmem>>, vector<1x128xf32>
    %sub3A_844 = vector.broadcast %get3A_843 : vector<1x128xf32> to vector<512x128xf32>
    %sub3A_845 = arith.subf %reshape3A, %sub3A_844 : vector<512x128xf32>
    %mul3A_846 = arith.mulf %sub3A_845, %sub3A_845 : vector<512x128xf32>
    %reduce_sum3A_847 = arith.constant dense<0.000000e+00> : vector<512xf32>
    %reduce_sum3A_848 = vector.multi_reduction <add>, %mul3A_846, %reduce_sum3A_847 [1] : vector<512x128xf32> to vector<512xf32>
    %broadcast_in_dim3A_849 = vector.shape_cast %reduce_sum3A_848 : vector<512xf32> to vector<512x1xf32>
    %swap3A_850 = arith.constant 0 : index
    %swap3A_851 = arith.constant 70 : index
    %swap3A_852 = vector.load %arg4[%swap3A_850, %swap3A_851] : memref<512x256xf32, #tpu.memory_space<vmem>>, vector<512x1xf32>
    tpu.vector_store %arg4[%swap3A_850, %swap3A_851], %broadcast_in_dim3A_849 {strides = array<i32>} : memref<512x256xf32, #tpu.memory_space<vmem>>, vector<512x1xf32>,
    %get3A_853 = arith.constant 71 : index
    %get3A_854 = arith.constant 0 : index
    %get3A_855 = vector.load %arg2[%get3A_853, %get3A_854] : memref<256x128xf32, #tpu.memory_space<vmem>>, vector<1x128xf32>
    %sub3A_856 = vector.broadcast %get3A_855 : vector<1x128xf32> to vector<512x128xf32>
    %sub3A_857 = arith.subf %reshape3A, %sub3A_856 : vector<512x128xf32>
    %mul3A_858 = arith.mulf %sub3A_857, %sub3A_857 : vector<512x128xf32>
    %reduce_sum3A_859 = arith.constant dense<0.000000e+00> : vector<512xf32>
    %reduce_sum3A_860 = vector.multi_reduction <add>, %mul3A_858, %reduce_sum3A_859 [1] : vector<512x128xf32> to vector<512xf32>
    %broadcast_in_dim3A_861 = vector.shape_cast %reduce_sum3A_860 : vector<512xf32> to vector<512x1xf32>
    %swap3A_862 = arith.constant 0 : index
    %swap3A_863 = arith.constant 71 : index
    %swap3A_864 = vector.load %arg4[%swap3A_862, %swap3A_863] : memref<512x256xf32, #tpu.memory_space<vmem>>, vector<512x1xf32>
    tpu.vector_store %arg4[%swap3A_862, %swap3A_863], %broadcast_in_dim3A_861 {strides = array<i32>} : memref<512x256xf32, #tpu.memory_space<vmem>>, vector<512x1xf32>,
    %get3A_865 = arith.constant 72 : index
    %get3A_866 = arith.constant 0 : index
    %get3A_867 = vector.load %arg2[%get3A_865, %get3A_866] : memref<256x128xf32, #tpu.memory_space<vmem>>, vector<1x128xf32>
    %sub3A_868 = vector.broadcast %get3A_867 : vector<1x128xf32> to vector<512x128xf32>
    %sub3A_869 = arith.subf %reshape3A, %sub3A_868 : vector<512x128xf32>
    %mul3A_870 = arith.mulf %sub3A_869, %sub3A_869 : vector<512x128xf32>
    %reduce_sum3A_871 = arith.constant dense<0.000000e+00> : vector<512xf32>
    %reduce_sum3A_872 = vector.multi_reduction <add>, %mul3A_870, %reduce_sum3A_871 [1] : vector<512x128xf32> to vector<512xf32>
    %broadcast_in_dim3A_873 = vector.shape_cast %reduce_sum3A_872 : vector<512xf32> to vector<512x1xf32>
    %swap3A_874 = arith.constant 0 : index
    %swap3A_875 = arith.constant 72 : index
    %swap3A_876 = vector.load %arg4[%swap3A_874, %swap3A_875] : memref<512x256xf32, #tpu.memory_space<vmem>>, vector<512x1xf32>
    tpu.vector_store %arg4[%swap3A_874, %swap3A_875], %broadcast_in_dim3A_873 {strides = array<i32>} : memref<512x256xf32, #tpu.memory_space<vmem>>, vector<512x1xf32>,
    %get3A_877 = arith.constant 73 : index
    %get3A_878 = arith.constant 0 : index
    %get3A_879 = vector.load %arg2[%get3A_877, %get3A_878] : memref<256x128xf32, #tpu.memory_space<vmem>>, vector<1x128xf32>
    %sub3A_880 = vector.broadcast %get3A_879 : vector<1x128xf32> to vector<512x128xf32>
    %sub3A_881 = arith.subf %reshape3A, %sub3A_880 : vector<512x128xf32>
    %mul3A_882 = arith.mulf %sub3A_881, %sub3A_881 : vector<512x128xf32>
    %reduce_sum3A_883 = arith.constant dense<0.000000e+00> : vector<512xf32>
    %reduce_sum3A_884 = vector.multi_reduction <add>, %mul3A_882, %reduce_sum3A_883 [1] : vector<512x128xf32> to vector<512xf32>
    %broadcast_in_dim3A_885 = vector.shape_cast %reduce_sum3A_884 : vector<512xf32> to vector<512x1xf32>
    %swap3A_886 = arith.constant 0 : index
    %swap3A_887 = arith.constant 73 : index
    %swap3A_888 = vector.load %arg4[%swap3A_886, %swap3A_887] : memref<512x256xf32, #tpu.memory_space<vmem>>, vector<512x1xf32>
    tpu.vector_store %arg4[%swap3A_886, %swap3A_887], %broadcast_in_dim3A_885 {strides = array<i32>} : memref<512x256xf32, #tpu.memory_space<vmem>>, vector<512x1xf32>,
    %get3A_889 = arith.constant 74 : index
    %get3A_890 = arith.constant 0 : index
    %get3A_891 = vector.load %arg2[%get3A_889, %get3A_890] : memref<256x128xf32, #tpu.memory_space<vmem>>, vector<1x128xf32>
    %sub3A_892 = vector.broadcast %get3A_891 : vector<1x128xf32> to vector<512x128xf32>
    %sub3A_893 = arith.subf %reshape3A, %sub3A_892 : vector<512x128xf32>
    %mul3A_894 = arith.mulf %sub3A_893, %sub3A_893 : vector<512x128xf32>
    %reduce_sum3A_895 = arith.constant dense<0.000000e+00> : vector<512xf32>
    %reduce_sum3A_896 = vector.multi_reduction <add>, %mul3A_894, %reduce_sum3A_895 [1] : vector<512x128xf32> to vector<512xf32>
    %broadcast_in_dim3A_897 = vector.shape_cast %reduce_sum3A_896 : vector<512xf32> to vector<512x1xf32>
    %swap3A_898 = arith.constant 0 : index
    %swap3A_899 = arith.constant 74 : index
    %swap3A_900 = vector.load %arg4[%swap3A_898, %swap3A_899] : memref<512x256xf32, #tpu.memory_space<vmem>>, vector<512x1xf32>
    tpu.vector_store %arg4[%swap3A_898, %swap3A_899], %broadcast_in_dim3A_897 {strides = array<i32>} : memref<512x256xf32, #tpu.memory_space<vmem>>, vector<512x1xf32>,
    %get3A_901 = arith.constant 75 : index
    %get3A_902 = arith.constant 0 : index
    %get3A_903 = vector.load %arg2[%get3A_901, %get3A_902] : memref<256x128xf32, #tpu.memory_space<vmem>>, vector<1x128xf32>
    %sub3A_904 = vector.broadcast %get3A_903 : vector<1x128xf32> to vector<512x128xf32>
    %sub3A_905 = arith.subf %reshape3A, %sub3A_904 : vector<512x128xf32>
    %mul3A_906 = arith.mulf %sub3A_905, %sub3A_905 : vector<512x128xf32>
    %reduce_sum3A_907 = arith.constant dense<0.000000e+00> : vector<512xf32>
    %reduce_sum3A_908 = vector.multi_reduction <add>, %mul3A_906, %reduce_sum3A_907 [1] : vector<512x128xf32> to vector<512xf32>
    %broadcast_in_dim3A_909 = vector.shape_cast %reduce_sum3A_908 : vector<512xf32> to vector<512x1xf32>
    %swap3A_910 = arith.constant 0 : index
    %swap3A_911 = arith.constant 75 : index
    %swap3A_912 = vector.load %arg4[%swap3A_910, %swap3A_911] : memref<512x256xf32, #tpu.memory_space<vmem>>, vector<512x1xf32>
    tpu.vector_store %arg4[%swap3A_910, %swap3A_911], %broadcast_in_dim3A_909 {strides = array<i32>} : memref<512x256xf32, #tpu.memory_space<vmem>>, vector<512x1xf32>,
    %get3A_913 = arith.constant 76 : index
    %get3A_914 = arith.constant 0 : index
    %get3A_915 = vector.load %arg2[%get3A_913, %get3A_914] : memref<256x128xf32, #tpu.memory_space<vmem>>, vector<1x128xf32>
    %sub3A_916 = vector.broadcast %get3A_915 : vector<1x128xf32> to vector<512x128xf32>
    %sub3A_917 = arith.subf %reshape3A, %sub3A_916 : vector<512x128xf32>
    %mul3A_918 = arith.mulf %sub3A_917, %sub3A_917 : vector<512x128xf32>
    %reduce_sum3A_919 = arith.constant dense<0.000000e+00> : vector<512xf32>
    %reduce_sum3A_920 = vector.multi_reduction <add>, %mul3A_918, %reduce_sum3A_919 [1] : vector<512x128xf32> to vector<512xf32>
    %broadcast_in_dim3A_921 = vector.shape_cast %reduce_sum3A_920 : vector<512xf32> to vector<512x1xf32>
    %swap3A_922 = arith.constant 0 : index
    %swap3A_923 = arith.constant 76 : index
    %swap3A_924 = vector.load %arg4[%swap3A_922, %swap3A_923] : memref<512x256xf32, #tpu.memory_space<vmem>>, vector<512x1xf32>
    tpu.vector_store %arg4[%swap3A_922, %swap3A_923], %broadcast_in_dim3A_921 {strides = array<i32>} : memref<512x256xf32, #tpu.memory_space<vmem>>, vector<512x1xf32>,
    %get3A_925 = arith.constant 77 : index
    %get3A_926 = arith.constant 0 : index
    %get3A_927 = vector.load %arg2[%get3A_925, %get3A_926] : memref<256x128xf32, #tpu.memory_space<vmem>>, vector<1x128xf32>
    %sub3A_928 = vector.broadcast %get3A_927 : vector<1x128xf32> to vector<512x128xf32>
    %sub3A_929 = arith.subf %reshape3A, %sub3A_928 : vector<512x128xf32>
    %mul3A_930 = arith.mulf %sub3A_929, %sub3A_929 : vector<512x128xf32>
    %reduce_sum3A_931 = arith.constant dense<0.000000e+00> : vector<512xf32>
    %reduce_sum3A_932 = vector.multi_reduction <add>, %mul3A_930, %reduce_sum3A_931 [1] : vector<512x128xf32> to vector<512xf32>
    %broadcast_in_dim3A_933 = vector.shape_cast %reduce_sum3A_932 : vector<512xf32> to vector<512x1xf32>
    %swap3A_934 = arith.constant 0 : index
    %swap3A_935 = arith.constant 77 : index
    %swap3A_936 = vector.load %arg4[%swap3A_934, %swap3A_935] : memref<512x256xf32, #tpu.memory_space<vmem>>, vector<512x1xf32>
    tpu.vector_store %arg4[%swap3A_934, %swap3A_935], %broadcast_in_dim3A_933 {strides = array<i32>} : memref<512x256xf32, #tpu.memory_space<vmem>>, vector<512x1xf32>,
    %get3A_937 = arith.constant 78 : index
    %get3A_938 = arith.constant 0 : index
    %get3A_939 = vector.load %arg2[%get3A_937, %get3A_938] : memref<256x128xf32, #tpu.memory_space<vmem>>, vector<1x128xf32>
    %sub3A_940 = vector.broadcast %get3A_939 : vector<1x128xf32> to vector<512x128xf32>
    %sub3A_941 = arith.subf %reshape3A, %sub3A_940 : vector<512x128xf32>
    %mul3A_942 = arith.mulf %sub3A_941, %sub3A_941 : vector<512x128xf32>
    %reduce_sum3A_943 = arith.constant dense<0.000000e+00> : vector<512xf32>
    %reduce_sum3A_944 = vector.multi_reduction <add>, %mul3A_942, %reduce_sum3A_943 [1] : vector<512x128xf32> to vector<512xf32>
    %broadcast_in_dim3A_945 = vector.shape_cast %reduce_sum3A_944 : vector<512xf32> to vector<512x1xf32>
    %swap3A_946 = arith.constant 0 : index
    %swap3A_947 = arith.constant 78 : index
    %swap3A_948 = vector.load %arg4[%swap3A_946, %swap3A_947] : memref<512x256xf32, #tpu.memory_space<vmem>>, vector<512x1xf32>
    tpu.vector_store %arg4[%swap3A_946, %swap3A_947], %broadcast_in_dim3A_945 {strides = array<i32>} : memref<512x256xf32, #tpu.memory_space<vmem>>, vector<512x1xf32>,
    %get3A_949 = arith.constant 79 : index
    %get3A_950 = arith.constant 0 : index
    %get3A_951 = vector.load %arg2[%get3A_949, %get3A_950] : memref<256x128xf32, #tpu.memory_space<vmem>>, vector<1x128xf32>
    %sub3A_952 = vector.broadcast %get3A_951 : vector<1x128xf32> to vector<512x128xf32>
    %sub3A_953 = arith.subf %reshape3A, %sub3A_952 : vector<512x128xf32>
    %mul3A_954 = arith.mulf %sub3A_953, %sub3A_953 : vector<512x128xf32>
    %reduce_sum3A_955 = arith.constant dense<0.000000e+00> : vector<512xf32>
    %reduce_sum3A_956 = vector.multi_reduction <add>, %mul3A_954, %reduce_sum3A_955 [1] : vector<512x128xf32> to vector<512xf32>
    %broadcast_in_dim3A_957 = vector.shape_cast %reduce_sum3A_956 : vector<512xf32> to vector<512x1xf32>
    %swap3A_958 = arith.constant 0 : index
    %swap3A_959 = arith.constant 79 : index
    %swap3A_960 = vector.load %arg4[%swap3A_958, %swap3A_959] : memref<512x256xf32, #tpu.memory_space<vmem>>, vector<512x1xf32>
    tpu.vector_store %arg4[%swap3A_958, %swap3A_959], %broadcast_in_dim3A_957 {strides = array<i32>} : memref<512x256xf32, #tpu.memory_space<vmem>>, vector<512x1xf32>,
    %get3A_961 = arith.constant 80 : index
    %get3A_962 = arith.constant 0 : index
    %get3A_963 = vector.load %arg2[%get3A_961, %get3A_962] : memref<256x128xf32, #tpu.memory_space<vmem>>, vector<1x128xf32>
    %sub3A_964 = vector.broadcast %get3A_963 : vector<1x128xf32> to vector<512x128xf32>
    %sub3A_965 = arith.subf %reshape3A, %sub3A_964 : vector<512x128xf32>
    %mul3A_966 = arith.mulf %sub3A_965, %sub3A_965 : vector<512x128xf32>
    %reduce_sum3A_967 = arith.constant dense<0.000000e+00> : vector<512xf32>
    %reduce_sum3A_968 = vector.multi_reduction <add>, %mul3A_966, %reduce_sum3A_967 [1] : vector<512x128xf32> to vector<512xf32>
    %broadcast_in_dim3A_969 = vector.shape_cast %reduce_sum3A_968 : vector<512xf32> to vector<512x1xf32>
    %swap3A_970 = arith.constant 0 : index
    %swap3A_971 = arith.constant 80 : index
    %swap3A_972 = vector.load %arg4[%swap3A_970, %swap3A_971] : memref<512x256xf32, #tpu.memory_space<vmem>>, vector<512x1xf32>
    tpu.vector_store %arg4[%swap3A_970, %swap3A_971], %broadcast_in_dim3A_969 {strides = array<i32>} : memref<512x256xf32, #tpu.memory_space<vmem>>, vector<512x1xf32>,
    %get3A_973 = arith.constant 81 : index
    %get3A_974 = arith.constant 0 : index
    %get3A_975 = vector.load %arg2[%get3A_973, %get3A_974] : memref<256x128xf32, #tpu.memory_space<vmem>>, vector<1x128xf32>
    %sub3A_976 = vector.broadcast %get3A_975 : vector<1x128xf32> to vector<512x128xf32>
    %sub3A_977 = arith.subf %reshape3A, %sub3A_976 : vector<512x128xf32>
    %mul3A_978 = arith.mulf %sub3A_977, %sub3A_977 : vector<512x128xf32>
    %reduce_sum3A_979 = arith.constant dense<0.000000e+00> : vector<512xf32>
    %reduce_sum3A_980 = vector.multi_reduction <add>, %mul3A_978, %reduce_sum3A_979 [1] : vector<512x128xf32> to vector<512xf32>
    %broadcast_in_dim3A_981 = vector.shape_cast %reduce_sum3A_980 : vector<512xf32> to vector<512x1xf32>
    %swap3A_982 = arith.constant 0 : index
    %swap3A_983 = arith.constant 81 : index
    %swap3A_984 = vector.load %arg4[%swap3A_982, %swap3A_983] : memref<512x256xf32, #tpu.memory_space<vmem>>, vector<512x1xf32>
    tpu.vector_store %arg4[%swap3A_982, %swap3A_983], %broadcast_in_dim3A_981 {strides = array<i32>} : memref<512x256xf32, #tpu.memory_space<vmem>>, vector<512x1xf32>,
    %get3A_985 = arith.constant 82 : index
    %get3A_986 = arith.constant 0 : index
    %get3A_987 = vector.load %arg2[%get3A_985, %get3A_986] : memref<256x128xf32, #tpu.memory_space<vmem>>, vector<1x128xf32>
    %sub3A_988 = vector.broadcast %get3A_987 : vector<1x128xf32> to vector<512x128xf32>
    %sub3A_989 = arith.subf %reshape3A, %sub3A_988 : vector<512x128xf32>
    %mul3A_990 = arith.mulf %sub3A_989, %sub3A_989 : vector<512x128xf32>
    %reduce_sum3A_991 = arith.constant dense<0.000000e+00> : vector<512xf32>
    %reduce_sum3A_992 = vector.multi_reduction <add>, %mul3A_990, %reduce_sum3A_991 [1] : vector<512x128xf32> to vector<512xf32>
    %broadcast_in_dim3A_993 = vector.shape_cast %reduce_sum3A_992 : vector<512xf32> to vector<512x1xf32>
    %swap3A_994 = arith.constant 0 : index
    %swap3A_995 = arith.constant 82 : index
    %swap3A_996 = vector.load %arg4[%swap3A_994, %swap3A_995] : memref<512x256xf32, #tpu.memory_space<vmem>>, vector<512x1xf32>
    tpu.vector_store %arg4[%swap3A_994, %swap3A_995], %broadcast_in_dim3A_993 {strides = array<i32>} : memref<512x256xf32, #tpu.memory_space<vmem>>, vector<512x1xf32>,
    %get3A_997 = arith.constant 83 : index
    %get3A_998 = arith.constant 0 : index
    %get3A_999 = vector.load %arg2[%get3A_997, %get3A_998] : memref<256x128xf32, #tpu.memory_space<vmem>>, vector<1x128xf32>
    %sub3A_1000 = vector.broadcast %get3A_999 : vector<1x128xf32> to vector<512x128xf32>
    %sub3A_1001 = arith.subf %reshape3A, %sub3A_1000 : vector<512x128xf32>
    %mul3A_1002 = arith.mulf %sub3A_1001, %sub3A_1001 : vector<512x128xf32>
    %reduce_sum3A_1003 = arith.constant dense<0.000000e+00> : vector<512xf32>
    %reduce_sum3A_1004 = vector.multi_reduction <add>, %mul3A_1002, %reduce_sum3A_1003 [1] : vector<512x128xf32> to vector<512xf32>
    %broadcast_in_dim3A_1005 = vector.shape_cast %reduce_sum3A_1004 : vector<512xf32> to vector<512x1xf32>
    %swap3A_1006 = arith.constant 0 : index
    %swap3A_1007 = arith.constant 83 : index
    %swap3A_1008 = vector.load %arg4[%swap3A_1006, %swap3A_1007] : memref<512x256xf32, #tpu.memory_space<vmem>>, vector<512x1xf32>
    tpu.vector_store %arg4[%swap3A_1006, %swap3A_1007], %broadcast_in_dim3A_1005 {strides = array<i32>} : memref<512x256xf32, #tpu.memory_space<vmem>>, vector<512x1xf32>,
    %get3A_1009 = arith.constant 84 : index
    %get3A_1010 = arith.constant 0 : index
    %get3A_1011 = vector.load %arg2[%get3A_1009, %get3A_1010] : memref<256x128xf32, #tpu.memory_space<vmem>>, vector<1x128xf32>
    %sub3A_1012 = vector.broadcast %get3A_1011 : vector<1x128xf32> to vector<512x128xf32>
    %sub3A_1013 = arith.subf %reshape3A, %sub3A_1012 : vector<512x128xf32>
    %mul3A_1014 = arith.mulf %sub3A_1013, %sub3A_1013 : vector<512x128xf32>
    %reduce_sum3A_1015 = arith.constant dense<0.000000e+00> : vector<512xf32>
    %reduce_sum3A_1016 = vector.multi_reduction <add>, %mul3A_1014, %reduce_sum3A_1015 [1] : vector<512x128xf32> to vector<512xf32>
    %broadcast_in_dim3A_1017 = vector.shape_cast %reduce_sum3A_1016 : vector<512xf32> to vector<512x1xf32>
    %swap3A_1018 = arith.constant 0 : index
    %swap3A_1019 = arith.constant 84 : index
    %swap3A_1020 = vector.load %arg4[%swap3A_1018, %swap3A_1019] : memref<512x256xf32, #tpu.memory_space<vmem>>, vector<512x1xf32>
    tpu.vector_store %arg4[%swap3A_1018, %swap3A_1019], %broadcast_in_dim3A_1017 {strides = array<i32>} : memref<512x256xf32, #tpu.memory_space<vmem>>, vector<512x1xf32>,
    %get3A_1021 = arith.constant 85 : index
    %get3A_1022 = arith.constant 0 : index
    %get3A_1023 = vector.load %arg2[%get3A_1021, %get3A_1022] : memref<256x128xf32, #tpu.memory_space<vmem>>, vector<1x128xf32>
    %sub3A_1024 = vector.broadcast %get3A_1023 : vector<1x128xf32> to vector<512x128xf32>
    %sub3A_1025 = arith.subf %reshape3A, %sub3A_1024 : vector<512x128xf32>
    %mul3A_1026 = arith.mulf %sub3A_1025, %sub3A_1025 : vector<512x128xf32>
    %reduce_sum3A_1027 = arith.constant dense<0.000000e+00> : vector<512xf32>
    %reduce_sum3A_1028 = vector.multi_reduction <add>, %mul3A_1026, %reduce_sum3A_1027 [1] : vector<512x128xf32> to vector<512xf32>
    %broadcast_in_dim3A_1029 = vector.shape_cast %reduce_sum3A_1028 : vector<512xf32> to vector<512x1xf32>
    %swap3A_1030 = arith.constant 0 : index
    %swap3A_1031 = arith.constant 85 : index
    %swap3A_1032 = vector.load %arg4[%swap3A_1030, %swap3A_1031] : memref<512x256xf32, #tpu.memory_space<vmem>>, vector<512x1xf32>
    tpu.vector_store %arg4[%swap3A_1030, %swap3A_1031], %broadcast_in_dim3A_1029 {strides = array<i32>} : memref<512x256xf32, #tpu.memory_space<vmem>>, vector<512x1xf32>,
    %get3A_1033 = arith.constant 86 : index
    %get3A_1034 = arith.constant 0 : index
    %get3A_1035 = vector.load %arg2[%get3A_1033, %get3A_1034] : memref<256x128xf32, #tpu.memory_space<vmem>>, vector<1x128xf32>
    %sub3A_1036 = vector.broadcast %get3A_1035 : vector<1x128xf32> to vector<512x128xf32>
    %sub3A_1037 = arith.subf %reshape3A, %sub3A_1036 : vector<512x128xf32>
    %mul3A_1038 = arith.mulf %sub3A_1037, %sub3A_1037 : vector<512x128xf32>
    %reduce_sum3A_1039 = arith.constant dense<0.000000e+00> : vector<512xf32>
    %reduce_sum3A_1040 = vector.multi_reduction <add>, %mul3A_1038, %reduce_sum3A_1039 [1] : vector<512x128xf32> to vector<512xf32>
    %broadcast_in_dim3A_1041 = vector.shape_cast %reduce_sum3A_1040 : vector<512xf32> to vector<512x1xf32>
    %swap3A_1042 = arith.constant 0 : index
    %swap3A_1043 = arith.constant 86 : index
    %swap3A_1044 = vector.load %arg4[%swap3A_1042, %swap3A_1043] : memref<512x256xf32, #tpu.memory_space<vmem>>, vector<512x1xf32>
    tpu.vector_store %arg4[%swap3A_1042, %swap3A_1043], %broadcast_in_dim3A_1041 {strides = array<i32>} : memref<512x256xf32, #tpu.memory_space<vmem>>, vector<512x1xf32>,
    %get3A_1045 = arith.constant 87 : index
    %get3A_1046 = arith.constant 0 : index
    %get3A_1047 = vector.load %arg2[%get3A_1045, %get3A_1046] : memref<256x128xf32, #tpu.memory_space<vmem>>, vector<1x128xf32>
    %sub3A_1048 = vector.broadcast %get3A_1047 : vector<1x128xf32> to vector<512x128xf32>
    %sub3A_1049 = arith.subf %reshape3A, %sub3A_1048 : vector<512x128xf32>
    %mul3A_1050 = arith.mulf %sub3A_1049, %sub3A_1049 : vector<512x128xf32>
    %reduce_sum3A_1051 = arith.constant dense<0.000000e+00> : vector<512xf32>
    %reduce_sum3A_1052 = vector.multi_reduction <add>, %mul3A_1050, %reduce_sum3A_1051 [1] : vector<512x128xf32> to vector<512xf32>
    %broadcast_in_dim3A_1053 = vector.shape_cast %reduce_sum3A_1052 : vector<512xf32> to vector<512x1xf32>
    %swap3A_1054 = arith.constant 0 : index
    %swap3A_1055 = arith.constant 87 : index
    %swap3A_1056 = vector.load %arg4[%swap3A_1054, %swap3A_1055] : memref<512x256xf32, #tpu.memory_space<vmem>>, vector<512x1xf32>
    tpu.vector_store %arg4[%swap3A_1054, %swap3A_1055], %broadcast_in_dim3A_1053 {strides = array<i32>} : memref<512x256xf32, #tpu.memory_space<vmem>>, vector<512x1xf32>,
    %get3A_1057 = arith.constant 88 : index
    %get3A_1058 = arith.constant 0 : index
    %get3A_1059 = vector.load %arg2[%get3A_1057, %get3A_1058] : memref<256x128xf32, #tpu.memory_space<vmem>>, vector<1x128xf32>
    %sub3A_1060 = vector.broadcast %get3A_1059 : vector<1x128xf32> to vector<512x128xf32>
    %sub3A_1061 = arith.subf %reshape3A, %sub3A_1060 : vector<512x128xf32>
    %mul3A_1062 = arith.mulf %sub3A_1061, %sub3A_1061 : vector<512x128xf32>
    %reduce_sum3A_1063 = arith.constant dense<0.000000e+00> : vector<512xf32>
    %reduce_sum3A_1064 = vector.multi_reduction <add>, %mul3A_1062, %reduce_sum3A_1063 [1] : vector<512x128xf32> to vector<512xf32>
    %broadcast_in_dim3A_1065 = vector.shape_cast %reduce_sum3A_1064 : vector<512xf32> to vector<512x1xf32>
    %swap3A_1066 = arith.constant 0 : index
    %swap3A_1067 = arith.constant 88 : index
    %swap3A_1068 = vector.load %arg4[%swap3A_1066, %swap3A_1067] : memref<512x256xf32, #tpu.memory_space<vmem>>, vector<512x1xf32>
    tpu.vector_store %arg4[%swap3A_1066, %swap3A_1067], %broadcast_in_dim3A_1065 {strides = array<i32>} : memref<512x256xf32, #tpu.memory_space<vmem>>, vector<512x1xf32>,
    %get3A_1069 = arith.constant 89 : index
    %get3A_1070 = arith.constant 0 : index
    %get3A_1071 = vector.load %arg2[%get3A_1069, %get3A_1070] : memref<256x128xf32, #tpu.memory_space<vmem>>, vector<1x128xf32>
    %sub3A_1072 = vector.broadcast %get3A_1071 : vector<1x128xf32> to vector<512x128xf32>
    %sub3A_1073 = arith.subf %reshape3A, %sub3A_1072 : vector<512x128xf32>
    %mul3A_1074 = arith.mulf %sub3A_1073, %sub3A_1073 : vector<512x128xf32>
    %reduce_sum3A_1075 = arith.constant dense<0.000000e+00> : vector<512xf32>
    %reduce_sum3A_1076 = vector.multi_reduction <add>, %mul3A_1074, %reduce_sum3A_1075 [1] : vector<512x128xf32> to vector<512xf32>
    %broadcast_in_dim3A_1077 = vector.shape_cast %reduce_sum3A_1076 : vector<512xf32> to vector<512x1xf32>
    %swap3A_1078 = arith.constant 0 : index
    %swap3A_1079 = arith.constant 89 : index
    %swap3A_1080 = vector.load %arg4[%swap3A_1078, %swap3A_1079] : memref<512x256xf32, #tpu.memory_space<vmem>>, vector<512x1xf32>
    tpu.vector_store %arg4[%swap3A_1078, %swap3A_1079], %broadcast_in_dim3A_1077 {strides = array<i32>} : memref<512x256xf32, #tpu.memory_space<vmem>>, vector<512x1xf32>,
    %get3A_1081 = arith.constant 90 : index
    %get3A_1082 = arith.constant 0 : index
    %get3A_1083 = vector.load %arg2[%get3A_1081, %get3A_1082] : memref<256x128xf32, #tpu.memory_space<vmem>>, vector<1x128xf32>
    %sub3A_1084 = vector.broadcast %get3A_1083 : vector<1x128xf32> to vector<512x128xf32>
    %sub3A_1085 = arith.subf %reshape3A, %sub3A_1084 : vector<512x128xf32>
    %mul3A_1086 = arith.mulf %sub3A_1085, %sub3A_1085 : vector<512x128xf32>
    %reduce_sum3A_1087 = arith.constant dense<0.000000e+00> : vector<512xf32>
    %reduce_sum3A_1088 = vector.multi_reduction <add>, %mul3A_1086, %reduce_sum3A_1087 [1] : vector<512x128xf32> to vector<512xf32>
    %broadcast_in_dim3A_1089 = vector.shape_cast %reduce_sum3A_1088 : vector<512xf32> to vector<512x1xf32>
    %swap3A_1090 = arith.constant 0 : index
    %swap3A_1091 = arith.constant 90 : index
    %swap3A_1092 = vector.load %arg4[%swap3A_1090, %swap3A_1091] : memref<512x256xf32, #tpu.memory_space<vmem>>, vector<512x1xf32>
    tpu.vector_store %arg4[%swap3A_1090, %swap3A_1091], %broadcast_in_dim3A_1089 {strides = array<i32>} : memref<512x256xf32, #tpu.memory_space<vmem>>, vector<512x1xf32>,
    %get3A_1093 = arith.constant 91 : index
    %get3A_1094 = arith.constant 0 : index
    %get3A_1095 = vector.load %arg2[%get3A_1093, %get3A_1094] : memref<256x128xf32, #tpu.memory_space<vmem>>, vector<1x128xf32>
    %sub3A_1096 = vector.broadcast %get3A_1095 : vector<1x128xf32> to vector<512x128xf32>
    %sub3A_1097 = arith.subf %reshape3A, %sub3A_1096 : vector<512x128xf32>
    %mul3A_1098 = arith.mulf %sub3A_1097, %sub3A_1097 : vector<512x128xf32>
    %reduce_sum3A_1099 = arith.constant dense<0.000000e+00> : vector<512xf32>
    %reduce_sum3A_1100 = vector.multi_reduction <add>, %mul3A_1098, %reduce_sum3A_1099 [1] : vector<512x128xf32> to vector<512xf32>
    %broadcast_in_dim3A_1101 = vector.shape_cast %reduce_sum3A_1100 : vector<512xf32> to vector<512x1xf32>
    %swap3A_1102 = arith.constant 0 : index
    %swap3A_1103 = arith.constant 91 : index
    %swap3A_1104 = vector.load %arg4[%swap3A_1102, %swap3A_1103] : memref<512x256xf32, #tpu.memory_space<vmem>>, vector<512x1xf32>
    tpu.vector_store %arg4[%swap3A_1102, %swap3A_1103], %broadcast_in_dim3A_1101 {strides = array<i32>} : memref<512x256xf32, #tpu.memory_space<vmem>>, vector<512x1xf32>,
    %get3A_1105 = arith.constant 92 : index
    %get3A_1106 = arith.constant 0 : index
    %get3A_1107 = vector.load %arg2[%get3A_1105, %get3A_1106] : memref<256x128xf32, #tpu.memory_space<vmem>>, vector<1x128xf32>
    %sub3A_1108 = vector.broadcast %get3A_1107 : vector<1x128xf32> to vector<512x128xf32>
    %sub3A_1109 = arith.subf %reshape3A, %sub3A_1108 : vector<512x128xf32>
    %mul3A_1110 = arith.mulf %sub3A_1109, %sub3A_1109 : vector<512x128xf32>
    %reduce_sum3A_1111 = arith.constant dense<0.000000e+00> : vector<512xf32>
    %reduce_sum3A_1112 = vector.multi_reduction <add>, %mul3A_1110, %reduce_sum3A_1111 [1] : vector<512x128xf32> to vector<512xf32>
    %broadcast_in_dim3A_1113 = vector.shape_cast %reduce_sum3A_1112 : vector<512xf32> to vector<512x1xf32>
    %swap3A_1114 = arith.constant 0 : index
    %swap3A_1115 = arith.constant 92 : index
    %swap3A_1116 = vector.load %arg4[%swap3A_1114, %swap3A_1115] : memref<512x256xf32, #tpu.memory_space<vmem>>, vector<512x1xf32>
    tpu.vector_store %arg4[%swap3A_1114, %swap3A_1115], %broadcast_in_dim3A_1113 {strides = array<i32>} : memref<512x256xf32, #tpu.memory_space<vmem>>, vector<512x1xf32>,
    %get3A_1117 = arith.constant 93 : index
    %get3A_1118 = arith.constant 0 : index
    %get3A_1119 = vector.load %arg2[%get3A_1117, %get3A_1118] : memref<256x128xf32, #tpu.memory_space<vmem>>, vector<1x128xf32>
    %sub3A_1120 = vector.broadcast %get3A_1119 : vector<1x128xf32> to vector<512x128xf32>
    %sub3A_1121 = arith.subf %reshape3A, %sub3A_1120 : vector<512x128xf32>
    %mul3A_1122 = arith.mulf %sub3A_1121, %sub3A_1121 : vector<512x128xf32>
    %reduce_sum3A_1123 = arith.constant dense<0.000000e+00> : vector<512xf32>
    %reduce_sum3A_1124 = vector.multi_reduction <add>, %mul3A_1122, %reduce_sum3A_1123 [1] : vector<512x128xf32> to vector<512xf32>
    %broadcast_in_dim3A_1125 = vector.shape_cast %reduce_sum3A_1124 : vector<512xf32> to vector<512x1xf32>
    %swap3A_1126 = arith.constant 0 : index
    %swap3A_1127 = arith.constant 93 : index
    %swap3A_1128 = vector.load %arg4[%swap3A_1126, %swap3A_1127] : memref<512x256xf32, #tpu.memory_space<vmem>>, vector<512x1xf32>
    tpu.vector_store %arg4[%swap3A_1126, %swap3A_1127], %broadcast_in_dim3A_1125 {strides = array<i32>} : memref<512x256xf32, #tpu.memory_space<vmem>>, vector<512x1xf32>,
    %get3A_1129 = arith.constant 94 : index
    %get3A_1130 = arith.constant 0 : index
    %get3A_1131 = vector.load %arg2[%get3A_1129, %get3A_1130] : memref<256x128xf32, #tpu.memory_space<vmem>>, vector<1x128xf32>
    %sub3A_1132 = vector.broadcast %get3A_1131 : vector<1x128xf32> to vector<512x128xf32>
    %sub3A_1133 = arith.subf %reshape3A, %sub3A_1132 : vector<512x128xf32>
    %mul3A_1134 = arith.mulf %sub3A_1133, %sub3A_1133 : vector<512x128xf32>
    %reduce_sum3A_1135 = arith.constant dense<0.000000e+00> : vector<512xf32>
    %reduce_sum3A_1136 = vector.multi_reduction <add>, %mul3A_1134, %reduce_sum3A_1135 [1] : vector<512x128xf32> to vector<512xf32>
    %broadcast_in_dim3A_1137 = vector.shape_cast %reduce_sum3A_1136 : vector<512xf32> to vector<512x1xf32>
    %swap3A_1138 = arith.constant 0 : index
    %swap3A_1139 = arith.constant 94 : index
    %swap3A_1140 = vector.load %arg4[%swap3A_1138, %swap3A_1139] : memref<512x256xf32, #tpu.memory_space<vmem>>, vector<512x1xf32>
    tpu.vector_store %arg4[%swap3A_1138, %swap3A_1139], %broadcast_in_dim3A_1137 {strides = array<i32>} : memref<512x256xf32, #tpu.memory_space<vmem>>, vector<512x1xf32>,
    %get3A_1141 = arith.constant 95 : index
    %get3A_1142 = arith.constant 0 : index
    %get3A_1143 = vector.load %arg2[%get3A_1141, %get3A_1142] : memref<256x128xf32, #tpu.memory_space<vmem>>, vector<1x128xf32>
    %sub3A_1144 = vector.broadcast %get3A_1143 : vector<1x128xf32> to vector<512x128xf32>
    %sub3A_1145 = arith.subf %reshape3A, %sub3A_1144 : vector<512x128xf32>
    %mul3A_1146 = arith.mulf %sub3A_1145, %sub3A_1145 : vector<512x128xf32>
    %reduce_sum3A_1147 = arith.constant dense<0.000000e+00> : vector<512xf32>
    %reduce_sum3A_1148 = vector.multi_reduction <add>, %mul3A_1146, %reduce_sum3A_1147 [1] : vector<512x128xf32> to vector<512xf32>
    %broadcast_in_dim3A_1149 = vector.shape_cast %reduce_sum3A_1148 : vector<512xf32> to vector<512x1xf32>
    %swap3A_1150 = arith.constant 0 : index
    %swap3A_1151 = arith.constant 95 : index
    %swap3A_1152 = vector.load %arg4[%swap3A_1150, %swap3A_1151] : memref<512x256xf32, #tpu.memory_space<vmem>>, vector<512x1xf32>
    tpu.vector_store %arg4[%swap3A_1150, %swap3A_1151], %broadcast_in_dim3A_1149 {strides = array<i32>} : memref<512x256xf32, #tpu.memory_space<vmem>>, vector<512x1xf32>,
    %get3A_1153 = arith.constant 96 : index
    %get3A_1154 = arith.constant 0 : index
    %get3A_1155 = vector.load %arg2[%get3A_1153, %get3A_1154] : memref<256x128xf32, #tpu.memory_space<vmem>>, vector<1x128xf32>
    %sub3A_1156 = vector.broadcast %get3A_1155 : vector<1x128xf32> to vector<512x128xf32>
    %sub3A_1157 = arith.subf %reshape3A, %sub3A_1156 : vector<512x128xf32>
    %mul3A_1158 = arith.mulf %sub3A_1157, %sub3A_1157 : vector<512x128xf32>
    %reduce_sum3A_1159 = arith.constant dense<0.000000e+00> : vector<512xf32>
    %reduce_sum3A_1160 = vector.multi_reduction <add>, %mul3A_1158, %reduce_sum3A_1159 [1] : vector<512x128xf32> to vector<512xf32>
    %broadcast_in_dim3A_1161 = vector.shape_cast %reduce_sum3A_1160 : vector<512xf32> to vector<512x1xf32>
    %swap3A_1162 = arith.constant 0 : index
    %swap3A_1163 = arith.constant 96 : index
    %swap3A_1164 = vector.load %arg4[%swap3A_1162, %swap3A_1163] : memref<512x256xf32, #tpu.memory_space<vmem>>, vector<512x1xf32>
    tpu.vector_store %arg4[%swap3A_1162, %swap3A_1163], %broadcast_in_dim3A_1161 {strides = array<i32>} : memref<512x256xf32, #tpu.memory_space<vmem>>, vector<512x1xf32>,
    %get3A_1165 = arith.constant 97 : index
    %get3A_1166 = arith.constant 0 : index
    %get3A_1167 = vector.load %arg2[%get3A_1165, %get3A_1166] : memref<256x128xf32, #tpu.memory_space<vmem>>, vector<1x128xf32>
    %sub3A_1168 = vector.broadcast %get3A_1167 : vector<1x128xf32> to vector<512x128xf32>
    %sub3A_1169 = arith.subf %reshape3A, %sub3A_1168 : vector<512x128xf32>
    %mul3A_1170 = arith.mulf %sub3A_1169, %sub3A_1169 : vector<512x128xf32>
    %reduce_sum3A_1171 = arith.constant dense<0.000000e+00> : vector<512xf32>
    %reduce_sum3A_1172 = vector.multi_reduction <add>, %mul3A_1170, %reduce_sum3A_1171 [1] : vector<512x128xf32> to vector<512xf32>
    %broadcast_in_dim3A_1173 = vector.shape_cast %reduce_sum3A_1172 : vector<512xf32> to vector<512x1xf32>
    %swap3A_1174 = arith.constant 0 : index
    %swap3A_1175 = arith.constant 97 : index
    %swap3A_1176 = vector.load %arg4[%swap3A_1174, %swap3A_1175] : memref<512x256xf32, #tpu.memory_space<vmem>>, vector<512x1xf32>
    tpu.vector_store %arg4[%swap3A_1174, %swap3A_1175], %broadcast_in_dim3A_1173 {strides = array<i32>} : memref<512x256xf32, #tpu.memory_space<vmem>>, vector<512x1xf32>,
    %get3A_1177 = arith.constant 98 : index
    %get3A_1178 = arith.constant 0 : index
    %get3A_1179 = vector.load %arg2[%get3A_1177, %get3A_1178] : memref<256x128xf32, #tpu.memory_space<vmem>>, vector<1x128xf32>
    %sub3A_1180 = vector.broadcast %get3A_1179 : vector<1x128xf32> to vector<512x128xf32>
    %sub3A_1181 = arith.subf %reshape3A, %sub3A_1180 : vector<512x128xf32>
    %mul3A_1182 = arith.mulf %sub3A_1181, %sub3A_1181 : vector<512x128xf32>
    %reduce_sum3A_1183 = arith.constant dense<0.000000e+00> : vector<512xf32>
    %reduce_sum3A_1184 = vector.multi_reduction <add>, %mul3A_1182, %reduce_sum3A_1183 [1] : vector<512x128xf32> to vector<512xf32>
    %broadcast_in_dim3A_1185 = vector.shape_cast %reduce_sum3A_1184 : vector<512xf32> to vector<512x1xf32>
    %swap3A_1186 = arith.constant 0 : index
    %swap3A_1187 = arith.constant 98 : index
    %swap3A_1188 = vector.load %arg4[%swap3A_1186, %swap3A_1187] : memref<512x256xf32, #tpu.memory_space<vmem>>, vector<512x1xf32>
    tpu.vector_store %arg4[%swap3A_1186, %swap3A_1187], %broadcast_in_dim3A_1185 {strides = array<i32>} : memref<512x256xf32, #tpu.memory_space<vmem>>, vector<512x1xf32>,
    %get3A_1189 = arith.constant 99 : index
    %get3A_1190 = arith.constant 0 : index
    %get3A_1191 = vector.load %arg2[%get3A_1189, %get3A_1190] : memref<256x128xf32, #tpu.memory_space<vmem>>, vector<1x128xf32>
    %sub3A_1192 = vector.broadcast %get3A_1191 : vector<1x128xf32> to vector<512x128xf32>
    %sub3A_1193 = arith.subf %reshape3A, %sub3A_1192 : vector<512x128xf32>
    %mul3A_1194 = arith.mulf %sub3A_1193, %sub3A_1193 : vector<512x128xf32>
    %reduce_sum3A_1195 = arith.constant dense<0.000000e+00> : vector<512xf32>
    %reduce_sum3A_1196 = vector.multi_reduction <add>, %mul3A_1194, %reduce_sum3A_1195 [1] : vector<512x128xf32> to vector<512xf32>
    %broadcast_in_dim3A_1197 = vector.shape_cast %reduce_sum3A_1196 : vector<512xf32> to vector<512x1xf32>
    %swap3A_1198 = arith.constant 0 : index
    %swap3A_1199 = arith.constant 99 : index
    %swap3A_1200 = vector.load %arg4[%swap3A_1198, %swap3A_1199] : memref<512x256xf32, #tpu.memory_space<vmem>>, vector<512x1xf32>
    tpu.vector_store %arg4[%swap3A_1198, %swap3A_1199], %broadcast_in_dim3A_1197 {strides = array<i32>} : memref<512x256xf32, #tpu.memory_space<vmem>>, vector<512x1xf32>,
    %get3A_1201 = arith.constant 100 : index
    %get3A_1202 = arith.constant 0 : index
    %get3A_1203 = vector.load %arg2[%get3A_1201, %get3A_1202] : memref<256x128xf32, #tpu.memory_space<vmem>>, vector<1x128xf32>
    %sub3A_1204 = vector.broadcast %get3A_1203 : vector<1x128xf32> to vector<512x128xf32>
    %sub3A_1205 = arith.subf %reshape3A, %sub3A_1204 : vector<512x128xf32>
    %mul3A_1206 = arith.mulf %sub3A_1205, %sub3A_1205 : vector<512x128xf32>
    %reduce_sum3A_1207 = arith.constant dense<0.000000e+00> : vector<512xf32>
    %reduce_sum3A_1208 = vector.multi_reduction <add>, %mul3A_1206, %reduce_sum3A_1207 [1] : vector<512x128xf32> to vector<512xf32>
    %broadcast_in_dim3A_1209 = vector.shape_cast %reduce_sum3A_1208 : vector<512xf32> to vector<512x1xf32>
    %swap3A_1210 = arith.constant 0 : index
    %swap3A_1211 = arith.constant 100 : index
    %swap3A_1212 = vector.load %arg4[%swap3A_1210, %swap3A_1211] : memref<512x256xf32, #tpu.memory_space<vmem>>, vector<512x1xf32>
    tpu.vector_store %arg4[%swap3A_1210, %swap3A_1211], %broadcast_in_dim3A_1209 {strides = array<i32>} : memref<512x256xf32, #tpu.memory_space<vmem>>, vector<512x1xf32>,
    %get3A_1213 = arith.constant 101 : index
    %get3A_1214 = arith.constant 0 : index
    %get3A_1215 = vector.load %arg2[%get3A_1213, %get3A_1214] : memref<256x128xf32, #tpu.memory_space<vmem>>, vector<1x128xf32>
    %sub3A_1216 = vector.broadcast %get3A_1215 : vector<1x128xf32> to vector<512x128xf32>
    %sub3A_1217 = arith.subf %reshape3A, %sub3A_1216 : vector<512x128xf32>
    %mul3A_1218 = arith.mulf %sub3A_1217, %sub3A_1217 : vector<512x128xf32>
    %reduce_sum3A_1219 = arith.constant dense<0.000000e+00> : vector<512xf32>
    %reduce_sum3A_1220 = vector.multi_reduction <add>, %mul3A_1218, %reduce_sum3A_1219 [1] : vector<512x128xf32> to vector<512xf32>
    %broadcast_in_dim3A_1221 = vector.shape_cast %reduce_sum3A_1220 : vector<512xf32> to vector<512x1xf32>
    %swap3A_1222 = arith.constant 0 : index
    %swap3A_1223 = arith.constant 101 : index
    %swap3A_1224 = vector.load %arg4[%swap3A_1222, %swap3A_1223] : memref<512x256xf32, #tpu.memory_space<vmem>>, vector<512x1xf32>
    tpu.vector_store %arg4[%swap3A_1222, %swap3A_1223], %broadcast_in_dim3A_1221 {strides = array<i32>} : memref<512x256xf32, #tpu.memory_space<vmem>>, vector<512x1xf32>,
    %get3A_1225 = arith.constant 102 : index
    %get3A_1226 = arith.constant 0 : index
    %get3A_1227 = vector.load %arg2[%get3A_1225, %get3A_1226] : memref<256x128xf32, #tpu.memory_space<vmem>>, vector<1x128xf32>
    %sub3A_1228 = vector.broadcast %get3A_1227 : vector<1x128xf32> to vector<512x128xf32>
    %sub3A_1229 = arith.subf %reshape3A, %sub3A_1228 : vector<512x128xf32>
    %mul3A_1230 = arith.mulf %sub3A_1229, %sub3A_1229 : vector<512x128xf32>
    %reduce_sum3A_1231 = arith.constant dense<0.000000e+00> : vector<512xf32>
    %reduce_sum3A_1232 = vector.multi_reduction <add>, %mul3A_1230, %reduce_sum3A_1231 [1] : vector<512x128xf32> to vector<512xf32>
    %broadcast_in_dim3A_1233 = vector.shape_cast %reduce_sum3A_1232 : vector<512xf32> to vector<512x1xf32>
    %swap3A_1234 = arith.constant 0 : index
    %swap3A_1235 = arith.constant 102 : index
    %swap3A_1236 = vector.load %arg4[%swap3A_1234, %swap3A_1235] : memref<512x256xf32, #tpu.memory_space<vmem>>, vector<512x1xf32>
    tpu.vector_store %arg4[%swap3A_1234, %swap3A_1235], %broadcast_in_dim3A_1233 {strides = array<i32>} : memref<512x256xf32, #tpu.memory_space<vmem>>, vector<512x1xf32>,
    %get3A_1237 = arith.constant 103 : index
    %get3A_1238 = arith.constant 0 : index
    %get3A_1239 = vector.load %arg2[%get3A_1237, %get3A_1238] : memref<256x128xf32, #tpu.memory_space<vmem>>, vector<1x128xf32>
    %sub3A_1240 = vector.broadcast %get3A_1239 : vector<1x128xf32> to vector<512x128xf32>
    %sub3A_1241 = arith.subf %reshape3A, %sub3A_1240 : vector<512x128xf32>
    %mul3A_1242 = arith.mulf %sub3A_1241, %sub3A_1241 : vector<512x128xf32>
    %reduce_sum3A_1243 = arith.constant dense<0.000000e+00> : vector<512xf32>
    %reduce_sum3A_1244 = vector.multi_reduction <add>, %mul3A_1242, %reduce_sum3A_1243 [1] : vector<512x128xf32> to vector<512xf32>
    %broadcast_in_dim3A_1245 = vector.shape_cast %reduce_sum3A_1244 : vector<512xf32> to vector<512x1xf32>
    %swap3A_1246 = arith.constant 0 : index
    %swap3A_1247 = arith.constant 103 : index
    %swap3A_1248 = vector.load %arg4[%swap3A_1246, %swap3A_1247] : memref<512x256xf32, #tpu.memory_space<vmem>>, vector<512x1xf32>
    tpu.vector_store %arg4[%swap3A_1246, %swap3A_1247], %broadcast_in_dim3A_1245 {strides = array<i32>} : memref<512x256xf32, #tpu.memory_space<vmem>>, vector<512x1xf32>,
    %get3A_1249 = arith.constant 104 : index
    %get3A_1250 = arith.constant 0 : index
    %get3A_1251 = vector.load %arg2[%get3A_1249, %get3A_1250] : memref<256x128xf32, #tpu.memory_space<vmem>>, vector<1x128xf32>
    %sub3A_1252 = vector.broadcast %get3A_1251 : vector<1x128xf32> to vector<512x128xf32>
    %sub3A_1253 = arith.subf %reshape3A, %sub3A_1252 : vector<512x128xf32>
    %mul3A_1254 = arith.mulf %sub3A_1253, %sub3A_1253 : vector<512x128xf32>
    %reduce_sum3A_1255 = arith.constant dense<0.000000e+00> : vector<512xf32>
    %reduce_sum3A_1256 = vector.multi_reduction <add>, %mul3A_1254, %reduce_sum3A_1255 [1] : vector<512x128xf32> to vector<512xf32>
    %broadcast_in_dim3A_1257 = vector.shape_cast %reduce_sum3A_1256 : vector<512xf32> to vector<512x1xf32>
    %swap3A_1258 = arith.constant 0 : index
    %swap3A_1259 = arith.constant 104 : index
    %swap3A_1260 = vector.load %arg4[%swap3A_1258, %swap3A_1259] : memref<512x256xf32, #tpu.memory_space<vmem>>, vector<512x1xf32>
    tpu.vector_store %arg4[%swap3A_1258, %swap3A_1259], %broadcast_in_dim3A_1257 {strides = array<i32>} : memref<512x256xf32, #tpu.memory_space<vmem>>, vector<512x1xf32>,
    %get3A_1261 = arith.constant 105 : index
    %get3A_1262 = arith.constant 0 : index
    %get3A_1263 = vector.load %arg2[%get3A_1261, %get3A_1262] : memref<256x128xf32, #tpu.memory_space<vmem>>, vector<1x128xf32>
    %sub3A_1264 = vector.broadcast %get3A_1263 : vector<1x128xf32> to vector<512x128xf32>
    %sub3A_1265 = arith.subf %reshape3A, %sub3A_1264 : vector<512x128xf32>
    %mul3A_1266 = arith.mulf %sub3A_1265, %sub3A_1265 : vector<512x128xf32>
    %reduce_sum3A_1267 = arith.constant dense<0.000000e+00> : vector<512xf32>
    %reduce_sum3A_1268 = vector.multi_reduction <add>, %mul3A_1266, %reduce_sum3A_1267 [1] : vector<512x128xf32> to vector<512xf32>
    %broadcast_in_dim3A_1269 = vector.shape_cast %reduce_sum3A_1268 : vector<512xf32> to vector<512x1xf32>
    %swap3A_1270 = arith.constant 0 : index
    %swap3A_1271 = arith.constant 105 : index
    %swap3A_1272 = vector.load %arg4[%swap3A_1270, %swap3A_1271] : memref<512x256xf32, #tpu.memory_space<vmem>>, vector<512x1xf32>
    tpu.vector_store %arg4[%swap3A_1270, %swap3A_1271], %broadcast_in_dim3A_1269 {strides = array<i32>} : memref<512x256xf32, #tpu.memory_space<vmem>>, vector<512x1xf32>,
    %get3A_1273 = arith.constant 106 : index
    %get3A_1274 = arith.constant 0 : index
    %get3A_1275 = vector.load %arg2[%get3A_1273, %get3A_1274] : memref<256x128xf32, #tpu.memory_space<vmem>>, vector<1x128xf32>
    %sub3A_1276 = vector.broadcast %get3A_1275 : vector<1x128xf32> to vector<512x128xf32>
    %sub3A_1277 = arith.subf %reshape3A, %sub3A_1276 : vector<512x128xf32>
    %mul3A_1278 = arith.mulf %sub3A_1277, %sub3A_1277 : vector<512x128xf32>
    %reduce_sum3A_1279 = arith.constant dense<0.000000e+00> : vector<512xf32>
    %reduce_sum3A_1280 = vector.multi_reduction <add>, %mul3A_1278, %reduce_sum3A_1279 [1] : vector<512x128xf32> to vector<512xf32>
    %broadcast_in_dim3A_1281 = vector.shape_cast %reduce_sum3A_1280 : vector<512xf32> to vector<512x1xf32>
    %swap3A_1282 = arith.constant 0 : index
    %swap3A_1283 = arith.constant 106 : index
    %swap3A_1284 = vector.load %arg4[%swap3A_1282, %swap3A_1283] : memref<512x256xf32, #tpu.memory_space<vmem>>, vector<512x1xf32>
    tpu.vector_store %arg4[%swap3A_1282, %swap3A_1283], %broadcast_in_dim3A_1281 {strides = array<i32>} : memref<512x256xf32, #tpu.memory_space<vmem>>, vector<512x1xf32>,
    %get3A_1285 = arith.constant 107 : index
    %get3A_1286 = arith.constant 0 : index
    %get3A_1287 = vector.load %arg2[%get3A_1285, %get3A_1286] : memref<256x128xf32, #tpu.memory_space<vmem>>, vector<1x128xf32>
    %sub3A_1288 = vector.broadcast %get3A_1287 : vector<1x128xf32> to vector<512x128xf32>
    %sub3A_1289 = arith.subf %reshape3A, %sub3A_1288 : vector<512x128xf32>
    %mul3A_1290 = arith.mulf %sub3A_1289, %sub3A_1289 : vector<512x128xf32>
    %reduce_sum3A_1291 = arith.constant dense<0.000000e+00> : vector<512xf32>
    %reduce_sum3A_1292 = vector.multi_reduction <add>, %mul3A_1290, %reduce_sum3A_1291 [1] : vector<512x128xf32> to vector<512xf32>
    %broadcast_in_dim3A_1293 = vector.shape_cast %reduce_sum3A_1292 : vector<512xf32> to vector<512x1xf32>
    %swap3A_1294 = arith.constant 0 : index
    %swap3A_1295 = arith.constant 107 : index
    %swap3A_1296 = vector.load %arg4[%swap3A_1294, %swap3A_1295] : memref<512x256xf32, #tpu.memory_space<vmem>>, vector<512x1xf32>
    tpu.vector_store %arg4[%swap3A_1294, %swap3A_1295], %broadcast_in_dim3A_1293 {strides = array<i32>} : memref<512x256xf32, #tpu.memory_space<vmem>>, vector<512x1xf32>,
    %get3A_1297 = arith.constant 108 : index
    %get3A_1298 = arith.constant 0 : index
    %get3A_1299 = vector.load %arg2[%get3A_1297, %get3A_1298] : memref<256x128xf32, #tpu.memory_space<vmem>>, vector<1x128xf32>
    %sub3A_1300 = vector.broadcast %get3A_1299 : vector<1x128xf32> to vector<512x128xf32>
    %sub3A_1301 = arith.subf %reshape3A, %sub3A_1300 : vector<512x128xf32>
    %mul3A_1302 = arith.mulf %sub3A_1301, %sub3A_1301 : vector<512x128xf32>
    %reduce_sum3A_1303 = arith.constant dense<0.000000e+00> : vector<512xf32>
    %reduce_sum3A_1304 = vector.multi_reduction <add>, %mul3A_1302, %reduce_sum3A_1303 [1] : vector<512x128xf32> to vector<512xf32>
    %broadcast_in_dim3A_1305 = vector.shape_cast %reduce_sum3A_1304 : vector<512xf32> to vector<512x1xf32>
    %swap3A_1306 = arith.constant 0 : index
    %swap3A_1307 = arith.constant 108 : index
    %swap3A_1308 = vector.load %arg4[%swap3A_1306, %swap3A_1307] : memref<512x256xf32, #tpu.memory_space<vmem>>, vector<512x1xf32>
    tpu.vector_store %arg4[%swap3A_1306, %swap3A_1307], %broadcast_in_dim3A_1305 {strides = array<i32>} : memref<512x256xf32, #tpu.memory_space<vmem>>, vector<512x1xf32>,
    %get3A_1309 = arith.constant 109 : index
    %get3A_1310 = arith.constant 0 : index
    %get3A_1311 = vector.load %arg2[%get3A_1309, %get3A_1310] : memref<256x128xf32, #tpu.memory_space<vmem>>, vector<1x128xf32>
    %sub3A_1312 = vector.broadcast %get3A_1311 : vector<1x128xf32> to vector<512x128xf32>
    %sub3A_1313 = arith.subf %reshape3A, %sub3A_1312 : vector<512x128xf32>
    %mul3A_1314 = arith.mulf %sub3A_1313, %sub3A_1313 : vector<512x128xf32>
    %reduce_sum3A_1315 = arith.constant dense<0.000000e+00> : vector<512xf32>
    %reduce_sum3A_1316 = vector.multi_reduction <add>, %mul3A_1314, %reduce_sum3A_1315 [1] : vector<512x128xf32> to vector<512xf32>
    %broadcast_in_dim3A_1317 = vector.shape_cast %reduce_sum3A_1316 : vector<512xf32> to vector<512x1xf32>
    %swap3A_1318 = arith.constant 0 : index
    %swap3A_1319 = arith.constant 109 : index
    %swap3A_1320 = vector.load %arg4[%swap3A_1318, %swap3A_1319] : memref<512x256xf32, #tpu.memory_space<vmem>>, vector<512x1xf32>
    tpu.vector_store %arg4[%swap3A_1318, %swap3A_1319], %broadcast_in_dim3A_1317 {strides = array<i32>} : memref<512x256xf32, #tpu.memory_space<vmem>>, vector<512x1xf32>,
    %get3A_1321 = arith.constant 110 : index
    %get3A_1322 = arith.constant 0 : index
    %get3A_1323 = vector.load %arg2[%get3A_1321, %get3A_1322] : memref<256x128xf32, #tpu.memory_space<vmem>>, vector<1x128xf32>
    %sub3A_1324 = vector.broadcast %get3A_1323 : vector<1x128xf32> to vector<512x128xf32>
    %sub3A_1325 = arith.subf %reshape3A, %sub3A_1324 : vector<512x128xf32>
    %mul3A_1326 = arith.mulf %sub3A_1325, %sub3A_1325 : vector<512x128xf32>
    %reduce_sum3A_1327 = arith.constant dense<0.000000e+00> : vector<512xf32>
    %reduce_sum3A_1328 = vector.multi_reduction <add>, %mul3A_1326, %reduce_sum3A_1327 [1] : vector<512x128xf32> to vector<512xf32>
    %broadcast_in_dim3A_1329 = vector.shape_cast %reduce_sum3A_1328 : vector<512xf32> to vector<512x1xf32>
    %swap3A_1330 = arith.constant 0 : index
    %swap3A_1331 = arith.constant 110 : index
    %swap3A_1332 = vector.load %arg4[%swap3A_1330, %swap3A_1331] : memref<512x256xf32, #tpu.memory_space<vmem>>, vector<512x1xf32>
    tpu.vector_store %arg4[%swap3A_1330, %swap3A_1331], %broadcast_in_dim3A_1329 {strides = array<i32>} : memref<512x256xf32, #tpu.memory_space<vmem>>, vector<512x1xf32>,
    %get3A_1333 = arith.constant 111 : index
    %get3A_1334 = arith.constant 0 : index
    %get3A_1335 = vector.load %arg2[%get3A_1333, %get3A_1334] : memref<256x128xf32, #tpu.memory_space<vmem>>, vector<1x128xf32>
    %sub3A_1336 = vector.broadcast %get3A_1335 : vector<1x128xf32> to vector<512x128xf32>
    %sub3A_1337 = arith.subf %reshape3A, %sub3A_1336 : vector<512x128xf32>
    %mul3A_1338 = arith.mulf %sub3A_1337, %sub3A_1337 : vector<512x128xf32>
    %reduce_sum3A_1339 = arith.constant dense<0.000000e+00> : vector<512xf32>
    %reduce_sum3A_1340 = vector.multi_reduction <add>, %mul3A_1338, %reduce_sum3A_1339 [1] : vector<512x128xf32> to vector<512xf32>
    %broadcast_in_dim3A_1341 = vector.shape_cast %reduce_sum3A_1340 : vector<512xf32> to vector<512x1xf32>
    %swap3A_1342 = arith.constant 0 : index
    %swap3A_1343 = arith.constant 111 : index
    %swap3A_1344 = vector.load %arg4[%swap3A_1342, %swap3A_1343] : memref<512x256xf32, #tpu.memory_space<vmem>>, vector<512x1xf32>
    tpu.vector_store %arg4[%swap3A_1342, %swap3A_1343], %broadcast_in_dim3A_1341 {strides = array<i32>} : memref<512x256xf32, #tpu.memory_space<vmem>>, vector<512x1xf32>,
    %get3A_1345 = arith.constant 112 : index
    %get3A_1346 = arith.constant 0 : index
    %get3A_1347 = vector.load %arg2[%get3A_1345, %get3A_1346] : memref<256x128xf32, #tpu.memory_space<vmem>>, vector<1x128xf32>
    %sub3A_1348 = vector.broadcast %get3A_1347 : vector<1x128xf32> to vector<512x128xf32>
    %sub3A_1349 = arith.subf %reshape3A, %sub3A_1348 : vector<512x128xf32>
    %mul3A_1350 = arith.mulf %sub3A_1349, %sub3A_1349 : vector<512x128xf32>
    %reduce_sum3A_1351 = arith.constant dense<0.000000e+00> : vector<512xf32>
    %reduce_sum3A_1352 = vector.multi_reduction <add>, %mul3A_1350, %reduce_sum3A_1351 [1] : vector<512x128xf32> to vector<512xf32>
    %broadcast_in_dim3A_1353 = vector.shape_cast %reduce_sum3A_1352 : vector<512xf32> to vector<512x1xf32>
    %swap3A_1354 = arith.constant 0 : index
    %swap3A_1355 = arith.constant 112 : index
    %swap3A_1356 = vector.load %arg4[%swap3A_1354, %swap3A_1355] : memref<512x256xf32, #tpu.memory_space<vmem>>, vector<512x1xf32>
    tpu.vector_store %arg4[%swap3A_1354, %swap3A_1355], %broadcast_in_dim3A_1353 {strides = array<i32>} : memref<512x256xf32, #tpu.memory_space<vmem>>, vector<512x1xf32>,
    %get3A_1357 = arith.constant 113 : index
    %get3A_1358 = arith.constant 0 : index
    %get3A_1359 = vector.load %arg2[%get3A_1357, %get3A_1358] : memref<256x128xf32, #tpu.memory_space<vmem>>, vector<1x128xf32>
    %sub3A_1360 = vector.broadcast %get3A_1359 : vector<1x128xf32> to vector<512x128xf32>
    %sub3A_1361 = arith.subf %reshape3A, %sub3A_1360 : vector<512x128xf32>
    %mul3A_1362 = arith.mulf %sub3A_1361, %sub3A_1361 : vector<512x128xf32>
    %reduce_sum3A_1363 = arith.constant dense<0.000000e+00> : vector<512xf32>
    %reduce_sum3A_1364 = vector.multi_reduction <add>, %mul3A_1362, %reduce_sum3A_1363 [1] : vector<512x128xf32> to vector<512xf32>
    %broadcast_in_dim3A_1365 = vector.shape_cast %reduce_sum3A_1364 : vector<512xf32> to vector<512x1xf32>
    %swap3A_1366 = arith.constant 0 : index
    %swap3A_1367 = arith.constant 113 : index
    %swap3A_1368 = vector.load %arg4[%swap3A_1366, %swap3A_1367] : memref<512x256xf32, #tpu.memory_space<vmem>>, vector<512x1xf32>
    tpu.vector_store %arg4[%swap3A_1366, %swap3A_1367], %broadcast_in_dim3A_1365 {strides = array<i32>} : memref<512x256xf32, #tpu.memory_space<vmem>>, vector<512x1xf32>,
    %get3A_1369 = arith.constant 114 : index
    %get3A_1370 = arith.constant 0 : index
    %get3A_1371 = vector.load %arg2[%get3A_1369, %get3A_1370] : memref<256x128xf32, #tpu.memory_space<vmem>>, vector<1x128xf32>
    %sub3A_1372 = vector.broadcast %get3A_1371 : vector<1x128xf32> to vector<512x128xf32>
    %sub3A_1373 = arith.subf %reshape3A, %sub3A_1372 : vector<512x128xf32>
    %mul3A_1374 = arith.mulf %sub3A_1373, %sub3A_1373 : vector<512x128xf32>
    %reduce_sum3A_1375 = arith.constant dense<0.000000e+00> : vector<512xf32>
    %reduce_sum3A_1376 = vector.multi_reduction <add>, %mul3A_1374, %reduce_sum3A_1375 [1] : vector<512x128xf32> to vector<512xf32>
    %broadcast_in_dim3A_1377 = vector.shape_cast %reduce_sum3A_1376 : vector<512xf32> to vector<512x1xf32>
    %swap3A_1378 = arith.constant 0 : index
    %swap3A_1379 = arith.constant 114 : index
    %swap3A_1380 = vector.load %arg4[%swap3A_1378, %swap3A_1379] : memref<512x256xf32, #tpu.memory_space<vmem>>, vector<512x1xf32>
    tpu.vector_store %arg4[%swap3A_1378, %swap3A_1379], %broadcast_in_dim3A_1377 {strides = array<i32>} : memref<512x256xf32, #tpu.memory_space<vmem>>, vector<512x1xf32>,
    %get3A_1381 = arith.constant 115 : index
    %get3A_1382 = arith.constant 0 : index
    %get3A_1383 = vector.load %arg2[%get3A_1381, %get3A_1382] : memref<256x128xf32, #tpu.memory_space<vmem>>, vector<1x128xf32>
    %sub3A_1384 = vector.broadcast %get3A_1383 : vector<1x128xf32> to vector<512x128xf32>
    %sub3A_1385 = arith.subf %reshape3A, %sub3A_1384 : vector<512x128xf32>
    %mul3A_1386 = arith.mulf %sub3A_1385, %sub3A_1385 : vector<512x128xf32>
    %reduce_sum3A_1387 = arith.constant dense<0.000000e+00> : vector<512xf32>
    %reduce_sum3A_1388 = vector.multi_reduction <add>, %mul3A_1386, %reduce_sum3A_1387 [1] : vector<512x128xf32> to vector<512xf32>
    %broadcast_in_dim3A_1389 = vector.shape_cast %reduce_sum3A_1388 : vector<512xf32> to vector<512x1xf32>
    %swap3A_1390 = arith.constant 0 : index
    %swap3A_1391 = arith.constant 115 : index
    %swap3A_1392 = vector.load %arg4[%swap3A_1390, %swap3A_1391] : memref<512x256xf32, #tpu.memory_space<vmem>>, vector<512x1xf32>
    tpu.vector_store %arg4[%swap3A_1390, %swap3A_1391], %broadcast_in_dim3A_1389 {strides = array<i32>} : memref<512x256xf32, #tpu.memory_space<vmem>>, vector<512x1xf32>,
    %get3A_1393 = arith.constant 116 : index
    %get3A_1394 = arith.constant 0 : index
    %get3A_1395 = vector.load %arg2[%get3A_1393, %get3A_1394] : memref<256x128xf32, #tpu.memory_space<vmem>>, vector<1x128xf32>
    %sub3A_1396 = vector.broadcast %get3A_1395 : vector<1x128xf32> to vector<512x128xf32>
    %sub3A_1397 = arith.subf %reshape3A, %sub3A_1396 : vector<512x128xf32>
    %mul3A_1398 = arith.mulf %sub3A_1397, %sub3A_1397 : vector<512x128xf32>
    %reduce_sum3A_1399 = arith.constant dense<0.000000e+00> : vector<512xf32>
    %reduce_sum3A_1400 = vector.multi_reduction <add>, %mul3A_1398, %reduce_sum3A_1399 [1] : vector<512x128xf32> to vector<512xf32>
    %broadcast_in_dim3A_1401 = vector.shape_cast %reduce_sum3A_1400 : vector<512xf32> to vector<512x1xf32>
    %swap3A_1402 = arith.constant 0 : index
    %swap3A_1403 = arith.constant 116 : index
    %swap3A_1404 = vector.load %arg4[%swap3A_1402, %swap3A_1403] : memref<512x256xf32, #tpu.memory_space<vmem>>, vector<512x1xf32>
    tpu.vector_store %arg4[%swap3A_1402, %swap3A_1403], %broadcast_in_dim3A_1401 {strides = array<i32>} : memref<512x256xf32, #tpu.memory_space<vmem>>, vector<512x1xf32>,
    %get3A_1405 = arith.constant 117 : index
    %get3A_1406 = arith.constant 0 : index
    %get3A_1407 = vector.load %arg2[%get3A_1405, %get3A_1406] : memref<256x128xf32, #tpu.memory_space<vmem>>, vector<1x128xf32>
    %sub3A_1408 = vector.broadcast %get3A_1407 : vector<1x128xf32> to vector<512x128xf32>
    %sub3A_1409 = arith.subf %reshape3A, %sub3A_1408 : vector<512x128xf32>
    %mul3A_1410 = arith.mulf %sub3A_1409, %sub3A_1409 : vector<512x128xf32>
    %reduce_sum3A_1411 = arith.constant dense<0.000000e+00> : vector<512xf32>
    %reduce_sum3A_1412 = vector.multi_reduction <add>, %mul3A_1410, %reduce_sum3A_1411 [1] : vector<512x128xf32> to vector<512xf32>
    %broadcast_in_dim3A_1413 = vector.shape_cast %reduce_sum3A_1412 : vector<512xf32> to vector<512x1xf32>
    %swap3A_1414 = arith.constant 0 : index
    %swap3A_1415 = arith.constant 117 : index
    %swap3A_1416 = vector.load %arg4[%swap3A_1414, %swap3A_1415] : memref<512x256xf32, #tpu.memory_space<vmem>>, vector<512x1xf32>
    tpu.vector_store %arg4[%swap3A_1414, %swap3A_1415], %broadcast_in_dim3A_1413 {strides = array<i32>} : memref<512x256xf32, #tpu.memory_space<vmem>>, vector<512x1xf32>,
    %get3A_1417 = arith.constant 118 : index
    %get3A_1418 = arith.constant 0 : index
    %get3A_1419 = vector.load %arg2[%get3A_1417, %get3A_1418] : memref<256x128xf32, #tpu.memory_space<vmem>>, vector<1x128xf32>
    %sub3A_1420 = vector.broadcast %get3A_1419 : vector<1x128xf32> to vector<512x128xf32>
    %sub3A_1421 = arith.subf %reshape3A, %sub3A_1420 : vector<512x128xf32>
    %mul3A_1422 = arith.mulf %sub3A_1421, %sub3A_1421 : vector<512x128xf32>
    %reduce_sum3A_1423 = arith.constant dense<0.000000e+00> : vector<512xf32>
    %reduce_sum3A_1424 = vector.multi_reduction <add>, %mul3A_1422, %reduce_sum3A_1423 [1] : vector<512x128xf32> to vector<512xf32>
    %broadcast_in_dim3A_1425 = vector.shape_cast %reduce_sum3A_1424 : vector<512xf32> to vector<512x1xf32>
    %swap3A_1426 = arith.constant 0 : index
    %swap3A_1427 = arith.constant 118 : index
    %swap3A_1428 = vector.load %arg4[%swap3A_1426, %swap3A_1427] : memref<512x256xf32, #tpu.memory_space<vmem>>, vector<512x1xf32>
    tpu.vector_store %arg4[%swap3A_1426, %swap3A_1427], %broadcast_in_dim3A_1425 {strides = array<i32>} : memref<512x256xf32, #tpu.memory_space<vmem>>, vector<512x1xf32>,
    %get3A_1429 = arith.constant 119 : index
    %get3A_1430 = arith.constant 0 : index
    %get3A_1431 = vector.load %arg2[%get3A_1429, %get3A_1430] : memref<256x128xf32, #tpu.memory_space<vmem>>, vector<1x128xf32>
    %sub3A_1432 = vector.broadcast %get3A_1431 : vector<1x128xf32> to vector<512x128xf32>
    %sub3A_1433 = arith.subf %reshape3A, %sub3A_1432 : vector<512x128xf32>
    %mul3A_1434 = arith.mulf %sub3A_1433, %sub3A_1433 : vector<512x128xf32>
    %reduce_sum3A_1435 = arith.constant dense<0.000000e+00> : vector<512xf32>
    %reduce_sum3A_1436 = vector.multi_reduction <add>, %mul3A_1434, %reduce_sum3A_1435 [1] : vector<512x128xf32> to vector<512xf32>
    %broadcast_in_dim3A_1437 = vector.shape_cast %reduce_sum3A_1436 : vector<512xf32> to vector<512x1xf32>
    %swap3A_1438 = arith.constant 0 : index
    %swap3A_1439 = arith.constant 119 : index
    %swap3A_1440 = vector.load %arg4[%swap3A_1438, %swap3A_1439] : memref<512x256xf32, #tpu.memory_space<vmem>>, vector<512x1xf32>
    tpu.vector_store %arg4[%swap3A_1438, %swap3A_1439], %broadcast_in_dim3A_1437 {strides = array<i32>} : memref<512x256xf32, #tpu.memory_space<vmem>>, vector<512x1xf32>,
    %get3A_1441 = arith.constant 120 : index
    %get3A_1442 = arith.constant 0 : index
    %get3A_1443 = vector.load %arg2[%get3A_1441, %get3A_1442] : memref<256x128xf32, #tpu.memory_space<vmem>>, vector<1x128xf32>
    %sub3A_1444 = vector.broadcast %get3A_1443 : vector<1x128xf32> to vector<512x128xf32>
    %sub3A_1445 = arith.subf %reshape3A, %sub3A_1444 : vector<512x128xf32>
    %mul3A_1446 = arith.mulf %sub3A_1445, %sub3A_1445 : vector<512x128xf32>
    %reduce_sum3A_1447 = arith.constant dense<0.000000e+00> : vector<512xf32>
    %reduce_sum3A_1448 = vector.multi_reduction <add>, %mul3A_1446, %reduce_sum3A_1447 [1] : vector<512x128xf32> to vector<512xf32>
    %broadcast_in_dim3A_1449 = vector.shape_cast %reduce_sum3A_1448 : vector<512xf32> to vector<512x1xf32>
    %swap3A_1450 = arith.constant 0 : index
    %swap3A_1451 = arith.constant 120 : index
    %swap3A_1452 = vector.load %arg4[%swap3A_1450, %swap3A_1451] : memref<512x256xf32, #tpu.memory_space<vmem>>, vector<512x1xf32>
    tpu.vector_store %arg4[%swap3A_1450, %swap3A_1451], %broadcast_in_dim3A_1449 {strides = array<i32>} : memref<512x256xf32, #tpu.memory_space<vmem>>, vector<512x1xf32>,
    %get3A_1453 = arith.constant 121 : index
    %get3A_1454 = arith.constant 0 : index
    %get3A_1455 = vector.load %arg2[%get3A_1453, %get3A_1454] : memref<256x128xf32, #tpu.memory_space<vmem>>, vector<1x128xf32>
    %sub3A_1456 = vector.broadcast %get3A_1455 : vector<1x128xf32> to vector<512x128xf32>
    %sub3A_1457 = arith.subf %reshape3A, %sub3A_1456 : vector<512x128xf32>
    %mul3A_1458 = arith.mulf %sub3A_1457, %sub3A_1457 : vector<512x128xf32>
    %reduce_sum3A_1459 = arith.constant dense<0.000000e+00> : vector<512xf32>
    %reduce_sum3A_1460 = vector.multi_reduction <add>, %mul3A_1458, %reduce_sum3A_1459 [1] : vector<512x128xf32> to vector<512xf32>
    %broadcast_in_dim3A_1461 = vector.shape_cast %reduce_sum3A_1460 : vector<512xf32> to vector<512x1xf32>
    %swap3A_1462 = arith.constant 0 : index
    %swap3A_1463 = arith.constant 121 : index
    %swap3A_1464 = vector.load %arg4[%swap3A_1462, %swap3A_1463] : memref<512x256xf32, #tpu.memory_space<vmem>>, vector<512x1xf32>
    tpu.vector_store %arg4[%swap3A_1462, %swap3A_1463], %broadcast_in_dim3A_1461 {strides = array<i32>} : memref<512x256xf32, #tpu.memory_space<vmem>>, vector<512x1xf32>,
    %get3A_1465 = arith.constant 122 : index
    %get3A_1466 = arith.constant 0 : index
    %get3A_1467 = vector.load %arg2[%get3A_1465, %get3A_1466] : memref<256x128xf32, #tpu.memory_space<vmem>>, vector<1x128xf32>
    %sub3A_1468 = vector.broadcast %get3A_1467 : vector<1x128xf32> to vector<512x128xf32>
    %sub3A_1469 = arith.subf %reshape3A, %sub3A_1468 : vector<512x128xf32>
    %mul3A_1470 = arith.mulf %sub3A_1469, %sub3A_1469 : vector<512x128xf32>
    %reduce_sum3A_1471 = arith.constant dense<0.000000e+00> : vector<512xf32>
    %reduce_sum3A_1472 = vector.multi_reduction <add>, %mul3A_1470, %reduce_sum3A_1471 [1] : vector<512x128xf32> to vector<512xf32>
    %broadcast_in_dim3A_1473 = vector.shape_cast %reduce_sum3A_1472 : vector<512xf32> to vector<512x1xf32>
    %swap3A_1474 = arith.constant 0 : index
    %swap3A_1475 = arith.constant 122 : index
    %swap3A_1476 = vector.load %arg4[%swap3A_1474, %swap3A_1475] : memref<512x256xf32, #tpu.memory_space<vmem>>, vector<512x1xf32>
    tpu.vector_store %arg4[%swap3A_1474, %swap3A_1475], %broadcast_in_dim3A_1473 {strides = array<i32>} : memref<512x256xf32, #tpu.memory_space<vmem>>, vector<512x1xf32>,
    %get3A_1477 = arith.constant 123 : index
    %get3A_1478 = arith.constant 0 : index
    %get3A_1479 = vector.load %arg2[%get3A_1477, %get3A_1478] : memref<256x128xf32, #tpu.memory_space<vmem>>, vector<1x128xf32>
    %sub3A_1480 = vector.broadcast %get3A_1479 : vector<1x128xf32> to vector<512x128xf32>
    %sub3A_1481 = arith.subf %reshape3A, %sub3A_1480 : vector<512x128xf32>
    %mul3A_1482 = arith.mulf %sub3A_1481, %sub3A_1481 : vector<512x128xf32>
    %reduce_sum3A_1483 = arith.constant dense<0.000000e+00> : vector<512xf32>
    %reduce_sum3A_1484 = vector.multi_reduction <add>, %mul3A_1482, %reduce_sum3A_1483 [1] : vector<512x128xf32> to vector<512xf32>
    %broadcast_in_dim3A_1485 = vector.shape_cast %reduce_sum3A_1484 : vector<512xf32> to vector<512x1xf32>
    %swap3A_1486 = arith.constant 0 : index
    %swap3A_1487 = arith.constant 123 : index
    %swap3A_1488 = vector.load %arg4[%swap3A_1486, %swap3A_1487] : memref<512x256xf32, #tpu.memory_space<vmem>>, vector<512x1xf32>
    tpu.vector_store %arg4[%swap3A_1486, %swap3A_1487], %broadcast_in_dim3A_1485 {strides = array<i32>} : memref<512x256xf32, #tpu.memory_space<vmem>>, vector<512x1xf32>,
    %get3A_1489 = arith.constant 124 : index
    %get3A_1490 = arith.constant 0 : index
    %get3A_1491 = vector.load %arg2[%get3A_1489, %get3A_1490] : memref<256x128xf32, #tpu.memory_space<vmem>>, vector<1x128xf32>
    %sub3A_1492 = vector.broadcast %get3A_1491 : vector<1x128xf32> to vector<512x128xf32>
    %sub3A_1493 = arith.subf %reshape3A, %sub3A_1492 : vector<512x128xf32>
    %mul3A_1494 = arith.mulf %sub3A_1493, %sub3A_1493 : vector<512x128xf32>
    %reduce_sum3A_1495 = arith.constant dense<0.000000e+00> : vector<512xf32>
    %reduce_sum3A_1496 = vector.multi_reduction <add>, %mul3A_1494, %reduce_sum3A_1495 [1] : vector<512x128xf32> to vector<512xf32>
    %broadcast_in_dim3A_1497 = vector.shape_cast %reduce_sum3A_1496 : vector<512xf32> to vector<512x1xf32>
    %swap3A_1498 = arith.constant 0 : index
    %swap3A_1499 = arith.constant 124 : index
    %swap3A_1500 = vector.load %arg4[%swap3A_1498, %swap3A_1499] : memref<512x256xf32, #tpu.memory_space<vmem>>, vector<512x1xf32>
    tpu.vector_store %arg4[%swap3A_1498, %swap3A_1499], %broadcast_in_dim3A_1497 {strides = array<i32>} : memref<512x256xf32, #tpu.memory_space<vmem>>, vector<512x1xf32>,
    %get3A_1501 = arith.constant 125 : index
    %get3A_1502 = arith.constant 0 : index
    %get3A_1503 = vector.load %arg2[%get3A_1501, %get3A_1502] : memref<256x128xf32, #tpu.memory_space<vmem>>, vector<1x128xf32>
    %sub3A_1504 = vector.broadcast %get3A_1503 : vector<1x128xf32> to vector<512x128xf32>
    %sub3A_1505 = arith.subf %reshape3A, %sub3A_1504 : vector<512x128xf32>
    %mul3A_1506 = arith.mulf %sub3A_1505, %sub3A_1505 : vector<512x128xf32>
    %reduce_sum3A_1507 = arith.constant dense<0.000000e+00> : vector<512xf32>
    %reduce_sum3A_1508 = vector.multi_reduction <add>, %mul3A_1506, %reduce_sum3A_1507 [1] : vector<512x128xf32> to vector<512xf32>
    %broadcast_in_dim3A_1509 = vector.shape_cast %reduce_sum3A_1508 : vector<512xf32> to vector<512x1xf32>
    %swap3A_1510 = arith.constant 0 : index
    %swap3A_1511 = arith.constant 125 : index
    %swap3A_1512 = vector.load %arg4[%swap3A_1510, %swap3A_1511] : memref<512x256xf32, #tpu.memory_space<vmem>>, vector<512x1xf32>
    tpu.vector_store %arg4[%swap3A_1510, %swap3A_1511], %broadcast_in_dim3A_1509 {strides = array<i32>} : memref<512x256xf32, #tpu.memory_space<vmem>>, vector<512x1xf32>,
    %get3A_1513 = arith.constant 126 : index
    %get3A_1514 = arith.constant 0 : index
    %get3A_1515 = vector.load %arg2[%get3A_1513, %get3A_1514] : memref<256x128xf32, #tpu.memory_space<vmem>>, vector<1x128xf32>
    %sub3A_1516 = vector.broadcast %get3A_1515 : vector<1x128xf32> to vector<512x128xf32>
    %sub3A_1517 = arith.subf %reshape3A, %sub3A_1516 : vector<512x128xf32>
    %mul3A_1518 = arith.mulf %sub3A_1517, %sub3A_1517 : vector<512x128xf32>
    %reduce_sum3A_1519 = arith.constant dense<0.000000e+00> : vector<512xf32>
    %reduce_sum3A_1520 = vector.multi_reduction <add>, %mul3A_1518, %reduce_sum3A_1519 [1] : vector<512x128xf32> to vector<512xf32>
    %broadcast_in_dim3A_1521 = vector.shape_cast %reduce_sum3A_1520 : vector<512xf32> to vector<512x1xf32>
    %swap3A_1522 = arith.constant 0 : index
    %swap3A_1523 = arith.constant 126 : index
    %swap3A_1524 = vector.load %arg4[%swap3A_1522, %swap3A_1523] : memref<512x256xf32, #tpu.memory_space<vmem>>, vector<512x1xf32>
    tpu.vector_store %arg4[%swap3A_1522, %swap3A_1523], %broadcast_in_dim3A_1521 {strides = array<i32>} : memref<512x256xf32, #tpu.memory_space<vmem>>, vector<512x1xf32>,
    %get3A_1525 = arith.constant 127 : index
    %get3A_1526 = arith.constant 0 : index
    %get3A_1527 = vector.load %arg2[%get3A_1525, %get3A_1526] : memref<256x128xf32, #tpu.memory_space<vmem>>, vector<1x128xf32>
    %sub3A_1528 = vector.broadcast %get3A_1527 : vector<1x128xf32> to vector<512x128xf32>
    %sub3A_1529 = arith.subf %reshape3A, %sub3A_1528 : vector<512x128xf32>
    %mul3A_1530 = arith.mulf %sub3A_1529, %sub3A_1529 : vector<512x128xf32>
    %reduce_sum3A_1531 = arith.constant dense<0.000000e+00> : vector<512xf32>
    %reduce_sum3A_1532 = vector.multi_reduction <add>, %mul3A_1530, %reduce_sum3A_1531 [1] : vector<512x128xf32> to vector<512xf32>
    %broadcast_in_dim3A_1533 = vector.shape_cast %reduce_sum3A_1532 : vector<512xf32> to vector<512x1xf32>
    %swap3A_1534 = arith.constant 0 : index
    %swap3A_1535 = arith.constant 127 : index
    %swap3A_1536 = vector.load %arg4[%swap3A_1534, %swap3A_1535] : memref<512x256xf32, #tpu.memory_space<vmem>>, vector<512x1xf32>
    tpu.vector_store %arg4[%swap3A_1534, %swap3A_1535], %broadcast_in_dim3A_1533 {strides = array<i32>} : memref<512x256xf32, #tpu.memory_space<vmem>>, vector<512x1xf32>,
    %get3A_1537 = arith.constant 128 : index
    %get3A_1538 = arith.constant 0 : index
    %get3A_1539 = vector.load %arg2[%get3A_1537, %get3A_1538] : memref<256x128xf32, #tpu.memory_space<vmem>>, vector<1x128xf32>
    %sub3A_1540 = vector.broadcast %get3A_1539 : vector<1x128xf32> to vector<512x128xf32>
    %sub3A_1541 = arith.subf %reshape3A, %sub3A_1540 : vector<512x128xf32>
    %mul3A_1542 = arith.mulf %sub3A_1541, %sub3A_1541 : vector<512x128xf32>
    %reduce_sum3A_1543 = arith.constant dense<0.000000e+00> : vector<512xf32>
    %reduce_sum3A_1544 = vector.multi_reduction <add>, %mul3A_1542, %reduce_sum3A_1543 [1] : vector<512x128xf32> to vector<512xf32>
    %broadcast_in_dim3A_1545 = vector.shape_cast %reduce_sum3A_1544 : vector<512xf32> to vector<512x1xf32>
    %swap3A_1546 = arith.constant 0 : index
    %swap3A_1547 = arith.constant 128 : index
    %swap3A_1548 = vector.load %arg4[%swap3A_1546, %swap3A_1547] : memref<512x256xf32, #tpu.memory_space<vmem>>, vector<512x1xf32>
    tpu.vector_store %arg4[%swap3A_1546, %swap3A_1547], %broadcast_in_dim3A_1545 {strides = array<i32>} : memref<512x256xf32, #tpu.memory_space<vmem>>, vector<512x1xf32>,
    %get3A_1549 = arith.constant 129 : index
    %get3A_1550 = arith.constant 0 : index
    %get3A_1551 = vector.load %arg2[%get3A_1549, %get3A_1550] : memref<256x128xf32, #tpu.memory_space<vmem>>, vector<1x128xf32>
    %sub3A_1552 = vector.broadcast %get3A_1551 : vector<1x128xf32> to vector<512x128xf32>
    %sub3A_1553 = arith.subf %reshape3A, %sub3A_1552 : vector<512x128xf32>
    %mul3A_1554 = arith.mulf %sub3A_1553, %sub3A_1553 : vector<512x128xf32>
    %reduce_sum3A_1555 = arith.constant dense<0.000000e+00> : vector<512xf32>
    %reduce_sum3A_1556 = vector.multi_reduction <add>, %mul3A_1554, %reduce_sum3A_1555 [1] : vector<512x128xf32> to vector<512xf32>
    %broadcast_in_dim3A_1557 = vector.shape_cast %reduce_sum3A_1556 : vector<512xf32> to vector<512x1xf32>
    %swap3A_1558 = arith.constant 0 : index
    %swap3A_1559 = arith.constant 129 : index
    %swap3A_1560 = vector.load %arg4[%swap3A_1558, %swap3A_1559] : memref<512x256xf32, #tpu.memory_space<vmem>>, vector<512x1xf32>
    tpu.vector_store %arg4[%swap3A_1558, %swap3A_1559], %broadcast_in_dim3A_1557 {strides = array<i32>} : memref<512x256xf32, #tpu.memory_space<vmem>>, vector<512x1xf32>,
    %get3A_1561 = arith.constant 130 : index
    %get3A_1562 = arith.constant 0 : index
    %get3A_1563 = vector.load %arg2[%get3A_1561, %get3A_1562] : memref<256x128xf32, #tpu.memory_space<vmem>>, vector<1x128xf32>
    %sub3A_1564 = vector.broadcast %get3A_1563 : vector<1x128xf32> to vector<512x128xf32>
    %sub3A_1565 = arith.subf %reshape3A, %sub3A_1564 : vector<512x128xf32>
    %mul3A_1566 = arith.mulf %sub3A_1565, %sub3A_1565 : vector<512x128xf32>
    %reduce_sum3A_1567 = arith.constant dense<0.000000e+00> : vector<512xf32>
    %reduce_sum3A_1568 = vector.multi_reduction <add>, %mul3A_1566, %reduce_sum3A_1567 [1] : vector<512x128xf32> to vector<512xf32>
    %broadcast_in_dim3A_1569 = vector.shape_cast %reduce_sum3A_1568 : vector<512xf32> to vector<512x1xf32>
    %swap3A_1570 = arith.constant 0 : index
    %swap3A_1571 = arith.constant 130 : index
    %swap3A_1572 = vector.load %arg4[%swap3A_1570, %swap3A_1571] : memref<512x256xf32, #tpu.memory_space<vmem>>, vector<512x1xf32>
    tpu.vector_store %arg4[%swap3A_1570, %swap3A_1571], %broadcast_in_dim3A_1569 {strides = array<i32>} : memref<512x256xf32, #tpu.memory_space<vmem>>, vector<512x1xf32>,
    %get3A_1573 = arith.constant 131 : index
    %get3A_1574 = arith.constant 0 : index
    %get3A_1575 = vector.load %arg2[%get3A_1573, %get3A_1574] : memref<256x128xf32, #tpu.memory_space<vmem>>, vector<1x128xf32>
    %sub3A_1576 = vector.broadcast %get3A_1575 : vector<1x128xf32> to vector<512x128xf32>
    %sub3A_1577 = arith.subf %reshape3A, %sub3A_1576 : vector<512x128xf32>
    %mul3A_1578 = arith.mulf %sub3A_1577, %sub3A_1577 : vector<512x128xf32>
    %reduce_sum3A_1579 = arith.constant dense<0.000000e+00> : vector<512xf32>
    %reduce_sum3A_1580 = vector.multi_reduction <add>, %mul3A_1578, %reduce_sum3A_1579 [1] : vector<512x128xf32> to vector<512xf32>
    %broadcast_in_dim3A_1581 = vector.shape_cast %reduce_sum3A_1580 : vector<512xf32> to vector<512x1xf32>
    %swap3A_1582 = arith.constant 0 : index
    %swap3A_1583 = arith.constant 131 : index
    %swap3A_1584 = vector.load %arg4[%swap3A_1582, %swap3A_1583] : memref<512x256xf32, #tpu.memory_space<vmem>>, vector<512x1xf32>
    tpu.vector_store %arg4[%swap3A_1582, %swap3A_1583], %broadcast_in_dim3A_1581 {strides = array<i32>} : memref<512x256xf32, #tpu.memory_space<vmem>>, vector<512x1xf32>,
    %get3A_1585 = arith.constant 132 : index
    %get3A_1586 = arith.constant 0 : index
    %get3A_1587 = vector.load %arg2[%get3A_1585, %get3A_1586] : memref<256x128xf32, #tpu.memory_space<vmem>>, vector<1x128xf32>
    %sub3A_1588 = vector.broadcast %get3A_1587 : vector<1x128xf32> to vector<512x128xf32>
    %sub3A_1589 = arith.subf %reshape3A, %sub3A_1588 : vector<512x128xf32>
    %mul3A_1590 = arith.mulf %sub3A_1589, %sub3A_1589 : vector<512x128xf32>
    %reduce_sum3A_1591 = arith.constant dense<0.000000e+00> : vector<512xf32>
    %reduce_sum3A_1592 = vector.multi_reduction <add>, %mul3A_1590, %reduce_sum3A_1591 [1] : vector<512x128xf32> to vector<512xf32>
    %broadcast_in_dim3A_1593 = vector.shape_cast %reduce_sum3A_1592 : vector<512xf32> to vector<512x1xf32>
    %swap3A_1594 = arith.constant 0 : index
    %swap3A_1595 = arith.constant 132 : index
    %swap3A_1596 = vector.load %arg4[%swap3A_1594, %swap3A_1595] : memref<512x256xf32, #tpu.memory_space<vmem>>, vector<512x1xf32>
    tpu.vector_store %arg4[%swap3A_1594, %swap3A_1595], %broadcast_in_dim3A_1593 {strides = array<i32>} : memref<512x256xf32, #tpu.memory_space<vmem>>, vector<512x1xf32>,
    %get3A_1597 = arith.constant 133 : index
    %get3A_1598 = arith.constant 0 : index
    %get3A_1599 = vector.load %arg2[%get3A_1597, %get3A_1598] : memref<256x128xf32, #tpu.memory_space<vmem>>, vector<1x128xf32>
    %sub3A_1600 = vector.broadcast %get3A_1599 : vector<1x128xf32> to vector<512x128xf32>
    %sub3A_1601 = arith.subf %reshape3A, %sub3A_1600 : vector<512x128xf32>
    %mul3A_1602 = arith.mulf %sub3A_1601, %sub3A_1601 : vector<512x128xf32>
    %reduce_sum3A_1603 = arith.constant dense<0.000000e+00> : vector<512xf32>
    %reduce_sum3A_1604 = vector.multi_reduction <add>, %mul3A_1602, %reduce_sum3A_1603 [1] : vector<512x128xf32> to vector<512xf32>
    %broadcast_in_dim3A_1605 = vector.shape_cast %reduce_sum3A_1604 : vector<512xf32> to vector<512x1xf32>
    %swap3A_1606 = arith.constant 0 : index
    %swap3A_1607 = arith.constant 133 : index
    %swap3A_1608 = vector.load %arg4[%swap3A_1606, %swap3A_1607] : memref<512x256xf32, #tpu.memory_space<vmem>>, vector<512x1xf32>
    tpu.vector_store %arg4[%swap3A_1606, %swap3A_1607], %broadcast_in_dim3A_1605 {strides = array<i32>} : memref<512x256xf32, #tpu.memory_space<vmem>>, vector<512x1xf32>,
    %get3A_1609 = arith.constant 134 : index
    %get3A_1610 = arith.constant 0 : index
    %get3A_1611 = vector.load %arg2[%get3A_1609, %get3A_1610] : memref<256x128xf32, #tpu.memory_space<vmem>>, vector<1x128xf32>
    %sub3A_1612 = vector.broadcast %get3A_1611 : vector<1x128xf32> to vector<512x128xf32>
    %sub3A_1613 = arith.subf %reshape3A, %sub3A_1612 : vector<512x128xf32>
    %mul3A_1614 = arith.mulf %sub3A_1613, %sub3A_1613 : vector<512x128xf32>
    %reduce_sum3A_1615 = arith.constant dense<0.000000e+00> : vector<512xf32>
    %reduce_sum3A_1616 = vector.multi_reduction <add>, %mul3A_1614, %reduce_sum3A_1615 [1] : vector<512x128xf32> to vector<512xf32>
    %broadcast_in_dim3A_1617 = vector.shape_cast %reduce_sum3A_1616 : vector<512xf32> to vector<512x1xf32>
    %swap3A_1618 = arith.constant 0 : index
    %swap3A_1619 = arith.constant 134 : index
    %swap3A_1620 = vector.load %arg4[%swap3A_1618, %swap3A_1619] : memref<512x256xf32, #tpu.memory_space<vmem>>, vector<512x1xf32>
    tpu.vector_store %arg4[%swap3A_1618, %swap3A_1619], %broadcast_in_dim3A_1617 {strides = array<i32>} : memref<512x256xf32, #tpu.memory_space<vmem>>, vector<512x1xf32>,
    %get3A_1621 = arith.constant 135 : index
    %get3A_1622 = arith.constant 0 : index
    %get3A_1623 = vector.load %arg2[%get3A_1621, %get3A_1622] : memref<256x128xf32, #tpu.memory_space<vmem>>, vector<1x128xf32>
    %sub3A_1624 = vector.broadcast %get3A_1623 : vector<1x128xf32> to vector<512x128xf32>
    %sub3A_1625 = arith.subf %reshape3A, %sub3A_1624 : vector<512x128xf32>
    %mul3A_1626 = arith.mulf %sub3A_1625, %sub3A_1625 : vector<512x128xf32>
    %reduce_sum3A_1627 = arith.constant dense<0.000000e+00> : vector<512xf32>
    %reduce_sum3A_1628 = vector.multi_reduction <add>, %mul3A_1626, %reduce_sum3A_1627 [1] : vector<512x128xf32> to vector<512xf32>
    %broadcast_in_dim3A_1629 = vector.shape_cast %reduce_sum3A_1628 : vector<512xf32> to vector<512x1xf32>
    %swap3A_1630 = arith.constant 0 : index
    %swap3A_1631 = arith.constant 135 : index
    %swap3A_1632 = vector.load %arg4[%swap3A_1630, %swap3A_1631] : memref<512x256xf32, #tpu.memory_space<vmem>>, vector<512x1xf32>
    tpu.vector_store %arg4[%swap3A_1630, %swap3A_1631], %broadcast_in_dim3A_1629 {strides = array<i32>} : memref<512x256xf32, #tpu.memory_space<vmem>>, vector<512x1xf32>,
    %get3A_1633 = arith.constant 136 : index
    %get3A_1634 = arith.constant 0 : index
    %get3A_1635 = vector.load %arg2[%get3A_1633, %get3A_1634] : memref<256x128xf32, #tpu.memory_space<vmem>>, vector<1x128xf32>
    %sub3A_1636 = vector.broadcast %get3A_1635 : vector<1x128xf32> to vector<512x128xf32>
    %sub3A_1637 = arith.subf %reshape3A, %sub3A_1636 : vector<512x128xf32>
    %mul3A_1638 = arith.mulf %sub3A_1637, %sub3A_1637 : vector<512x128xf32>
    %reduce_sum3A_1639 = arith.constant dense<0.000000e+00> : vector<512xf32>
    %reduce_sum3A_1640 = vector.multi_reduction <add>, %mul3A_1638, %reduce_sum3A_1639 [1] : vector<512x128xf32> to vector<512xf32>
    %broadcast_in_dim3A_1641 = vector.shape_cast %reduce_sum3A_1640 : vector<512xf32> to vector<512x1xf32>
    %swap3A_1642 = arith.constant 0 : index
    %swap3A_1643 = arith.constant 136 : index
    %swap3A_1644 = vector.load %arg4[%swap3A_1642, %swap3A_1643] : memref<512x256xf32, #tpu.memory_space<vmem>>, vector<512x1xf32>
    tpu.vector_store %arg4[%swap3A_1642, %swap3A_1643], %broadcast_in_dim3A_1641 {strides = array<i32>} : memref<512x256xf32, #tpu.memory_space<vmem>>, vector<512x1xf32>,
    %get3A_1645 = arith.constant 137 : index
    %get3A_1646 = arith.constant 0 : index
    %get3A_1647 = vector.load %arg2[%get3A_1645, %get3A_1646] : memref<256x128xf32, #tpu.memory_space<vmem>>, vector<1x128xf32>
    %sub3A_1648 = vector.broadcast %get3A_1647 : vector<1x128xf32> to vector<512x128xf32>
    %sub3A_1649 = arith.subf %reshape3A, %sub3A_1648 : vector<512x128xf32>
    %mul3A_1650 = arith.mulf %sub3A_1649, %sub3A_1649 : vector<512x128xf32>
    %reduce_sum3A_1651 = arith.constant dense<0.000000e+00> : vector<512xf32>
    %reduce_sum3A_1652 = vector.multi_reduction <add>, %mul3A_1650, %reduce_sum3A_1651 [1] : vector<512x128xf32> to vector<512xf32>
    %broadcast_in_dim3A_1653 = vector.shape_cast %reduce_sum3A_1652 : vector<512xf32> to vector<512x1xf32>
    %swap3A_1654 = arith.constant 0 : index
    %swap3A_1655 = arith.constant 137 : index
    %swap3A_1656 = vector.load %arg4[%swap3A_1654, %swap3A_1655] : memref<512x256xf32, #tpu.memory_space<vmem>>, vector<512x1xf32>
    tpu.vector_store %arg4[%swap3A_1654, %swap3A_1655], %broadcast_in_dim3A_1653 {strides = array<i32>} : memref<512x256xf32, #tpu.memory_space<vmem>>, vector<512x1xf32>,
    %get3A_1657 = arith.constant 138 : index
    %get3A_1658 = arith.constant 0 : index
    %get3A_1659 = vector.load %arg2[%get3A_1657, %get3A_1658] : memref<256x128xf32, #tpu.memory_space<vmem>>, vector<1x128xf32>
    %sub3A_1660 = vector.broadcast %get3A_1659 : vector<1x128xf32> to vector<512x128xf32>
    %sub3A_1661 = arith.subf %reshape3A, %sub3A_1660 : vector<512x128xf32>
    %mul3A_1662 = arith.mulf %sub3A_1661, %sub3A_1661 : vector<512x128xf32>
    %reduce_sum3A_1663 = arith.constant dense<0.000000e+00> : vector<512xf32>
    %reduce_sum3A_1664 = vector.multi_reduction <add>, %mul3A_1662, %reduce_sum3A_1663 [1] : vector<512x128xf32> to vector<512xf32>
    %broadcast_in_dim3A_1665 = vector.shape_cast %reduce_sum3A_1664 : vector<512xf32> to vector<512x1xf32>
    %swap3A_1666 = arith.constant 0 : index
    %swap3A_1667 = arith.constant 138 : index
    %swap3A_1668 = vector.load %arg4[%swap3A_1666, %swap3A_1667] : memref<512x256xf32, #tpu.memory_space<vmem>>, vector<512x1xf32>
    tpu.vector_store %arg4[%swap3A_1666, %swap3A_1667], %broadcast_in_dim3A_1665 {strides = array<i32>} : memref<512x256xf32, #tpu.memory_space<vmem>>, vector<512x1xf32>,
    %get3A_1669 = arith.constant 139 : index
    %get3A_1670 = arith.constant 0 : index
    %get3A_1671 = vector.load %arg2[%get3A_1669, %get3A_1670] : memref<256x128xf32, #tpu.memory_space<vmem>>, vector<1x128xf32>
    %sub3A_1672 = vector.broadcast %get3A_1671 : vector<1x128xf32> to vector<512x128xf32>
    %sub3A_1673 = arith.subf %reshape3A, %sub3A_1672 : vector<512x128xf32>
    %mul3A_1674 = arith.mulf %sub3A_1673, %sub3A_1673 : vector<512x128xf32>
    %reduce_sum3A_1675 = arith.constant dense<0.000000e+00> : vector<512xf32>
    %reduce_sum3A_1676 = vector.multi_reduction <add>, %mul3A_1674, %reduce_sum3A_1675 [1] : vector<512x128xf32> to vector<512xf32>
    %broadcast_in_dim3A_1677 = vector.shape_cast %reduce_sum3A_1676 : vector<512xf32> to vector<512x1xf32>
    %swap3A_1678 = arith.constant 0 : index
    %swap3A_1679 = arith.constant 139 : index
    %swap3A_1680 = vector.load %arg4[%swap3A_1678, %swap3A_1679] : memref<512x256xf32, #tpu.memory_space<vmem>>, vector<512x1xf32>
    tpu.vector_store %arg4[%swap3A_1678, %swap3A_1679], %broadcast_in_dim3A_1677 {strides = array<i32>} : memref<512x256xf32, #tpu.memory_space<vmem>>, vector<512x1xf32>,
    %get3A_1681 = arith.constant 140 : index
    %get3A_1682 = arith.constant 0 : index
    %get3A_1683 = vector.load %arg2[%get3A_1681, %get3A_1682] : memref<256x128xf32, #tpu.memory_space<vmem>>, vector<1x128xf32>
    %sub3A_1684 = vector.broadcast %get3A_1683 : vector<1x128xf32> to vector<512x128xf32>
    %sub3A_1685 = arith.subf %reshape3A, %sub3A_1684 : vector<512x128xf32>
    %mul3A_1686 = arith.mulf %sub3A_1685, %sub3A_1685 : vector<512x128xf32>
    %reduce_sum3A_1687 = arith.constant dense<0.000000e+00> : vector<512xf32>
    %reduce_sum3A_1688 = vector.multi_reduction <add>, %mul3A_1686, %reduce_sum3A_1687 [1] : vector<512x128xf32> to vector<512xf32>
    %broadcast_in_dim3A_1689 = vector.shape_cast %reduce_sum3A_1688 : vector<512xf32> to vector<512x1xf32>
    %swap3A_1690 = arith.constant 0 : index
    %swap3A_1691 = arith.constant 140 : index
    %swap3A_1692 = vector.load %arg4[%swap3A_1690, %swap3A_1691] : memref<512x256xf32, #tpu.memory_space<vmem>>, vector<512x1xf32>
    tpu.vector_store %arg4[%swap3A_1690, %swap3A_1691], %broadcast_in_dim3A_1689 {strides = array<i32>} : memref<512x256xf32, #tpu.memory_space<vmem>>, vector<512x1xf32>,
    %get3A_1693 = arith.constant 141 : index
    %get3A_1694 = arith.constant 0 : index
    %get3A_1695 = vector.load %arg2[%get3A_1693, %get3A_1694] : memref<256x128xf32, #tpu.memory_space<vmem>>, vector<1x128xf32>
    %sub3A_1696 = vector.broadcast %get3A_1695 : vector<1x128xf32> to vector<512x128xf32>
    %sub3A_1697 = arith.subf %reshape3A, %sub3A_1696 : vector<512x128xf32>
    %mul3A_1698 = arith.mulf %sub3A_1697, %sub3A_1697 : vector<512x128xf32>
    %reduce_sum3A_1699 = arith.constant dense<0.000000e+00> : vector<512xf32>
    %reduce_sum3A_1700 = vector.multi_reduction <add>, %mul3A_1698, %reduce_sum3A_1699 [1] : vector<512x128xf32> to vector<512xf32>
    %broadcast_in_dim3A_1701 = vector.shape_cast %reduce_sum3A_1700 : vector<512xf32> to vector<512x1xf32>
    %swap3A_1702 = arith.constant 0 : index
    %swap3A_1703 = arith.constant 141 : index
    %swap3A_1704 = vector.load %arg4[%swap3A_1702, %swap3A_1703] : memref<512x256xf32, #tpu.memory_space<vmem>>, vector<512x1xf32>
    tpu.vector_store %arg4[%swap3A_1702, %swap3A_1703], %broadcast_in_dim3A_1701 {strides = array<i32>} : memref<512x256xf32, #tpu.memory_space<vmem>>, vector<512x1xf32>,
    %get3A_1705 = arith.constant 142 : index
    %get3A_1706 = arith.constant 0 : index
    %get3A_1707 = vector.load %arg2[%get3A_1705, %get3A_1706] : memref<256x128xf32, #tpu.memory_space<vmem>>, vector<1x128xf32>
    %sub3A_1708 = vector.broadcast %get3A_1707 : vector<1x128xf32> to vector<512x128xf32>
    %sub3A_1709 = arith.subf %reshape3A, %sub3A_1708 : vector<512x128xf32>
    %mul3A_1710 = arith.mulf %sub3A_1709, %sub3A_1709 : vector<512x128xf32>
    %reduce_sum3A_1711 = arith.constant dense<0.000000e+00> : vector<512xf32>
    %reduce_sum3A_1712 = vector.multi_reduction <add>, %mul3A_1710, %reduce_sum3A_1711 [1] : vector<512x128xf32> to vector<512xf32>
    %broadcast_in_dim3A_1713 = vector.shape_cast %reduce_sum3A_1712 : vector<512xf32> to vector<512x1xf32>
    %swap3A_1714 = arith.constant 0 : index
    %swap3A_1715 = arith.constant 142 : index
    %swap3A_1716 = vector.load %arg4[%swap3A_1714, %swap3A_1715] : memref<512x256xf32, #tpu.memory_space<vmem>>, vector<512x1xf32>
    tpu.vector_store %arg4[%swap3A_1714, %swap3A_1715], %broadcast_in_dim3A_1713 {strides = array<i32>} : memref<512x256xf32, #tpu.memory_space<vmem>>, vector<512x1xf32>,
    %get3A_1717 = arith.constant 143 : index
    %get3A_1718 = arith.constant 0 : index
    %get3A_1719 = vector.load %arg2[%get3A_1717, %get3A_1718] : memref<256x128xf32, #tpu.memory_space<vmem>>, vector<1x128xf32>
    %sub3A_1720 = vector.broadcast %get3A_1719 : vector<1x128xf32> to vector<512x128xf32>
    %sub3A_1721 = arith.subf %reshape3A, %sub3A_1720 : vector<512x128xf32>
    %mul3A_1722 = arith.mulf %sub3A_1721, %sub3A_1721 : vector<512x128xf32>
    %reduce_sum3A_1723 = arith.constant dense<0.000000e+00> : vector<512xf32>
    %reduce_sum3A_1724 = vector.multi_reduction <add>, %mul3A_1722, %reduce_sum3A_1723 [1] : vector<512x128xf32> to vector<512xf32>
    %broadcast_in_dim3A_1725 = vector.shape_cast %reduce_sum3A_1724 : vector<512xf32> to vector<512x1xf32>
    %swap3A_1726 = arith.constant 0 : index
    %swap3A_1727 = arith.constant 143 : index
    %swap3A_1728 = vector.load %arg4[%swap3A_1726, %swap3A_1727] : memref<512x256xf32, #tpu.memory_space<vmem>>, vector<512x1xf32>
    tpu.vector_store %arg4[%swap3A_1726, %swap3A_1727], %broadcast_in_dim3A_1725 {strides = array<i32>} : memref<512x256xf32, #tpu.memory_space<vmem>>, vector<512x1xf32>,
    %get3A_1729 = arith.constant 144 : index
    %get3A_1730 = arith.constant 0 : index
    %get3A_1731 = vector.load %arg2[%get3A_1729, %get3A_1730] : memref<256x128xf32, #tpu.memory_space<vmem>>, vector<1x128xf32>
    %sub3A_1732 = vector.broadcast %get3A_1731 : vector<1x128xf32> to vector<512x128xf32>
    %sub3A_1733 = arith.subf %reshape3A, %sub3A_1732 : vector<512x128xf32>
    %mul3A_1734 = arith.mulf %sub3A_1733, %sub3A_1733 : vector<512x128xf32>
    %reduce_sum3A_1735 = arith.constant dense<0.000000e+00> : vector<512xf32>
    %reduce_sum3A_1736 = vector.multi_reduction <add>, %mul3A_1734, %reduce_sum3A_1735 [1] : vector<512x128xf32> to vector<512xf32>
    %broadcast_in_dim3A_1737 = vector.shape_cast %reduce_sum3A_1736 : vector<512xf32> to vector<512x1xf32>
    %swap3A_1738 = arith.constant 0 : index
    %swap3A_1739 = arith.constant 144 : index
    %swap3A_1740 = vector.load %arg4[%swap3A_1738, %swap3A_1739] : memref<512x256xf32, #tpu.memory_space<vmem>>, vector<512x1xf32>
    tpu.vector_store %arg4[%swap3A_1738, %swap3A_1739], %broadcast_in_dim3A_1737 {strides = array<i32>} : memref<512x256xf32, #tpu.memory_space<vmem>>, vector<512x1xf32>,
    %get3A_1741 = arith.constant 145 : index
    %get3A_1742 = arith.constant 0 : index
    %get3A_1743 = vector.load %arg2[%get3A_1741, %get3A_1742] : memref<256x128xf32, #tpu.memory_space<vmem>>, vector<1x128xf32>
    %sub3A_1744 = vector.broadcast %get3A_1743 : vector<1x128xf32> to vector<512x128xf32>
    %sub3A_1745 = arith.subf %reshape3A, %sub3A_1744 : vector<512x128xf32>
    %mul3A_1746 = arith.mulf %sub3A_1745, %sub3A_1745 : vector<512x128xf32>
    %reduce_sum3A_1747 = arith.constant dense<0.000000e+00> : vector<512xf32>
    %reduce_sum3A_1748 = vector.multi_reduction <add>, %mul3A_1746, %reduce_sum3A_1747 [1] : vector<512x128xf32> to vector<512xf32>
    %broadcast_in_dim3A_1749 = vector.shape_cast %reduce_sum3A_1748 : vector<512xf32> to vector<512x1xf32>
    %swap3A_1750 = arith.constant 0 : index
    %swap3A_1751 = arith.constant 145 : index
    %swap3A_1752 = vector.load %arg4[%swap3A_1750, %swap3A_1751] : memref<512x256xf32, #tpu.memory_space<vmem>>, vector<512x1xf32>
    tpu.vector_store %arg4[%swap3A_1750, %swap3A_1751], %broadcast_in_dim3A_1749 {strides = array<i32>} : memref<512x256xf32, #tpu.memory_space<vmem>>, vector<512x1xf32>,
    %get3A_1753 = arith.constant 146 : index
    %get3A_1754 = arith.constant 0 : index
    %get3A_1755 = vector.load %arg2[%get3A_1753, %get3A_1754] : memref<256x128xf32, #tpu.memory_space<vmem>>, vector<1x128xf32>
    %sub3A_1756 = vector.broadcast %get3A_1755 : vector<1x128xf32> to vector<512x128xf32>
    %sub3A_1757 = arith.subf %reshape3A, %sub3A_1756 : vector<512x128xf32>
    %mul3A_1758 = arith.mulf %sub3A_1757, %sub3A_1757 : vector<512x128xf32>
    %reduce_sum3A_1759 = arith.constant dense<0.000000e+00> : vector<512xf32>
    %reduce_sum3A_1760 = vector.multi_reduction <add>, %mul3A_1758, %reduce_sum3A_1759 [1] : vector<512x128xf32> to vector<512xf32>
    %broadcast_in_dim3A_1761 = vector.shape_cast %reduce_sum3A_1760 : vector<512xf32> to vector<512x1xf32>
    %swap3A_1762 = arith.constant 0 : index
    %swap3A_1763 = arith.constant 146 : index
    %swap3A_1764 = vector.load %arg4[%swap3A_1762, %swap3A_1763] : memref<512x256xf32, #tpu.memory_space<vmem>>, vector<512x1xf32>
    tpu.vector_store %arg4[%swap3A_1762, %swap3A_1763], %broadcast_in_dim3A_1761 {strides = array<i32>} : memref<512x256xf32, #tpu.memory_space<vmem>>, vector<512x1xf32>,
    %get3A_1765 = arith.constant 147 : index
    %get3A_1766 = arith.constant 0 : index
    %get3A_1767 = vector.load %arg2[%get3A_1765, %get3A_1766] : memref<256x128xf32, #tpu.memory_space<vmem>>, vector<1x128xf32>
    %sub3A_1768 = vector.broadcast %get3A_1767 : vector<1x128xf32> to vector<512x128xf32>
    %sub3A_1769 = arith.subf %reshape3A, %sub3A_1768 : vector<512x128xf32>
    %mul3A_1770 = arith.mulf %sub3A_1769, %sub3A_1769 : vector<512x128xf32>
    %reduce_sum3A_1771 = arith.constant dense<0.000000e+00> : vector<512xf32>
    %reduce_sum3A_1772 = vector.multi_reduction <add>, %mul3A_1770, %reduce_sum3A_1771 [1] : vector<512x128xf32> to vector<512xf32>
    %broadcast_in_dim3A_1773 = vector.shape_cast %reduce_sum3A_1772 : vector<512xf32> to vector<512x1xf32>
    %swap3A_1774 = arith.constant 0 : index
    %swap3A_1775 = arith.constant 147 : index
    %swap3A_1776 = vector.load %arg4[%swap3A_1774, %swap3A_1775] : memref<512x256xf32, #tpu.memory_space<vmem>>, vector<512x1xf32>
    tpu.vector_store %arg4[%swap3A_1774, %swap3A_1775], %broadcast_in_dim3A_1773 {strides = array<i32>} : memref<512x256xf32, #tpu.memory_space<vmem>>, vector<512x1xf32>,
    %get3A_1777 = arith.constant 148 : index
    %get3A_1778 = arith.constant 0 : index
    %get3A_1779 = vector.load %arg2[%get3A_1777, %get3A_1778] : memref<256x128xf32, #tpu.memory_space<vmem>>, vector<1x128xf32>
    %sub3A_1780 = vector.broadcast %get3A_1779 : vector<1x128xf32> to vector<512x128xf32>
    %sub3A_1781 = arith.subf %reshape3A, %sub3A_1780 : vector<512x128xf32>
    %mul3A_1782 = arith.mulf %sub3A_1781, %sub3A_1781 : vector<512x128xf32>
    %reduce_sum3A_1783 = arith.constant dense<0.000000e+00> : vector<512xf32>
    %reduce_sum3A_1784 = vector.multi_reduction <add>, %mul3A_1782, %reduce_sum3A_1783 [1] : vector<512x128xf32> to vector<512xf32>
    %broadcast_in_dim3A_1785 = vector.shape_cast %reduce_sum3A_1784 : vector<512xf32> to vector<512x1xf32>
    %swap3A_1786 = arith.constant 0 : index
    %swap3A_1787 = arith.constant 148 : index
    %swap3A_1788 = vector.load %arg4[%swap3A_1786, %swap3A_1787] : memref<512x256xf32, #tpu.memory_space<vmem>>, vector<512x1xf32>
    tpu.vector_store %arg4[%swap3A_1786, %swap3A_1787], %broadcast_in_dim3A_1785 {strides = array<i32>} : memref<512x256xf32, #tpu.memory_space<vmem>>, vector<512x1xf32>,
    %get3A_1789 = arith.constant 149 : index
    %get3A_1790 = arith.constant 0 : index
    %get3A_1791 = vector.load %arg2[%get3A_1789, %get3A_1790] : memref<256x128xf32, #tpu.memory_space<vmem>>, vector<1x128xf32>
    %sub3A_1792 = vector.broadcast %get3A_1791 : vector<1x128xf32> to vector<512x128xf32>
    %sub3A_1793 = arith.subf %reshape3A, %sub3A_1792 : vector<512x128xf32>
    %mul3A_1794 = arith.mulf %sub3A_1793, %sub3A_1793 : vector<512x128xf32>
    %reduce_sum3A_1795 = arith.constant dense<0.000000e+00> : vector<512xf32>
    %reduce_sum3A_1796 = vector.multi_reduction <add>, %mul3A_1794, %reduce_sum3A_1795 [1] : vector<512x128xf32> to vector<512xf32>
    %broadcast_in_dim3A_1797 = vector.shape_cast %reduce_sum3A_1796 : vector<512xf32> to vector<512x1xf32>
    %swap3A_1798 = arith.constant 0 : index
    %swap3A_1799 = arith.constant 149 : index
    %swap3A_1800 = vector.load %arg4[%swap3A_1798, %swap3A_1799] : memref<512x256xf32, #tpu.memory_space<vmem>>, vector<512x1xf32>
    tpu.vector_store %arg4[%swap3A_1798, %swap3A_1799], %broadcast_in_dim3A_1797 {strides = array<i32>} : memref<512x256xf32, #tpu.memory_space<vmem>>, vector<512x1xf32>,
    %get3A_1801 = arith.constant 150 : index
    %get3A_1802 = arith.constant 0 : index
    %get3A_1803 = vector.load %arg2[%get3A_1801, %get3A_1802] : memref<256x128xf32, #tpu.memory_space<vmem>>, vector<1x128xf32>
    %sub3A_1804 = vector.broadcast %get3A_1803 : vector<1x128xf32> to vector<512x128xf32>
    %sub3A_1805 = arith.subf %reshape3A, %sub3A_1804 : vector<512x128xf32>
    %mul3A_1806 = arith.mulf %sub3A_1805, %sub3A_1805 : vector<512x128xf32>
    %reduce_sum3A_1807 = arith.constant dense<0.000000e+00> : vector<512xf32>
    %reduce_sum3A_1808 = vector.multi_reduction <add>, %mul3A_1806, %reduce_sum3A_1807 [1] : vector<512x128xf32> to vector<512xf32>
    %broadcast_in_dim3A_1809 = vector.shape_cast %reduce_sum3A_1808 : vector<512xf32> to vector<512x1xf32>
    %swap3A_1810 = arith.constant 0 : index
    %swap3A_1811 = arith.constant 150 : index
    %swap3A_1812 = vector.load %arg4[%swap3A_1810, %swap3A_1811] : memref<512x256xf32, #tpu.memory_space<vmem>>, vector<512x1xf32>
    tpu.vector_store %arg4[%swap3A_1810, %swap3A_1811], %broadcast_in_dim3A_1809 {strides = array<i32>} : memref<512x256xf32, #tpu.memory_space<vmem>>, vector<512x1xf32>,
    %get3A_1813 = arith.constant 151 : index
    %get3A_1814 = arith.constant 0 : index
    %get3A_1815 = vector.load %arg2[%get3A_1813, %get3A_1814] : memref<256x128xf32, #tpu.memory_space<vmem>>, vector<1x128xf32>
    %sub3A_1816 = vector.broadcast %get3A_1815 : vector<1x128xf32> to vector<512x128xf32>
    %sub3A_1817 = arith.subf %reshape3A, %sub3A_1816 : vector<512x128xf32>
    %mul3A_1818 = arith.mulf %sub3A_1817, %sub3A_1817 : vector<512x128xf32>
    %reduce_sum3A_1819 = arith.constant dense<0.000000e+00> : vector<512xf32>
    %reduce_sum3A_1820 = vector.multi_reduction <add>, %mul3A_1818, %reduce_sum3A_1819 [1] : vector<512x128xf32> to vector<512xf32>
    %broadcast_in_dim3A_1821 = vector.shape_cast %reduce_sum3A_1820 : vector<512xf32> to vector<512x1xf32>
    %swap3A_1822 = arith.constant 0 : index
    %swap3A_1823 = arith.constant 151 : index
    %swap3A_1824 = vector.load %arg4[%swap3A_1822, %swap3A_1823] : memref<512x256xf32, #tpu.memory_space<vmem>>, vector<512x1xf32>
    tpu.vector_store %arg4[%swap3A_1822, %swap3A_1823], %broadcast_in_dim3A_1821 {strides = array<i32>} : memref<512x256xf32, #tpu.memory_space<vmem>>, vector<512x1xf32>,
    %get3A_1825 = arith.constant 152 : index
    %get3A_1826 = arith.constant 0 : index
    %get3A_1827 = vector.load %arg2[%get3A_1825, %get3A_1826] : memref<256x128xf32, #tpu.memory_space<vmem>>, vector<1x128xf32>
    %sub3A_1828 = vector.broadcast %get3A_1827 : vector<1x128xf32> to vector<512x128xf32>
    %sub3A_1829 = arith.subf %reshape3A, %sub3A_1828 : vector<512x128xf32>
    %mul3A_1830 = arith.mulf %sub3A_1829, %sub3A_1829 : vector<512x128xf32>
    %reduce_sum3A_1831 = arith.constant dense<0.000000e+00> : vector<512xf32>
    %reduce_sum3A_1832 = vector.multi_reduction <add>, %mul3A_1830, %reduce_sum3A_1831 [1] : vector<512x128xf32> to vector<512xf32>
    %broadcast_in_dim3A_1833 = vector.shape_cast %reduce_sum3A_1832 : vector<512xf32> to vector<512x1xf32>
    %swap3A_1834 = arith.constant 0 : index
    %swap3A_1835 = arith.constant 152 : index
    %swap3A_1836 = vector.load %arg4[%swap3A_1834, %swap3A_1835] : memref<512x256xf32, #tpu.memory_space<vmem>>, vector<512x1xf32>
    tpu.vector_store %arg4[%swap3A_1834, %swap3A_1835], %broadcast_in_dim3A_1833 {strides = array<i32>} : memref<512x256xf32, #tpu.memory_space<vmem>>, vector<512x1xf32>,
    %get3A_1837 = arith.constant 153 : index
    %get3A_1838 = arith.constant 0 : index
    %get3A_1839 = vector.load %arg2[%get3A_1837, %get3A_1838] : memref<256x128xf32, #tpu.memory_space<vmem>>, vector<1x128xf32>
    %sub3A_1840 = vector.broadcast %get3A_1839 : vector<1x128xf32> to vector<512x128xf32>
    %sub3A_1841 = arith.subf %reshape3A, %sub3A_1840 : vector<512x128xf32>
    %mul3A_1842 = arith.mulf %sub3A_1841, %sub3A_1841 : vector<512x128xf32>
    %reduce_sum3A_1843 = arith.constant dense<0.000000e+00> : vector<512xf32>
    %reduce_sum3A_1844 = vector.multi_reduction <add>, %mul3A_1842, %reduce_sum3A_1843 [1] : vector<512x128xf32> to vector<512xf32>
    %broadcast_in_dim3A_1845 = vector.shape_cast %reduce_sum3A_1844 : vector<512xf32> to vector<512x1xf32>
    %swap3A_1846 = arith.constant 0 : index
    %swap3A_1847 = arith.constant 153 : index
    %swap3A_1848 = vector.load %arg4[%swap3A_1846, %swap3A_1847] : memref<512x256xf32, #tpu.memory_space<vmem>>, vector<512x1xf32>
    tpu.vector_store %arg4[%swap3A_1846, %swap3A_1847], %broadcast_in_dim3A_1845 {strides = array<i32>} : memref<512x256xf32, #tpu.memory_space<vmem>>, vector<512x1xf32>,
    %get3A_1849 = arith.constant 154 : index
    %get3A_1850 = arith.constant 0 : index
    %get3A_1851 = vector.load %arg2[%get3A_1849, %get3A_1850] : memref<256x128xf32, #tpu.memory_space<vmem>>, vector<1x128xf32>
    %sub3A_1852 = vector.broadcast %get3A_1851 : vector<1x128xf32> to vector<512x128xf32>
    %sub3A_1853 = arith.subf %reshape3A, %sub3A_1852 : vector<512x128xf32>
    %mul3A_1854 = arith.mulf %sub3A_1853, %sub3A_1853 : vector<512x128xf32>
    %reduce_sum3A_1855 = arith.constant dense<0.000000e+00> : vector<512xf32>
    %reduce_sum3A_1856 = vector.multi_reduction <add>, %mul3A_1854, %reduce_sum3A_1855 [1] : vector<512x128xf32> to vector<512xf32>
    %broadcast_in_dim3A_1857 = vector.shape_cast %reduce_sum3A_1856 : vector<512xf32> to vector<512x1xf32>
    %swap3A_1858 = arith.constant 0 : index
    %swap3A_1859 = arith.constant 154 : index
    %swap3A_1860 = vector.load %arg4[%swap3A_1858, %swap3A_1859] : memref<512x256xf32, #tpu.memory_space<vmem>>, vector<512x1xf32>
    tpu.vector_store %arg4[%swap3A_1858, %swap3A_1859], %broadcast_in_dim3A_1857 {strides = array<i32>} : memref<512x256xf32, #tpu.memory_space<vmem>>, vector<512x1xf32>,
    %get3A_1861 = arith.constant 155 : index
    %get3A_1862 = arith.constant 0 : index
    %get3A_1863 = vector.load %arg2[%get3A_1861, %get3A_1862] : memref<256x128xf32, #tpu.memory_space<vmem>>, vector<1x128xf32>
    %sub3A_1864 = vector.broadcast %get3A_1863 : vector<1x128xf32> to vector<512x128xf32>
    %sub3A_1865 = arith.subf %reshape3A, %sub3A_1864 : vector<512x128xf32>
    %mul3A_1866 = arith.mulf %sub3A_1865, %sub3A_1865 : vector<512x128xf32>
    %reduce_sum3A_1867 = arith.constant dense<0.000000e+00> : vector<512xf32>
    %reduce_sum3A_1868 = vector.multi_reduction <add>, %mul3A_1866, %reduce_sum3A_1867 [1] : vector<512x128xf32> to vector<512xf32>
    %broadcast_in_dim3A_1869 = vector.shape_cast %reduce_sum3A_1868 : vector<512xf32> to vector<512x1xf32>
    %swap3A_1870 = arith.constant 0 : index
    %swap3A_1871 = arith.constant 155 : index
    %swap3A_1872 = vector.load %arg4[%swap3A_1870, %swap3A_1871] : memref<512x256xf32, #tpu.memory_space<vmem>>, vector<512x1xf32>
    tpu.vector_store %arg4[%swap3A_1870, %swap3A_1871], %broadcast_in_dim3A_1869 {strides = array<i32>} : memref<512x256xf32, #tpu.memory_space<vmem>>, vector<512x1xf32>,
    %get3A_1873 = arith.constant 156 : index
    %get3A_1874 = arith.constant 0 : index
    %get3A_1875 = vector.load %arg2[%get3A_1873, %get3A_1874] : memref<256x128xf32, #tpu.memory_space<vmem>>, vector<1x128xf32>
    %sub3A_1876 = vector.broadcast %get3A_1875 : vector<1x128xf32> to vector<512x128xf32>
    %sub3A_1877 = arith.subf %reshape3A, %sub3A_1876 : vector<512x128xf32>
    %mul3A_1878 = arith.mulf %sub3A_1877, %sub3A_1877 : vector<512x128xf32>
    %reduce_sum3A_1879 = arith.constant dense<0.000000e+00> : vector<512xf32>
    %reduce_sum3A_1880 = vector.multi_reduction <add>, %mul3A_1878, %reduce_sum3A_1879 [1] : vector<512x128xf32> to vector<512xf32>
    %broadcast_in_dim3A_1881 = vector.shape_cast %reduce_sum3A_1880 : vector<512xf32> to vector<512x1xf32>
    %swap3A_1882 = arith.constant 0 : index
    %swap3A_1883 = arith.constant 156 : index
    %swap3A_1884 = vector.load %arg4[%swap3A_1882, %swap3A_1883] : memref<512x256xf32, #tpu.memory_space<vmem>>, vector<512x1xf32>
    tpu.vector_store %arg4[%swap3A_1882, %swap3A_1883], %broadcast_in_dim3A_1881 {strides = array<i32>} : memref<512x256xf32, #tpu.memory_space<vmem>>, vector<512x1xf32>,
    %get3A_1885 = arith.constant 157 : index
    %get3A_1886 = arith.constant 0 : index
    %get3A_1887 = vector.load %arg2[%get3A_1885, %get3A_1886] : memref<256x128xf32, #tpu.memory_space<vmem>>, vector<1x128xf32>
    %sub3A_1888 = vector.broadcast %get3A_1887 : vector<1x128xf32> to vector<512x128xf32>
    %sub3A_1889 = arith.subf %reshape3A, %sub3A_1888 : vector<512x128xf32>
    %mul3A_1890 = arith.mulf %sub3A_1889, %sub3A_1889 : vector<512x128xf32>
    %reduce_sum3A_1891 = arith.constant dense<0.000000e+00> : vector<512xf32>
    %reduce_sum3A_1892 = vector.multi_reduction <add>, %mul3A_1890, %reduce_sum3A_1891 [1] : vector<512x128xf32> to vector<512xf32>
    %broadcast_in_dim3A_1893 = vector.shape_cast %reduce_sum3A_1892 : vector<512xf32> to vector<512x1xf32>
    %swap3A_1894 = arith.constant 0 : index
    %swap3A_1895 = arith.constant 157 : index
    %swap3A_1896 = vector.load %arg4[%swap3A_1894, %swap3A_1895] : memref<512x256xf32, #tpu.memory_space<vmem>>, vector<512x1xf32>
    tpu.vector_store %arg4[%swap3A_1894, %swap3A_1895], %broadcast_in_dim3A_1893 {strides = array<i32>} : memref<512x256xf32, #tpu.memory_space<vmem>>, vector<512x1xf32>,
    %get3A_1897 = arith.constant 158 : index
    %get3A_1898 = arith.constant 0 : index
    %get3A_1899 = vector.load %arg2[%get3A_1897, %get3A_1898] : memref<256x128xf32, #tpu.memory_space<vmem>>, vector<1x128xf32>
    %sub3A_1900 = vector.broadcast %get3A_1899 : vector<1x128xf32> to vector<512x128xf32>
    %sub3A_1901 = arith.subf %reshape3A, %sub3A_1900 : vector<512x128xf32>
    %mul3A_1902 = arith.mulf %sub3A_1901, %sub3A_1901 : vector<512x128xf32>
    %reduce_sum3A_1903 = arith.constant dense<0.000000e+00> : vector<512xf32>
    %reduce_sum3A_1904 = vector.multi_reduction <add>, %mul3A_1902, %reduce_sum3A_1903 [1] : vector<512x128xf32> to vector<512xf32>
    %broadcast_in_dim3A_1905 = vector.shape_cast %reduce_sum3A_1904 : vector<512xf32> to vector<512x1xf32>
    %swap3A_1906 = arith.constant 0 : index
    %swap3A_1907 = arith.constant 158 : index
    %swap3A_1908 = vector.load %arg4[%swap3A_1906, %swap3A_1907] : memref<512x256xf32, #tpu.memory_space<vmem>>, vector<512x1xf32>
    tpu.vector_store %arg4[%swap3A_1906, %swap3A_1907], %broadcast_in_dim3A_1905 {strides = array<i32>} : memref<512x256xf32, #tpu.memory_space<vmem>>, vector<512x1xf32>,
    %get3A_1909 = arith.constant 159 : index
    %get3A_1910 = arith.constant 0 : index
    %get3A_1911 = vector.load %arg2[%get3A_1909, %get3A_1910] : memref<256x128xf32, #tpu.memory_space<vmem>>, vector<1x128xf32>
    %sub3A_1912 = vector.broadcast %get3A_1911 : vector<1x128xf32> to vector<512x128xf32>
    %sub3A_1913 = arith.subf %reshape3A, %sub3A_1912 : vector<512x128xf32>
    %mul3A_1914 = arith.mulf %sub3A_1913, %sub3A_1913 : vector<512x128xf32>
    %reduce_sum3A_1915 = arith.constant dense<0.000000e+00> : vector<512xf32>
    %reduce_sum3A_1916 = vector.multi_reduction <add>, %mul3A_1914, %reduce_sum3A_1915 [1] : vector<512x128xf32> to vector<512xf32>
    %broadcast_in_dim3A_1917 = vector.shape_cast %reduce_sum3A_1916 : vector<512xf32> to vector<512x1xf32>
    %swap3A_1918 = arith.constant 0 : index
    %swap3A_1919 = arith.constant 159 : index
    %swap3A_1920 = vector.load %arg4[%swap3A_1918, %swap3A_1919] : memref<512x256xf32, #tpu.memory_space<vmem>>, vector<512x1xf32>
    tpu.vector_store %arg4[%swap3A_1918, %swap3A_1919], %broadcast_in_dim3A_1917 {strides = array<i32>} : memref<512x256xf32, #tpu.memory_space<vmem>>, vector<512x1xf32>,
    %get3A_1921 = arith.constant 160 : index
    %get3A_1922 = arith.constant 0 : index
    %get3A_1923 = vector.load %arg2[%get3A_1921, %get3A_1922] : memref<256x128xf32, #tpu.memory_space<vmem>>, vector<1x128xf32>
    %sub3A_1924 = vector.broadcast %get3A_1923 : vector<1x128xf32> to vector<512x128xf32>
    %sub3A_1925 = arith.subf %reshape3A, %sub3A_1924 : vector<512x128xf32>
    %mul3A_1926 = arith.mulf %sub3A_1925, %sub3A_1925 : vector<512x128xf32>
    %reduce_sum3A_1927 = arith.constant dense<0.000000e+00> : vector<512xf32>
    %reduce_sum3A_1928 = vector.multi_reduction <add>, %mul3A_1926, %reduce_sum3A_1927 [1] : vector<512x128xf32> to vector<512xf32>
    %broadcast_in_dim3A_1929 = vector.shape_cast %reduce_sum3A_1928 : vector<512xf32> to vector<512x1xf32>
    %swap3A_1930 = arith.constant 0 : index
    %swap3A_1931 = arith.constant 160 : index
    %swap3A_1932 = vector.load %arg4[%swap3A_1930, %swap3A_1931] : memref<512x256xf32, #tpu.memory_space<vmem>>, vector<512x1xf32>
    tpu.vector_store %arg4[%swap3A_1930, %swap3A_1931], %broadcast_in_dim3A_1929 {strides = array<i32>} : memref<512x256xf32, #tpu.memory_space<vmem>>, vector<512x1xf32>,
    %get3A_1933 = arith.constant 161 : index
    %get3A_1934 = arith.constant 0 : index
    %get3A_1935 = vector.load %arg2[%get3A_1933, %get3A_1934] : memref<256x128xf32, #tpu.memory_space<vmem>>, vector<1x128xf32>
    %sub3A_1936 = vector.broadcast %get3A_1935 : vector<1x128xf32> to vector<512x128xf32>
    %sub3A_1937 = arith.subf %reshape3A, %sub3A_1936 : vector<512x128xf32>
    %mul3A_1938 = arith.mulf %sub3A_1937, %sub3A_1937 : vector<512x128xf32>
    %reduce_sum3A_1939 = arith.constant dense<0.000000e+00> : vector<512xf32>
    %reduce_sum3A_1940 = vector.multi_reduction <add>, %mul3A_1938, %reduce_sum3A_1939 [1] : vector<512x128xf32> to vector<512xf32>
    %broadcast_in_dim3A_1941 = vector.shape_cast %reduce_sum3A_1940 : vector<512xf32> to vector<512x1xf32>
    %swap3A_1942 = arith.constant 0 : index
    %swap3A_1943 = arith.constant 161 : index
    %swap3A_1944 = vector.load %arg4[%swap3A_1942, %swap3A_1943] : memref<512x256xf32, #tpu.memory_space<vmem>>, vector<512x1xf32>
    tpu.vector_store %arg4[%swap3A_1942, %swap3A_1943], %broadcast_in_dim3A_1941 {strides = array<i32>} : memref<512x256xf32, #tpu.memory_space<vmem>>, vector<512x1xf32>,
    %get3A_1945 = arith.constant 162 : index
    %get3A_1946 = arith.constant 0 : index
    %get3A_1947 = vector.load %arg2[%get3A_1945, %get3A_1946] : memref<256x128xf32, #tpu.memory_space<vmem>>, vector<1x128xf32>
    %sub3A_1948 = vector.broadcast %get3A_1947 : vector<1x128xf32> to vector<512x128xf32>
    %sub3A_1949 = arith.subf %reshape3A, %sub3A_1948 : vector<512x128xf32>
    %mul3A_1950 = arith.mulf %sub3A_1949, %sub3A_1949 : vector<512x128xf32>
    %reduce_sum3A_1951 = arith.constant dense<0.000000e+00> : vector<512xf32>
    %reduce_sum3A_1952 = vector.multi_reduction <add>, %mul3A_1950, %reduce_sum3A_1951 [1] : vector<512x128xf32> to vector<512xf32>
    %broadcast_in_dim3A_1953 = vector.shape_cast %reduce_sum3A_1952 : vector<512xf32> to vector<512x1xf32>
    %swap3A_1954 = arith.constant 0 : index
    %swap3A_1955 = arith.constant 162 : index
    %swap3A_1956 = vector.load %arg4[%swap3A_1954, %swap3A_1955] : memref<512x256xf32, #tpu.memory_space<vmem>>, vector<512x1xf32>
    tpu.vector_store %arg4[%swap3A_1954, %swap3A_1955], %broadcast_in_dim3A_1953 {strides = array<i32>} : memref<512x256xf32, #tpu.memory_space<vmem>>, vector<512x1xf32>,
    %get3A_1957 = arith.constant 163 : index
    %get3A_1958 = arith.constant 0 : index
    %get3A_1959 = vector.load %arg2[%get3A_1957, %get3A_1958] : memref<256x128xf32, #tpu.memory_space<vmem>>, vector<1x128xf32>
    %sub3A_1960 = vector.broadcast %get3A_1959 : vector<1x128xf32> to vector<512x128xf32>
    %sub3A_1961 = arith.subf %reshape3A, %sub3A_1960 : vector<512x128xf32>
    %mul3A_1962 = arith.mulf %sub3A_1961, %sub3A_1961 : vector<512x128xf32>
    %reduce_sum3A_1963 = arith.constant dense<0.000000e+00> : vector<512xf32>
    %reduce_sum3A_1964 = vector.multi_reduction <add>, %mul3A_1962, %reduce_sum3A_1963 [1] : vector<512x128xf32> to vector<512xf32>
    %broadcast_in_dim3A_1965 = vector.shape_cast %reduce_sum3A_1964 : vector<512xf32> to vector<512x1xf32>
    %swap3A_1966 = arith.constant 0 : index
    %swap3A_1967 = arith.constant 163 : index
    %swap3A_1968 = vector.load %arg4[%swap3A_1966, %swap3A_1967] : memref<512x256xf32, #tpu.memory_space<vmem>>, vector<512x1xf32>
    tpu.vector_store %arg4[%swap3A_1966, %swap3A_1967], %broadcast_in_dim3A_1965 {strides = array<i32>} : memref<512x256xf32, #tpu.memory_space<vmem>>, vector<512x1xf32>,
    %get3A_1969 = arith.constant 164 : index
    %get3A_1970 = arith.constant 0 : index
    %get3A_1971 = vector.load %arg2[%get3A_1969, %get3A_1970] : memref<256x128xf32, #tpu.memory_space<vmem>>, vector<1x128xf32>
    %sub3A_1972 = vector.broadcast %get3A_1971 : vector<1x128xf32> to vector<512x128xf32>
    %sub3A_1973 = arith.subf %reshape3A, %sub3A_1972 : vector<512x128xf32>
    %mul3A_1974 = arith.mulf %sub3A_1973, %sub3A_1973 : vector<512x128xf32>
    %reduce_sum3A_1975 = arith.constant dense<0.000000e+00> : vector<512xf32>
    %reduce_sum3A_1976 = vector.multi_reduction <add>, %mul3A_1974, %reduce_sum3A_1975 [1] : vector<512x128xf32> to vector<512xf32>
    %broadcast_in_dim3A_1977 = vector.shape_cast %reduce_sum3A_1976 : vector<512xf32> to vector<512x1xf32>
    %swap3A_1978 = arith.constant 0 : index
    %swap3A_1979 = arith.constant 164 : index
    %swap3A_1980 = vector.load %arg4[%swap3A_1978, %swap3A_1979] : memref<512x256xf32, #tpu.memory_space<vmem>>, vector<512x1xf32>
    tpu.vector_store %arg4[%swap3A_1978, %swap3A_1979], %broadcast_in_dim3A_1977 {strides = array<i32>} : memref<512x256xf32, #tpu.memory_space<vmem>>, vector<512x1xf32>,
    %get3A_1981 = arith.constant 165 : index
    %get3A_1982 = arith.constant 0 : index
    %get3A_1983 = vector.load %arg2[%get3A_1981, %get3A_1982] : memref<256x128xf32, #tpu.memory_space<vmem>>, vector<1x128xf32>
    %sub3A_1984 = vector.broadcast %get3A_1983 : vector<1x128xf32> to vector<512x128xf32>
    %sub3A_1985 = arith.subf %reshape3A, %sub3A_1984 : vector<512x128xf32>
    %mul3A_1986 = arith.mulf %sub3A_1985, %sub3A_1985 : vector<512x128xf32>
    %reduce_sum3A_1987 = arith.constant dense<0.000000e+00> : vector<512xf32>
    %reduce_sum3A_1988 = vector.multi_reduction <add>, %mul3A_1986, %reduce_sum3A_1987 [1] : vector<512x128xf32> to vector<512xf32>
    %broadcast_in_dim3A_1989 = vector.shape_cast %reduce_sum3A_1988 : vector<512xf32> to vector<512x1xf32>
    %swap3A_1990 = arith.constant 0 : index
    %swap3A_1991 = arith.constant 165 : index
    %swap3A_1992 = vector.load %arg4[%swap3A_1990, %swap3A_1991] : memref<512x256xf32, #tpu.memory_space<vmem>>, vector<512x1xf32>
    tpu.vector_store %arg4[%swap3A_1990, %swap3A_1991], %broadcast_in_dim3A_1989 {strides = array<i32>} : memref<512x256xf32, #tpu.memory_space<vmem>>, vector<512x1xf32>,
    %get3A_1993 = arith.constant 166 : index
    %get3A_1994 = arith.constant 0 : index
    %get3A_1995 = vector.load %arg2[%get3A_1993, %get3A_1994] : memref<256x128xf32, #tpu.memory_space<vmem>>, vector<1x128xf32>
    %sub3A_1996 = vector.broadcast %get3A_1995 : vector<1x128xf32> to vector<512x128xf32>
    %sub3A_1997 = arith.subf %reshape3A, %sub3A_1996 : vector<512x128xf32>
    %mul3A_1998 = arith.mulf %sub3A_1997, %sub3A_1997 : vector<512x128xf32>
    %reduce_sum3A_1999 = arith.constant dense<0.000000e+00> : vector<512xf32>
    %reduce_sum3A_2000 = vector.multi_reduction <add>, %mul3A_1998, %reduce_sum3A_1999 [1] : vector<512x128xf32> to vector<512xf32>
    %broadcast_in_dim3A_2001 = vector.shape_cast %reduce_sum3A_2000 : vector<512xf32> to vector<512x1xf32>
    %swap3A_2002 = arith.constant 0 : index
    %swap3A_2003 = arith.constant 166 : index
    %swap3A_2004 = vector.load %arg4[%swap3A_2002, %swap3A_2003] : memref<512x256xf32, #tpu.memory_space<vmem>>, vector<512x1xf32>
    tpu.vector_store %arg4[%swap3A_2002, %swap3A_2003], %broadcast_in_dim3A_2001 {strides = array<i32>} : memref<512x256xf32, #tpu.memory_space<vmem>>, vector<512x1xf32>,
    %get3A_2005 = arith.constant 167 : index
    %get3A_2006 = arith.constant 0 : index
    %get3A_2007 = vector.load %arg2[%get3A_2005, %get3A_2006] : memref<256x128xf32, #tpu.memory_space<vmem>>, vector<1x128xf32>
    %sub3A_2008 = vector.broadcast %get3A_2007 : vector<1x128xf32> to vector<512x128xf32>
    %sub3A_2009 = arith.subf %reshape3A, %sub3A_2008 : vector<512x128xf32>
    %mul3A_2010 = arith.mulf %sub3A_2009, %sub3A_2009 : vector<512x128xf32>
    %reduce_sum3A_2011 = arith.constant dense<0.000000e+00> : vector<512xf32>
    %reduce_sum3A_2012 = vector.multi_reduction <add>, %mul3A_2010, %reduce_sum3A_2011 [1] : vector<512x128xf32> to vector<512xf32>
    %broadcast_in_dim3A_2013 = vector.shape_cast %reduce_sum3A_2012 : vector<512xf32> to vector<512x1xf32>
    %swap3A_2014 = arith.constant 0 : index
    %swap3A_2015 = arith.constant 167 : index
    %swap3A_2016 = vector.load %arg4[%swap3A_2014, %swap3A_2015] : memref<512x256xf32, #tpu.memory_space<vmem>>, vector<512x1xf32>
    tpu.vector_store %arg4[%swap3A_2014, %swap3A_2015], %broadcast_in_dim3A_2013 {strides = array<i32>} : memref<512x256xf32, #tpu.memory_space<vmem>>, vector<512x1xf32>,
    %get3A_2017 = arith.constant 168 : index
    %get3A_2018 = arith.constant 0 : index
    %get3A_2019 = vector.load %arg2[%get3A_2017, %get3A_2018] : memref<256x128xf32, #tpu.memory_space<vmem>>, vector<1x128xf32>
    %sub3A_2020 = vector.broadcast %get3A_2019 : vector<1x128xf32> to vector<512x128xf32>
    %sub3A_2021 = arith.subf %reshape3A, %sub3A_2020 : vector<512x128xf32>
    %mul3A_2022 = arith.mulf %sub3A_2021, %sub3A_2021 : vector<512x128xf32>
    %reduce_sum3A_2023 = arith.constant dense<0.000000e+00> : vector<512xf32>
    %reduce_sum3A_2024 = vector.multi_reduction <add>, %mul3A_2022, %reduce_sum3A_2023 [1] : vector<512x128xf32> to vector<512xf32>
    %broadcast_in_dim3A_2025 = vector.shape_cast %reduce_sum3A_2024 : vector<512xf32> to vector<512x1xf32>
    %swap3A_2026 = arith.constant 0 : index
    %swap3A_2027 = arith.constant 168 : index
    %swap3A_2028 = vector.load %arg4[%swap3A_2026, %swap3A_2027] : memref<512x256xf32, #tpu.memory_space<vmem>>, vector<512x1xf32>
    tpu.vector_store %arg4[%swap3A_2026, %swap3A_2027], %broadcast_in_dim3A_2025 {strides = array<i32>} : memref<512x256xf32, #tpu.memory_space<vmem>>, vector<512x1xf32>,
    %get3A_2029 = arith.constant 169 : index
    %get3A_2030 = arith.constant 0 : index
    %get3A_2031 = vector.load %arg2[%get3A_2029, %get3A_2030] : memref<256x128xf32, #tpu.memory_space<vmem>>, vector<1x128xf32>
    %sub3A_2032 = vector.broadcast %get3A_2031 : vector<1x128xf32> to vector<512x128xf32>
    %sub3A_2033 = arith.subf %reshape3A, %sub3A_2032 : vector<512x128xf32>
    %mul3A_2034 = arith.mulf %sub3A_2033, %sub3A_2033 : vector<512x128xf32>
    %reduce_sum3A_2035 = arith.constant dense<0.000000e+00> : vector<512xf32>
    %reduce_sum3A_2036 = vector.multi_reduction <add>, %mul3A_2034, %reduce_sum3A_2035 [1] : vector<512x128xf32> to vector<512xf32>
    %broadcast_in_dim3A_2037 = vector.shape_cast %reduce_sum3A_2036 : vector<512xf32> to vector<512x1xf32>
    %swap3A_2038 = arith.constant 0 : index
    %swap3A_2039 = arith.constant 169 : index
    %swap3A_2040 = vector.load %arg4[%swap3A_2038, %swap3A_2039] : memref<512x256xf32, #tpu.memory_space<vmem>>, vector<512x1xf32>
    tpu.vector_store %arg4[%swap3A_2038, %swap3A_2039], %broadcast_in_dim3A_2037 {strides = array<i32>} : memref<512x256xf32, #tpu.memory_space<vmem>>, vector<512x1xf32>,
    %get3A_2041 = arith.constant 170 : index
    %get3A_2042 = arith.constant 0 : index
    %get3A_2043 = vector.load %arg2[%get3A_2041, %get3A_2042] : memref<256x128xf32, #tpu.memory_space<vmem>>, vector<1x128xf32>
    %sub3A_2044 = vector.broadcast %get3A_2043 : vector<1x128xf32> to vector<512x128xf32>
    %sub3A_2045 = arith.subf %reshape3A, %sub3A_2044 : vector<512x128xf32>
    %mul3A_2046 = arith.mulf %sub3A_2045, %sub3A_2045 : vector<512x128xf32>
    %reduce_sum3A_2047 = arith.constant dense<0.000000e+00> : vector<512xf32>
    %reduce_sum3A_2048 = vector.multi_reduction <add>, %mul3A_2046, %reduce_sum3A_2047 [1] : vector<512x128xf32> to vector<512xf32>
    %broadcast_in_dim3A_2049 = vector.shape_cast %reduce_sum3A_2048 : vector<512xf32> to vector<512x1xf32>
    %swap3A_2050 = arith.constant 0 : index
    %swap3A_2051 = arith.constant 170 : index
    %swap3A_2052 = vector.load %arg4[%swap3A_2050, %swap3A_2051] : memref<512x256xf32, #tpu.memory_space<vmem>>, vector<512x1xf32>
    tpu.vector_store %arg4[%swap3A_2050, %swap3A_2051], %broadcast_in_dim3A_2049 {strides = array<i32>} : memref<512x256xf32, #tpu.memory_space<vmem>>, vector<512x1xf32>,
    %get3A_2053 = arith.constant 171 : index
    %get3A_2054 = arith.constant 0 : index
    %get3A_2055 = vector.load %arg2[%get3A_2053, %get3A_2054] : memref<256x128xf32, #tpu.memory_space<vmem>>, vector<1x128xf32>
    %sub3A_2056 = vector.broadcast %get3A_2055 : vector<1x128xf32> to vector<512x128xf32>
    %sub3A_2057 = arith.subf %reshape3A, %sub3A_2056 : vector<512x128xf32>
    %mul3A_2058 = arith.mulf %sub3A_2057, %sub3A_2057 : vector<512x128xf32>
    %reduce_sum3A_2059 = arith.constant dense<0.000000e+00> : vector<512xf32>
    %reduce_sum3A_2060 = vector.multi_reduction <add>, %mul3A_2058, %reduce_sum3A_2059 [1] : vector<512x128xf32> to vector<512xf32>
    %broadcast_in_dim3A_2061 = vector.shape_cast %reduce_sum3A_2060 : vector<512xf32> to vector<512x1xf32>
    %swap3A_2062 = arith.constant 0 : index
    %swap3A_2063 = arith.constant 171 : index
    %swap3A_2064 = vector.load %arg4[%swap3A_2062, %swap3A_2063] : memref<512x256xf32, #tpu.memory_space<vmem>>, vector<512x1xf32>
    tpu.vector_store %arg4[%swap3A_2062, %swap3A_2063], %broadcast_in_dim3A_2061 {strides = array<i32>} : memref<512x256xf32, #tpu.memory_space<vmem>>, vector<512x1xf32>,
    %get3A_2065 = arith.constant 172 : index
    %get3A_2066 = arith.constant 0 : index
    %get3A_2067 = vector.load %arg2[%get3A_2065, %get3A_2066] : memref<256x128xf32, #tpu.memory_space<vmem>>, vector<1x128xf32>
    %sub3A_2068 = vector.broadcast %get3A_2067 : vector<1x128xf32> to vector<512x128xf32>
    %sub3A_2069 = arith.subf %reshape3A, %sub3A_2068 : vector<512x128xf32>
    %mul3A_2070 = arith.mulf %sub3A_2069, %sub3A_2069 : vector<512x128xf32>
    %reduce_sum3A_2071 = arith.constant dense<0.000000e+00> : vector<512xf32>
    %reduce_sum3A_2072 = vector.multi_reduction <add>, %mul3A_2070, %reduce_sum3A_2071 [1] : vector<512x128xf32> to vector<512xf32>
    %broadcast_in_dim3A_2073 = vector.shape_cast %reduce_sum3A_2072 : vector<512xf32> to vector<512x1xf32>
    %swap3A_2074 = arith.constant 0 : index
    %swap3A_2075 = arith.constant 172 : index
    %swap3A_2076 = vector.load %arg4[%swap3A_2074, %swap3A_2075] : memref<512x256xf32, #tpu.memory_space<vmem>>, vector<512x1xf32>
    tpu.vector_store %arg4[%swap3A_2074, %swap3A_2075], %broadcast_in_dim3A_2073 {strides = array<i32>} : memref<512x256xf32, #tpu.memory_space<vmem>>, vector<512x1xf32>,
    %get3A_2077 = arith.constant 173 : index
    %get3A_2078 = arith.constant 0 : index
    %get3A_2079 = vector.load %arg2[%get3A_2077, %get3A_2078] : memref<256x128xf32, #tpu.memory_space<vmem>>, vector<1x128xf32>
    %sub3A_2080 = vector.broadcast %get3A_2079 : vector<1x128xf32> to vector<512x128xf32>
    %sub3A_2081 = arith.subf %reshape3A, %sub3A_2080 : vector<512x128xf32>
    %mul3A_2082 = arith.mulf %sub3A_2081, %sub3A_2081 : vector<512x128xf32>
    %reduce_sum3A_2083 = arith.constant dense<0.000000e+00> : vector<512xf32>
    %reduce_sum3A_2084 = vector.multi_reduction <add>, %mul3A_2082, %reduce_sum3A_2083 [1] : vector<512x128xf32> to vector<512xf32>
    %broadcast_in_dim3A_2085 = vector.shape_cast %reduce_sum3A_2084 : vector<512xf32> to vector<512x1xf32>
    %swap3A_2086 = arith.constant 0 : index
    %swap3A_2087 = arith.constant 173 : index
    %swap3A_2088 = vector.load %arg4[%swap3A_2086, %swap3A_2087] : memref<512x256xf32, #tpu.memory_space<vmem>>, vector<512x1xf32>
    tpu.vector_store %arg4[%swap3A_2086, %swap3A_2087], %broadcast_in_dim3A_2085 {strides = array<i32>} : memref<512x256xf32, #tpu.memory_space<vmem>>, vector<512x1xf32>,
    %get3A_2089 = arith.constant 174 : index
    %get3A_2090 = arith.constant 0 : index
    %get3A_2091 = vector.load %arg2[%get3A_2089, %get3A_2090] : memref<256x128xf32, #tpu.memory_space<vmem>>, vector<1x128xf32>
    %sub3A_2092 = vector.broadcast %get3A_2091 : vector<1x128xf32> to vector<512x128xf32>
    %sub3A_2093 = arith.subf %reshape3A, %sub3A_2092 : vector<512x128xf32>
    %mul3A_2094 = arith.mulf %sub3A_2093, %sub3A_2093 : vector<512x128xf32>
    %reduce_sum3A_2095 = arith.constant dense<0.000000e+00> : vector<512xf32>
    %reduce_sum3A_2096 = vector.multi_reduction <add>, %mul3A_2094, %reduce_sum3A_2095 [1] : vector<512x128xf32> to vector<512xf32>
    %broadcast_in_dim3A_2097 = vector.shape_cast %reduce_sum3A_2096 : vector<512xf32> to vector<512x1xf32>
    %swap3A_2098 = arith.constant 0 : index
    %swap3A_2099 = arith.constant 174 : index
    %swap3A_2100 = vector.load %arg4[%swap3A_2098, %swap3A_2099] : memref<512x256xf32, #tpu.memory_space<vmem>>, vector<512x1xf32>
    tpu.vector_store %arg4[%swap3A_2098, %swap3A_2099], %broadcast_in_dim3A_2097 {strides = array<i32>} : memref<512x256xf32, #tpu.memory_space<vmem>>, vector<512x1xf32>,
    %get3A_2101 = arith.constant 175 : index
    %get3A_2102 = arith.constant 0 : index
    %get3A_2103 = vector.load %arg2[%get3A_2101, %get3A_2102] : memref<256x128xf32, #tpu.memory_space<vmem>>, vector<1x128xf32>
    %sub3A_2104 = vector.broadcast %get3A_2103 : vector<1x128xf32> to vector<512x128xf32>
    %sub3A_2105 = arith.subf %reshape3A, %sub3A_2104 : vector<512x128xf32>
    %mul3A_2106 = arith.mulf %sub3A_2105, %sub3A_2105 : vector<512x128xf32>
    %reduce_sum3A_2107 = arith.constant dense<0.000000e+00> : vector<512xf32>
    %reduce_sum3A_2108 = vector.multi_reduction <add>, %mul3A_2106, %reduce_sum3A_2107 [1] : vector<512x128xf32> to vector<512xf32>
    %broadcast_in_dim3A_2109 = vector.shape_cast %reduce_sum3A_2108 : vector<512xf32> to vector<512x1xf32>
    %swap3A_2110 = arith.constant 0 : index
    %swap3A_2111 = arith.constant 175 : index
    %swap3A_2112 = vector.load %arg4[%swap3A_2110, %swap3A_2111] : memref<512x256xf32, #tpu.memory_space<vmem>>, vector<512x1xf32>
    tpu.vector_store %arg4[%swap3A_2110, %swap3A_2111], %broadcast_in_dim3A_2109 {strides = array<i32>} : memref<512x256xf32, #tpu.memory_space<vmem>>, vector<512x1xf32>,
    %get3A_2113 = arith.constant 176 : index
    %get3A_2114 = arith.constant 0 : index
    %get3A_2115 = vector.load %arg2[%get3A_2113, %get3A_2114] : memref<256x128xf32, #tpu.memory_space<vmem>>, vector<1x128xf32>
    %sub3A_2116 = vector.broadcast %get3A_2115 : vector<1x128xf32> to vector<512x128xf32>
    %sub3A_2117 = arith.subf %reshape3A, %sub3A_2116 : vector<512x128xf32>
    %mul3A_2118 = arith.mulf %sub3A_2117, %sub3A_2117 : vector<512x128xf32>
    %reduce_sum3A_2119 = arith.constant dense<0.000000e+00> : vector<512xf32>
    %reduce_sum3A_2120 = vector.multi_reduction <add>, %mul3A_2118, %reduce_sum3A_2119 [1] : vector<512x128xf32> to vector<512xf32>
    %broadcast_in_dim3A_2121 = vector.shape_cast %reduce_sum3A_2120 : vector<512xf32> to vector<512x1xf32>
    %swap3A_2122 = arith.constant 0 : index
    %swap3A_2123 = arith.constant 176 : index
    %swap3A_2124 = vector.load %arg4[%swap3A_2122, %swap3A_2123] : memref<512x256xf32, #tpu.memory_space<vmem>>, vector<512x1xf32>
    tpu.vector_store %arg4[%swap3A_2122, %swap3A_2123], %broadcast_in_dim3A_2121 {strides = array<i32>} : memref<512x256xf32, #tpu.memory_space<vmem>>, vector<512x1xf32>,
    %get3A_2125 = arith.constant 177 : index
    %get3A_2126 = arith.constant 0 : index
    %get3A_2127 = vector.load %arg2[%get3A_2125, %get3A_2126] : memref<256x128xf32, #tpu.memory_space<vmem>>, vector<1x128xf32>
    %sub3A_2128 = vector.broadcast %get3A_2127 : vector<1x128xf32> to vector<512x128xf32>
    %sub3A_2129 = arith.subf %reshape3A, %sub3A_2128 : vector<512x128xf32>
    %mul3A_2130 = arith.mulf %sub3A_2129, %sub3A_2129 : vector<512x128xf32>
    %reduce_sum3A_2131 = arith.constant dense<0.000000e+00> : vector<512xf32>
    %reduce_sum3A_2132 = vector.multi_reduction <add>, %mul3A_2130, %reduce_sum3A_2131 [1] : vector<512x128xf32> to vector<512xf32>
    %broadcast_in_dim3A_2133 = vector.shape_cast %reduce_sum3A_2132 : vector<512xf32> to vector<512x1xf32>
    %swap3A_2134 = arith.constant 0 : index
    %swap3A_2135 = arith.constant 177 : index
    %swap3A_2136 = vector.load %arg4[%swap3A_2134, %swap3A_2135] : memref<512x256xf32, #tpu.memory_space<vmem>>, vector<512x1xf32>
    tpu.vector_store %arg4[%swap3A_2134, %swap3A_2135], %broadcast_in_dim3A_2133 {strides = array<i32>} : memref<512x256xf32, #tpu.memory_space<vmem>>, vector<512x1xf32>,
    %get3A_2137 = arith.constant 178 : index
    %get3A_2138 = arith.constant 0 : index
    %get3A_2139 = vector.load %arg2[%get3A_2137, %get3A_2138] : memref<256x128xf32, #tpu.memory_space<vmem>>, vector<1x128xf32>
    %sub3A_2140 = vector.broadcast %get3A_2139 : vector<1x128xf32> to vector<512x128xf32>
    %sub3A_2141 = arith.subf %reshape3A, %sub3A_2140 : vector<512x128xf32>
    %mul3A_2142 = arith.mulf %sub3A_2141, %sub3A_2141 : vector<512x128xf32>
    %reduce_sum3A_2143 = arith.constant dense<0.000000e+00> : vector<512xf32>
    %reduce_sum3A_2144 = vector.multi_reduction <add>, %mul3A_2142, %reduce_sum3A_2143 [1] : vector<512x128xf32> to vector<512xf32>
    %broadcast_in_dim3A_2145 = vector.shape_cast %reduce_sum3A_2144 : vector<512xf32> to vector<512x1xf32>
    %swap3A_2146 = arith.constant 0 : index
    %swap3A_2147 = arith.constant 178 : index
    %swap3A_2148 = vector.load %arg4[%swap3A_2146, %swap3A_2147] : memref<512x256xf32, #tpu.memory_space<vmem>>, vector<512x1xf32>
    tpu.vector_store %arg4[%swap3A_2146, %swap3A_2147], %broadcast_in_dim3A_2145 {strides = array<i32>} : memref<512x256xf32, #tpu.memory_space<vmem>>, vector<512x1xf32>,
    %get3A_2149 = arith.constant 179 : index
    %get3A_2150 = arith.constant 0 : index
    %get3A_2151 = vector.load %arg2[%get3A_2149, %get3A_2150] : memref<256x128xf32, #tpu.memory_space<vmem>>, vector<1x128xf32>
    %sub3A_2152 = vector.broadcast %get3A_2151 : vector<1x128xf32> to vector<512x128xf32>
    %sub3A_2153 = arith.subf %reshape3A, %sub3A_2152 : vector<512x128xf32>
    %mul3A_2154 = arith.mulf %sub3A_2153, %sub3A_2153 : vector<512x128xf32>
    %reduce_sum3A_2155 = arith.constant dense<0.000000e+00> : vector<512xf32>
    %reduce_sum3A_2156 = vector.multi_reduction <add>, %mul3A_2154, %reduce_sum3A_2155 [1] : vector<512x128xf32> to vector<512xf32>
    %broadcast_in_dim3A_2157 = vector.shape_cast %reduce_sum3A_2156 : vector<512xf32> to vector<512x1xf32>
    %swap3A_2158 = arith.constant 0 : index
    %swap3A_2159 = arith.constant 179 : index
    %swap3A_2160 = vector.load %arg4[%swap3A_2158, %swap3A_2159] : memref<512x256xf32, #tpu.memory_space<vmem>>, vector<512x1xf32>
    tpu.vector_store %arg4[%swap3A_2158, %swap3A_2159], %broadcast_in_dim3A_2157 {strides = array<i32>} : memref<512x256xf32, #tpu.memory_space<vmem>>, vector<512x1xf32>,
    %get3A_2161 = arith.constant 180 : index
    %get3A_2162 = arith.constant 0 : index
    %get3A_2163 = vector.load %arg2[%get3A_2161, %get3A_2162] : memref<256x128xf32, #tpu.memory_space<vmem>>, vector<1x128xf32>
    %sub3A_2164 = vector.broadcast %get3A_2163 : vector<1x128xf32> to vector<512x128xf32>
    %sub3A_2165 = arith.subf %reshape3A, %sub3A_2164 : vector<512x128xf32>
    %mul3A_2166 = arith.mulf %sub3A_2165, %sub3A_2165 : vector<512x128xf32>
    %reduce_sum3A_2167 = arith.constant dense<0.000000e+00> : vector<512xf32>
    %reduce_sum3A_2168 = vector.multi_reduction <add>, %mul3A_2166, %reduce_sum3A_2167 [1] : vector<512x128xf32> to vector<512xf32>
    %broadcast_in_dim3A_2169 = vector.shape_cast %reduce_sum3A_2168 : vector<512xf32> to vector<512x1xf32>
    %swap3A_2170 = arith.constant 0 : index
    %swap3A_2171 = arith.constant 180 : index
    %swap3A_2172 = vector.load %arg4[%swap3A_2170, %swap3A_2171] : memref<512x256xf32, #tpu.memory_space<vmem>>, vector<512x1xf32>
    tpu.vector_store %arg4[%swap3A_2170, %swap3A_2171], %broadcast_in_dim3A_2169 {strides = array<i32>} : memref<512x256xf32, #tpu.memory_space<vmem>>, vector<512x1xf32>,
    %get3A_2173 = arith.constant 181 : index
    %get3A_2174 = arith.constant 0 : index
    %get3A_2175 = vector.load %arg2[%get3A_2173, %get3A_2174] : memref<256x128xf32, #tpu.memory_space<vmem>>, vector<1x128xf32>
    %sub3A_2176 = vector.broadcast %get3A_2175 : vector<1x128xf32> to vector<512x128xf32>
    %sub3A_2177 = arith.subf %reshape3A, %sub3A_2176 : vector<512x128xf32>
    %mul3A_2178 = arith.mulf %sub3A_2177, %sub3A_2177 : vector<512x128xf32>
    %reduce_sum3A_2179 = arith.constant dense<0.000000e+00> : vector<512xf32>
    %reduce_sum3A_2180 = vector.multi_reduction <add>, %mul3A_2178, %reduce_sum3A_2179 [1] : vector<512x128xf32> to vector<512xf32>
    %broadcast_in_dim3A_2181 = vector.shape_cast %reduce_sum3A_2180 : vector<512xf32> to vector<512x1xf32>
    %swap3A_2182 = arith.constant 0 : index
    %swap3A_2183 = arith.constant 181 : index
    %swap3A_2184 = vector.load %arg4[%swap3A_2182, %swap3A_2183] : memref<512x256xf32, #tpu.memory_space<vmem>>, vector<512x1xf32>
    tpu.vector_store %arg4[%swap3A_2182, %swap3A_2183], %broadcast_in_dim3A_2181 {strides = array<i32>} : memref<512x256xf32, #tpu.memory_space<vmem>>, vector<512x1xf32>,
    %get3A_2185 = arith.constant 182 : index
    %get3A_2186 = arith.constant 0 : index
    %get3A_2187 = vector.load %arg2[%get3A_2185, %get3A_2186] : memref<256x128xf32, #tpu.memory_space<vmem>>, vector<1x128xf32>
    %sub3A_2188 = vector.broadcast %get3A_2187 : vector<1x128xf32> to vector<512x128xf32>
    %sub3A_2189 = arith.subf %reshape3A, %sub3A_2188 : vector<512x128xf32>
    %mul3A_2190 = arith.mulf %sub3A_2189, %sub3A_2189 : vector<512x128xf32>
    %reduce_sum3A_2191 = arith.constant dense<0.000000e+00> : vector<512xf32>
    %reduce_sum3A_2192 = vector.multi_reduction <add>, %mul3A_2190, %reduce_sum3A_2191 [1] : vector<512x128xf32> to vector<512xf32>
    %broadcast_in_dim3A_2193 = vector.shape_cast %reduce_sum3A_2192 : vector<512xf32> to vector<512x1xf32>
    %swap3A_2194 = arith.constant 0 : index
    %swap3A_2195 = arith.constant 182 : index
    %swap3A_2196 = vector.load %arg4[%swap3A_2194, %swap3A_2195] : memref<512x256xf32, #tpu.memory_space<vmem>>, vector<512x1xf32>
    tpu.vector_store %arg4[%swap3A_2194, %swap3A_2195], %broadcast_in_dim3A_2193 {strides = array<i32>} : memref<512x256xf32, #tpu.memory_space<vmem>>, vector<512x1xf32>,
    %get3A_2197 = arith.constant 183 : index
    %get3A_2198 = arith.constant 0 : index
    %get3A_2199 = vector.load %arg2[%get3A_2197, %get3A_2198] : memref<256x128xf32, #tpu.memory_space<vmem>>, vector<1x128xf32>
    %sub3A_2200 = vector.broadcast %get3A_2199 : vector<1x128xf32> to vector<512x128xf32>
    %sub3A_2201 = arith.subf %reshape3A, %sub3A_2200 : vector<512x128xf32>
    %mul3A_2202 = arith.mulf %sub3A_2201, %sub3A_2201 : vector<512x128xf32>
    %reduce_sum3A_2203 = arith.constant dense<0.000000e+00> : vector<512xf32>
    %reduce_sum3A_2204 = vector.multi_reduction <add>, %mul3A_2202, %reduce_sum3A_2203 [1] : vector<512x128xf32> to vector<512xf32>
    %broadcast_in_dim3A_2205 = vector.shape_cast %reduce_sum3A_2204 : vector<512xf32> to vector<512x1xf32>
    %swap3A_2206 = arith.constant 0 : index
    %swap3A_2207 = arith.constant 183 : index
    %swap3A_2208 = vector.load %arg4[%swap3A_2206, %swap3A_2207] : memref<512x256xf32, #tpu.memory_space<vmem>>, vector<512x1xf32>
    tpu.vector_store %arg4[%swap3A_2206, %swap3A_2207], %broadcast_in_dim3A_2205 {strides = array<i32>} : memref<512x256xf32, #tpu.memory_space<vmem>>, vector<512x1xf32>,
    %get3A_2209 = arith.constant 184 : index
    %get3A_2210 = arith.constant 0 : index
    %get3A_2211 = vector.load %arg2[%get3A_2209, %get3A_2210] : memref<256x128xf32, #tpu.memory_space<vmem>>, vector<1x128xf32>
    %sub3A_2212 = vector.broadcast %get3A_2211 : vector<1x128xf32> to vector<512x128xf32>
    %sub3A_2213 = arith.subf %reshape3A, %sub3A_2212 : vector<512x128xf32>
    %mul3A_2214 = arith.mulf %sub3A_2213, %sub3A_2213 : vector<512x128xf32>
    %reduce_sum3A_2215 = arith.constant dense<0.000000e+00> : vector<512xf32>
    %reduce_sum3A_2216 = vector.multi_reduction <add>, %mul3A_2214, %reduce_sum3A_2215 [1] : vector<512x128xf32> to vector<512xf32>
    %broadcast_in_dim3A_2217 = vector.shape_cast %reduce_sum3A_2216 : vector<512xf32> to vector<512x1xf32>
    %swap3A_2218 = arith.constant 0 : index
    %swap3A_2219 = arith.constant 184 : index
    %swap3A_2220 = vector.load %arg4[%swap3A_2218, %swap3A_2219] : memref<512x256xf32, #tpu.memory_space<vmem>>, vector<512x1xf32>
    tpu.vector_store %arg4[%swap3A_2218, %swap3A_2219], %broadcast_in_dim3A_2217 {strides = array<i32>} : memref<512x256xf32, #tpu.memory_space<vmem>>, vector<512x1xf32>,
    %get3A_2221 = arith.constant 185 : index
    %get3A_2222 = arith.constant 0 : index
    %get3A_2223 = vector.load %arg2[%get3A_2221, %get3A_2222] : memref<256x128xf32, #tpu.memory_space<vmem>>, vector<1x128xf32>
    %sub3A_2224 = vector.broadcast %get3A_2223 : vector<1x128xf32> to vector<512x128xf32>
    %sub3A_2225 = arith.subf %reshape3A, %sub3A_2224 : vector<512x128xf32>
    %mul3A_2226 = arith.mulf %sub3A_2225, %sub3A_2225 : vector<512x128xf32>
    %reduce_sum3A_2227 = arith.constant dense<0.000000e+00> : vector<512xf32>
    %reduce_sum3A_2228 = vector.multi_reduction <add>, %mul3A_2226, %reduce_sum3A_2227 [1] : vector<512x128xf32> to vector<512xf32>
    %broadcast_in_dim3A_2229 = vector.shape_cast %reduce_sum3A_2228 : vector<512xf32> to vector<512x1xf32>
    %swap3A_2230 = arith.constant 0 : index
    %swap3A_2231 = arith.constant 185 : index
    %swap3A_2232 = vector.load %arg4[%swap3A_2230, %swap3A_2231] : memref<512x256xf32, #tpu.memory_space<vmem>>, vector<512x1xf32>
    tpu.vector_store %arg4[%swap3A_2230, %swap3A_2231], %broadcast_in_dim3A_2229 {strides = array<i32>} : memref<512x256xf32, #tpu.memory_space<vmem>>, vector<512x1xf32>,
    %get3A_2233 = arith.constant 186 : index
    %get3A_2234 = arith.constant 0 : index
    %get3A_2235 = vector.load %arg2[%get3A_2233, %get3A_2234] : memref<256x128xf32, #tpu.memory_space<vmem>>, vector<1x128xf32>
    %sub3A_2236 = vector.broadcast %get3A_2235 : vector<1x128xf32> to vector<512x128xf32>
    %sub3A_2237 = arith.subf %reshape3A, %sub3A_2236 : vector<512x128xf32>
    %mul3A_2238 = arith.mulf %sub3A_2237, %sub3A_2237 : vector<512x128xf32>
    %reduce_sum3A_2239 = arith.constant dense<0.000000e+00> : vector<512xf32>
    %reduce_sum3A_2240 = vector.multi_reduction <add>, %mul3A_2238, %reduce_sum3A_2239 [1] : vector<512x128xf32> to vector<512xf32>
    %broadcast_in_dim3A_2241 = vector.shape_cast %reduce_sum3A_2240 : vector<512xf32> to vector<512x1xf32>
    %swap3A_2242 = arith.constant 0 : index
    %swap3A_2243 = arith.constant 186 : index
    %swap3A_2244 = vector.load %arg4[%swap3A_2242, %swap3A_2243] : memref<512x256xf32, #tpu.memory_space<vmem>>, vector<512x1xf32>
    tpu.vector_store %arg4[%swap3A_2242, %swap3A_2243], %broadcast_in_dim3A_2241 {strides = array<i32>} : memref<512x256xf32, #tpu.memory_space<vmem>>, vector<512x1xf32>,
    %get3A_2245 = arith.constant 187 : index
    %get3A_2246 = arith.constant 0 : index
    %get3A_2247 = vector.load %arg2[%get3A_2245, %get3A_2246] : memref<256x128xf32, #tpu.memory_space<vmem>>, vector<1x128xf32>
    %sub3A_2248 = vector.broadcast %get3A_2247 : vector<1x128xf32> to vector<512x128xf32>
    %sub3A_2249 = arith.subf %reshape3A, %sub3A_2248 : vector<512x128xf32>
    %mul3A_2250 = arith.mulf %sub3A_2249, %sub3A_2249 : vector<512x128xf32>
    %reduce_sum3A_2251 = arith.constant dense<0.000000e+00> : vector<512xf32>
    %reduce_sum3A_2252 = vector.multi_reduction <add>, %mul3A_2250, %reduce_sum3A_2251 [1] : vector<512x128xf32> to vector<512xf32>
    %broadcast_in_dim3A_2253 = vector.shape_cast %reduce_sum3A_2252 : vector<512xf32> to vector<512x1xf32>
    %swap3A_2254 = arith.constant 0 : index
    %swap3A_2255 = arith.constant 187 : index
    %swap3A_2256 = vector.load %arg4[%swap3A_2254, %swap3A_2255] : memref<512x256xf32, #tpu.memory_space<vmem>>, vector<512x1xf32>
    tpu.vector_store %arg4[%swap3A_2254, %swap3A_2255], %broadcast_in_dim3A_2253 {strides = array<i32>} : memref<512x256xf32, #tpu.memory_space<vmem>>, vector<512x1xf32>,
    %get3A_2257 = arith.constant 188 : index
    %get3A_2258 = arith.constant 0 : index
    %get3A_2259 = vector.load %arg2[%get3A_2257, %get3A_2258] : memref<256x128xf32, #tpu.memory_space<vmem>>, vector<1x128xf32>
    %sub3A_2260 = vector.broadcast %get3A_2259 : vector<1x128xf32> to vector<512x128xf32>
    %sub3A_2261 = arith.subf %reshape3A, %sub3A_2260 : vector<512x128xf32>
    %mul3A_2262 = arith.mulf %sub3A_2261, %sub3A_2261 : vector<512x128xf32>
    %reduce_sum3A_2263 = arith.constant dense<0.000000e+00> : vector<512xf32>
    %reduce_sum3A_2264 = vector.multi_reduction <add>, %mul3A_2262, %reduce_sum3A_2263 [1] : vector<512x128xf32> to vector<512xf32>
    %broadcast_in_dim3A_2265 = vector.shape_cast %reduce_sum3A_2264 : vector<512xf32> to vector<512x1xf32>
    %swap3A_2266 = arith.constant 0 : index
    %swap3A_2267 = arith.constant 188 : index
    %swap3A_2268 = vector.load %arg4[%swap3A_2266, %swap3A_2267] : memref<512x256xf32, #tpu.memory_space<vmem>>, vector<512x1xf32>
    tpu.vector_store %arg4[%swap3A_2266, %swap3A_2267], %broadcast_in_dim3A_2265 {strides = array<i32>} : memref<512x256xf32, #tpu.memory_space<vmem>>, vector<512x1xf32>,
    %get3A_2269 = arith.constant 189 : index
    %get3A_2270 = arith.constant 0 : index
    %get3A_2271 = vector.load %arg2[%get3A_2269, %get3A_2270] : memref<256x128xf32, #tpu.memory_space<vmem>>, vector<1x128xf32>
    %sub3A_2272 = vector.broadcast %get3A_2271 : vector<1x128xf32> to vector<512x128xf32>
    %sub3A_2273 = arith.subf %reshape3A, %sub3A_2272 : vector<512x128xf32>
    %mul3A_2274 = arith.mulf %sub3A_2273, %sub3A_2273 : vector<512x128xf32>
    %reduce_sum3A_2275 = arith.constant dense<0.000000e+00> : vector<512xf32>
    %reduce_sum3A_2276 = vector.multi_reduction <add>, %mul3A_2274, %reduce_sum3A_2275 [1] : vector<512x128xf32> to vector<512xf32>
    %broadcast_in_dim3A_2277 = vector.shape_cast %reduce_sum3A_2276 : vector<512xf32> to vector<512x1xf32>
    %swap3A_2278 = arith.constant 0 : index
    %swap3A_2279 = arith.constant 189 : index
    %swap3A_2280 = vector.load %arg4[%swap3A_2278, %swap3A_2279] : memref<512x256xf32, #tpu.memory_space<vmem>>, vector<512x1xf32>
    tpu.vector_store %arg4[%swap3A_2278, %swap3A_2279], %broadcast_in_dim3A_2277 {strides = array<i32>} : memref<512x256xf32, #tpu.memory_space<vmem>>, vector<512x1xf32>,
    %get3A_2281 = arith.constant 190 : index
    %get3A_2282 = arith.constant 0 : index
    %get3A_2283 = vector.load %arg2[%get3A_2281, %get3A_2282] : memref<256x128xf32, #tpu.memory_space<vmem>>, vector<1x128xf32>
    %sub3A_2284 = vector.broadcast %get3A_2283 : vector<1x128xf32> to vector<512x128xf32>
    %sub3A_2285 = arith.subf %reshape3A, %sub3A_2284 : vector<512x128xf32>
    %mul3A_2286 = arith.mulf %sub3A_2285, %sub3A_2285 : vector<512x128xf32>
    %reduce_sum3A_2287 = arith.constant dense<0.000000e+00> : vector<512xf32>
    %reduce_sum3A_2288 = vector.multi_reduction <add>, %mul3A_2286, %reduce_sum3A_2287 [1] : vector<512x128xf32> to vector<512xf32>
    %broadcast_in_dim3A_2289 = vector.shape_cast %reduce_sum3A_2288 : vector<512xf32> to vector<512x1xf32>
    %swap3A_2290 = arith.constant 0 : index
    %swap3A_2291 = arith.constant 190 : index
    %swap3A_2292 = vector.load %arg4[%swap3A_2290, %swap3A_2291] : memref<512x256xf32, #tpu.memory_space<vmem>>, vector<512x1xf32>
    tpu.vector_store %arg4[%swap3A_2290, %swap3A_2291], %broadcast_in_dim3A_2289 {strides = array<i32>} : memref<512x256xf32, #tpu.memory_space<vmem>>, vector<512x1xf32>,
    %get3A_2293 = arith.constant 191 : index
    %get3A_2294 = arith.constant 0 : index
    %get3A_2295 = vector.load %arg2[%get3A_2293, %get3A_2294] : memref<256x128xf32, #tpu.memory_space<vmem>>, vector<1x128xf32>
    %sub3A_2296 = vector.broadcast %get3A_2295 : vector<1x128xf32> to vector<512x128xf32>
    %sub3A_2297 = arith.subf %reshape3A, %sub3A_2296 : vector<512x128xf32>
    %mul3A_2298 = arith.mulf %sub3A_2297, %sub3A_2297 : vector<512x128xf32>
    %reduce_sum3A_2299 = arith.constant dense<0.000000e+00> : vector<512xf32>
    %reduce_sum3A_2300 = vector.multi_reduction <add>, %mul3A_2298, %reduce_sum3A_2299 [1] : vector<512x128xf32> to vector<512xf32>
    %broadcast_in_dim3A_2301 = vector.shape_cast %reduce_sum3A_2300 : vector<512xf32> to vector<512x1xf32>
    %swap3A_2302 = arith.constant 0 : index
    %swap3A_2303 = arith.constant 191 : index
    %swap3A_2304 = vector.load %arg4[%swap3A_2302, %swap3A_2303] : memref<512x256xf32, #tpu.memory_space<vmem>>, vector<512x1xf32>
    tpu.vector_store %arg4[%swap3A_2302, %swap3A_2303], %broadcast_in_dim3A_2301 {strides = array<i32>} : memref<512x256xf32, #tpu.memory_space<vmem>>, vector<512x1xf32>,
    %get3A_2305 = arith.constant 192 : index
    %get3A_2306 = arith.constant 0 : index
    %get3A_2307 = vector.load %arg2[%get3A_2305, %get3A_2306] : memref<256x128xf32, #tpu.memory_space<vmem>>, vector<1x128xf32>
    %sub3A_2308 = vector.broadcast %get3A_2307 : vector<1x128xf32> to vector<512x128xf32>
    %sub3A_2309 = arith.subf %reshape3A, %sub3A_2308 : vector<512x128xf32>
    %mul3A_2310 = arith.mulf %sub3A_2309, %sub3A_2309 : vector<512x128xf32>
    %reduce_sum3A_2311 = arith.constant dense<0.000000e+00> : vector<512xf32>
    %reduce_sum3A_2312 = vector.multi_reduction <add>, %mul3A_2310, %reduce_sum3A_2311 [1] : vector<512x128xf32> to vector<512xf32>
    %broadcast_in_dim3A_2313 = vector.shape_cast %reduce_sum3A_2312 : vector<512xf32> to vector<512x1xf32>
    %swap3A_2314 = arith.constant 0 : index
    %swap3A_2315 = arith.constant 192 : index
    %swap3A_2316 = vector.load %arg4[%swap3A_2314, %swap3A_2315] : memref<512x256xf32, #tpu.memory_space<vmem>>, vector<512x1xf32>
    tpu.vector_store %arg4[%swap3A_2314, %swap3A_2315], %broadcast_in_dim3A_2313 {strides = array<i32>} : memref<512x256xf32, #tpu.memory_space<vmem>>, vector<512x1xf32>,
    %get3A_2317 = arith.constant 193 : index
    %get3A_2318 = arith.constant 0 : index
    %get3A_2319 = vector.load %arg2[%get3A_2317, %get3A_2318] : memref<256x128xf32, #tpu.memory_space<vmem>>, vector<1x128xf32>
    %sub3A_2320 = vector.broadcast %get3A_2319 : vector<1x128xf32> to vector<512x128xf32>
    %sub3A_2321 = arith.subf %reshape3A, %sub3A_2320 : vector<512x128xf32>
    %mul3A_2322 = arith.mulf %sub3A_2321, %sub3A_2321 : vector<512x128xf32>
    %reduce_sum3A_2323 = arith.constant dense<0.000000e+00> : vector<512xf32>
    %reduce_sum3A_2324 = vector.multi_reduction <add>, %mul3A_2322, %reduce_sum3A_2323 [1] : vector<512x128xf32> to vector<512xf32>
    %broadcast_in_dim3A_2325 = vector.shape_cast %reduce_sum3A_2324 : vector<512xf32> to vector<512x1xf32>
    %swap3A_2326 = arith.constant 0 : index
    %swap3A_2327 = arith.constant 193 : index
    %swap3A_2328 = vector.load %arg4[%swap3A_2326, %swap3A_2327] : memref<512x256xf32, #tpu.memory_space<vmem>>, vector<512x1xf32>
    tpu.vector_store %arg4[%swap3A_2326, %swap3A_2327], %broadcast_in_dim3A_2325 {strides = array<i32>} : memref<512x256xf32, #tpu.memory_space<vmem>>, vector<512x1xf32>,
    %get3A_2329 = arith.constant 194 : index
    %get3A_2330 = arith.constant 0 : index
    %get3A_2331 = vector.load %arg2[%get3A_2329, %get3A_2330] : memref<256x128xf32, #tpu.memory_space<vmem>>, vector<1x128xf32>
    %sub3A_2332 = vector.broadcast %get3A_2331 : vector<1x128xf32> to vector<512x128xf32>
    %sub3A_2333 = arith.subf %reshape3A, %sub3A_2332 : vector<512x128xf32>
    %mul3A_2334 = arith.mulf %sub3A_2333, %sub3A_2333 : vector<512x128xf32>
    %reduce_sum3A_2335 = arith.constant dense<0.000000e+00> : vector<512xf32>
    %reduce_sum3A_2336 = vector.multi_reduction <add>, %mul3A_2334, %reduce_sum3A_2335 [1] : vector<512x128xf32> to vector<512xf32>
    %broadcast_in_dim3A_2337 = vector.shape_cast %reduce_sum3A_2336 : vector<512xf32> to vector<512x1xf32>
    %swap3A_2338 = arith.constant 0 : index
    %swap3A_2339 = arith.constant 194 : index
    %swap3A_2340 = vector.load %arg4[%swap3A_2338, %swap3A_2339] : memref<512x256xf32, #tpu.memory_space<vmem>>, vector<512x1xf32>
    tpu.vector_store %arg4[%swap3A_2338, %swap3A_2339], %broadcast_in_dim3A_2337 {strides = array<i32>} : memref<512x256xf32, #tpu.memory_space<vmem>>, vector<512x1xf32>,
    %get3A_2341 = arith.constant 195 : index
    %get3A_2342 = arith.constant 0 : index
    %get3A_2343 = vector.load %arg2[%get3A_2341, %get3A_2342] : memref<256x128xf32, #tpu.memory_space<vmem>>, vector<1x128xf32>
    %sub3A_2344 = vector.broadcast %get3A_2343 : vector<1x128xf32> to vector<512x128xf32>
    %sub3A_2345 = arith.subf %reshape3A, %sub3A_2344 : vector<512x128xf32>
    %mul3A_2346 = arith.mulf %sub3A_2345, %sub3A_2345 : vector<512x128xf32>
    %reduce_sum3A_2347 = arith.constant dense<0.000000e+00> : vector<512xf32>
    %reduce_sum3A_2348 = vector.multi_reduction <add>, %mul3A_2346, %reduce_sum3A_2347 [1] : vector<512x128xf32> to vector<512xf32>
    %broadcast_in_dim3A_2349 = vector.shape_cast %reduce_sum3A_2348 : vector<512xf32> to vector<512x1xf32>
    %swap3A_2350 = arith.constant 0 : index
    %swap3A_2351 = arith.constant 195 : index
    %swap3A_2352 = vector.load %arg4[%swap3A_2350, %swap3A_2351] : memref<512x256xf32, #tpu.memory_space<vmem>>, vector<512x1xf32>
    tpu.vector_store %arg4[%swap3A_2350, %swap3A_2351], %broadcast_in_dim3A_2349 {strides = array<i32>} : memref<512x256xf32, #tpu.memory_space<vmem>>, vector<512x1xf32>,
    %get3A_2353 = arith.constant 196 : index
    %get3A_2354 = arith.constant 0 : index
    %get3A_2355 = vector.load %arg2[%get3A_2353, %get3A_2354] : memref<256x128xf32, #tpu.memory_space<vmem>>, vector<1x128xf32>
    %sub3A_2356 = vector.broadcast %get3A_2355 : vector<1x128xf32> to vector<512x128xf32>
    %sub3A_2357 = arith.subf %reshape3A, %sub3A_2356 : vector<512x128xf32>
    %mul3A_2358 = arith.mulf %sub3A_2357, %sub3A_2357 : vector<512x128xf32>
    %reduce_sum3A_2359 = arith.constant dense<0.000000e+00> : vector<512xf32>
    %reduce_sum3A_2360 = vector.multi_reduction <add>, %mul3A_2358, %reduce_sum3A_2359 [1] : vector<512x128xf32> to vector<512xf32>
    %broadcast_in_dim3A_2361 = vector.shape_cast %reduce_sum3A_2360 : vector<512xf32> to vector<512x1xf32>
    %swap3A_2362 = arith.constant 0 : index
    %swap3A_2363 = arith.constant 196 : index
    %swap3A_2364 = vector.load %arg4[%swap3A_2362, %swap3A_2363] : memref<512x256xf32, #tpu.memory_space<vmem>>, vector<512x1xf32>
    tpu.vector_store %arg4[%swap3A_2362, %swap3A_2363], %broadcast_in_dim3A_2361 {strides = array<i32>} : memref<512x256xf32, #tpu.memory_space<vmem>>, vector<512x1xf32>,
    %get3A_2365 = arith.constant 197 : index
    %get3A_2366 = arith.constant 0 : index
    %get3A_2367 = vector.load %arg2[%get3A_2365, %get3A_2366] : memref<256x128xf32, #tpu.memory_space<vmem>>, vector<1x128xf32>
    %sub3A_2368 = vector.broadcast %get3A_2367 : vector<1x128xf32> to vector<512x128xf32>
    %sub3A_2369 = arith.subf %reshape3A, %sub3A_2368 : vector<512x128xf32>
    %mul3A_2370 = arith.mulf %sub3A_2369, %sub3A_2369 : vector<512x128xf32>
    %reduce_sum3A_2371 = arith.constant dense<0.000000e+00> : vector<512xf32>
    %reduce_sum3A_2372 = vector.multi_reduction <add>, %mul3A_2370, %reduce_sum3A_2371 [1] : vector<512x128xf32> to vector<512xf32>
    %broadcast_in_dim3A_2373 = vector.shape_cast %reduce_sum3A_2372 : vector<512xf32> to vector<512x1xf32>
    %swap3A_2374 = arith.constant 0 : index
    %swap3A_2375 = arith.constant 197 : index
    %swap3A_2376 = vector.load %arg4[%swap3A_2374, %swap3A_2375] : memref<512x256xf32, #tpu.memory_space<vmem>>, vector<512x1xf32>
    tpu.vector_store %arg4[%swap3A_2374, %swap3A_2375], %broadcast_in_dim3A_2373 {strides = array<i32>} : memref<512x256xf32, #tpu.memory_space<vmem>>, vector<512x1xf32>,
    %get3A_2377 = arith.constant 198 : index
    %get3A_2378 = arith.constant 0 : index
    %get3A_2379 = vector.load %arg2[%get3A_2377, %get3A_2378] : memref<256x128xf32, #tpu.memory_space<vmem>>, vector<1x128xf32>
    %sub3A_2380 = vector.broadcast %get3A_2379 : vector<1x128xf32> to vector<512x128xf32>
    %sub3A_2381 = arith.subf %reshape3A, %sub3A_2380 : vector<512x128xf32>
    %mul3A_2382 = arith.mulf %sub3A_2381, %sub3A_2381 : vector<512x128xf32>
    %reduce_sum3A_2383 = arith.constant dense<0.000000e+00> : vector<512xf32>
    %reduce_sum3A_2384 = vector.multi_reduction <add>, %mul3A_2382, %reduce_sum3A_2383 [1] : vector<512x128xf32> to vector<512xf32>
    %broadcast_in_dim3A_2385 = vector.shape_cast %reduce_sum3A_2384 : vector<512xf32> to vector<512x1xf32>
    %swap3A_2386 = arith.constant 0 : index
    %swap3A_2387 = arith.constant 198 : index
    %swap3A_2388 = vector.load %arg4[%swap3A_2386, %swap3A_2387] : memref<512x256xf32, #tpu.memory_space<vmem>>, vector<512x1xf32>
    tpu.vector_store %arg4[%swap3A_2386, %swap3A_2387], %broadcast_in_dim3A_2385 {strides = array<i32>} : memref<512x256xf32, #tpu.memory_space<vmem>>, vector<512x1xf32>,
    %get3A_2389 = arith.constant 199 : index
    %get3A_2390 = arith.constant 0 : index
    %get3A_2391 = vector.load %arg2[%get3A_2389, %get3A_2390] : memref<256x128xf32, #tpu.memory_space<vmem>>, vector<1x128xf32>
    %sub3A_2392 = vector.broadcast %get3A_2391 : vector<1x128xf32> to vector<512x128xf32>
    %sub3A_2393 = arith.subf %reshape3A, %sub3A_2392 : vector<512x128xf32>
    %mul3A_2394 = arith.mulf %sub3A_2393, %sub3A_2393 : vector<512x128xf32>
    %reduce_sum3A_2395 = arith.constant dense<0.000000e+00> : vector<512xf32>
    %reduce_sum3A_2396 = vector.multi_reduction <add>, %mul3A_2394, %reduce_sum3A_2395 [1] : vector<512x128xf32> to vector<512xf32>
    %broadcast_in_dim3A_2397 = vector.shape_cast %reduce_sum3A_2396 : vector<512xf32> to vector<512x1xf32>
    %swap3A_2398 = arith.constant 0 : index
    %swap3A_2399 = arith.constant 199 : index
    %swap3A_2400 = vector.load %arg4[%swap3A_2398, %swap3A_2399] : memref<512x256xf32, #tpu.memory_space<vmem>>, vector<512x1xf32>
    tpu.vector_store %arg4[%swap3A_2398, %swap3A_2399], %broadcast_in_dim3A_2397 {strides = array<i32>} : memref<512x256xf32, #tpu.memory_space<vmem>>, vector<512x1xf32>,
    %get3A_2401 = arith.constant 200 : index
    %get3A_2402 = arith.constant 0 : index
    %get3A_2403 = vector.load %arg2[%get3A_2401, %get3A_2402] : memref<256x128xf32, #tpu.memory_space<vmem>>, vector<1x128xf32>
    %sub3A_2404 = vector.broadcast %get3A_2403 : vector<1x128xf32> to vector<512x128xf32>
    %sub3A_2405 = arith.subf %reshape3A, %sub3A_2404 : vector<512x128xf32>
    %mul3A_2406 = arith.mulf %sub3A_2405, %sub3A_2405 : vector<512x128xf32>
    %reduce_sum3A_2407 = arith.constant dense<0.000000e+00> : vector<512xf32>
    %reduce_sum3A_2408 = vector.multi_reduction <add>, %mul3A_2406, %reduce_sum3A_2407 [1] : vector<512x128xf32> to vector<512xf32>
    %broadcast_in_dim3A_2409 = vector.shape_cast %reduce_sum3A_2408 : vector<512xf32> to vector<512x1xf32>
    %swap3A_2410 = arith.constant 0 : index
    %swap3A_2411 = arith.constant 200 : index
    %swap3A_2412 = vector.load %arg4[%swap3A_2410, %swap3A_2411] : memref<512x256xf32, #tpu.memory_space<vmem>>, vector<512x1xf32>
    tpu.vector_store %arg4[%swap3A_2410, %swap3A_2411], %broadcast_in_dim3A_2409 {strides = array<i32>} : memref<512x256xf32, #tpu.memory_space<vmem>>, vector<512x1xf32>,
    %get3A_2413 = arith.constant 201 : index
    %get3A_2414 = arith.constant 0 : index
    %get3A_2415 = vector.load %arg2[%get3A_2413, %get3A_2414] : memref<256x128xf32, #tpu.memory_space<vmem>>, vector<1x128xf32>
    %sub3A_2416 = vector.broadcast %get3A_2415 : vector<1x128xf32> to vector<512x128xf32>
    %sub3A_2417 = arith.subf %reshape3A, %sub3A_2416 : vector<512x128xf32>
    %mul3A_2418 = arith.mulf %sub3A_2417, %sub3A_2417 : vector<512x128xf32>
    %reduce_sum3A_2419 = arith.constant dense<0.000000e+00> : vector<512xf32>
    %reduce_sum3A_2420 = vector.multi_reduction <add>, %mul3A_2418, %reduce_sum3A_2419 [1] : vector<512x128xf32> to vector<512xf32>
    %broadcast_in_dim3A_2421 = vector.shape_cast %reduce_sum3A_2420 : vector<512xf32> to vector<512x1xf32>
    %swap3A_2422 = arith.constant 0 : index
    %swap3A_2423 = arith.constant 201 : index
    %swap3A_2424 = vector.load %arg4[%swap3A_2422, %swap3A_2423] : memref<512x256xf32, #tpu.memory_space<vmem>>, vector<512x1xf32>
    tpu.vector_store %arg4[%swap3A_2422, %swap3A_2423], %broadcast_in_dim3A_2421 {strides = array<i32>} : memref<512x256xf32, #tpu.memory_space<vmem>>, vector<512x1xf32>,
    %get3A_2425 = arith.constant 202 : index
    %get3A_2426 = arith.constant 0 : index
    %get3A_2427 = vector.load %arg2[%get3A_2425, %get3A_2426] : memref<256x128xf32, #tpu.memory_space<vmem>>, vector<1x128xf32>
    %sub3A_2428 = vector.broadcast %get3A_2427 : vector<1x128xf32> to vector<512x128xf32>
    %sub3A_2429 = arith.subf %reshape3A, %sub3A_2428 : vector<512x128xf32>
    %mul3A_2430 = arith.mulf %sub3A_2429, %sub3A_2429 : vector<512x128xf32>
    %reduce_sum3A_2431 = arith.constant dense<0.000000e+00> : vector<512xf32>
    %reduce_sum3A_2432 = vector.multi_reduction <add>, %mul3A_2430, %reduce_sum3A_2431 [1] : vector<512x128xf32> to vector<512xf32>
    %broadcast_in_dim3A_2433 = vector.shape_cast %reduce_sum3A_2432 : vector<512xf32> to vector<512x1xf32>
    %swap3A_2434 = arith.constant 0 : index
    %swap3A_2435 = arith.constant 202 : index
    %swap3A_2436 = vector.load %arg4[%swap3A_2434, %swap3A_2435] : memref<512x256xf32, #tpu.memory_space<vmem>>, vector<512x1xf32>
    tpu.vector_store %arg4[%swap3A_2434, %swap3A_2435], %broadcast_in_dim3A_2433 {strides = array<i32>} : memref<512x256xf32, #tpu.memory_space<vmem>>, vector<512x1xf32>,
    %get3A_2437 = arith.constant 203 : index
    %get3A_2438 = arith.constant 0 : index
    %get3A_2439 = vector.load %arg2[%get3A_2437, %get3A_2438] : memref<256x128xf32, #tpu.memory_space<vmem>>, vector<1x128xf32>
    %sub3A_2440 = vector.broadcast %get3A_2439 : vector<1x128xf32> to vector<512x128xf32>
    %sub3A_2441 = arith.subf %reshape3A, %sub3A_2440 : vector<512x128xf32>
    %mul3A_2442 = arith.mulf %sub3A_2441, %sub3A_2441 : vector<512x128xf32>
    %reduce_sum3A_2443 = arith.constant dense<0.000000e+00> : vector<512xf32>
    %reduce_sum3A_2444 = vector.multi_reduction <add>, %mul3A_2442, %reduce_sum3A_2443 [1] : vector<512x128xf32> to vector<512xf32>
    %broadcast_in_dim3A_2445 = vector.shape_cast %reduce_sum3A_2444 : vector<512xf32> to vector<512x1xf32>
    %swap3A_2446 = arith.constant 0 : index
    %swap3A_2447 = arith.constant 203 : index
    %swap3A_2448 = vector.load %arg4[%swap3A_2446, %swap3A_2447] : memref<512x256xf32, #tpu.memory_space<vmem>>, vector<512x1xf32>
    tpu.vector_store %arg4[%swap3A_2446, %swap3A_2447], %broadcast_in_dim3A_2445 {strides = array<i32>} : memref<512x256xf32, #tpu.memory_space<vmem>>, vector<512x1xf32>,
    %get3A_2449 = arith.constant 204 : index
    %get3A_2450 = arith.constant 0 : index
    %get3A_2451 = vector.load %arg2[%get3A_2449, %get3A_2450] : memref<256x128xf32, #tpu.memory_space<vmem>>, vector<1x128xf32>
    %sub3A_2452 = vector.broadcast %get3A_2451 : vector<1x128xf32> to vector<512x128xf32>
    %sub3A_2453 = arith.subf %reshape3A, %sub3A_2452 : vector<512x128xf32>
    %mul3A_2454 = arith.mulf %sub3A_2453, %sub3A_2453 : vector<512x128xf32>
    %reduce_sum3A_2455 = arith.constant dense<0.000000e+00> : vector<512xf32>
    %reduce_sum3A_2456 = vector.multi_reduction <add>, %mul3A_2454, %reduce_sum3A_2455 [1] : vector<512x128xf32> to vector<512xf32>
    %broadcast_in_dim3A_2457 = vector.shape_cast %reduce_sum3A_2456 : vector<512xf32> to vector<512x1xf32>
    %swap3A_2458 = arith.constant 0 : index
    %swap3A_2459 = arith.constant 204 : index
    %swap3A_2460 = vector.load %arg4[%swap3A_2458, %swap3A_2459] : memref<512x256xf32, #tpu.memory_space<vmem>>, vector<512x1xf32>
    tpu.vector_store %arg4[%swap3A_2458, %swap3A_2459], %broadcast_in_dim3A_2457 {strides = array<i32>} : memref<512x256xf32, #tpu.memory_space<vmem>>, vector<512x1xf32>,
    %get3A_2461 = arith.constant 205 : index
    %get3A_2462 = arith.constant 0 : index
    %get3A_2463 = vector.load %arg2[%get3A_2461, %get3A_2462] : memref<256x128xf32, #tpu.memory_space<vmem>>, vector<1x128xf32>
    %sub3A_2464 = vector.broadcast %get3A_2463 : vector<1x128xf32> to vector<512x128xf32>
    %sub3A_2465 = arith.subf %reshape3A, %sub3A_2464 : vector<512x128xf32>
    %mul3A_2466 = arith.mulf %sub3A_2465, %sub3A_2465 : vector<512x128xf32>
    %reduce_sum3A_2467 = arith.constant dense<0.000000e+00> : vector<512xf32>
    %reduce_sum3A_2468 = vector.multi_reduction <add>, %mul3A_2466, %reduce_sum3A_2467 [1] : vector<512x128xf32> to vector<512xf32>
    %broadcast_in_dim3A_2469 = vector.shape_cast %reduce_sum3A_2468 : vector<512xf32> to vector<512x1xf32>
    %swap3A_2470 = arith.constant 0 : index
    %swap3A_2471 = arith.constant 205 : index
    %swap3A_2472 = vector.load %arg4[%swap3A_2470, %swap3A_2471] : memref<512x256xf32, #tpu.memory_space<vmem>>, vector<512x1xf32>
    tpu.vector_store %arg4[%swap3A_2470, %swap3A_2471], %broadcast_in_dim3A_2469 {strides = array<i32>} : memref<512x256xf32, #tpu.memory_space<vmem>>, vector<512x1xf32>,
    %get3A_2473 = arith.constant 206 : index
    %get3A_2474 = arith.constant 0 : index
    %get3A_2475 = vector.load %arg2[%get3A_2473, %get3A_2474] : memref<256x128xf32, #tpu.memory_space<vmem>>, vector<1x128xf32>
    %sub3A_2476 = vector.broadcast %get3A_2475 : vector<1x128xf32> to vector<512x128xf32>
    %sub3A_2477 = arith.subf %reshape3A, %sub3A_2476 : vector<512x128xf32>
    %mul3A_2478 = arith.mulf %sub3A_2477, %sub3A_2477 : vector<512x128xf32>
    %reduce_sum3A_2479 = arith.constant dense<0.000000e+00> : vector<512xf32>
    %reduce_sum3A_2480 = vector.multi_reduction <add>, %mul3A_2478, %reduce_sum3A_2479 [1] : vector<512x128xf32> to vector<512xf32>
    %broadcast_in_dim3A_2481 = vector.shape_cast %reduce_sum3A_2480 : vector<512xf32> to vector<512x1xf32>
    %swap3A_2482 = arith.constant 0 : index
    %swap3A_2483 = arith.constant 206 : index
    %swap3A_2484 = vector.load %arg4[%swap3A_2482, %swap3A_2483] : memref<512x256xf32, #tpu.memory_space<vmem>>, vector<512x1xf32>
    tpu.vector_store %arg4[%swap3A_2482, %swap3A_2483], %broadcast_in_dim3A_2481 {strides = array<i32>} : memref<512x256xf32, #tpu.memory_space<vmem>>, vector<512x1xf32>,
    %get3A_2485 = arith.constant 207 : index
    %get3A_2486 = arith.constant 0 : index
    %get3A_2487 = vector.load %arg2[%get3A_2485, %get3A_2486] : memref<256x128xf32, #tpu.memory_space<vmem>>, vector<1x128xf32>
    %sub3A_2488 = vector.broadcast %get3A_2487 : vector<1x128xf32> to vector<512x128xf32>
    %sub3A_2489 = arith.subf %reshape3A, %sub3A_2488 : vector<512x128xf32>
    %mul3A_2490 = arith.mulf %sub3A_2489, %sub3A_2489 : vector<512x128xf32>
    %reduce_sum3A_2491 = arith.constant dense<0.000000e+00> : vector<512xf32>
    %reduce_sum3A_2492 = vector.multi_reduction <add>, %mul3A_2490, %reduce_sum3A_2491 [1] : vector<512x128xf32> to vector<512xf32>
    %broadcast_in_dim3A_2493 = vector.shape_cast %reduce_sum3A_2492 : vector<512xf32> to vector<512x1xf32>
    %swap3A_2494 = arith.constant 0 : index
    %swap3A_2495 = arith.constant 207 : index
    %swap3A_2496 = vector.load %arg4[%swap3A_2494, %swap3A_2495] : memref<512x256xf32, #tpu.memory_space<vmem>>, vector<512x1xf32>
    tpu.vector_store %arg4[%swap3A_2494, %swap3A_2495], %broadcast_in_dim3A_2493 {strides = array<i32>} : memref<512x256xf32, #tpu.memory_space<vmem>>, vector<512x1xf32>,
    %get3A_2497 = arith.constant 208 : index
    %get3A_2498 = arith.constant 0 : index
    %get3A_2499 = vector.load %arg2[%get3A_2497, %get3A_2498] : memref<256x128xf32, #tpu.memory_space<vmem>>, vector<1x128xf32>
    %sub3A_2500 = vector.broadcast %get3A_2499 : vector<1x128xf32> to vector<512x128xf32>
    %sub3A_2501 = arith.subf %reshape3A, %sub3A_2500 : vector<512x128xf32>
    %mul3A_2502 = arith.mulf %sub3A_2501, %sub3A_2501 : vector<512x128xf32>
    %reduce_sum3A_2503 = arith.constant dense<0.000000e+00> : vector<512xf32>
    %reduce_sum3A_2504 = vector.multi_reduction <add>, %mul3A_2502, %reduce_sum3A_2503 [1] : vector<512x128xf32> to vector<512xf32>
    %broadcast_in_dim3A_2505 = vector.shape_cast %reduce_sum3A_2504 : vector<512xf32> to vector<512x1xf32>
    %swap3A_2506 = arith.constant 0 : index
    %swap3A_2507 = arith.constant 208 : index
    %swap3A_2508 = vector.load %arg4[%swap3A_2506, %swap3A_2507] : memref<512x256xf32, #tpu.memory_space<vmem>>, vector<512x1xf32>
    tpu.vector_store %arg4[%swap3A_2506, %swap3A_2507], %broadcast_in_dim3A_2505 {strides = array<i32>} : memref<512x256xf32, #tpu.memory_space<vmem>>, vector<512x1xf32>,
    %get3A_2509 = arith.constant 209 : index
    %get3A_2510 = arith.constant 0 : index
    %get3A_2511 = vector.load %arg2[%get3A_2509, %get3A_2510] : memref<256x128xf32, #tpu.memory_space<vmem>>, vector<1x128xf32>
    %sub3A_2512 = vector.broadcast %get3A_2511 : vector<1x128xf32> to vector<512x128xf32>
    %sub3A_2513 = arith.subf %reshape3A, %sub3A_2512 : vector<512x128xf32>
    %mul3A_2514 = arith.mulf %sub3A_2513, %sub3A_2513 : vector<512x128xf32>
    %reduce_sum3A_2515 = arith.constant dense<0.000000e+00> : vector<512xf32>
    %reduce_sum3A_2516 = vector.multi_reduction <add>, %mul3A_2514, %reduce_sum3A_2515 [1] : vector<512x128xf32> to vector<512xf32>
    %broadcast_in_dim3A_2517 = vector.shape_cast %reduce_sum3A_2516 : vector<512xf32> to vector<512x1xf32>
    %swap3A_2518 = arith.constant 0 : index
    %swap3A_2519 = arith.constant 209 : index
    %swap3A_2520 = vector.load %arg4[%swap3A_2518, %swap3A_2519] : memref<512x256xf32, #tpu.memory_space<vmem>>, vector<512x1xf32>
    tpu.vector_store %arg4[%swap3A_2518, %swap3A_2519], %broadcast_in_dim3A_2517 {strides = array<i32>} : memref<512x256xf32, #tpu.memory_space<vmem>>, vector<512x1xf32>,
    %get3A_2521 = arith.constant 210 : index
    %get3A_2522 = arith.constant 0 : index
    %get3A_2523 = vector.load %arg2[%get3A_2521, %get3A_2522] : memref<256x128xf32, #tpu.memory_space<vmem>>, vector<1x128xf32>
    %sub3A_2524 = vector.broadcast %get3A_2523 : vector<1x128xf32> to vector<512x128xf32>
    %sub3A_2525 = arith.subf %reshape3A, %sub3A_2524 : vector<512x128xf32>
    %mul3A_2526 = arith.mulf %sub3A_2525, %sub3A_2525 : vector<512x128xf32>
    %reduce_sum3A_2527 = arith.constant dense<0.000000e+00> : vector<512xf32>
    %reduce_sum3A_2528 = vector.multi_reduction <add>, %mul3A_2526, %reduce_sum3A_2527 [1] : vector<512x128xf32> to vector<512xf32>
    %broadcast_in_dim3A_2529 = vector.shape_cast %reduce_sum3A_2528 : vector<512xf32> to vector<512x1xf32>
    %swap3A_2530 = arith.constant 0 : index
    %swap3A_2531 = arith.constant 210 : index
    %swap3A_2532 = vector.load %arg4[%swap3A_2530, %swap3A_2531] : memref<512x256xf32, #tpu.memory_space<vmem>>, vector<512x1xf32>
    tpu.vector_store %arg4[%swap3A_2530, %swap3A_2531], %broadcast_in_dim3A_2529 {strides = array<i32>} : memref<512x256xf32, #tpu.memory_space<vmem>>, vector<512x1xf32>,
    %get3A_2533 = arith.constant 211 : index
    %get3A_2534 = arith.constant 0 : index
    %get3A_2535 = vector.load %arg2[%get3A_2533, %get3A_2534] : memref<256x128xf32, #tpu.memory_space<vmem>>, vector<1x128xf32>
    %sub3A_2536 = vector.broadcast %get3A_2535 : vector<1x128xf32> to vector<512x128xf32>
    %sub3A_2537 = arith.subf %reshape3A, %sub3A_2536 : vector<512x128xf32>
    %mul3A_2538 = arith.mulf %sub3A_2537, %sub3A_2537 : vector<512x128xf32>
    %reduce_sum3A_2539 = arith.constant dense<0.000000e+00> : vector<512xf32>
    %reduce_sum3A_2540 = vector.multi_reduction <add>, %mul3A_2538, %reduce_sum3A_2539 [1] : vector<512x128xf32> to vector<512xf32>
    %broadcast_in_dim3A_2541 = vector.shape_cast %reduce_sum3A_2540 : vector<512xf32> to vector<512x1xf32>
    %swap3A_2542 = arith.constant 0 : index
    %swap3A_2543 = arith.constant 211 : index
    %swap3A_2544 = vector.load %arg4[%swap3A_2542, %swap3A_2543] : memref<512x256xf32, #tpu.memory_space<vmem>>, vector<512x1xf32>
    tpu.vector_store %arg4[%swap3A_2542, %swap3A_2543], %broadcast_in_dim3A_2541 {strides = array<i32>} : memref<512x256xf32, #tpu.memory_space<vmem>>, vector<512x1xf32>,
    %get3A_2545 = arith.constant 212 : index
    %get3A_2546 = arith.constant 0 : index
    %get3A_2547 = vector.load %arg2[%get3A_2545, %get3A_2546] : memref<256x128xf32, #tpu.memory_space<vmem>>, vector<1x128xf32>
    %sub3A_2548 = vector.broadcast %get3A_2547 : vector<1x128xf32> to vector<512x128xf32>
    %sub3A_2549 = arith.subf %reshape3A, %sub3A_2548 : vector<512x128xf32>
    %mul3A_2550 = arith.mulf %sub3A_2549, %sub3A_2549 : vector<512x128xf32>
    %reduce_sum3A_2551 = arith.constant dense<0.000000e+00> : vector<512xf32>
    %reduce_sum3A_2552 = vector.multi_reduction <add>, %mul3A_2550, %reduce_sum3A_2551 [1] : vector<512x128xf32> to vector<512xf32>
    %broadcast_in_dim3A_2553 = vector.shape_cast %reduce_sum3A_2552 : vector<512xf32> to vector<512x1xf32>
    %swap3A_2554 = arith.constant 0 : index
    %swap3A_2555 = arith.constant 212 : index
    %swap3A_2556 = vector.load %arg4[%swap3A_2554, %swap3A_2555] : memref<512x256xf32, #tpu.memory_space<vmem>>, vector<512x1xf32>
    tpu.vector_store %arg4[%swap3A_2554, %swap3A_2555], %broadcast_in_dim3A_2553 {strides = array<i32>} : memref<512x256xf32, #tpu.memory_space<vmem>>, vector<512x1xf32>,
    %get3A_2557 = arith.constant 213 : index
    %get3A_2558 = arith.constant 0 : index
    %get3A_2559 = vector.load %arg2[%get3A_2557, %get3A_2558] : memref<256x128xf32, #tpu.memory_space<vmem>>, vector<1x128xf32>
    %sub3A_2560 = vector.broadcast %get3A_2559 : vector<1x128xf32> to vector<512x128xf32>
    %sub3A_2561 = arith.subf %reshape3A, %sub3A_2560 : vector<512x128xf32>
    %mul3A_2562 = arith.mulf %sub3A_2561, %sub3A_2561 : vector<512x128xf32>
    %reduce_sum3A_2563 = arith.constant dense<0.000000e+00> : vector<512xf32>
    %reduce_sum3A_2564 = vector.multi_reduction <add>, %mul3A_2562, %reduce_sum3A_2563 [1] : vector<512x128xf32> to vector<512xf32>
    %broadcast_in_dim3A_2565 = vector.shape_cast %reduce_sum3A_2564 : vector<512xf32> to vector<512x1xf32>
    %swap3A_2566 = arith.constant 0 : index
    %swap3A_2567 = arith.constant 213 : index
    %swap3A_2568 = vector.load %arg4[%swap3A_2566, %swap3A_2567] : memref<512x256xf32, #tpu.memory_space<vmem>>, vector<512x1xf32>
    tpu.vector_store %arg4[%swap3A_2566, %swap3A_2567], %broadcast_in_dim3A_2565 {strides = array<i32>} : memref<512x256xf32, #tpu.memory_space<vmem>>, vector<512x1xf32>,
    %get3A_2569 = arith.constant 214 : index
    %get3A_2570 = arith.constant 0 : index
    %get3A_2571 = vector.load %arg2[%get3A_2569, %get3A_2570] : memref<256x128xf32, #tpu.memory_space<vmem>>, vector<1x128xf32>
    %sub3A_2572 = vector.broadcast %get3A_2571 : vector<1x128xf32> to vector<512x128xf32>
    %sub3A_2573 = arith.subf %reshape3A, %sub3A_2572 : vector<512x128xf32>
    %mul3A_2574 = arith.mulf %sub3A_2573, %sub3A_2573 : vector<512x128xf32>
    %reduce_sum3A_2575 = arith.constant dense<0.000000e+00> : vector<512xf32>
    %reduce_sum3A_2576 = vector.multi_reduction <add>, %mul3A_2574, %reduce_sum3A_2575 [1] : vector<512x128xf32> to vector<512xf32>
    %broadcast_in_dim3A_2577 = vector.shape_cast %reduce_sum3A_2576 : vector<512xf32> to vector<512x1xf32>
    %swap3A_2578 = arith.constant 0 : index
    %swap3A_2579 = arith.constant 214 : index
    %swap3A_2580 = vector.load %arg4[%swap3A_2578, %swap3A_2579] : memref<512x256xf32, #tpu.memory_space<vmem>>, vector<512x1xf32>
    tpu.vector_store %arg4[%swap3A_2578, %swap3A_2579], %broadcast_in_dim3A_2577 {strides = array<i32>} : memref<512x256xf32, #tpu.memory_space<vmem>>, vector<512x1xf32>,
    %get3A_2581 = arith.constant 215 : index
    %get3A_2582 = arith.constant 0 : index
    %get3A_2583 = vector.load %arg2[%get3A_2581, %get3A_2582] : memref<256x128xf32, #tpu.memory_space<vmem>>, vector<1x128xf32>
    %sub3A_2584 = vector.broadcast %get3A_2583 : vector<1x128xf32> to vector<512x128xf32>
    %sub3A_2585 = arith.subf %reshape3A, %sub3A_2584 : vector<512x128xf32>
    %mul3A_2586 = arith.mulf %sub3A_2585, %sub3A_2585 : vector<512x128xf32>
    %reduce_sum3A_2587 = arith.constant dense<0.000000e+00> : vector<512xf32>
    %reduce_sum3A_2588 = vector.multi_reduction <add>, %mul3A_2586, %reduce_sum3A_2587 [1] : vector<512x128xf32> to vector<512xf32>
    %broadcast_in_dim3A_2589 = vector.shape_cast %reduce_sum3A_2588 : vector<512xf32> to vector<512x1xf32>
    %swap3A_2590 = arith.constant 0 : index
    %swap3A_2591 = arith.constant 215 : index
    %swap3A_2592 = vector.load %arg4[%swap3A_2590, %swap3A_2591] : memref<512x256xf32, #tpu.memory_space<vmem>>, vector<512x1xf32>
    tpu.vector_store %arg4[%swap3A_2590, %swap3A_2591], %broadcast_in_dim3A_2589 {strides = array<i32>} : memref<512x256xf32, #tpu.memory_space<vmem>>, vector<512x1xf32>,
    %get3A_2593 = arith.constant 216 : index
    %get3A_2594 = arith.constant 0 : index
    %get3A_2595 = vector.load %arg2[%get3A_2593, %get3A_2594] : memref<256x128xf32, #tpu.memory_space<vmem>>, vector<1x128xf32>
    %sub3A_2596 = vector.broadcast %get3A_2595 : vector<1x128xf32> to vector<512x128xf32>
    %sub3A_2597 = arith.subf %reshape3A, %sub3A_2596 : vector<512x128xf32>
    %mul3A_2598 = arith.mulf %sub3A_2597, %sub3A_2597 : vector<512x128xf32>
    %reduce_sum3A_2599 = arith.constant dense<0.000000e+00> : vector<512xf32>
    %reduce_sum3A_2600 = vector.multi_reduction <add>, %mul3A_2598, %reduce_sum3A_2599 [1] : vector<512x128xf32> to vector<512xf32>
    %broadcast_in_dim3A_2601 = vector.shape_cast %reduce_sum3A_2600 : vector<512xf32> to vector<512x1xf32>
    %swap3A_2602 = arith.constant 0 : index
    %swap3A_2603 = arith.constant 216 : index
    %swap3A_2604 = vector.load %arg4[%swap3A_2602, %swap3A_2603] : memref<512x256xf32, #tpu.memory_space<vmem>>, vector<512x1xf32>
    tpu.vector_store %arg4[%swap3A_2602, %swap3A_2603], %broadcast_in_dim3A_2601 {strides = array<i32>} : memref<512x256xf32, #tpu.memory_space<vmem>>, vector<512x1xf32>,
    %get3A_2605 = arith.constant 217 : index
    %get3A_2606 = arith.constant 0 : index
    %get3A_2607 = vector.load %arg2[%get3A_2605, %get3A_2606] : memref<256x128xf32, #tpu.memory_space<vmem>>, vector<1x128xf32>
    %sub3A_2608 = vector.broadcast %get3A_2607 : vector<1x128xf32> to vector<512x128xf32>
    %sub3A_2609 = arith.subf %reshape3A, %sub3A_2608 : vector<512x128xf32>
    %mul3A_2610 = arith.mulf %sub3A_2609, %sub3A_2609 : vector<512x128xf32>
    %reduce_sum3A_2611 = arith.constant dense<0.000000e+00> : vector<512xf32>
    %reduce_sum3A_2612 = vector.multi_reduction <add>, %mul3A_2610, %reduce_sum3A_2611 [1] : vector<512x128xf32> to vector<512xf32>
    %broadcast_in_dim3A_2613 = vector.shape_cast %reduce_sum3A_2612 : vector<512xf32> to vector<512x1xf32>
    %swap3A_2614 = arith.constant 0 : index
    %swap3A_2615 = arith.constant 217 : index
    %swap3A_2616 = vector.load %arg4[%swap3A_2614, %swap3A_2615] : memref<512x256xf32, #tpu.memory_space<vmem>>, vector<512x1xf32>
    tpu.vector_store %arg4[%swap3A_2614, %swap3A_2615], %broadcast_in_dim3A_2613 {strides = array<i32>} : memref<512x256xf32, #tpu.memory_space<vmem>>, vector<512x1xf32>,
    %get3A_2617 = arith.constant 218 : index
    %get3A_2618 = arith.constant 0 : index
    %get3A_2619 = vector.load %arg2[%get3A_2617, %get3A_2618] : memref<256x128xf32, #tpu.memory_space<vmem>>, vector<1x128xf32>
    %sub3A_2620 = vector.broadcast %get3A_2619 : vector<1x128xf32> to vector<512x128xf32>
    %sub3A_2621 = arith.subf %reshape3A, %sub3A_2620 : vector<512x128xf32>
    %mul3A_2622 = arith.mulf %sub3A_2621, %sub3A_2621 : vector<512x128xf32>
    %reduce_sum3A_2623 = arith.constant dense<0.000000e+00> : vector<512xf32>
    %reduce_sum3A_2624 = vector.multi_reduction <add>, %mul3A_2622, %reduce_sum3A_2623 [1] : vector<512x128xf32> to vector<512xf32>
    %broadcast_in_dim3A_2625 = vector.shape_cast %reduce_sum3A_2624 : vector<512xf32> to vector<512x1xf32>
    %swap3A_2626 = arith.constant 0 : index
    %swap3A_2627 = arith.constant 218 : index
    %swap3A_2628 = vector.load %arg4[%swap3A_2626, %swap3A_2627] : memref<512x256xf32, #tpu.memory_space<vmem>>, vector<512x1xf32>
    tpu.vector_store %arg4[%swap3A_2626, %swap3A_2627], %broadcast_in_dim3A_2625 {strides = array<i32>} : memref<512x256xf32, #tpu.memory_space<vmem>>, vector<512x1xf32>,
    %get3A_2629 = arith.constant 219 : index
    %get3A_2630 = arith.constant 0 : index
    %get3A_2631 = vector.load %arg2[%get3A_2629, %get3A_2630] : memref<256x128xf32, #tpu.memory_space<vmem>>, vector<1x128xf32>
    %sub3A_2632 = vector.broadcast %get3A_2631 : vector<1x128xf32> to vector<512x128xf32>
    %sub3A_2633 = arith.subf %reshape3A, %sub3A_2632 : vector<512x128xf32>
    %mul3A_2634 = arith.mulf %sub3A_2633, %sub3A_2633 : vector<512x128xf32>
    %reduce_sum3A_2635 = arith.constant dense<0.000000e+00> : vector<512xf32>
    %reduce_sum3A_2636 = vector.multi_reduction <add>, %mul3A_2634, %reduce_sum3A_2635 [1] : vector<512x128xf32> to vector<512xf32>
    %broadcast_in_dim3A_2637 = vector.shape_cast %reduce_sum3A_2636 : vector<512xf32> to vector<512x1xf32>
    %swap3A_2638 = arith.constant 0 : index
    %swap3A_2639 = arith.constant 219 : index
    %swap3A_2640 = vector.load %arg4[%swap3A_2638, %swap3A_2639] : memref<512x256xf32, #tpu.memory_space<vmem>>, vector<512x1xf32>
    tpu.vector_store %arg4[%swap3A_2638, %swap3A_2639], %broadcast_in_dim3A_2637 {strides = array<i32>} : memref<512x256xf32, #tpu.memory_space<vmem>>, vector<512x1xf32>,
    %get3A_2641 = arith.constant 220 : index
    %get3A_2642 = arith.constant 0 : index
    %get3A_2643 = vector.load %arg2[%get3A_2641, %get3A_2642] : memref<256x128xf32, #tpu.memory_space<vmem>>, vector<1x128xf32>
    %sub3A_2644 = vector.broadcast %get3A_2643 : vector<1x128xf32> to vector<512x128xf32>
    %sub3A_2645 = arith.subf %reshape3A, %sub3A_2644 : vector<512x128xf32>
    %mul3A_2646 = arith.mulf %sub3A_2645, %sub3A_2645 : vector<512x128xf32>
    %reduce_sum3A_2647 = arith.constant dense<0.000000e+00> : vector<512xf32>
    %reduce_sum3A_2648 = vector.multi_reduction <add>, %mul3A_2646, %reduce_sum3A_2647 [1] : vector<512x128xf32> to vector<512xf32>
    %broadcast_in_dim3A_2649 = vector.shape_cast %reduce_sum3A_2648 : vector<512xf32> to vector<512x1xf32>
    %swap3A_2650 = arith.constant 0 : index
    %swap3A_2651 = arith.constant 220 : index
    %swap3A_2652 = vector.load %arg4[%swap3A_2650, %swap3A_2651] : memref<512x256xf32, #tpu.memory_space<vmem>>, vector<512x1xf32>
    tpu.vector_store %arg4[%swap3A_2650, %swap3A_2651], %broadcast_in_dim3A_2649 {strides = array<i32>} : memref<512x256xf32, #tpu.memory_space<vmem>>, vector<512x1xf32>,
    %get3A_2653 = arith.constant 221 : index
    %get3A_2654 = arith.constant 0 : index
    %get3A_2655 = vector.load %arg2[%get3A_2653, %get3A_2654] : memref<256x128xf32, #tpu.memory_space<vmem>>, vector<1x128xf32>
    %sub3A_2656 = vector.broadcast %get3A_2655 : vector<1x128xf32> to vector<512x128xf32>
    %sub3A_2657 = arith.subf %reshape3A, %sub3A_2656 : vector<512x128xf32>
    %mul3A_2658 = arith.mulf %sub3A_2657, %sub3A_2657 : vector<512x128xf32>
    %reduce_sum3A_2659 = arith.constant dense<0.000000e+00> : vector<512xf32>
    %reduce_sum3A_2660 = vector.multi_reduction <add>, %mul3A_2658, %reduce_sum3A_2659 [1] : vector<512x128xf32> to vector<512xf32>
    %broadcast_in_dim3A_2661 = vector.shape_cast %reduce_sum3A_2660 : vector<512xf32> to vector<512x1xf32>
    %swap3A_2662 = arith.constant 0 : index
    %swap3A_2663 = arith.constant 221 : index
    %swap3A_2664 = vector.load %arg4[%swap3A_2662, %swap3A_2663] : memref<512x256xf32, #tpu.memory_space<vmem>>, vector<512x1xf32>
    tpu.vector_store %arg4[%swap3A_2662, %swap3A_2663], %broadcast_in_dim3A_2661 {strides = array<i32>} : memref<512x256xf32, #tpu.memory_space<vmem>>, vector<512x1xf32>,
    %get3A_2665 = arith.constant 222 : index
    %get3A_2666 = arith.constant 0 : index
    %get3A_2667 = vector.load %arg2[%get3A_2665, %get3A_2666] : memref<256x128xf32, #tpu.memory_space<vmem>>, vector<1x128xf32>
    %sub3A_2668 = vector.broadcast %get3A_2667 : vector<1x128xf32> to vector<512x128xf32>
    %sub3A_2669 = arith.subf %reshape3A, %sub3A_2668 : vector<512x128xf32>
    %mul3A_2670 = arith.mulf %sub3A_2669, %sub3A_2669 : vector<512x128xf32>
    %reduce_sum3A_2671 = arith.constant dense<0.000000e+00> : vector<512xf32>
    %reduce_sum3A_2672 = vector.multi_reduction <add>, %mul3A_2670, %reduce_sum3A_2671 [1] : vector<512x128xf32> to vector<512xf32>
    %broadcast_in_dim3A_2673 = vector.shape_cast %reduce_sum3A_2672 : vector<512xf32> to vector<512x1xf32>
    %swap3A_2674 = arith.constant 0 : index
    %swap3A_2675 = arith.constant 222 : index
    %swap3A_2676 = vector.load %arg4[%swap3A_2674, %swap3A_2675] : memref<512x256xf32, #tpu.memory_space<vmem>>, vector<512x1xf32>
    tpu.vector_store %arg4[%swap3A_2674, %swap3A_2675], %broadcast_in_dim3A_2673 {strides = array<i32>} : memref<512x256xf32, #tpu.memory_space<vmem>>, vector<512x1xf32>,
    %get3A_2677 = arith.constant 223 : index
    %get3A_2678 = arith.constant 0 : index
    %get3A_2679 = vector.load %arg2[%get3A_2677, %get3A_2678] : memref<256x128xf32, #tpu.memory_space<vmem>>, vector<1x128xf32>
    %sub3A_2680 = vector.broadcast %get3A_2679 : vector<1x128xf32> to vector<512x128xf32>
    %sub3A_2681 = arith.subf %reshape3A, %sub3A_2680 : vector<512x128xf32>
    %mul3A_2682 = arith.mulf %sub3A_2681, %sub3A_2681 : vector<512x128xf32>
    %reduce_sum3A_2683 = arith.constant dense<0.000000e+00> : vector<512xf32>
    %reduce_sum3A_2684 = vector.multi_reduction <add>, %mul3A_2682, %reduce_sum3A_2683 [1] : vector<512x128xf32> to vector<512xf32>
    %broadcast_in_dim3A_2685 = vector.shape_cast %reduce_sum3A_2684 : vector<512xf32> to vector<512x1xf32>
    %swap3A_2686 = arith.constant 0 : index
    %swap3A_2687 = arith.constant 223 : index
    %swap3A_2688 = vector.load %arg4[%swap3A_2686, %swap3A_2687] : memref<512x256xf32, #tpu.memory_space<vmem>>, vector<512x1xf32>
    tpu.vector_store %arg4[%swap3A_2686, %swap3A_2687], %broadcast_in_dim3A_2685 {strides = array<i32>} : memref<512x256xf32, #tpu.memory_space<vmem>>, vector<512x1xf32>,
    %get3A_2689 = arith.constant 224 : index
    %get3A_2690 = arith.constant 0 : index
    %get3A_2691 = vector.load %arg2[%get3A_2689, %get3A_2690] : memref<256x128xf32, #tpu.memory_space<vmem>>, vector<1x128xf32>
    %sub3A_2692 = vector.broadcast %get3A_2691 : vector<1x128xf32> to vector<512x128xf32>
    %sub3A_2693 = arith.subf %reshape3A, %sub3A_2692 : vector<512x128xf32>
    %mul3A_2694 = arith.mulf %sub3A_2693, %sub3A_2693 : vector<512x128xf32>
    %reduce_sum3A_2695 = arith.constant dense<0.000000e+00> : vector<512xf32>
    %reduce_sum3A_2696 = vector.multi_reduction <add>, %mul3A_2694, %reduce_sum3A_2695 [1] : vector<512x128xf32> to vector<512xf32>
    %broadcast_in_dim3A_2697 = vector.shape_cast %reduce_sum3A_2696 : vector<512xf32> to vector<512x1xf32>
    %swap3A_2698 = arith.constant 0 : index
    %swap3A_2699 = arith.constant 224 : index
    %swap3A_2700 = vector.load %arg4[%swap3A_2698, %swap3A_2699] : memref<512x256xf32, #tpu.memory_space<vmem>>, vector<512x1xf32>
    tpu.vector_store %arg4[%swap3A_2698, %swap3A_2699], %broadcast_in_dim3A_2697 {strides = array<i32>} : memref<512x256xf32, #tpu.memory_space<vmem>>, vector<512x1xf32>,
    %get3A_2701 = arith.constant 225 : index
    %get3A_2702 = arith.constant 0 : index
    %get3A_2703 = vector.load %arg2[%get3A_2701, %get3A_2702] : memref<256x128xf32, #tpu.memory_space<vmem>>, vector<1x128xf32>
    %sub3A_2704 = vector.broadcast %get3A_2703 : vector<1x128xf32> to vector<512x128xf32>
    %sub3A_2705 = arith.subf %reshape3A, %sub3A_2704 : vector<512x128xf32>
    %mul3A_2706 = arith.mulf %sub3A_2705, %sub3A_2705 : vector<512x128xf32>
    %reduce_sum3A_2707 = arith.constant dense<0.000000e+00> : vector<512xf32>
    %reduce_sum3A_2708 = vector.multi_reduction <add>, %mul3A_2706, %reduce_sum3A_2707 [1] : vector<512x128xf32> to vector<512xf32>
    %broadcast_in_dim3A_2709 = vector.shape_cast %reduce_sum3A_2708 : vector<512xf32> to vector<512x1xf32>
    %swap3A_2710 = arith.constant 0 : index
    %swap3A_2711 = arith.constant 225 : index
    %swap3A_2712 = vector.load %arg4[%swap3A_2710, %swap3A_2711] : memref<512x256xf32, #tpu.memory_space<vmem>>, vector<512x1xf32>
    tpu.vector_store %arg4[%swap3A_2710, %swap3A_2711], %broadcast_in_dim3A_2709 {strides = array<i32>} : memref<512x256xf32, #tpu.memory_space<vmem>>, vector<512x1xf32>,
    %get3A_2713 = arith.constant 226 : index
    %get3A_2714 = arith.constant 0 : index
    %get3A_2715 = vector.load %arg2[%get3A_2713, %get3A_2714] : memref<256x128xf32, #tpu.memory_space<vmem>>, vector<1x128xf32>
    %sub3A_2716 = vector.broadcast %get3A_2715 : vector<1x128xf32> to vector<512x128xf32>
    %sub3A_2717 = arith.subf %reshape3A, %sub3A_2716 : vector<512x128xf32>
    %mul3A_2718 = arith.mulf %sub3A_2717, %sub3A_2717 : vector<512x128xf32>
    %reduce_sum3A_2719 = arith.constant dense<0.000000e+00> : vector<512xf32>
    %reduce_sum3A_2720 = vector.multi_reduction <add>, %mul3A_2718, %reduce_sum3A_2719 [1] : vector<512x128xf32> to vector<512xf32>
    %broadcast_in_dim3A_2721 = vector.shape_cast %reduce_sum3A_2720 : vector<512xf32> to vector<512x1xf32>
    %swap3A_2722 = arith.constant 0 : index
    %swap3A_2723 = arith.constant 226 : index
    %swap3A_2724 = vector.load %arg4[%swap3A_2722, %swap3A_2723] : memref<512x256xf32, #tpu.memory_space<vmem>>, vector<512x1xf32>
    tpu.vector_store %arg4[%swap3A_2722, %swap3A_2723], %broadcast_in_dim3A_2721 {strides = array<i32>} : memref<512x256xf32, #tpu.memory_space<vmem>>, vector<512x1xf32>,
    %get3A_2725 = arith.constant 227 : index
    %get3A_2726 = arith.constant 0 : index
    %get3A_2727 = vector.load %arg2[%get3A_2725, %get3A_2726] : memref<256x128xf32, #tpu.memory_space<vmem>>, vector<1x128xf32>
    %sub3A_2728 = vector.broadcast %get3A_2727 : vector<1x128xf32> to vector<512x128xf32>
    %sub3A_2729 = arith.subf %reshape3A, %sub3A_2728 : vector<512x128xf32>
    %mul3A_2730 = arith.mulf %sub3A_2729, %sub3A_2729 : vector<512x128xf32>
    %reduce_sum3A_2731 = arith.constant dense<0.000000e+00> : vector<512xf32>
    %reduce_sum3A_2732 = vector.multi_reduction <add>, %mul3A_2730, %reduce_sum3A_2731 [1] : vector<512x128xf32> to vector<512xf32>
    %broadcast_in_dim3A_2733 = vector.shape_cast %reduce_sum3A_2732 : vector<512xf32> to vector<512x1xf32>
    %swap3A_2734 = arith.constant 0 : index
    %swap3A_2735 = arith.constant 227 : index
    %swap3A_2736 = vector.load %arg4[%swap3A_2734, %swap3A_2735] : memref<512x256xf32, #tpu.memory_space<vmem>>, vector<512x1xf32>
    tpu.vector_store %arg4[%swap3A_2734, %swap3A_2735], %broadcast_in_dim3A_2733 {strides = array<i32>} : memref<512x256xf32, #tpu.memory_space<vmem>>, vector<512x1xf32>,
    %get3A_2737 = arith.constant 228 : index
    %get3A_2738 = arith.constant 0 : index
    %get3A_2739 = vector.load %arg2[%get3A_2737, %get3A_2738] : memref<256x128xf32, #tpu.memory_space<vmem>>, vector<1x128xf32>
    %sub3A_2740 = vector.broadcast %get3A_2739 : vector<1x128xf32> to vector<512x128xf32>
    %sub3A_2741 = arith.subf %reshape3A, %sub3A_2740 : vector<512x128xf32>
    %mul3A_2742 = arith.mulf %sub3A_2741, %sub3A_2741 : vector<512x128xf32>
    %reduce_sum3A_2743 = arith.constant dense<0.000000e+00> : vector<512xf32>
    %reduce_sum3A_2744 = vector.multi_reduction <add>, %mul3A_2742, %reduce_sum3A_2743 [1] : vector<512x128xf32> to vector<512xf32>
    %broadcast_in_dim3A_2745 = vector.shape_cast %reduce_sum3A_2744 : vector<512xf32> to vector<512x1xf32>
    %swap3A_2746 = arith.constant 0 : index
    %swap3A_2747 = arith.constant 228 : index
    %swap3A_2748 = vector.load %arg4[%swap3A_2746, %swap3A_2747] : memref<512x256xf32, #tpu.memory_space<vmem>>, vector<512x1xf32>
    tpu.vector_store %arg4[%swap3A_2746, %swap3A_2747], %broadcast_in_dim3A_2745 {strides = array<i32>} : memref<512x256xf32, #tpu.memory_space<vmem>>, vector<512x1xf32>,
    %get3A_2749 = arith.constant 229 : index
    %get3A_2750 = arith.constant 0 : index
    %get3A_2751 = vector.load %arg2[%get3A_2749, %get3A_2750] : memref<256x128xf32, #tpu.memory_space<vmem>>, vector<1x128xf32>
    %sub3A_2752 = vector.broadcast %get3A_2751 : vector<1x128xf32> to vector<512x128xf32>
    %sub3A_2753 = arith.subf %reshape3A, %sub3A_2752 : vector<512x128xf32>
    %mul3A_2754 = arith.mulf %sub3A_2753, %sub3A_2753 : vector<512x128xf32>
    %reduce_sum3A_2755 = arith.constant dense<0.000000e+00> : vector<512xf32>
    %reduce_sum3A_2756 = vector.multi_reduction <add>, %mul3A_2754, %reduce_sum3A_2755 [1] : vector<512x128xf32> to vector<512xf32>
    %broadcast_in_dim3A_2757 = vector.shape_cast %reduce_sum3A_2756 : vector<512xf32> to vector<512x1xf32>
    %swap3A_2758 = arith.constant 0 : index
    %swap3A_2759 = arith.constant 229 : index
    %swap3A_2760 = vector.load %arg4[%swap3A_2758, %swap3A_2759] : memref<512x256xf32, #tpu.memory_space<vmem>>, vector<512x1xf32>
    tpu.vector_store %arg4[%swap3A_2758, %swap3A_2759], %broadcast_in_dim3A_2757 {strides = array<i32>} : memref<512x256xf32, #tpu.memory_space<vmem>>, vector<512x1xf32>,
    %get3A_2761 = arith.constant 230 : index
    %get3A_2762 = arith.constant 0 : index
    %get3A_2763 = vector.load %arg2[%get3A_2761, %get3A_2762] : memref<256x128xf32, #tpu.memory_space<vmem>>, vector<1x128xf32>
    %sub3A_2764 = vector.broadcast %get3A_2763 : vector<1x128xf32> to vector<512x128xf32>
    %sub3A_2765 = arith.subf %reshape3A, %sub3A_2764 : vector<512x128xf32>
    %mul3A_2766 = arith.mulf %sub3A_2765, %sub3A_2765 : vector<512x128xf32>
    %reduce_sum3A_2767 = arith.constant dense<0.000000e+00> : vector<512xf32>
    %reduce_sum3A_2768 = vector.multi_reduction <add>, %mul3A_2766, %reduce_sum3A_2767 [1] : vector<512x128xf32> to vector<512xf32>
    %broadcast_in_dim3A_2769 = vector.shape_cast %reduce_sum3A_2768 : vector<512xf32> to vector<512x1xf32>
    %swap3A_2770 = arith.constant 0 : index
    %swap3A_2771 = arith.constant 230 : index
    %swap3A_2772 = vector.load %arg4[%swap3A_2770, %swap3A_2771] : memref<512x256xf32, #tpu.memory_space<vmem>>, vector<512x1xf32>
    tpu.vector_store %arg4[%swap3A_2770, %swap3A_2771], %broadcast_in_dim3A_2769 {strides = array<i32>} : memref<512x256xf32, #tpu.memory_space<vmem>>, vector<512x1xf32>,
    %get3A_2773 = arith.constant 231 : index
    %get3A_2774 = arith.constant 0 : index
    %get3A_2775 = vector.load %arg2[%get3A_2773, %get3A_2774] : memref<256x128xf32, #tpu.memory_space<vmem>>, vector<1x128xf32>
    %sub3A_2776 = vector.broadcast %get3A_2775 : vector<1x128xf32> to vector<512x128xf32>
    %sub3A_2777 = arith.subf %reshape3A, %sub3A_2776 : vector<512x128xf32>
    %mul3A_2778 = arith.mulf %sub3A_2777, %sub3A_2777 : vector<512x128xf32>
    %reduce_sum3A_2779 = arith.constant dense<0.000000e+00> : vector<512xf32>
    %reduce_sum3A_2780 = vector.multi_reduction <add>, %mul3A_2778, %reduce_sum3A_2779 [1] : vector<512x128xf32> to vector<512xf32>
    %broadcast_in_dim3A_2781 = vector.shape_cast %reduce_sum3A_2780 : vector<512xf32> to vector<512x1xf32>
    %swap3A_2782 = arith.constant 0 : index
    %swap3A_2783 = arith.constant 231 : index
    %swap3A_2784 = vector.load %arg4[%swap3A_2782, %swap3A_2783] : memref<512x256xf32, #tpu.memory_space<vmem>>, vector<512x1xf32>
    tpu.vector_store %arg4[%swap3A_2782, %swap3A_2783], %broadcast_in_dim3A_2781 {strides = array<i32>} : memref<512x256xf32, #tpu.memory_space<vmem>>, vector<512x1xf32>,
    %get3A_2785 = arith.constant 232 : index
    %get3A_2786 = arith.constant 0 : index
    %get3A_2787 = vector.load %arg2[%get3A_2785, %get3A_2786] : memref<256x128xf32, #tpu.memory_space<vmem>>, vector<1x128xf32>
    %sub3A_2788 = vector.broadcast %get3A_2787 : vector<1x128xf32> to vector<512x128xf32>
    %sub3A_2789 = arith.subf %reshape3A, %sub3A_2788 : vector<512x128xf32>
    %mul3A_2790 = arith.mulf %sub3A_2789, %sub3A_2789 : vector<512x128xf32>
    %reduce_sum3A_2791 = arith.constant dense<0.000000e+00> : vector<512xf32>
    %reduce_sum3A_2792 = vector.multi_reduction <add>, %mul3A_2790, %reduce_sum3A_2791 [1] : vector<512x128xf32> to vector<512xf32>
    %broadcast_in_dim3A_2793 = vector.shape_cast %reduce_sum3A_2792 : vector<512xf32> to vector<512x1xf32>
    %swap3A_2794 = arith.constant 0 : index
    %swap3A_2795 = arith.constant 232 : index
    %swap3A_2796 = vector.load %arg4[%swap3A_2794, %swap3A_2795] : memref<512x256xf32, #tpu.memory_space<vmem>>, vector<512x1xf32>
    tpu.vector_store %arg4[%swap3A_2794, %swap3A_2795], %broadcast_in_dim3A_2793 {strides = array<i32>} : memref<512x256xf32, #tpu.memory_space<vmem>>, vector<512x1xf32>,
    %get3A_2797 = arith.constant 233 : index
    %get3A_2798 = arith.constant 0 : index
    %get3A_2799 = vector.load %arg2[%get3A_2797, %get3A_2798] : memref<256x128xf32, #tpu.memory_space<vmem>>, vector<1x128xf32>
    %sub3A_2800 = vector.broadcast %get3A_2799 : vector<1x128xf32> to vector<512x128xf32>
    %sub3A_2801 = arith.subf %reshape3A, %sub3A_2800 : vector<512x128xf32>
    %mul3A_2802 = arith.mulf %sub3A_2801, %sub3A_2801 : vector<512x128xf32>
    %reduce_sum3A_2803 = arith.constant dense<0.000000e+00> : vector<512xf32>
    %reduce_sum3A_2804 = vector.multi_reduction <add>, %mul3A_2802, %reduce_sum3A_2803 [1] : vector<512x128xf32> to vector<512xf32>
    %broadcast_in_dim3A_2805 = vector.shape_cast %reduce_sum3A_2804 : vector<512xf32> to vector<512x1xf32>
    %swap3A_2806 = arith.constant 0 : index
    %swap3A_2807 = arith.constant 233 : index
    %swap3A_2808 = vector.load %arg4[%swap3A_2806, %swap3A_2807] : memref<512x256xf32, #tpu.memory_space<vmem>>, vector<512x1xf32>
    tpu.vector_store %arg4[%swap3A_2806, %swap3A_2807], %broadcast_in_dim3A_2805 {strides = array<i32>} : memref<512x256xf32, #tpu.memory_space<vmem>>, vector<512x1xf32>,
    %get3A_2809 = arith.constant 234 : index
    %get3A_2810 = arith.constant 0 : index
    %get3A_2811 = vector.load %arg2[%get3A_2809, %get3A_2810] : memref<256x128xf32, #tpu.memory_space<vmem>>, vector<1x128xf32>
    %sub3A_2812 = vector.broadcast %get3A_2811 : vector<1x128xf32> to vector<512x128xf32>
    %sub3A_2813 = arith.subf %reshape3A, %sub3A_2812 : vector<512x128xf32>
    %mul3A_2814 = arith.mulf %sub3A_2813, %sub3A_2813 : vector<512x128xf32>
    %reduce_sum3A_2815 = arith.constant dense<0.000000e+00> : vector<512xf32>
    %reduce_sum3A_2816 = vector.multi_reduction <add>, %mul3A_2814, %reduce_sum3A_2815 [1] : vector<512x128xf32> to vector<512xf32>
    %broadcast_in_dim3A_2817 = vector.shape_cast %reduce_sum3A_2816 : vector<512xf32> to vector<512x1xf32>
    %swap3A_2818 = arith.constant 0 : index
    %swap3A_2819 = arith.constant 234 : index
    %swap3A_2820 = vector.load %arg4[%swap3A_2818, %swap3A_2819] : memref<512x256xf32, #tpu.memory_space<vmem>>, vector<512x1xf32>
    tpu.vector_store %arg4[%swap3A_2818, %swap3A_2819], %broadcast_in_dim3A_2817 {strides = array<i32>} : memref<512x256xf32, #tpu.memory_space<vmem>>, vector<512x1xf32>,
    %get3A_2821 = arith.constant 235 : index
    %get3A_2822 = arith.constant 0 : index
    %get3A_2823 = vector.load %arg2[%get3A_2821, %get3A_2822] : memref<256x128xf32, #tpu.memory_space<vmem>>, vector<1x128xf32>
    %sub3A_2824 = vector.broadcast %get3A_2823 : vector<1x128xf32> to vector<512x128xf32>
    %sub3A_2825 = arith.subf %reshape3A, %sub3A_2824 : vector<512x128xf32>
    %mul3A_2826 = arith.mulf %sub3A_2825, %sub3A_2825 : vector<512x128xf32>
    %reduce_sum3A_2827 = arith.constant dense<0.000000e+00> : vector<512xf32>
    %reduce_sum3A_2828 = vector.multi_reduction <add>, %mul3A_2826, %reduce_sum3A_2827 [1] : vector<512x128xf32> to vector<512xf32>
    %broadcast_in_dim3A_2829 = vector.shape_cast %reduce_sum3A_2828 : vector<512xf32> to vector<512x1xf32>
    %swap3A_2830 = arith.constant 0 : index
    %swap3A_2831 = arith.constant 235 : index
    %swap3A_2832 = vector.load %arg4[%swap3A_2830, %swap3A_2831] : memref<512x256xf32, #tpu.memory_space<vmem>>, vector<512x1xf32>
    tpu.vector_store %arg4[%swap3A_2830, %swap3A_2831], %broadcast_in_dim3A_2829 {strides = array<i32>} : memref<512x256xf32, #tpu.memory_space<vmem>>, vector<512x1xf32>,
    %get3A_2833 = arith.constant 236 : index
    %get3A_2834 = arith.constant 0 : index
    %get3A_2835 = vector.load %arg2[%get3A_2833, %get3A_2834] : memref<256x128xf32, #tpu.memory_space<vmem>>, vector<1x128xf32>
    %sub3A_2836 = vector.broadcast %get3A_2835 : vector<1x128xf32> to vector<512x128xf32>
    %sub3A_2837 = arith.subf %reshape3A, %sub3A_2836 : vector<512x128xf32>
    %mul3A_2838 = arith.mulf %sub3A_2837, %sub3A_2837 : vector<512x128xf32>
    %reduce_sum3A_2839 = arith.constant dense<0.000000e+00> : vector<512xf32>
    %reduce_sum3A_2840 = vector.multi_reduction <add>, %mul3A_2838, %reduce_sum3A_2839 [1] : vector<512x128xf32> to vector<512xf32>
    %broadcast_in_dim3A_2841 = vector.shape_cast %reduce_sum3A_2840 : vector<512xf32> to vector<512x1xf32>
    %swap3A_2842 = arith.constant 0 : index
    %swap3A_2843 = arith.constant 236 : index
    %swap3A_2844 = vector.load %arg4[%swap3A_2842, %swap3A_2843] : memref<512x256xf32, #tpu.memory_space<vmem>>, vector<512x1xf32>
    tpu.vector_store %arg4[%swap3A_2842, %swap3A_2843], %broadcast_in_dim3A_2841 {strides = array<i32>} : memref<512x256xf32, #tpu.memory_space<vmem>>, vector<512x1xf32>,
    %get3A_2845 = arith.constant 237 : index
    %get3A_2846 = arith.constant 0 : index
    %get3A_2847 = vector.load %arg2[%get3A_2845, %get3A_2846] : memref<256x128xf32, #tpu.memory_space<vmem>>, vector<1x128xf32>
    %sub3A_2848 = vector.broadcast %get3A_2847 : vector<1x128xf32> to vector<512x128xf32>
    %sub3A_2849 = arith.subf %reshape3A, %sub3A_2848 : vector<512x128xf32>
    %mul3A_2850 = arith.mulf %sub3A_2849, %sub3A_2849 : vector<512x128xf32>
    %reduce_sum3A_2851 = arith.constant dense<0.000000e+00> : vector<512xf32>
    %reduce_sum3A_2852 = vector.multi_reduction <add>, %mul3A_2850, %reduce_sum3A_2851 [1] : vector<512x128xf32> to vector<512xf32>
    %broadcast_in_dim3A_2853 = vector.shape_cast %reduce_sum3A_2852 : vector<512xf32> to vector<512x1xf32>
    %swap3A_2854 = arith.constant 0 : index
    %swap3A_2855 = arith.constant 237 : index
    %swap3A_2856 = vector.load %arg4[%swap3A_2854, %swap3A_2855] : memref<512x256xf32, #tpu.memory_space<vmem>>, vector<512x1xf32>
    tpu.vector_store %arg4[%swap3A_2854, %swap3A_2855], %broadcast_in_dim3A_2853 {strides = array<i32>} : memref<512x256xf32, #tpu.memory_space<vmem>>, vector<512x1xf32>,
    %get3A_2857 = arith.constant 238 : index
    %get3A_2858 = arith.constant 0 : index
    %get3A_2859 = vector.load %arg2[%get3A_2857, %get3A_2858] : memref<256x128xf32, #tpu.memory_space<vmem>>, vector<1x128xf32>
    %sub3A_2860 = vector.broadcast %get3A_2859 : vector<1x128xf32> to vector<512x128xf32>
    %sub3A_2861 = arith.subf %reshape3A, %sub3A_2860 : vector<512x128xf32>
    %mul3A_2862 = arith.mulf %sub3A_2861, %sub3A_2861 : vector<512x128xf32>
    %reduce_sum3A_2863 = arith.constant dense<0.000000e+00> : vector<512xf32>
    %reduce_sum3A_2864 = vector.multi_reduction <add>, %mul3A_2862, %reduce_sum3A_2863 [1] : vector<512x128xf32> to vector<512xf32>
    %broadcast_in_dim3A_2865 = vector.shape_cast %reduce_sum3A_2864 : vector<512xf32> to vector<512x1xf32>
    %swap3A_2866 = arith.constant 0 : index
    %swap3A_2867 = arith.constant 238 : index
    %swap3A_2868 = vector.load %arg4[%swap3A_2866, %swap3A_2867] : memref<512x256xf32, #tpu.memory_space<vmem>>, vector<512x1xf32>
    tpu.vector_store %arg4[%swap3A_2866, %swap3A_2867], %broadcast_in_dim3A_2865 {strides = array<i32>} : memref<512x256xf32, #tpu.memory_space<vmem>>, vector<512x1xf32>,
    %get3A_2869 = arith.constant 239 : index
    %get3A_2870 = arith.constant 0 : index
    %get3A_2871 = vector.load %arg2[%get3A_2869, %get3A_2870] : memref<256x128xf32, #tpu.memory_space<vmem>>, vector<1x128xf32>
    %sub3A_2872 = vector.broadcast %get3A_2871 : vector<1x128xf32> to vector<512x128xf32>
    %sub3A_2873 = arith.subf %reshape3A, %sub3A_2872 : vector<512x128xf32>
    %mul3A_2874 = arith.mulf %sub3A_2873, %sub3A_2873 : vector<512x128xf32>
    %reduce_sum3A_2875 = arith.constant dense<0.000000e+00> : vector<512xf32>
    %reduce_sum3A_2876 = vector.multi_reduction <add>, %mul3A_2874, %reduce_sum3A_2875 [1] : vector<512x128xf32> to vector<512xf32>
    %broadcast_in_dim3A_2877 = vector.shape_cast %reduce_sum3A_2876 : vector<512xf32> to vector<512x1xf32>
    %swap3A_2878 = arith.constant 0 : index
    %swap3A_2879 = arith.constant 239 : index
    %swap3A_2880 = vector.load %arg4[%swap3A_2878, %swap3A_2879] : memref<512x256xf32, #tpu.memory_space<vmem>>, vector<512x1xf32>
    tpu.vector_store %arg4[%swap3A_2878, %swap3A_2879], %broadcast_in_dim3A_2877 {strides = array<i32>} : memref<512x256xf32, #tpu.memory_space<vmem>>, vector<512x1xf32>,
    %get3A_2881 = arith.constant 240 : index
    %get3A_2882 = arith.constant 0 : index
    %get3A_2883 = vector.load %arg2[%get3A_2881, %get3A_2882] : memref<256x128xf32, #tpu.memory_space<vmem>>, vector<1x128xf32>
    %sub3A_2884 = vector.broadcast %get3A_2883 : vector<1x128xf32> to vector<512x128xf32>
    %sub3A_2885 = arith.subf %reshape3A, %sub3A_2884 : vector<512x128xf32>
    %mul3A_2886 = arith.mulf %sub3A_2885, %sub3A_2885 : vector<512x128xf32>
    %reduce_sum3A_2887 = arith.constant dense<0.000000e+00> : vector<512xf32>
    %reduce_sum3A_2888 = vector.multi_reduction <add>, %mul3A_2886, %reduce_sum3A_2887 [1] : vector<512x128xf32> to vector<512xf32>
    %broadcast_in_dim3A_2889 = vector.shape_cast %reduce_sum3A_2888 : vector<512xf32> to vector<512x1xf32>
    %swap3A_2890 = arith.constant 0 : index
    %swap3A_2891 = arith.constant 240 : index
    %swap3A_2892 = vector.load %arg4[%swap3A_2890, %swap3A_2891] : memref<512x256xf32, #tpu.memory_space<vmem>>, vector<512x1xf32>
    tpu.vector_store %arg4[%swap3A_2890, %swap3A_2891], %broadcast_in_dim3A_2889 {strides = array<i32>} : memref<512x256xf32, #tpu.memory_space<vmem>>, vector<512x1xf32>,
    %get3A_2893 = arith.constant 241 : index
    %get3A_2894 = arith.constant 0 : index
    %get3A_2895 = vector.load %arg2[%get3A_2893, %get3A_2894] : memref<256x128xf32, #tpu.memory_space<vmem>>, vector<1x128xf32>
    %sub3A_2896 = vector.broadcast %get3A_2895 : vector<1x128xf32> to vector<512x128xf32>
    %sub3A_2897 = arith.subf %reshape3A, %sub3A_2896 : vector<512x128xf32>
    %mul3A_2898 = arith.mulf %sub3A_2897, %sub3A_2897 : vector<512x128xf32>
    %reduce_sum3A_2899 = arith.constant dense<0.000000e+00> : vector<512xf32>
    %reduce_sum3A_2900 = vector.multi_reduction <add>, %mul3A_2898, %reduce_sum3A_2899 [1] : vector<512x128xf32> to vector<512xf32>
    %broadcast_in_dim3A_2901 = vector.shape_cast %reduce_sum3A_2900 : vector<512xf32> to vector<512x1xf32>
    %swap3A_2902 = arith.constant 0 : index
    %swap3A_2903 = arith.constant 241 : index
    %swap3A_2904 = vector.load %arg4[%swap3A_2902, %swap3A_2903] : memref<512x256xf32, #tpu.memory_space<vmem>>, vector<512x1xf32>
    tpu.vector_store %arg4[%swap3A_2902, %swap3A_2903], %broadcast_in_dim3A_2901 {strides = array<i32>} : memref<512x256xf32, #tpu.memory_space<vmem>>, vector<512x1xf32>,
    %get3A_2905 = arith.constant 242 : index
    %get3A_2906 = arith.constant 0 : index
    %get3A_2907 = vector.load %arg2[%get3A_2905, %get3A_2906] : memref<256x128xf32, #tpu.memory_space<vmem>>, vector<1x128xf32>
    %sub3A_2908 = vector.broadcast %get3A_2907 : vector<1x128xf32> to vector<512x128xf32>
    %sub3A_2909 = arith.subf %reshape3A, %sub3A_2908 : vector<512x128xf32>
    %mul3A_2910 = arith.mulf %sub3A_2909, %sub3A_2909 : vector<512x128xf32>
    %reduce_sum3A_2911 = arith.constant dense<0.000000e+00> : vector<512xf32>
    %reduce_sum3A_2912 = vector.multi_reduction <add>, %mul3A_2910, %reduce_sum3A_2911 [1] : vector<512x128xf32> to vector<512xf32>
    %broadcast_in_dim3A_2913 = vector.shape_cast %reduce_sum3A_2912 : vector<512xf32> to vector<512x1xf32>
    %swap3A_2914 = arith.constant 0 : index
    %swap3A_2915 = arith.constant 242 : index
    %swap3A_2916 = vector.load %arg4[%swap3A_2914, %swap3A_2915] : memref<512x256xf32, #tpu.memory_space<vmem>>, vector<512x1xf32>
    tpu.vector_store %arg4[%swap3A_2914, %swap3A_2915], %broadcast_in_dim3A_2913 {strides = array<i32>} : memref<512x256xf32, #tpu.memory_space<vmem>>, vector<512x1xf32>,
    %get3A_2917 = arith.constant 243 : index
    %get3A_2918 = arith.constant 0 : index
    %get3A_2919 = vector.load %arg2[%get3A_2917, %get3A_2918] : memref<256x128xf32, #tpu.memory_space<vmem>>, vector<1x128xf32>
    %sub3A_2920 = vector.broadcast %get3A_2919 : vector<1x128xf32> to vector<512x128xf32>
    %sub3A_2921 = arith.subf %reshape3A, %sub3A_2920 : vector<512x128xf32>
    %mul3A_2922 = arith.mulf %sub3A_2921, %sub3A_2921 : vector<512x128xf32>
    %reduce_sum3A_2923 = arith.constant dense<0.000000e+00> : vector<512xf32>
    %reduce_sum3A_2924 = vector.multi_reduction <add>, %mul3A_2922, %reduce_sum3A_2923 [1] : vector<512x128xf32> to vector<512xf32>
    %broadcast_in_dim3A_2925 = vector.shape_cast %reduce_sum3A_2924 : vector<512xf32> to vector<512x1xf32>
    %swap3A_2926 = arith.constant 0 : index
    %swap3A_2927 = arith.constant 243 : index
    %swap3A_2928 = vector.load %arg4[%swap3A_2926, %swap3A_2927] : memref<512x256xf32, #tpu.memory_space<vmem>>, vector<512x1xf32>
    tpu.vector_store %arg4[%swap3A_2926, %swap3A_2927], %broadcast_in_dim3A_2925 {strides = array<i32>} : memref<512x256xf32, #tpu.memory_space<vmem>>, vector<512x1xf32>,
    %get3A_2929 = arith.constant 244 : index
    %get3A_2930 = arith.constant 0 : index
    %get3A_2931 = vector.load %arg2[%get3A_2929, %get3A_2930] : memref<256x128xf32, #tpu.memory_space<vmem>>, vector<1x128xf32>
    %sub3A_2932 = vector.broadcast %get3A_2931 : vector<1x128xf32> to vector<512x128xf32>
    %sub3A_2933 = arith.subf %reshape3A, %sub3A_2932 : vector<512x128xf32>
    %mul3A_2934 = arith.mulf %sub3A_2933, %sub3A_2933 : vector<512x128xf32>
    %reduce_sum3A_2935 = arith.constant dense<0.000000e+00> : vector<512xf32>
    %reduce_sum3A_2936 = vector.multi_reduction <add>, %mul3A_2934, %reduce_sum3A_2935 [1] : vector<512x128xf32> to vector<512xf32>
    %broadcast_in_dim3A_2937 = vector.shape_cast %reduce_sum3A_2936 : vector<512xf32> to vector<512x1xf32>
    %swap3A_2938 = arith.constant 0 : index
    %swap3A_2939 = arith.constant 244 : index
    %swap3A_2940 = vector.load %arg4[%swap3A_2938, %swap3A_2939] : memref<512x256xf32, #tpu.memory_space<vmem>>, vector<512x1xf32>
    tpu.vector_store %arg4[%swap3A_2938, %swap3A_2939], %broadcast_in_dim3A_2937 {strides = array<i32>} : memref<512x256xf32, #tpu.memory_space<vmem>>, vector<512x1xf32>,
    %get3A_2941 = arith.constant 245 : index
    %get3A_2942 = arith.constant 0 : index
    %get3A_2943 = vector.load %arg2[%get3A_2941, %get3A_2942] : memref<256x128xf32, #tpu.memory_space<vmem>>, vector<1x128xf32>
    %sub3A_2944 = vector.broadcast %get3A_2943 : vector<1x128xf32> to vector<512x128xf32>
    %sub3A_2945 = arith.subf %reshape3A, %sub3A_2944 : vector<512x128xf32>
    %mul3A_2946 = arith.mulf %sub3A_2945, %sub3A_2945 : vector<512x128xf32>
    %reduce_sum3A_2947 = arith.constant dense<0.000000e+00> : vector<512xf32>
    %reduce_sum3A_2948 = vector.multi_reduction <add>, %mul3A_2946, %reduce_sum3A_2947 [1] : vector<512x128xf32> to vector<512xf32>
    %broadcast_in_dim3A_2949 = vector.shape_cast %reduce_sum3A_2948 : vector<512xf32> to vector<512x1xf32>
    %swap3A_2950 = arith.constant 0 : index
    %swap3A_2951 = arith.constant 245 : index
    %swap3A_2952 = vector.load %arg4[%swap3A_2950, %swap3A_2951] : memref<512x256xf32, #tpu.memory_space<vmem>>, vector<512x1xf32>
    tpu.vector_store %arg4[%swap3A_2950, %swap3A_2951], %broadcast_in_dim3A_2949 {strides = array<i32>} : memref<512x256xf32, #tpu.memory_space<vmem>>, vector<512x1xf32>,
    %get3A_2953 = arith.constant 246 : index
    %get3A_2954 = arith.constant 0 : index
    %get3A_2955 = vector.load %arg2[%get3A_2953, %get3A_2954] : memref<256x128xf32, #tpu.memory_space<vmem>>, vector<1x128xf32>
    %sub3A_2956 = vector.broadcast %get3A_2955 : vector<1x128xf32> to vector<512x128xf32>
    %sub3A_2957 = arith.subf %reshape3A, %sub3A_2956 : vector<512x128xf32>
    %mul3A_2958 = arith.mulf %sub3A_2957, %sub3A_2957 : vector<512x128xf32>
    %reduce_sum3A_2959 = arith.constant dense<0.000000e+00> : vector<512xf32>
    %reduce_sum3A_2960 = vector.multi_reduction <add>, %mul3A_2958, %reduce_sum3A_2959 [1] : vector<512x128xf32> to vector<512xf32>
    %broadcast_in_dim3A_2961 = vector.shape_cast %reduce_sum3A_2960 : vector<512xf32> to vector<512x1xf32>
    %swap3A_2962 = arith.constant 0 : index
    %swap3A_2963 = arith.constant 246 : index
    %swap3A_2964 = vector.load %arg4[%swap3A_2962, %swap3A_2963] : memref<512x256xf32, #tpu.memory_space<vmem>>, vector<512x1xf32>
    tpu.vector_store %arg4[%swap3A_2962, %swap3A_2963], %broadcast_in_dim3A_2961 {strides = array<i32>} : memref<512x256xf32, #tpu.memory_space<vmem>>, vector<512x1xf32>,
    %get3A_2965 = arith.constant 247 : index
    %get3A_2966 = arith.constant 0 : index
    %get3A_2967 = vector.load %arg2[%get3A_2965, %get3A_2966] : memref<256x128xf32, #tpu.memory_space<vmem>>, vector<1x128xf32>
    %sub3A_2968 = vector.broadcast %get3A_2967 : vector<1x128xf32> to vector<512x128xf32>
    %sub3A_2969 = arith.subf %reshape3A, %sub3A_2968 : vector<512x128xf32>
    %mul3A_2970 = arith.mulf %sub3A_2969, %sub3A_2969 : vector<512x128xf32>
    %reduce_sum3A_2971 = arith.constant dense<0.000000e+00> : vector<512xf32>
    %reduce_sum3A_2972 = vector.multi_reduction <add>, %mul3A_2970, %reduce_sum3A_2971 [1] : vector<512x128xf32> to vector<512xf32>
    %broadcast_in_dim3A_2973 = vector.shape_cast %reduce_sum3A_2972 : vector<512xf32> to vector<512x1xf32>
    %swap3A_2974 = arith.constant 0 : index
    %swap3A_2975 = arith.constant 247 : index
    %swap3A_2976 = vector.load %arg4[%swap3A_2974, %swap3A_2975] : memref<512x256xf32, #tpu.memory_space<vmem>>, vector<512x1xf32>
    tpu.vector_store %arg4[%swap3A_2974, %swap3A_2975], %broadcast_in_dim3A_2973 {strides = array<i32>} : memref<512x256xf32, #tpu.memory_space<vmem>>, vector<512x1xf32>,
    %get3A_2977 = arith.constant 248 : index
    %get3A_2978 = arith.constant 0 : index
    %get3A_2979 = vector.load %arg2[%get3A_2977, %get3A_2978] : memref<256x128xf32, #tpu.memory_space<vmem>>, vector<1x128xf32>
    %sub3A_2980 = vector.broadcast %get3A_2979 : vector<1x128xf32> to vector<512x128xf32>
    %sub3A_2981 = arith.subf %reshape3A, %sub3A_2980 : vector<512x128xf32>
    %mul3A_2982 = arith.mulf %sub3A_2981, %sub3A_2981 : vector<512x128xf32>
    %reduce_sum3A_2983 = arith.constant dense<0.000000e+00> : vector<512xf32>
    %reduce_sum3A_2984 = vector.multi_reduction <add>, %mul3A_2982, %reduce_sum3A_2983 [1] : vector<512x128xf32> to vector<512xf32>
    %broadcast_in_dim3A_2985 = vector.shape_cast %reduce_sum3A_2984 : vector<512xf32> to vector<512x1xf32>
    %swap3A_2986 = arith.constant 0 : index
    %swap3A_2987 = arith.constant 248 : index
    %swap3A_2988 = vector.load %arg4[%swap3A_2986, %swap3A_2987] : memref<512x256xf32, #tpu.memory_space<vmem>>, vector<512x1xf32>
    tpu.vector_store %arg4[%swap3A_2986, %swap3A_2987], %broadcast_in_dim3A_2985 {strides = array<i32>} : memref<512x256xf32, #tpu.memory_space<vmem>>, vector<512x1xf32>,
    %get3A_2989 = arith.constant 249 : index
    %get3A_2990 = arith.constant 0 : index
    %get3A_2991 = vector.load %arg2[%get3A_2989, %get3A_2990] : memref<256x128xf32, #tpu.memory_space<vmem>>, vector<1x128xf32>
    %sub3A_2992 = vector.broadcast %get3A_2991 : vector<1x128xf32> to vector<512x128xf32>
    %sub3A_2993 = arith.subf %reshape3A, %sub3A_2992 : vector<512x128xf32>
    %mul3A_2994 = arith.mulf %sub3A_2993, %sub3A_2993 : vector<512x128xf32>
    %reduce_sum3A_2995 = arith.constant dense<0.000000e+00> : vector<512xf32>
    %reduce_sum3A_2996 = vector.multi_reduction <add>, %mul3A_2994, %reduce_sum3A_2995 [1] : vector<512x128xf32> to vector<512xf32>
    %broadcast_in_dim3A_2997 = vector.shape_cast %reduce_sum3A_2996 : vector<512xf32> to vector<512x1xf32>
    %swap3A_2998 = arith.constant 0 : index
    %swap3A_2999 = arith.constant 249 : index
    %swap3A_3000 = vector.load %arg4[%swap3A_2998, %swap3A_2999] : memref<512x256xf32, #tpu.memory_space<vmem>>, vector<512x1xf32>
    tpu.vector_store %arg4[%swap3A_2998, %swap3A_2999], %broadcast_in_dim3A_2997 {strides = array<i32>} : memref<512x256xf32, #tpu.memory_space<vmem>>, vector<512x1xf32>,
    %get3A_3001 = arith.constant 250 : index
    %get3A_3002 = arith.constant 0 : index
    %get3A_3003 = vector.load %arg2[%get3A_3001, %get3A_3002] : memref<256x128xf32, #tpu.memory_space<vmem>>, vector<1x128xf32>
    %sub3A_3004 = vector.broadcast %get3A_3003 : vector<1x128xf32> to vector<512x128xf32>
    %sub3A_3005 = arith.subf %reshape3A, %sub3A_3004 : vector<512x128xf32>
    %mul3A_3006 = arith.mulf %sub3A_3005, %sub3A_3005 : vector<512x128xf32>
    %reduce_sum3A_3007 = arith.constant dense<0.000000e+00> : vector<512xf32>
    %reduce_sum3A_3008 = vector.multi_reduction <add>, %mul3A_3006, %reduce_sum3A_3007 [1] : vector<512x128xf32> to vector<512xf32>
    %broadcast_in_dim3A_3009 = vector.shape_cast %reduce_sum3A_3008 : vector<512xf32> to vector<512x1xf32>
    %swap3A_3010 = arith.constant 0 : index
    %swap3A_3011 = arith.constant 250 : index
    %swap3A_3012 = vector.load %arg4[%swap3A_3010, %swap3A_3011] : memref<512x256xf32, #tpu.memory_space<vmem>>, vector<512x1xf32>
    tpu.vector_store %arg4[%swap3A_3010, %swap3A_3011], %broadcast_in_dim3A_3009 {strides = array<i32>} : memref<512x256xf32, #tpu.memory_space<vmem>>, vector<512x1xf32>,
    %get3A_3013 = arith.constant 251 : index
    %get3A_3014 = arith.constant 0 : index
    %get3A_3015 = vector.load %arg2[%get3A_3013, %get3A_3014] : memref<256x128xf32, #tpu.memory_space<vmem>>, vector<1x128xf32>
    %sub3A_3016 = vector.broadcast %get3A_3015 : vector<1x128xf32> to vector<512x128xf32>
    %sub3A_3017 = arith.subf %reshape3A, %sub3A_3016 : vector<512x128xf32>
    %mul3A_3018 = arith.mulf %sub3A_3017, %sub3A_3017 : vector<512x128xf32>
    %reduce_sum3A_3019 = arith.constant dense<0.000000e+00> : vector<512xf32>
    %reduce_sum3A_3020 = vector.multi_reduction <add>, %mul3A_3018, %reduce_sum3A_3019 [1] : vector<512x128xf32> to vector<512xf32>
    %broadcast_in_dim3A_3021 = vector.shape_cast %reduce_sum3A_3020 : vector<512xf32> to vector<512x1xf32>
    %swap3A_3022 = arith.constant 0 : index
    %swap3A_3023 = arith.constant 251 : index
    %swap3A_3024 = vector.load %arg4[%swap3A_3022, %swap3A_3023] : memref<512x256xf32, #tpu.memory_space<vmem>>, vector<512x1xf32>
    tpu.vector_store %arg4[%swap3A_3022, %swap3A_3023], %broadcast_in_dim3A_3021 {strides = array<i32>} : memref<512x256xf32, #tpu.memory_space<vmem>>, vector<512x1xf32>,
    %get3A_3025 = arith.constant 252 : index
    %get3A_3026 = arith.constant 0 : index
    %get3A_3027 = vector.load %arg2[%get3A_3025, %get3A_3026] : memref<256x128xf32, #tpu.memory_space<vmem>>, vector<1x128xf32>
    %sub3A_3028 = vector.broadcast %get3A_3027 : vector<1x128xf32> to vector<512x128xf32>
    %sub3A_3029 = arith.subf %reshape3A, %sub3A_3028 : vector<512x128xf32>
    %mul3A_3030 = arith.mulf %sub3A_3029, %sub3A_3029 : vector<512x128xf32>
    %reduce_sum3A_3031 = arith.constant dense<0.000000e+00> : vector<512xf32>
    %reduce_sum3A_3032 = vector.multi_reduction <add>, %mul3A_3030, %reduce_sum3A_3031 [1] : vector<512x128xf32> to vector<512xf32>
    %broadcast_in_dim3A_3033 = vector.shape_cast %reduce_sum3A_3032 : vector<512xf32> to vector<512x1xf32>
    %swap3A_3034 = arith.constant 0 : index
    %swap3A_3035 = arith.constant 252 : index
    %swap3A_3036 = vector.load %arg4[%swap3A_3034, %swap3A_3035] : memref<512x256xf32, #tpu.memory_space<vmem>>, vector<512x1xf32>
    tpu.vector_store %arg4[%swap3A_3034, %swap3A_3035], %broadcast_in_dim3A_3033 {strides = array<i32>} : memref<512x256xf32, #tpu.memory_space<vmem>>, vector<512x1xf32>,
    %get3A_3037 = arith.constant 253 : index
    %get3A_3038 = arith.constant 0 : index
    %get3A_3039 = vector.load %arg2[%get3A_3037, %get3A_3038] : memref<256x128xf32, #tpu.memory_space<vmem>>, vector<1x128xf32>
    %sub3A_3040 = vector.broadcast %get3A_3039 : vector<1x128xf32> to vector<512x128xf32>
    %sub3A_3041 = arith.subf %reshape3A, %sub3A_3040 : vector<512x128xf32>
    %mul3A_3042 = arith.mulf %sub3A_3041, %sub3A_3041 : vector<512x128xf32>
    %reduce_sum3A_3043 = arith.constant dense<0.000000e+00> : vector<512xf32>
    %reduce_sum3A_3044 = vector.multi_reduction <add>, %mul3A_3042, %reduce_sum3A_3043 [1] : vector<512x128xf32> to vector<512xf32>
    %broadcast_in_dim3A_3045 = vector.shape_cast %reduce_sum3A_3044 : vector<512xf32> to vector<512x1xf32>
    %swap3A_3046 = arith.constant 0 : index
    %swap3A_3047 = arith.constant 253 : index
    %swap3A_3048 = vector.load %arg4[%swap3A_3046, %swap3A_3047] : memref<512x256xf32, #tpu.memory_space<vmem>>, vector<512x1xf32>
    tpu.vector_store %arg4[%swap3A_3046, %swap3A_3047], %broadcast_in_dim3A_3045 {strides = array<i32>} : memref<512x256xf32, #tpu.memory_space<vmem>>, vector<512x1xf32>,
    %get3A_3049 = arith.constant 254 : index
    %get3A_3050 = arith.constant 0 : index
    %get3A_3051 = vector.load %arg2[%get3A_3049, %get3A_3050] : memref<256x128xf32, #tpu.memory_space<vmem>>, vector<1x128xf32>
    %sub3A_3052 = vector.broadcast %get3A_3051 : vector<1x128xf32> to vector<512x128xf32>
    %sub3A_3053 = arith.subf %reshape3A, %sub3A_3052 : vector<512x128xf32>
    %mul3A_3054 = arith.mulf %sub3A_3053, %sub3A_3053 : vector<512x128xf32>
    %reduce_sum3A_3055 = arith.constant dense<0.000000e+00> : vector<512xf32>
    %reduce_sum3A_3056 = vector.multi_reduction <add>, %mul3A_3054, %reduce_sum3A_3055 [1] : vector<512x128xf32> to vector<512xf32>
    %broadcast_in_dim3A_3057 = vector.shape_cast %reduce_sum3A_3056 : vector<512xf32> to vector<512x1xf32>
    %swap3A_3058 = arith.constant 0 : index
    %swap3A_3059 = arith.constant 254 : index
    %swap3A_3060 = vector.load %arg4[%swap3A_3058, %swap3A_3059] : memref<512x256xf32, #tpu.memory_space<vmem>>, vector<512x1xf32>
    tpu.vector_store %arg4[%swap3A_3058, %swap3A_3059], %broadcast_in_dim3A_3057 {strides = array<i32>} : memref<512x256xf32, #tpu.memory_space<vmem>>, vector<512x1xf32>,
    %get3A_3061 = arith.constant 255 : index
    %get3A_3062 = arith.constant 0 : index
    %get3A_3063 = vector.load %arg2[%get3A_3061, %get3A_3062] : memref<256x128xf32, #tpu.memory_space<vmem>>, vector<1x128xf32>
    %sub3A_3064 = vector.broadcast %get3A_3063 : vector<1x128xf32> to vector<512x128xf32>
    %sub3A_3065 = arith.subf %reshape3A, %sub3A_3064 : vector<512x128xf32>
    %mul3A_3066 = arith.mulf %sub3A_3065, %sub3A_3065 : vector<512x128xf32>
    %reduce_sum3A_3067 = arith.constant dense<0.000000e+00> : vector<512xf32>
    %reduce_sum3A_3068 = vector.multi_reduction <add>, %mul3A_3066, %reduce_sum3A_3067 [1] : vector<512x128xf32> to vector<512xf32>
    %broadcast_in_dim3A_3069 = vector.shape_cast %reduce_sum3A_3068 : vector<512xf32> to vector<512x1xf32>
    %swap3A_3070 = arith.constant 0 : index
    %swap3A_3071 = arith.constant 255 : index
    %swap3A_3072 = vector.load %arg4[%swap3A_3070, %swap3A_3071] : memref<512x256xf32, #tpu.memory_space<vmem>>, vector<512x1xf32>
    tpu.vector_store %arg4[%swap3A_3070, %swap3A_3071], %broadcast_in_dim3A_3069 {strides = array<i32>} : memref<512x256xf32, #tpu.memory_space<vmem>>, vector<512x1xf32>,
    %get3A_3073 = arith.constant 0 : index
    %get3A_3074 = arith.constant 0 : index
    %get3A_3075 = vector.load %arg4[%get3A_3073, %get3A_3074] : memref<512x256xf32, #tpu.memory_space<vmem>>, vector<512x256xf32>
    %iota3A = tpu.iota {dimensions = array<i32: 1>} : vector<512x256xi32>
    %reduce_min3A = arith.constant dense<0x7F800000> : vector<512xf32>
    %reduce_min3A_3076 = vector.multi_reduction <minimumf>, %get3A_3075, %reduce_min3A [1] : vector<512x256xf32> to vector<512xf32>
    %broadcast_in_dim3A_3077 = vector.shape_cast %reduce_min3A_3076 : vector<512xf32> to vector<512x1xf32>
    %eq3A_3078 = vector.broadcast %broadcast_in_dim3A_3077 : vector<512x1xf32> to vector<512x256xf32>
    %eq3A_3079 = arith.cmpf oeq, %get3A_3075, %eq3A_3078 : vector<512x256xf32>
    %jit3A = arith.constant 256 : i32
    %broadcast_in_dim3A_3080 = vector.broadcast %jit3A : i32 to vector<512x256xi32>
    %select_n3A = arith.select %eq3A_3079, %iota3A, %broadcast_in_dim3A_3080 : vector<512x256xi1>, vector<512x256xi32>
    %reduce_min3A_3081 = arith.constant dense<2147483647> : vector<512xi32>
    %reduce_min3A_3082 = vector.multi_reduction <minsi>, %select_n3A, %reduce_min3A_3081 [1] : vector<512x256xi32> to vector<512xi32>
    %broadcast_in_dim3A_3083 = vector.shape_cast %reduce_min3A_3082 : vector<512xi32> to vector<512x1xi32>
    %get3A_3084 = arith.constant 0 : index
    %get3A_3085 = arith.constant 0 : index
    %get3A_3086 = vector.load %arg5[%get3A_3084, %get3A_3085] : memref<512x1xf32, #tpu.memory_space<vmem>>, vector<512x1xf32>
    %lt3A = arith.cmpf olt, %broadcast_in_dim3A_3077, %get3A_3086 : vector<512x1xf32>
    %get3A_3087 = arith.constant 0 : index
    %get3A_3088 = arith.constant 0 : index
    %get3A_3089 = vector.load %arg5[%get3A_3087, %get3A_3088] : memref<512x1xf32, #tpu.memory_space<vmem>>, vector<512x1xf32>
    %select_n3A_3090 = arith.select %lt3A, %broadcast_in_dim3A_3077, %get3A_3089 : vector<512x1xi1>, vector<512x1xf32>
    %swap3A_3091 = arith.constant 0 : index
    %swap3A_3092 = arith.constant 0 : index
    %swap3A_3093 = vector.load %arg5[%swap3A_3091, %swap3A_3092] : memref<512x1xf32, #tpu.memory_space<vmem>>, vector<512x1xf32>
    tpu.vector_store %arg5[%swap3A_3091, %swap3A_3092], %select_n3A_3090 {strides = array<i32>} : memref<512x1xf32, #tpu.memory_space<vmem>>, vector<512x1xf32>,
    %mul3A_3094 = arith.constant 256 : i32
    %mul3A_3095 = arith.muli %arg0, %mul3A_3094 : i32
    %add3A = vector.broadcast %mul3A_3095 : i32 to vector<512x1xi32>
    %add3A_3096 = arith.addi %add3A, %broadcast_in_dim3A_3083 : vector<512x1xi32>
    %get3A_3097 = arith.constant 0 : index
    %get3A_3098 = arith.constant 0 : index
    %get3A_3099 = vector.load %arg6[%get3A_3097, %get3A_3098] : memref<512x1xi32, #tpu.memory_space<vmem>>, vector<512x1xi32>
    %select_n3A_3100 = arith.select %lt3A, %add3A_3096, %get3A_3099 : vector<512x1xi1>, vector<512x1xi32>
    %swap3A_3101 = arith.constant 0 : index
    %swap3A_3102 = arith.constant 0 : index
    %swap3A_3103 = vector.load %arg6[%swap3A_3101, %swap3A_3102] : memref<512x1xi32, #tpu.memory_space<vmem>>, vector<512x1xi32>
    tpu.vector_store %arg6[%swap3A_3101, %swap3A_3102], %select_n3A_3100 {strides = array<i32>} : memref<512x1xi32, #tpu.memory_space<vmem>>, vector<512x1xi32>,
    %eq3A_3104 = arith.constant 3 : i32
    %eq3A_3105 = arith.cmpi eq, %arg0, %eq3A_3104 : i32
    %convert_element_type3A_3106 = arith.extui %eq3A_3105 : i1 to i32
    %cond3A_3107 = arith.constant 0 : i32
    %cond3A_3108 = arith.cmpi ne, %convert_element_type3A_3106, %cond3A_3107 : i32
    scf.if %cond3A_3108 {
      %get3A_3109 = arith.constant 0 : index
      %get3A_3110 = arith.constant 0 : index
      %get3A_3111 = vector.load %arg6[%get3A_3109, %get3A_3110] : memref<512x1xi32, #tpu.memory_space<vmem>>, vector<512x1xi32>
      %swap3A_3112 = arith.constant 0 : index
      %swap3A_3113 = arith.constant 0 : index
      %swap3A_3114 = vector.load %arg3[%swap3A_3112, %swap3A_3113] : memref<512x1xi32, #tpu.memory_space<vmem>>, vector<512x1xi32>
      tpu.vector_store %arg3[%swap3A_3112, %swap3A_3113], %get3A_3111 {strides = array<i32>} : memref<512x1xi32, #tpu.memory_space<vmem>>, vector<512x1xi32>,
    } else {
    }
    return
  }
  func.func @transform_0(%arg0: i32) -> (i32, i32, i32, i32) {
    %c0_i32 = arith.constant 0 : i32
    %c0_i32_0 = arith.constant 0 : i32
    %c0_i32_1 = arith.constant 0 : i32
    %c0_i32_2 = arith.constant 0 : i32
    %c0_i32_3 = arith.constant 0 : i32
    return %c0_i32, %c0_i32_0, %c0_i32_1, %c0_i32_2 : i32, i32, i32, i32
  }
  func.func @transform_1(%arg0: i32) -> (i32, i32) {
    %c0_i32 = arith.constant 0 : i32
    %c0_i32_0 = arith.constant 0 : i32
    return %arg0, %c0_i32 : i32, i32
  }
  func.func @transform_2(%arg0: i32) -> (i32, i32) {
    %c0_i32 = arith.constant 0 : i32
    %c0_i32_0 = arith.constant 0 : i32
    %c0_i32_1 = arith.constant 0 : i32
    return %c0_i32, %c0_i32_0 : i32, i32
  }
}

module attributes {stable_mosaic.version = 14 : i64} {
  func.func @_dec_kernel(%arg0: memref<512x128xf32, #tpu.memory_space<vmem>>, %arg1: memref<15x512x1xf32, #tpu.memory_space<vmem>>, %arg2: memref<32x128xf32, #tpu.memory_space<vmem>>, %arg3: memref<512x256xf32, #tpu.memory_space<vmem>>) attributes {dimension_semantics = [], scalar_prefetch = 0 : i64, scratch_operands = 1 : i64, tpu.core_type = #tpu.core_type<tc>} {
    %get3A = arith.constant 0 : index
    %get3A_0 = arith.constant 0 : index
    %get3A_1 = vector.load %arg0[%get3A, %get3A_0] : memref<512x128xf32, #tpu.memory_space<vmem>>, vector<512x128xf32>
    %broadcast_in_dim3A = arith.constant 0.000000e+00 : f32
    %broadcast_in_dim3A_2 = vector.broadcast %broadcast_in_dim3A : f32 to vector<512x256xf32>
    %swap3A = arith.constant 0 : index
    %swap3A_3 = arith.constant 0 : index
    %swap3A_4 = vector.load %arg3[%swap3A, %swap3A_3] : memref<512x256xf32, #tpu.memory_space<vmem>>, vector<512x256xf32>
    tpu.vector_store %arg3[%swap3A, %swap3A_3], %broadcast_in_dim3A_2 {strides = array<i32>} : memref<512x256xf32, #tpu.memory_space<vmem>>, vector<512x256xf32>,
    %swap3A_5 = arith.constant 0 : index
    %swap3A_6 = arith.constant 0 : index
    %swap3A_7 = vector.load %arg3[%swap3A_5, %swap3A_6] : memref<512x256xf32, #tpu.memory_space<vmem>>, vector<512x128xf32>
    tpu.vector_store %arg3[%swap3A_5, %swap3A_6], %get3A_1 {strides = array<i32>} : memref<512x256xf32, #tpu.memory_space<vmem>>, vector<512x128xf32>,
    %get3A_8 = arith.constant 0 : index
    %get3A_9 = arith.constant 0 : index
    %get3A_10 = vector.load %arg3[%get3A_8, %get3A_9] : memref<512x256xf32, #tpu.memory_space<vmem>>, vector<512x256xf32>
    %broadcast_in_dim3A_11 = arith.constant 0.000000e+00 : f32
    %broadcast_in_dim3A_12 = vector.broadcast %broadcast_in_dim3A_11 : f32 to vector<512x128xf32>
    %roll3A = arith.constant 7 : i32
    %roll3A_13 = tpu.dynamic_rotate %get3A_10 by %roll3A dim 1 : vector<512x256xf32>, i32 -> vector<512x256xf32>
    %slice3A = vector.extract_strided_slice %roll3A_13 {offsets = [0, 0], sizes = [512, 128], strides = [1, 1]} : vector<512x256xf32> to vector<512x128xf32>
    %get3A_14 = arith.constant 0 : index
    %get3A_15 = arith.constant 0 : index
    %get3A_16 = arith.constant 0 : index
    %get3A_17 = vector.load %arg1[%get3A_14, %get3A_15, %get3A_16] : memref<15x512x1xf32, #tpu.memory_space<vmem>>, vector<1x512x1xf32>
    %get3A_18 = vector.shape_cast %get3A_17 : vector<1x512x1xf32> to vector<512x1xf32>
    %mul3A = vector.broadcast %get3A_18 : vector<512x1xf32> to vector<512x128xf32>
    %mul3A_19 = arith.mulf %slice3A, %mul3A : vector<512x128xf32>
    %add3A = arith.addf %broadcast_in_dim3A_12, %mul3A_19 : vector<512x128xf32>
    %roll3A_20 = arith.constant 6 : i32
    %roll3A_21 = tpu.dynamic_rotate %get3A_10 by %roll3A_20 dim 1 : vector<512x256xf32>, i32 -> vector<512x256xf32>
    %slice3A_22 = vector.extract_strided_slice %roll3A_21 {offsets = [0, 0], sizes = [512, 128], strides = [1, 1]} : vector<512x256xf32> to vector<512x128xf32>
    %get3A_23 = arith.constant 1 : index
    %get3A_24 = arith.constant 0 : index
    %get3A_25 = arith.constant 0 : index
    %get3A_26 = vector.load %arg1[%get3A_23, %get3A_24, %get3A_25] : memref<15x512x1xf32, #tpu.memory_space<vmem>>, vector<1x512x1xf32>
    %get3A_27 = vector.shape_cast %get3A_26 : vector<1x512x1xf32> to vector<512x1xf32>
    %mul3A_28 = vector.broadcast %get3A_27 : vector<512x1xf32> to vector<512x128xf32>
    %mul3A_29 = arith.mulf %slice3A_22, %mul3A_28 : vector<512x128xf32>
    %add3A_30 = arith.addf %add3A, %mul3A_29 : vector<512x128xf32>
    %roll3A_31 = arith.constant 5 : i32
    %roll3A_32 = tpu.dynamic_rotate %get3A_10 by %roll3A_31 dim 1 : vector<512x256xf32>, i32 -> vector<512x256xf32>
    %slice3A_33 = vector.extract_strided_slice %roll3A_32 {offsets = [0, 0], sizes = [512, 128], strides = [1, 1]} : vector<512x256xf32> to vector<512x128xf32>
    %get3A_34 = arith.constant 2 : index
    %get3A_35 = arith.constant 0 : index
    %get3A_36 = arith.constant 0 : index
    %get3A_37 = vector.load %arg1[%get3A_34, %get3A_35, %get3A_36] : memref<15x512x1xf32, #tpu.memory_space<vmem>>, vector<1x512x1xf32>
    %get3A_38 = vector.shape_cast %get3A_37 : vector<1x512x1xf32> to vector<512x1xf32>
    %mul3A_39 = vector.broadcast %get3A_38 : vector<512x1xf32> to vector<512x128xf32>
    %mul3A_40 = arith.mulf %slice3A_33, %mul3A_39 : vector<512x128xf32>
    %add3A_41 = arith.addf %add3A_30, %mul3A_40 : vector<512x128xf32>
    %roll3A_42 = arith.constant 4 : i32
    %roll3A_43 = tpu.dynamic_rotate %get3A_10 by %roll3A_42 dim 1 : vector<512x256xf32>, i32 -> vector<512x256xf32>
    %slice3A_44 = vector.extract_strided_slice %roll3A_43 {offsets = [0, 0], sizes = [512, 128], strides = [1, 1]} : vector<512x256xf32> to vector<512x128xf32>
    %get3A_45 = arith.constant 3 : index
    %get3A_46 = arith.constant 0 : index
    %get3A_47 = arith.constant 0 : index
    %get3A_48 = vector.load %arg1[%get3A_45, %get3A_46, %get3A_47] : memref<15x512x1xf32, #tpu.memory_space<vmem>>, vector<1x512x1xf32>
    %get3A_49 = vector.shape_cast %get3A_48 : vector<1x512x1xf32> to vector<512x1xf32>
    %mul3A_50 = vector.broadcast %get3A_49 : vector<512x1xf32> to vector<512x128xf32>
    %mul3A_51 = arith.mulf %slice3A_44, %mul3A_50 : vector<512x128xf32>
    %add3A_52 = arith.addf %add3A_41, %mul3A_51 : vector<512x128xf32>
    %roll3A_53 = arith.constant 3 : i32
    %roll3A_54 = tpu.dynamic_rotate %get3A_10 by %roll3A_53 dim 1 : vector<512x256xf32>, i32 -> vector<512x256xf32>
    %slice3A_55 = vector.extract_strided_slice %roll3A_54 {offsets = [0, 0], sizes = [512, 128], strides = [1, 1]} : vector<512x256xf32> to vector<512x128xf32>
    %get3A_56 = arith.constant 4 : index
    %get3A_57 = arith.constant 0 : index
    %get3A_58 = arith.constant 0 : index
    %get3A_59 = vector.load %arg1[%get3A_56, %get3A_57, %get3A_58] : memref<15x512x1xf32, #tpu.memory_space<vmem>>, vector<1x512x1xf32>
    %get3A_60 = vector.shape_cast %get3A_59 : vector<1x512x1xf32> to vector<512x1xf32>
    %mul3A_61 = vector.broadcast %get3A_60 : vector<512x1xf32> to vector<512x128xf32>
    %mul3A_62 = arith.mulf %slice3A_55, %mul3A_61 : vector<512x128xf32>
    %add3A_63 = arith.addf %add3A_52, %mul3A_62 : vector<512x128xf32>
    %roll3A_64 = arith.constant 2 : i32
    %roll3A_65 = tpu.dynamic_rotate %get3A_10 by %roll3A_64 dim 1 : vector<512x256xf32>, i32 -> vector<512x256xf32>
    %slice3A_66 = vector.extract_strided_slice %roll3A_65 {offsets = [0, 0], sizes = [512, 128], strides = [1, 1]} : vector<512x256xf32> to vector<512x128xf32>
    %get3A_67 = arith.constant 5 : index
    %get3A_68 = arith.constant 0 : index
    %get3A_69 = arith.constant 0 : index
    %get3A_70 = vector.load %arg1[%get3A_67, %get3A_68, %get3A_69] : memref<15x512x1xf32, #tpu.memory_space<vmem>>, vector<1x512x1xf32>
    %get3A_71 = vector.shape_cast %get3A_70 : vector<1x512x1xf32> to vector<512x1xf32>
    %mul3A_72 = vector.broadcast %get3A_71 : vector<512x1xf32> to vector<512x128xf32>
    %mul3A_73 = arith.mulf %slice3A_66, %mul3A_72 : vector<512x128xf32>
    %add3A_74 = arith.addf %add3A_63, %mul3A_73 : vector<512x128xf32>
    %roll3A_75 = arith.constant 1 : i32
    %roll3A_76 = tpu.dynamic_rotate %get3A_10 by %roll3A_75 dim 1 : vector<512x256xf32>, i32 -> vector<512x256xf32>
    %slice3A_77 = vector.extract_strided_slice %roll3A_76 {offsets = [0, 0], sizes = [512, 128], strides = [1, 1]} : vector<512x256xf32> to vector<512x128xf32>
    %get3A_78 = arith.constant 6 : index
    %get3A_79 = arith.constant 0 : index
    %get3A_80 = arith.constant 0 : index
    %get3A_81 = vector.load %arg1[%get3A_78, %get3A_79, %get3A_80] : memref<15x512x1xf32, #tpu.memory_space<vmem>>, vector<1x512x1xf32>
    %get3A_82 = vector.shape_cast %get3A_81 : vector<1x512x1xf32> to vector<512x1xf32>
    %mul3A_83 = vector.broadcast %get3A_82 : vector<512x1xf32> to vector<512x128xf32>
    %mul3A_84 = arith.mulf %slice3A_77, %mul3A_83 : vector<512x128xf32>
    %add3A_85 = arith.addf %add3A_74, %mul3A_84 : vector<512x128xf32>
    %roll3A_86 = arith.constant 0 : i32
    %roll3A_87 = tpu.dynamic_rotate %get3A_10 by %roll3A_86 dim 1 : vector<512x256xf32>, i32 -> vector<512x256xf32>
    %slice3A_88 = vector.extract_strided_slice %roll3A_87 {offsets = [0, 0], sizes = [512, 128], strides = [1, 1]} : vector<512x256xf32> to vector<512x128xf32>
    %get3A_89 = arith.constant 7 : index
    %get3A_90 = arith.constant 0 : index
    %get3A_91 = arith.constant 0 : index
    %get3A_92 = vector.load %arg1[%get3A_89, %get3A_90, %get3A_91] : memref<15x512x1xf32, #tpu.memory_space<vmem>>, vector<1x512x1xf32>
    %get3A_93 = vector.shape_cast %get3A_92 : vector<1x512x1xf32> to vector<512x1xf32>
    %mul3A_94 = vector.broadcast %get3A_93 : vector<512x1xf32> to vector<512x128xf32>
    %mul3A_95 = arith.mulf %slice3A_88, %mul3A_94 : vector<512x128xf32>
    %add3A_96 = arith.addf %add3A_85, %mul3A_95 : vector<512x128xf32>
    %roll3A_97 = arith.constant 255 : i32
    %roll3A_98 = tpu.dynamic_rotate %get3A_10 by %roll3A_97 dim 1 : vector<512x256xf32>, i32 -> vector<512x256xf32>
    %slice3A_99 = vector.extract_strided_slice %roll3A_98 {offsets = [0, 0], sizes = [512, 128], strides = [1, 1]} : vector<512x256xf32> to vector<512x128xf32>
    %get3A_100 = arith.constant 8 : index
    %get3A_101 = arith.constant 0 : index
    %get3A_102 = arith.constant 0 : index
    %get3A_103 = vector.load %arg1[%get3A_100, %get3A_101, %get3A_102] : memref<15x512x1xf32, #tpu.memory_space<vmem>>, vector<1x512x1xf32>
    %get3A_104 = vector.shape_cast %get3A_103 : vector<1x512x1xf32> to vector<512x1xf32>
    %mul3A_105 = vector.broadcast %get3A_104 : vector<512x1xf32> to vector<512x128xf32>
    %mul3A_106 = arith.mulf %slice3A_99, %mul3A_105 : vector<512x128xf32>
    %add3A_107 = arith.addf %add3A_96, %mul3A_106 : vector<512x128xf32>
    %roll3A_108 = arith.constant 254 : i32
    %roll3A_109 = tpu.dynamic_rotate %get3A_10 by %roll3A_108 dim 1 : vector<512x256xf32>, i32 -> vector<512x256xf32>
    %slice3A_110 = vector.extract_strided_slice %roll3A_109 {offsets = [0, 0], sizes = [512, 128], strides = [1, 1]} : vector<512x256xf32> to vector<512x128xf32>
    %get3A_111 = arith.constant 9 : index
    %get3A_112 = arith.constant 0 : index
    %get3A_113 = arith.constant 0 : index
    %get3A_114 = vector.load %arg1[%get3A_111, %get3A_112, %get3A_113] : memref<15x512x1xf32, #tpu.memory_space<vmem>>, vector<1x512x1xf32>
    %get3A_115 = vector.shape_cast %get3A_114 : vector<1x512x1xf32> to vector<512x1xf32>
    %mul3A_116 = vector.broadcast %get3A_115 : vector<512x1xf32> to vector<512x128xf32>
    %mul3A_117 = arith.mulf %slice3A_110, %mul3A_116 : vector<512x128xf32>
    %add3A_118 = arith.addf %add3A_107, %mul3A_117 : vector<512x128xf32>
    %roll3A_119 = arith.constant 253 : i32
    %roll3A_120 = tpu.dynamic_rotate %get3A_10 by %roll3A_119 dim 1 : vector<512x256xf32>, i32 -> vector<512x256xf32>
    %slice3A_121 = vector.extract_strided_slice %roll3A_120 {offsets = [0, 0], sizes = [512, 128], strides = [1, 1]} : vector<512x256xf32> to vector<512x128xf32>
    %get3A_122 = arith.constant 10 : index
    %get3A_123 = arith.constant 0 : index
    %get3A_124 = arith.constant 0 : index
    %get3A_125 = vector.load %arg1[%get3A_122, %get3A_123, %get3A_124] : memref<15x512x1xf32, #tpu.memory_space<vmem>>, vector<1x512x1xf32>
    %get3A_126 = vector.shape_cast %get3A_125 : vector<1x512x1xf32> to vector<512x1xf32>
    %mul3A_127 = vector.broadcast %get3A_126 : vector<512x1xf32> to vector<512x128xf32>
    %mul3A_128 = arith.mulf %slice3A_121, %mul3A_127 : vector<512x128xf32>
    %add3A_129 = arith.addf %add3A_118, %mul3A_128 : vector<512x128xf32>
    %roll3A_130 = arith.constant 252 : i32
    %roll3A_131 = tpu.dynamic_rotate %get3A_10 by %roll3A_130 dim 1 : vector<512x256xf32>, i32 -> vector<512x256xf32>
    %slice3A_132 = vector.extract_strided_slice %roll3A_131 {offsets = [0, 0], sizes = [512, 128], strides = [1, 1]} : vector<512x256xf32> to vector<512x128xf32>
    %get3A_133 = arith.constant 11 : index
    %get3A_134 = arith.constant 0 : index
    %get3A_135 = arith.constant 0 : index
    %get3A_136 = vector.load %arg1[%get3A_133, %get3A_134, %get3A_135] : memref<15x512x1xf32, #tpu.memory_space<vmem>>, vector<1x512x1xf32>
    %get3A_137 = vector.shape_cast %get3A_136 : vector<1x512x1xf32> to vector<512x1xf32>
    %mul3A_138 = vector.broadcast %get3A_137 : vector<512x1xf32> to vector<512x128xf32>
    %mul3A_139 = arith.mulf %slice3A_132, %mul3A_138 : vector<512x128xf32>
    %add3A_140 = arith.addf %add3A_129, %mul3A_139 : vector<512x128xf32>
    %roll3A_141 = arith.constant 251 : i32
    %roll3A_142 = tpu.dynamic_rotate %get3A_10 by %roll3A_141 dim 1 : vector<512x256xf32>, i32 -> vector<512x256xf32>
    %slice3A_143 = vector.extract_strided_slice %roll3A_142 {offsets = [0, 0], sizes = [512, 128], strides = [1, 1]} : vector<512x256xf32> to vector<512x128xf32>
    %get3A_144 = arith.constant 12 : index
    %get3A_145 = arith.constant 0 : index
    %get3A_146 = arith.constant 0 : index
    %get3A_147 = vector.load %arg1[%get3A_144, %get3A_145, %get3A_146] : memref<15x512x1xf32, #tpu.memory_space<vmem>>, vector<1x512x1xf32>
    %get3A_148 = vector.shape_cast %get3A_147 : vector<1x512x1xf32> to vector<512x1xf32>
    %mul3A_149 = vector.broadcast %get3A_148 : vector<512x1xf32> to vector<512x128xf32>
    %mul3A_150 = arith.mulf %slice3A_143, %mul3A_149 : vector<512x128xf32>
    %add3A_151 = arith.addf %add3A_140, %mul3A_150 : vector<512x128xf32>
    %roll3A_152 = arith.constant 250 : i32
    %roll3A_153 = tpu.dynamic_rotate %get3A_10 by %roll3A_152 dim 1 : vector<512x256xf32>, i32 -> vector<512x256xf32>
    %slice3A_154 = vector.extract_strided_slice %roll3A_153 {offsets = [0, 0], sizes = [512, 128], strides = [1, 1]} : vector<512x256xf32> to vector<512x128xf32>
    %get3A_155 = arith.constant 13 : index
    %get3A_156 = arith.constant 0 : index
    %get3A_157 = arith.constant 0 : index
    %get3A_158 = vector.load %arg1[%get3A_155, %get3A_156, %get3A_157] : memref<15x512x1xf32, #tpu.memory_space<vmem>>, vector<1x512x1xf32>
    %get3A_159 = vector.shape_cast %get3A_158 : vector<1x512x1xf32> to vector<512x1xf32>
    %mul3A_160 = vector.broadcast %get3A_159 : vector<512x1xf32> to vector<512x128xf32>
    %mul3A_161 = arith.mulf %slice3A_154, %mul3A_160 : vector<512x128xf32>
    %add3A_162 = arith.addf %add3A_151, %mul3A_161 : vector<512x128xf32>
    %roll3A_163 = arith.constant 249 : i32
    %roll3A_164 = tpu.dynamic_rotate %get3A_10 by %roll3A_163 dim 1 : vector<512x256xf32>, i32 -> vector<512x256xf32>
    %slice3A_165 = vector.extract_strided_slice %roll3A_164 {offsets = [0, 0], sizes = [512, 128], strides = [1, 1]} : vector<512x256xf32> to vector<512x128xf32>
    %get3A_166 = arith.constant 14 : index
    %get3A_167 = arith.constant 0 : index
    %get3A_168 = arith.constant 0 : index
    %get3A_169 = vector.load %arg1[%get3A_166, %get3A_167, %get3A_168] : memref<15x512x1xf32, #tpu.memory_space<vmem>>, vector<1x512x1xf32>
    %get3A_170 = vector.shape_cast %get3A_169 : vector<1x512x1xf32> to vector<512x1xf32>
    %mul3A_171 = vector.broadcast %get3A_170 : vector<512x1xf32> to vector<512x128xf32>
    %mul3A_172 = arith.mulf %slice3A_165, %mul3A_171 : vector<512x128xf32>
    %add3A_173 = arith.addf %add3A_162, %mul3A_172 : vector<512x128xf32>
    %broadcast_in_dim3A_174 = arith.constant 0.000000e+00 : f32
    %broadcast_in_dim3A_175 = vector.broadcast %broadcast_in_dim3A_174 : f32 to vector<8x128xf32>
    %slice3A_176 = vector.extract_strided_slice %add3A_173 {offsets = [0, 0], sizes = [8, 128], strides = [1, 1]} : vector<512x128xf32> to vector<8x128xf32>
    %add3A_177 = arith.addf %broadcast_in_dim3A_175, %slice3A_176 : vector<8x128xf32>
    %slice3A_178 = vector.extract_strided_slice %add3A_173 {offsets = [8, 0], sizes = [8, 128], strides = [1, 1]} : vector<512x128xf32> to vector<8x128xf32>
    %add3A_179 = arith.addf %add3A_177, %slice3A_178 : vector<8x128xf32>
    %slice3A_180 = vector.extract_strided_slice %add3A_173 {offsets = [16, 0], sizes = [8, 128], strides = [1, 1]} : vector<512x128xf32> to vector<8x128xf32>
    %add3A_181 = arith.addf %add3A_179, %slice3A_180 : vector<8x128xf32>
    %slice3A_182 = vector.extract_strided_slice %add3A_173 {offsets = [24, 0], sizes = [8, 128], strides = [1, 1]} : vector<512x128xf32> to vector<8x128xf32>
    %add3A_183 = arith.addf %add3A_181, %slice3A_182 : vector<8x128xf32>
    %slice3A_184 = vector.extract_strided_slice %add3A_173 {offsets = [32, 0], sizes = [8, 128], strides = [1, 1]} : vector<512x128xf32> to vector<8x128xf32>
    %add3A_185 = arith.addf %add3A_183, %slice3A_184 : vector<8x128xf32>
    %slice3A_186 = vector.extract_strided_slice %add3A_173 {offsets = [40, 0], sizes = [8, 128], strides = [1, 1]} : vector<512x128xf32> to vector<8x128xf32>
    %add3A_187 = arith.addf %add3A_185, %slice3A_186 : vector<8x128xf32>
    %slice3A_188 = vector.extract_strided_slice %add3A_173 {offsets = [48, 0], sizes = [8, 128], strides = [1, 1]} : vector<512x128xf32> to vector<8x128xf32>
    %add3A_189 = arith.addf %add3A_187, %slice3A_188 : vector<8x128xf32>
    %slice3A_190 = vector.extract_strided_slice %add3A_173 {offsets = [56, 0], sizes = [8, 128], strides = [1, 1]} : vector<512x128xf32> to vector<8x128xf32>
    %add3A_191 = arith.addf %add3A_189, %slice3A_190 : vector<8x128xf32>
    %slice3A_192 = vector.extract_strided_slice %add3A_173 {offsets = [64, 0], sizes = [8, 128], strides = [1, 1]} : vector<512x128xf32> to vector<8x128xf32>
    %add3A_193 = arith.addf %add3A_191, %slice3A_192 : vector<8x128xf32>
    %slice3A_194 = vector.extract_strided_slice %add3A_173 {offsets = [72, 0], sizes = [8, 128], strides = [1, 1]} : vector<512x128xf32> to vector<8x128xf32>
    %add3A_195 = arith.addf %add3A_193, %slice3A_194 : vector<8x128xf32>
    %slice3A_196 = vector.extract_strided_slice %add3A_173 {offsets = [80, 0], sizes = [8, 128], strides = [1, 1]} : vector<512x128xf32> to vector<8x128xf32>
    %add3A_197 = arith.addf %add3A_195, %slice3A_196 : vector<8x128xf32>
    %slice3A_198 = vector.extract_strided_slice %add3A_173 {offsets = [88, 0], sizes = [8, 128], strides = [1, 1]} : vector<512x128xf32> to vector<8x128xf32>
    %add3A_199 = arith.addf %add3A_197, %slice3A_198 : vector<8x128xf32>
    %slice3A_200 = vector.extract_strided_slice %add3A_173 {offsets = [96, 0], sizes = [8, 128], strides = [1, 1]} : vector<512x128xf32> to vector<8x128xf32>
    %add3A_201 = arith.addf %add3A_199, %slice3A_200 : vector<8x128xf32>
    %slice3A_202 = vector.extract_strided_slice %add3A_173 {offsets = [104, 0], sizes = [8, 128], strides = [1, 1]} : vector<512x128xf32> to vector<8x128xf32>
    %add3A_203 = arith.addf %add3A_201, %slice3A_202 : vector<8x128xf32>
    %slice3A_204 = vector.extract_strided_slice %add3A_173 {offsets = [112, 0], sizes = [8, 128], strides = [1, 1]} : vector<512x128xf32> to vector<8x128xf32>
    %add3A_205 = arith.addf %add3A_203, %slice3A_204 : vector<8x128xf32>
    %slice3A_206 = vector.extract_strided_slice %add3A_173 {offsets = [120, 0], sizes = [8, 128], strides = [1, 1]} : vector<512x128xf32> to vector<8x128xf32>
    %add3A_207 = arith.addf %add3A_205, %slice3A_206 : vector<8x128xf32>
    %tanh3A = math.tanh %add3A_207 : vector<8x128xf32>
    %swap3A_208 = arith.constant 0 : index
    %swap3A_209 = arith.constant 0 : index
    %swap3A_210 = vector.load %arg2[%swap3A_208, %swap3A_209] : memref<32x128xf32, #tpu.memory_space<vmem>>, vector<8x128xf32>
    tpu.vector_store %arg2[%swap3A_208, %swap3A_209], %tanh3A {strides = array<i32>} : memref<32x128xf32, #tpu.memory_space<vmem>>, vector<8x128xf32>,
    %broadcast_in_dim3A_211 = arith.constant 0.000000e+00 : f32
    %broadcast_in_dim3A_212 = vector.broadcast %broadcast_in_dim3A_211 : f32 to vector<8x128xf32>
    %slice3A_213 = vector.extract_strided_slice %add3A_173 {offsets = [128, 0], sizes = [8, 128], strides = [1, 1]} : vector<512x128xf32> to vector<8x128xf32>
    %add3A_214 = arith.addf %broadcast_in_dim3A_212, %slice3A_213 : vector<8x128xf32>
    %slice3A_215 = vector.extract_strided_slice %add3A_173 {offsets = [136, 0], sizes = [8, 128], strides = [1, 1]} : vector<512x128xf32> to vector<8x128xf32>
    %add3A_216 = arith.addf %add3A_214, %slice3A_215 : vector<8x128xf32>
    %slice3A_217 = vector.extract_strided_slice %add3A_173 {offsets = [144, 0], sizes = [8, 128], strides = [1, 1]} : vector<512x128xf32> to vector<8x128xf32>
    %add3A_218 = arith.addf %add3A_216, %slice3A_217 : vector<8x128xf32>
    %slice3A_219 = vector.extract_strided_slice %add3A_173 {offsets = [152, 0], sizes = [8, 128], strides = [1, 1]} : vector<512x128xf32> to vector<8x128xf32>
    %add3A_220 = arith.addf %add3A_218, %slice3A_219 : vector<8x128xf32>
    %slice3A_221 = vector.extract_strided_slice %add3A_173 {offsets = [160, 0], sizes = [8, 128], strides = [1, 1]} : vector<512x128xf32> to vector<8x128xf32>
    %add3A_222 = arith.addf %add3A_220, %slice3A_221 : vector<8x128xf32>
    %slice3A_223 = vector.extract_strided_slice %add3A_173 {offsets = [168, 0], sizes = [8, 128], strides = [1, 1]} : vector<512x128xf32> to vector<8x128xf32>
    %add3A_224 = arith.addf %add3A_222, %slice3A_223 : vector<8x128xf32>
    %slice3A_225 = vector.extract_strided_slice %add3A_173 {offsets = [176, 0], sizes = [8, 128], strides = [1, 1]} : vector<512x128xf32> to vector<8x128xf32>
    %add3A_226 = arith.addf %add3A_224, %slice3A_225 : vector<8x128xf32>
    %slice3A_227 = vector.extract_strided_slice %add3A_173 {offsets = [184, 0], sizes = [8, 128], strides = [1, 1]} : vector<512x128xf32> to vector<8x128xf32>
    %add3A_228 = arith.addf %add3A_226, %slice3A_227 : vector<8x128xf32>
    %slice3A_229 = vector.extract_strided_slice %add3A_173 {offsets = [192, 0], sizes = [8, 128], strides = [1, 1]} : vector<512x128xf32> to vector<8x128xf32>
    %add3A_230 = arith.addf %add3A_228, %slice3A_229 : vector<8x128xf32>
    %slice3A_231 = vector.extract_strided_slice %add3A_173 {offsets = [200, 0], sizes = [8, 128], strides = [1, 1]} : vector<512x128xf32> to vector<8x128xf32>
    %add3A_232 = arith.addf %add3A_230, %slice3A_231 : vector<8x128xf32>
    %slice3A_233 = vector.extract_strided_slice %add3A_173 {offsets = [208, 0], sizes = [8, 128], strides = [1, 1]} : vector<512x128xf32> to vector<8x128xf32>
    %add3A_234 = arith.addf %add3A_232, %slice3A_233 : vector<8x128xf32>
    %slice3A_235 = vector.extract_strided_slice %add3A_173 {offsets = [216, 0], sizes = [8, 128], strides = [1, 1]} : vector<512x128xf32> to vector<8x128xf32>
    %add3A_236 = arith.addf %add3A_234, %slice3A_235 : vector<8x128xf32>
    %slice3A_237 = vector.extract_strided_slice %add3A_173 {offsets = [224, 0], sizes = [8, 128], strides = [1, 1]} : vector<512x128xf32> to vector<8x128xf32>
    %add3A_238 = arith.addf %add3A_236, %slice3A_237 : vector<8x128xf32>
    %slice3A_239 = vector.extract_strided_slice %add3A_173 {offsets = [232, 0], sizes = [8, 128], strides = [1, 1]} : vector<512x128xf32> to vector<8x128xf32>
    %add3A_240 = arith.addf %add3A_238, %slice3A_239 : vector<8x128xf32>
    %slice3A_241 = vector.extract_strided_slice %add3A_173 {offsets = [240, 0], sizes = [8, 128], strides = [1, 1]} : vector<512x128xf32> to vector<8x128xf32>
    %add3A_242 = arith.addf %add3A_240, %slice3A_241 : vector<8x128xf32>
    %slice3A_243 = vector.extract_strided_slice %add3A_173 {offsets = [248, 0], sizes = [8, 128], strides = [1, 1]} : vector<512x128xf32> to vector<8x128xf32>
    %add3A_244 = arith.addf %add3A_242, %slice3A_243 : vector<8x128xf32>
    %tanh3A_245 = math.tanh %add3A_244 : vector<8x128xf32>
    %swap3A_246 = arith.constant 8 : index
    %swap3A_247 = arith.constant 0 : index
    %swap3A_248 = vector.load %arg2[%swap3A_246, %swap3A_247] : memref<32x128xf32, #tpu.memory_space<vmem>>, vector<8x128xf32>
    tpu.vector_store %arg2[%swap3A_246, %swap3A_247], %tanh3A_245 {strides = array<i32>} : memref<32x128xf32, #tpu.memory_space<vmem>>, vector<8x128xf32>,
    %broadcast_in_dim3A_249 = arith.constant 0.000000e+00 : f32
    %broadcast_in_dim3A_250 = vector.broadcast %broadcast_in_dim3A_249 : f32 to vector<8x128xf32>
    %slice3A_251 = vector.extract_strided_slice %add3A_173 {offsets = [256, 0], sizes = [8, 128], strides = [1, 1]} : vector<512x128xf32> to vector<8x128xf32>
    %add3A_252 = arith.addf %broadcast_in_dim3A_250, %slice3A_251 : vector<8x128xf32>
    %slice3A_253 = vector.extract_strided_slice %add3A_173 {offsets = [264, 0], sizes = [8, 128], strides = [1, 1]} : vector<512x128xf32> to vector<8x128xf32>
    %add3A_254 = arith.addf %add3A_252, %slice3A_253 : vector<8x128xf32>
    %slice3A_255 = vector.extract_strided_slice %add3A_173 {offsets = [272, 0], sizes = [8, 128], strides = [1, 1]} : vector<512x128xf32> to vector<8x128xf32>
    %add3A_256 = arith.addf %add3A_254, %slice3A_255 : vector<8x128xf32>
    %slice3A_257 = vector.extract_strided_slice %add3A_173 {offsets = [280, 0], sizes = [8, 128], strides = [1, 1]} : vector<512x128xf32> to vector<8x128xf32>
    %add3A_258 = arith.addf %add3A_256, %slice3A_257 : vector<8x128xf32>
    %slice3A_259 = vector.extract_strided_slice %add3A_173 {offsets = [288, 0], sizes = [8, 128], strides = [1, 1]} : vector<512x128xf32> to vector<8x128xf32>
    %add3A_260 = arith.addf %add3A_258, %slice3A_259 : vector<8x128xf32>
    %slice3A_261 = vector.extract_strided_slice %add3A_173 {offsets = [296, 0], sizes = [8, 128], strides = [1, 1]} : vector<512x128xf32> to vector<8x128xf32>
    %add3A_262 = arith.addf %add3A_260, %slice3A_261 : vector<8x128xf32>
    %slice3A_263 = vector.extract_strided_slice %add3A_173 {offsets = [304, 0], sizes = [8, 128], strides = [1, 1]} : vector<512x128xf32> to vector<8x128xf32>
    %add3A_264 = arith.addf %add3A_262, %slice3A_263 : vector<8x128xf32>
    %slice3A_265 = vector.extract_strided_slice %add3A_173 {offsets = [312, 0], sizes = [8, 128], strides = [1, 1]} : vector<512x128xf32> to vector<8x128xf32>
    %add3A_266 = arith.addf %add3A_264, %slice3A_265 : vector<8x128xf32>
    %slice3A_267 = vector.extract_strided_slice %add3A_173 {offsets = [320, 0], sizes = [8, 128], strides = [1, 1]} : vector<512x128xf32> to vector<8x128xf32>
    %add3A_268 = arith.addf %add3A_266, %slice3A_267 : vector<8x128xf32>
    %slice3A_269 = vector.extract_strided_slice %add3A_173 {offsets = [328, 0], sizes = [8, 128], strides = [1, 1]} : vector<512x128xf32> to vector<8x128xf32>
    %add3A_270 = arith.addf %add3A_268, %slice3A_269 : vector<8x128xf32>
    %slice3A_271 = vector.extract_strided_slice %add3A_173 {offsets = [336, 0], sizes = [8, 128], strides = [1, 1]} : vector<512x128xf32> to vector<8x128xf32>
    %add3A_272 = arith.addf %add3A_270, %slice3A_271 : vector<8x128xf32>
    %slice3A_273 = vector.extract_strided_slice %add3A_173 {offsets = [344, 0], sizes = [8, 128], strides = [1, 1]} : vector<512x128xf32> to vector<8x128xf32>
    %add3A_274 = arith.addf %add3A_272, %slice3A_273 : vector<8x128xf32>
    %slice3A_275 = vector.extract_strided_slice %add3A_173 {offsets = [352, 0], sizes = [8, 128], strides = [1, 1]} : vector<512x128xf32> to vector<8x128xf32>
    %add3A_276 = arith.addf %add3A_274, %slice3A_275 : vector<8x128xf32>
    %slice3A_277 = vector.extract_strided_slice %add3A_173 {offsets = [360, 0], sizes = [8, 128], strides = [1, 1]} : vector<512x128xf32> to vector<8x128xf32>
    %add3A_278 = arith.addf %add3A_276, %slice3A_277 : vector<8x128xf32>
    %slice3A_279 = vector.extract_strided_slice %add3A_173 {offsets = [368, 0], sizes = [8, 128], strides = [1, 1]} : vector<512x128xf32> to vector<8x128xf32>
    %add3A_280 = arith.addf %add3A_278, %slice3A_279 : vector<8x128xf32>
    %slice3A_281 = vector.extract_strided_slice %add3A_173 {offsets = [376, 0], sizes = [8, 128], strides = [1, 1]} : vector<512x128xf32> to vector<8x128xf32>
    %add3A_282 = arith.addf %add3A_280, %slice3A_281 : vector<8x128xf32>
    %tanh3A_283 = math.tanh %add3A_282 : vector<8x128xf32>
    %swap3A_284 = arith.constant 16 : index
    %swap3A_285 = arith.constant 0 : index
    %swap3A_286 = vector.load %arg2[%swap3A_284, %swap3A_285] : memref<32x128xf32, #tpu.memory_space<vmem>>, vector<8x128xf32>
    tpu.vector_store %arg2[%swap3A_284, %swap3A_285], %tanh3A_283 {strides = array<i32>} : memref<32x128xf32, #tpu.memory_space<vmem>>, vector<8x128xf32>,
    %broadcast_in_dim3A_287 = arith.constant 0.000000e+00 : f32
    %broadcast_in_dim3A_288 = vector.broadcast %broadcast_in_dim3A_287 : f32 to vector<8x128xf32>
    %slice3A_289 = vector.extract_strided_slice %add3A_173 {offsets = [384, 0], sizes = [8, 128], strides = [1, 1]} : vector<512x128xf32> to vector<8x128xf32>
    %add3A_290 = arith.addf %broadcast_in_dim3A_288, %slice3A_289 : vector<8x128xf32>
    %slice3A_291 = vector.extract_strided_slice %add3A_173 {offsets = [392, 0], sizes = [8, 128], strides = [1, 1]} : vector<512x128xf32> to vector<8x128xf32>
    %add3A_292 = arith.addf %add3A_290, %slice3A_291 : vector<8x128xf32>
    %slice3A_293 = vector.extract_strided_slice %add3A_173 {offsets = [400, 0], sizes = [8, 128], strides = [1, 1]} : vector<512x128xf32> to vector<8x128xf32>
    %add3A_294 = arith.addf %add3A_292, %slice3A_293 : vector<8x128xf32>
    %slice3A_295 = vector.extract_strided_slice %add3A_173 {offsets = [408, 0], sizes = [8, 128], strides = [1, 1]} : vector<512x128xf32> to vector<8x128xf32>
    %add3A_296 = arith.addf %add3A_294, %slice3A_295 : vector<8x128xf32>
    %slice3A_297 = vector.extract_strided_slice %add3A_173 {offsets = [416, 0], sizes = [8, 128], strides = [1, 1]} : vector<512x128xf32> to vector<8x128xf32>
    %add3A_298 = arith.addf %add3A_296, %slice3A_297 : vector<8x128xf32>
    %slice3A_299 = vector.extract_strided_slice %add3A_173 {offsets = [424, 0], sizes = [8, 128], strides = [1, 1]} : vector<512x128xf32> to vector<8x128xf32>
    %add3A_300 = arith.addf %add3A_298, %slice3A_299 : vector<8x128xf32>
    %slice3A_301 = vector.extract_strided_slice %add3A_173 {offsets = [432, 0], sizes = [8, 128], strides = [1, 1]} : vector<512x128xf32> to vector<8x128xf32>
    %add3A_302 = arith.addf %add3A_300, %slice3A_301 : vector<8x128xf32>
    %slice3A_303 = vector.extract_strided_slice %add3A_173 {offsets = [440, 0], sizes = [8, 128], strides = [1, 1]} : vector<512x128xf32> to vector<8x128xf32>
    %add3A_304 = arith.addf %add3A_302, %slice3A_303 : vector<8x128xf32>
    %slice3A_305 = vector.extract_strided_slice %add3A_173 {offsets = [448, 0], sizes = [8, 128], strides = [1, 1]} : vector<512x128xf32> to vector<8x128xf32>
    %add3A_306 = arith.addf %add3A_304, %slice3A_305 : vector<8x128xf32>
    %slice3A_307 = vector.extract_strided_slice %add3A_173 {offsets = [456, 0], sizes = [8, 128], strides = [1, 1]} : vector<512x128xf32> to vector<8x128xf32>
    %add3A_308 = arith.addf %add3A_306, %slice3A_307 : vector<8x128xf32>
    %slice3A_309 = vector.extract_strided_slice %add3A_173 {offsets = [464, 0], sizes = [8, 128], strides = [1, 1]} : vector<512x128xf32> to vector<8x128xf32>
    %add3A_310 = arith.addf %add3A_308, %slice3A_309 : vector<8x128xf32>
    %slice3A_311 = vector.extract_strided_slice %add3A_173 {offsets = [472, 0], sizes = [8, 128], strides = [1, 1]} : vector<512x128xf32> to vector<8x128xf32>
    %add3A_312 = arith.addf %add3A_310, %slice3A_311 : vector<8x128xf32>
    %slice3A_313 = vector.extract_strided_slice %add3A_173 {offsets = [480, 0], sizes = [8, 128], strides = [1, 1]} : vector<512x128xf32> to vector<8x128xf32>
    %add3A_314 = arith.addf %add3A_312, %slice3A_313 : vector<8x128xf32>
    %slice3A_315 = vector.extract_strided_slice %add3A_173 {offsets = [488, 0], sizes = [8, 128], strides = [1, 1]} : vector<512x128xf32> to vector<8x128xf32>
    %add3A_316 = arith.addf %add3A_314, %slice3A_315 : vector<8x128xf32>
    %slice3A_317 = vector.extract_strided_slice %add3A_173 {offsets = [496, 0], sizes = [8, 128], strides = [1, 1]} : vector<512x128xf32> to vector<8x128xf32>
    %add3A_318 = arith.addf %add3A_316, %slice3A_317 : vector<8x128xf32>
    %slice3A_319 = vector.extract_strided_slice %add3A_173 {offsets = [504, 0], sizes = [8, 128], strides = [1, 1]} : vector<512x128xf32> to vector<8x128xf32>
    %add3A_320 = arith.addf %add3A_318, %slice3A_319 : vector<8x128xf32>
    %tanh3A_321 = math.tanh %add3A_320 : vector<8x128xf32>
    %swap3A_322 = arith.constant 24 : index
    %swap3A_323 = arith.constant 0 : index
    %swap3A_324 = vector.load %arg2[%swap3A_322, %swap3A_323] : memref<32x128xf32, #tpu.memory_space<vmem>>, vector<8x128xf32>
    tpu.vector_store %arg2[%swap3A_322, %swap3A_323], %tanh3A_321 {strides = array<i32>} : memref<32x128xf32, #tpu.memory_space<vmem>>, vector<8x128xf32>,
    return
  }
}

</mosaic_0001>

<sc_bundles>
// kernel: kernel.5.cloned.1.call-start
scs
__scs_entry_jumppad:
0x0: {  	(pc) =	sbr.rel $0x88, $3  }
0x1: {  	(tag) =	ssettag $0x0;
	lr =	simm.s32 $0x1  }
0x2: {  	[smem:$0x3F9B] =	sst lr;
	_ =	strace $0xD0000000  }
0x3: {  	_ = 	snop  }
0x4: {  	_ = 	snop  }
0x5: {  	_ = 	snop  }
0x6: {  	_ = 	snop  }
0x7: {  	_ = 	snop  }
__scs_overlays_trampoline_lowered:
0x8: {  	[smem:$0x3FAA] =	sst s0  }
0x9: {  	[smem:$0x3FAB] =	sst s1  }
0xa: {  	[smem:$0x3FAC] =	sst s2  }
0xb: {  	[smem:$0x3FAD] =	sst s3  }
0xc: {  	[smem:$0x3FAE] =	sst s4  }
0xd: {  	[smem:$0x3FAF] =	sst s5  }
0xe: {  	[smem:$0x3FB0] =	sst s6  }
0xf: {  	[smem:$0x3FB1] =	sst s7  }
0x10: {  	[smem:$0x3FB2] =	sst s8  }
0x11: {  	[smem:$0x3FB3] =	sst s9;
	s0 =	simm.s32 @!p0 $0x0  }
0x12: {  	s1 =	sld [smem:$0x3F99];
	s0 =	simm.s32 @p0 $0x1  }
0x13: {  	[smem:$0x3FB4] =	sst s0;
	s0 =	simm.s32 @!p1 $0x0  }
0x14: {  	s2 =	sld [smem:$0x3F98];
	s0 =	simm.s32 @p1 $0x1  }
0x15: {  	[smem:$0x3FB5] =	sst s0;
	s0 =	simm.s32 @!p2 $0x0  }
0x16: {  	s3 =	sld [smem:$0x3FDB];
	s0 =	simm.s32 @p2 $0x1  }
0x17: {  	s4 =	simm.s32 $0x1BF5;
	[smem:$0x3FB7] =	sst s0  }
0x18: {  	s0 =	sld [smem:$0x3F9A];
	_ =	swait.ge [sflag:s4], $0x0  }
0x19: {  	s7 =	sld [smem:$0x3F9B]  }
0x1a: {  	s8 =	sadd.s32 $0xFFFFE003, lr  }
0x1b: {  	s9 =	sadd.s32 $0xFFFFFEF7, lr;
	s5 =	simm.s32 $0xFFFFFFFF;
	p2 =	slt.u32 s8, $0xFFFFF086  }
0x1c: {  	p1 =	slt.u32 s9, $0xF7A;
	s5 =	simm.s32 @!p2 $0x0  }
0x1d: {  	s5 =	simm.s32 @p1 $0x1;
	p0 =	seq.s32 s7, s2  }
0x1e: {  	s7 =	smul.u32 @!p0 $0xF7A, s2;
	p2 =	seq.s32 @!p0 s5, $0x0  }
0x1f: {  	s9 =	smul.u32 $0xF7A, s1;
	s8 =	simm.s32 @!p0 $0x1BF5;
	p2 =	por !p2, p0  }
0x20: {  	[sflag:s8] =	ssyncset.s32 @!p0 $0xFFFFF086;
	s6 =	sadd.s32 @!p0 s3, s7;
	s7 =	simm.s32 @!p0 $0x108  }
0x21: {  	s3 =	sadd.s32 s3, s9;
	s6 =	sadd.s32 @!p0 $0x88, s6;
	s7 =	simm.s32 @p2 $0x1082  }
0x22: {  	[simem:s7], [sflag:s8] =	dma.local @!p0 [hbm:s6], $0xF7A  }
0x23: {  	s9 =	sor.u32 $0xD0000000, s2;
	s6 =	simm.s32 $0x108;
	_ =	swait.ge @!p0 [sflag:s8], $0x0  }
0x24: {  	s3 =	sadd.s32 $0x88, s3;
	s6 =	simm.s32 @!p1 $0x1082;
	[sflag:s4] =	ssyncset.s32 $0xFFFFF086  }
0x25: {  	[simem:s6], [sflag:s4] =	dma.local [hbm:s3], $0xF7A  }
0x26: {  	[smem:$0x3F9B] =	sst s1;
	(tag) =	ssettag s2;
	_ =	strace s9  }
0x27: {  	s1 =	sld [smem:$0x3FAB]  }
0x28: {  	s2 =	sld [smem:$0x3FAC]  }
0x29: {  	s4 =	sld [smem:$0x3FAE]  }
0x2a: {  	p0 =	seq.s32 s5, $0x0;
	s5 =	sld [smem:$0x3FAF]  }
0x2b: {  	s6 =	sld [smem:$0x3FB0]  }
0x2c: {  	s7 =	sld [smem:$0x3FB1]  }
0x2d: {  	s3 =	simm.s32 $0x108;
	s8 =	sld [smem:$0x3FB2]  }
0x2e: {  	s3 =	simm.s32 @!p0 $0x1082;
	s9 =	sld [smem:$0x3FB3]  }
0x2f: {  	lr =	sadd.s32 s0, s3;
	s0 =	sld [smem:$0x3FAA]  }
0x30: {  	s3 =	sld [smem:$0x3FAD]  }
0x31: {  	[smem:$0x3FB6] =	sst s10  }
0x32: {  	s10 =	sld [smem:$0x3FB4];
	_ =	sdelay $0x3  }
0x33: {  	p0 =	seq.s32 s10, $0x1;
	s10 =	sld [smem:$0x3FB6];
	_ =	sdelay $0x3  }
0x34: {  	[smem:$0x3FB6] =	sst s10  }
0x35: {  	s10 =	sld [smem:$0x3FB5];
	_ =	sdelay $0x3  }
0x36: {  	p1 =	seq.s32 s10, $0x1;
	s10 =	sld [smem:$0x3FB6];
	_ =	sdelay $0x3  }
0x37: {  	[smem:$0x3FB6] =	sst s10  }
0x38: {  	s10 =	sld [smem:$0x3FB7]  }
0x39: {  	_ = 	snop;
	(pc) =	sbr.ind lr, $3  }
0x3a: {  	_ = 	snop  }
0x3b: {  	_ = 	snop  }
0x3c: {  	p2 =	seq.s32 s10, $0x1;
	s10 =	sld [smem:$0x3FB6]  }
0x3d: {  	_ =	shalt  }
0x3e: {  	_ =	shalt  }
0x3f: {  	_ =	shalt  }
0x40: {  	_ =	shalt  }
0x41: {  	_ =	shalt  }
0x42: {  	_ =	shalt  }
0x43: {  	_ =	shalt  }
0x44: {  	_ =	shalt  }
0x45: {  	_ =	shalt  }
0x46: {  	_ =	shalt  }
0x47: {  	_ =	shalt  }
0x48: {  	_ =	shalt  }
0x49: {  	_ =	shalt  }
0x4a: {  	_ =	shalt  }
0x4b: {  	_ =	shalt  }
0x4c: {  	_ =	shalt  }
0x4d: {  	_ =	shalt  }
0x4e: {  	_ =	shalt  }
0x4f: {  	_ =	shalt  }
0x50: {  	_ =	shalt  }
0x51: {  	_ =	shalt  }
0x52: {  	_ =	shalt  }
0x53: {  	_ =	shalt  }
0x54: {  	_ =	shalt  }
0x55: {  	_ =	shalt  }
0x56: {  	_ =	shalt  }
0x57: {  	_ =	shalt  }
0x58: {  	_ =	shalt  }
0x59: {  	_ =	shalt  }
0x5a: {  	_ =	shalt  }
0x5b: {  	_ =	shalt  }
0x5c: {  	_ =	shalt  }
0x5d: {  	_ =	shalt  }
0x5e: {  	_ =	shalt  }
0x5f: {  	_ =	shalt  }
0x60: {  	_ =	shalt  }
0x61: {  	_ =	shalt  }
0x62: {  	_ =	shalt  }
0x63: {  	_ =	shalt  }
0x64: {  	_ =	shalt  }
0x65: {  	_ =	shalt  }
0x66: {  	_ =	shalt  }
0x67: {  	_ =	shalt  }
0x68: {  	_ =	shalt  }
0x69: {  	_ =	shalt  }
0x6a: {  	_ =	shalt  }
0x6b: {  	_ =	shalt  }
0x6c: {  	_ =	shalt  }
0x6d: {  	_ =	shalt  }
0x6e: {  	_ =	shalt  }
0x6f: {  	_ =	shalt  }
0x70: {  	_ =	shalt  }
0x71: {  	_ =	shalt  }
0x72: {  	_ =	shalt  }
0x73: {  	_ =	shalt  }
0x74: {  	_ =	shalt  }
0x75: {  	_ =	shalt  }
0x76: {  	_ =	shalt  }
0x77: {  	_ =	shalt  }
0x78: {  	_ =	shalt  }
0x79: {  	_ =	shalt  }
0x7a: {  	_ =	shalt  }
0x7b: {  	_ =	shalt  }
0x7c: {  	_ =	shalt  }
0x7d: {  	_ =	shalt  }
0x7e: {  	_ =	shalt  }
0x7f: {  	_ =	shalt  }
0x80: {  	_ =	shalt  }
0x81: {  	_ =	shalt  }
0x82: {  	_ =	shalt  }
0x83: {  	_ =	shalt  }
0x84: {  	_ =	shalt  }
0x85: {  	_ =	shalt  }
0x86: {  	_ =	shalt  }
0x87: {  	_ =	shalt  }
.Lfunc_end0:
.L_simem_size_0:
called_computation_lowered:
.L_overlay_start_0:
0x88: {  	s2 =	sld [smem:$0x3FD9]  }
0x89: {  	s3 =	sld [smem:$0x3FFE];
	_ =	sdelay $0x1  }
0x8a: {  	s1 =	srdreg.scid  }
0x8b: {  	s0 =	sand.u32 $0x1, s1  }
0x8c: {  	s15 =	sshll.u32 s0, $0xA;
	s2 =	sadd.s32 s3, s2  }
0x8d: {  	s2 =	sadd.s32 s2, s15  }
0x8e: {  	[smem:$0x3FC2] =	sst s2  }
0x8f: {  	_ = 	snop  }
0x90: {  	s2 =	sld [smem:$0x3FD0];
	_ =	sdelay $0x2  }
0x91: {  	s4 =	simm.s32 $0xA;
	s5 =	simm.s32 $0x10;
	s16 =	sld [smem:$0x3FC5]  }
0x92: {  	[smem:s5], [sflag:s4] =	dma.local [hbm:s2], $0x1  }
0x93: {  	_ =	swait.eq [sflag:s4], $0x1  }
0x94: {  	[sflag:s4] =	ssyncset.done $0x0  }
0x95: {  	s17 =	sld [smem:$0x10];
	[sflag:s4] =	ssyncadd.s32 $0xFFFFFFFF  }
0x96: {  	s18 =	sld [smem:$0x12];
	(tm) =	ssettm $0x1  }
0x97: {  	s19 =	sld [smem:$0x3FFB];
	_ =	sdelay $0x3  }
0x98: {  	_ =	strace s19  }
0x99: {  	s5 =	sld [smem:$0x3FFC];
	_ =	sdelay $0x3  }
0x9a: {  	_ =	strace s5  }
0x9b: {  	s5 =	sld [smem:$0x3FFD];
	_ =	sdelay $0x3  }
0x9c: {  	_ =	strace s5  }
0x9d: {  	_ =	strace $0x8FFFFFFF  }
0x9e: {  	s20 =	sld [smem:$0x3FDB];
	_ =	sdelay $0x1  }
0x9f: {  	s6 =	simm.s32 $_scs_section_size  }
0xa0: {  	s7 =	simm.s32 $_size__tile_overlayer_lowered;
	s8 =	simm.s32 $_tile_overlayer_lowered  }
0xa1: {  	s23 =	simm.s32 $0x1BFF;
	s22 =	sshll.u32 s8, $0x1;
	s5 =	sadd.s32 s6, s20  }
0xa2: {  	s9 =	simm.s32 $0x0;
	s21 =	sshll.u32 s7, $0x1;
	s7 =	sadd.s32 s22, s5  }
0xa3: {  	[timem:s9], [sflag:s23] =	dma.local [hbm:s7], s21  }
0xa4: {  	_ =	swait.ge [sflag:s23], s21  }
0xa5: {  	s6 =	ssub.s32 $0x0, s21;
	[sflag:s23] =	ssyncset.done $0x0  }
0xa6: {  	[sflag:s23] =	ssyncadd.s32 s6;
	_ =	sdelay $0x1  }
0xa7: {  	s24 =	simm.s32 $0x1B8B  }
0xa8: {  	_ =	swait.ge [sflag:s24], $0x1  }
0xa9: {  	[sflag:s24] =	ssyncset.done $0x0  }
0xaa: {  	s25 =	simm.s32 $0x1B8E;
	[sflag:s24] =	ssyncadd.s32 $0xFFFFFFFF  }
0xab: {  	s26 =	simm.s32 $execute0_lowered;
	[smem:$0x3FD2] =	sst s25  }
0xac: {  	s6 =	sshll.u32 s26, $0x1;
	_ =	strace $0x80000046;
	[dreg:$0x1] =	wrdreg $0xFFFFFFFF  }
0xad: {  	s28 =	simm.s32 $_size_execute0_lowered;
	s5 =	sadd.s32 s5, s6;
	[dreg:$0x0] =	wrdreg $0x0  }
0xae: {  	s6 =	sshll.u32 s28, $0x1;
	[dreg:$0x2] =	wrdreg s5  }
0xaf: {  	[dreg:$0x3] =	wrdreg s6  }
0xb0: {  	[dreg:$0x4] =	wrdreg $0xC0  }
0xb1: {  	_ =	task [dreg:s9], $0x5FFFF  }
0xb2: {  	[dreg:$0x1] =	wrdreg $0xFFFFFFFF  }
0xb3: {  	[dreg:$0x0] =	wrdreg $0x60  }
0xb4: {  	[dreg:$0x2] =	wrdreg s16  }
0xb5: {  	[dreg:$0x3] =	wrdreg s17  }
0xb6: {  	[dreg:$0x4] =	wrdreg s18  }
0xb7: {  	[dreg:$0x5] =	wrdreg $0x9  }
0xb8: {  	_ =	task.clear_ibuf [dreg:s9], $0x6FFFF;
	_ =	strace $0x90000046  }
0xb9: {  	s29 =	simm.s32 $0x9;
	_ =	strace $0x80000048  }
0xba: {  	_ =	swait.ge [sflag:s29], $0x1  }
0xbb: {  	[sflag:s29] =	ssyncadd.s32 $0xFFFFFFFF  }
0xbc: {  	_ =	strace $0x90000048  }
0xbd: {  	_ =	sfence  }
0xbe: {  	s30 =	sld [smem:$0x0];
	_ =	sdelay $0x2  }
0xbf: {  	s31 =	sshll.u32 s1, $0xD;
	s1 =	sshrl.u32 s1, $0x2  }
0xc0: {  	s3 =	sand.u32 $0x4000, s31;
	s1 =	sadd.s32 s1, s30  }
0xc1: {  	s0 =	sor.u32 s3, s0;
	s1 =	sshll.u32 s1, $0x11  }
0xc2: {  	s0 =	sor.u32 s1, s0  }
0xc3: {  	s0 =	sadd.s32 $0x8F2B, s0  }
0xc4: {  	[sflag:s0] =	ssyncadd.remote.s32 $0x1  }
0xc5: {  	_ =	sfence.sel $0xFFFF  }
0xc6: {  	[dreg:$0x0] =	wrdreg $0xFFFFFFFF;
	(pc) =	sbr.abs _section_cstart, $3  }
0xc7: {  	[dreg:$0x1] =	wrdreg $0xFFFFFFFF  }
0xc8: {  	_ =	task.clear_ibuf [dreg:s9], $0x2FFFF;
	_ =	strace $0x9FFFFFFF  }
0xc9: {  	(tm) =	ssettm $0x7FFFFFFF  }
tec
execute0_lowered:
.L_overlay_start_1:
0x0: {  	(tag) =	ssettag $0x1  }
0x1: {  	s1 =	rddreg [dreg:$0x0]  }
0x2: {  	s2 =	srdreg.scid;
	s4 =	rddreg [dreg:$0x1]  }
0x3: {  	s0 =	stileid.u32;
	s9 =	rddreg [dreg:$0x2];
	s6 =	sand.u32 $0x1, s2  }
0x4: {  	s3 =	simm.s32 $0x0;
	s5 =	sshll.u32 s0, $0x5;
	s7 =	sshll.u32 s6, $0x4  }
0x5: {  	[smem:$0x7FF] =	sst s3;
	s10 =	sor.u32 s7, s5  }
0x6: {  	s2 =	rddreg [dreg:$0x3];
	_ =	strace $0x80000047;
	s5 =	sshrl.u32 s10, $0x3  }
0x7: {  	s11 =	ssub.s32 $0x2, s6;
	s5 =	sadd.s32 s4, s5;
	s4 =	simm.s32 $0x2  }
0x8: {  	[tilespmem:s3], [sflag:$0x2] =	stream.linear.gather [hbm4b:s5+s3], $0x10, $0x38;
	[tilespmem:$0x880] =	vst v63  }
0x9: {  	s8 =	simm.s32 $0x1;
	s12 =	sshrl.u32 s11, $0x1;
	_ =	swait.ge [sflag:s4], $0x10  }
0xa: {  	s6 =	simm.s32 $0x10;
	s11 =	ssub.s32 s11, s12;
	[sflag:s4] =	ssyncset.done $0x0  }
0xb: {  	s7 =	simm.s32 $0x80;
	s31 =	smax.u32 s11, $0x1;
	[sflag:s4] =	ssyncadd.s32 $0xFFFFFFF0  }
0xc: {  	[tilespmem:s7], [sflag:$0x1] =	stream.indirect.gather [hbm4b:s1+s6], $0x80, s3, s6, $0xb8;
	[tilespmem:$0x880] =	vst v63  }
0xd: {  	p0 =	sne.s32 s31, $0x1;
	_ =	swait.ge [sflag:s8], $0x800  }
.Ltmp0:
0xe: {  	s10 =	sshll.u32 s10, $0x4;
	[sflag:s8] =	ssyncset.done $0x0;
	(pc) =	sbr.rel @!p0 .LBB2_2-.Ltmp0, $4  }
0xf: {  	s9 =	sadd.s32 s9, s10;
	[sflag:s8] =	ssyncadd.s32 $0xFFFFF800  }
0x10: {  	[hbm4b:s9+s3] =	stream.linear.scatter [tilespmem:s7], [sflag:$0x2], $0x800, $0x38;
	[tilespmem:$0x880] =	vst v63  }
0x11: {  	_ =	swait.ge [sflag:s4], $0x800  }
0x12: {  	s10 =	sadd.s32 $0xFFFFFFFF, s31;
	[sflag:s4] =	ssyncset.done $0x0  }
.LBB2_1:
0x13: {  	p0 =	sne.s32 s10, $0x1;
	s10 =	sadd.s32 $0xFFFFFFFF, s10;
	[sflag:s4] =	ssyncadd.s32 $0xFFFFF800  }
0x14: {  	[tilespmem:s3], [sflag:$0x2] =	stream.linear.gather [hbm4b:s5+s3], $0x10, $0x38;
	[tilespmem:$0x880] =	vst v63  }
0x15: {  	_ =	swait.ge [sflag:s4], $0x10  }
0x16: {  	[sflag:s4] =	ssyncset.done $0x0  }
0x17: {  	[sflag:s4] =	ssyncadd.s32 $0xFFFFFFF0  }
0x18: {  	[tilespmem:s7], [sflag:$0x1] =	stream.indirect.gather [hbm4b:s1+s6], $0x80, s3, s6, $0xb8;
	[tilespmem:$0x880] =	vst v63  }
0x19: {  	_ =	swait.ge [sflag:s8], $0x800  }
.Ltmp1:
0x1a: {  	[sflag:s8] =	ssyncset.done $0x0;
	(pc) =	sbr.rel @p0 .LBB2_1-.Ltmp1, $4  }
0x1b: {  	[sflag:s8] =	ssyncadd.s32 $0xFFFFF800  }
0x1c: {  	[hbm4b:s9+s3] =	stream.linear.scatter [tilespmem:s7], [sflag:$0x2], $0x800, $0x38;
	[tilespmem:$0x880] =	vst v63  }
0x1d: {  	_ =	swait.ge [sflag:s4], $0x800  }
0x1e: {  	[sflag:s4] =	ssyncset.done $0x0  }
.LBB2_2:
0x1f: {  	[sflag:s4] =	ssyncadd.s32 $0xFFFFF800  }
0x20: {  	_ =	sfence.sel $0x180000  }
0x21: {  	[bflag:$0x0] =	sbarrier.arrive $0xFFFF  }
0x22: {  	p0 =	sne.s32 s0, $0x0;
	_ =	strace $0x90000047  }
0x23: {  	s0 =	sadd.s32 @!p0 $0x100000, s2;
	[bflag:$0x2] =	sbarrier.arrive $0xFFFF  }
0x24: {  	[sflag:s0] =	ssyncadd.tile.s32 @!p0 $0x1;
	_ =	shalt  }
.Lfunc_end2:
_tile_overlayer_lowered:
.L_overlay_start_2:
0x25: {  	(tag) =	ssettag $0x2  }
0x26: {  	s0 =	rddreg [dreg:$0x0];
	s2 =	stileid.u32  }
0x27: {  	s1 =	rddreg [dreg:$0x1];
	p0 =	sne.s32 s2, $0x0  }
0x28: {  	s3 =	rddreg [dreg:$0x2];
	[bflag:$0x3] =	sbarrier.arrive $0xFFFF;
	s2 =	simm.s32 @!p0 $0x1C02  }
0x29: {  	[timem:s3], [sflag:s2] =	dma.local @!p0 [hbm:s0], s1  }
0x2a: {  	s0 =	simm.s32 @!p0 $0x2  }
0x2b: {  	_ =	swait.ge @!p0 [sflag:s0], s1  }
0x2c: {  	s1 =	ssub.s32 @!p0 $0x0, s1;
	[sflag:s0] =	ssyncset.done @!p0 $0x0  }
0x2d: {  	[sflag:s0] =	ssyncadd.s32 @!p0 s1  }
0x2e: {  	[bflag:$0x3] =	sbarrier.arrive $0xFFFF  }
0x2f: {  	_ =	shalt  }

</sc_bundles>
